<compile_context>
chip_gen: v7x
topology: tpu7x:2x2x1
jax: 0.10.2.dev20260603
libtpu: 0.0.44.dev20260713+nightly
codegen_flags: <defaults>
</compile_context>

<pallas_src>
import functools

import jax
import jax.numpy as jnp
from jax import lax
from jax.experimental import pallas as pl
from jax.experimental.pallas import tpu as pltpu
from jax.experimental.pallas import tpu_sc as plsc

N = 50000
NACC = 50048
ROWS_PT = NACC // 16
E = 800000
EPAD = 819200
NG = EPAD // 128
TRASH = N
GPW_NARROW = NG // 32
GPW_WIDE = NG // 16
KD = 10
KDW = 4
WN = 16
BLK = 3128
GRID = NACC // BLK

_MESH = plsc.VectorSubcoreMesh(core_axis_name="c", subcore_axis_name="s")
_CP = pltpu.CompilerParams(use_tc_tiling_on_sc=False)


def _zero_acc(zeros_hbm, acc, s):
    r0 = s * ROWS_PT
    pltpu.sync_copy(zeros_hbm.at[pl.ds(r0, ROWS_PT)], acc.at[pl.ds(r0, ROWS_PT)])


def _flush_acc(acc, out_hbm, c, s):
    r0 = s * ROWS_PT
    pltpu.sync_copy(acc.at[pl.ds(r0, ROWS_PT)], out_hbm.at[c, pl.ds(r0, ROWS_PT)])


@functools.partial(
    pl.kernel,
    out_type=jax.ShapeDtypeStruct((2, NACC, WN), jnp.float32),
    mesh=_MESH,
    compiler_params=_CP,
    scratch_types=[
        pltpu.VMEM_SHARED((NACC, WN), jnp.float32),
        pltpu.VMEM((GPW_NARROW, 128), jnp.int32),
        pltpu.VMEM((128, WN), jnp.float32),
        pltpu.SemaphoreType.DMA,
    ],
)
def _sc_degree(dst_hbm, ones_hbm, zeros_hbm, out_hbm, acc, dst_v, ones_v, sem):
    c = lax.axis_index("c")
    s = lax.axis_index("s")
    wid = c * 16 + s
    _zero_acc(zeros_hbm, acc, s)
    pltpu.sync_copy(ones_hbm, ones_v)
    pltpu.sync_copy(dst_hbm.at[pl.ds(wid * GPW_NARROW, GPW_NARROW)], dst_v)
    plsc.subcore_barrier()

    def body(g, carry):
        pltpu.async_copy(ones_v, acc.at[dst_v.at[g]], sem, add=True)
        return carry

    lax.fori_loop(0, GPW_NARROW, body, 0)

    def drain(g, carry):
        pltpu.make_async_copy(zeros_hbm.at[pl.ds(0, 128)], ones_v, sem).wait()
        return carry

    lax.fori_loop(0, GPW_NARROW, drain, 0)
    plsc.subcore_barrier()
    _flush_acc(acc, out_hbm, c, s)


def _make_narrow():
    @functools.partial(
        pl.kernel,
        out_type=jax.ShapeDtypeStruct((2, NACC, WN), jnp.float32),
        mesh=_MESH,
        compiler_params=_CP,
        scratch_types=[
            pltpu.VMEM_SHARED((NACC, WN), jnp.float32),
            pltpu.VMEM((GPW_NARROW, 128), jnp.int32),
            pltpu.VMEM((GPW_NARROW, 128), jnp.int32),
            pltpu.VMEM((KD, 128, WN), jnp.float32),
            pltpu.SemaphoreType.DMA((KD,)),
        ],
    )
    def kern(src_hbm, dst_hbm, table_hbm, zeros_hbm, out_hbm,
             acc, src_v, dst_v, msg_v, sems):
        c = lax.axis_index("c")
        s = lax.axis_index("s")
        wid = c * 16 + s
        g0 = wid * GPW_NARROW
        _zero_acc(zeros_hbm, acc, s)
        pltpu.sync_copy(src_hbm.at[pl.ds(g0, GPW_NARROW)], src_v)
        pltpu.sync_copy(dst_hbm.at[pl.ds(g0, GPW_NARROW)], dst_v)
        plsc.subcore_barrier()

        for j in range(KD):
            pltpu.async_copy(table_hbm.at[src_v.at[j]], msg_v.at[j],
                             sems.at[j])

        def chunk(cix, carry):
            base = cix * KD
            for j in range(KD):
                pltpu.make_async_copy(zeros_hbm.at[pl.ds(0, 128)],
                                      msg_v.at[j], sems.at[j]).wait()
                pltpu.sync_copy(msg_v.at[j], acc.at[dst_v.at[base + j]],
                                add=True)

                @pl.when(base + KD + j < GPW_NARROW)
                def _():
                    pltpu.async_copy(table_hbm.at[src_v.at[base + KD + j]],
                                     msg_v.at[j], sems.at[j])
            return carry

        lax.fori_loop(0, GPW_NARROW // KD, chunk, 0)
        plsc.subcore_barrier()
        _flush_acc(acc, out_hbm, c, s)

    return kern


_sc_narrow_a = _make_narrow()
_sc_narrow_b = _make_narrow()

ROWS_REF = 20
NREF = GPW_WIDE // ROWS_REF


@functools.partial(
    pl.kernel,
    out_type=jax.ShapeDtypeStruct((2, NACC, 32), jnp.float32),
    mesh=_MESH,
    compiler_params=_CP,
    scratch_types=[
        pltpu.VMEM_SHARED((NACC, 32), jnp.float32),
        pltpu.VMEM((ROWS_REF, 128), jnp.int32),
        pltpu.VMEM((ROWS_REF, 128), jnp.int32),
        pltpu.VMEM((KDW, 128, 32), jnp.float32),
        pltpu.SemaphoreType.DMA((KDW,)),
    ],
)
def _sc_wide(src_hbm, dst_hbm, table_a_hbm, table_b_hbm, zeros_hbm, out_hbm,
             acc, src_v, dst_v, msg_v, sems):
    c = lax.axis_index("c")
    s = lax.axis_index("s")
    _zero_acc(zeros_hbm, acc, s)
    plsc.subcore_barrier()

    def gather(row_ix, j):
        @pl.when(c == 0)
        def _():
            pltpu.async_copy(table_a_hbm.at[src_v.at[row_ix]], msg_v.at[j],
                             sems.at[j])

        @pl.when(c == 1)
        def _():
            pltpu.async_copy(table_b_hbm.at[src_v.at[row_ix]], msg_v.at[j],
                             sems.at[j])

    def refill(r, carry):
        g0 = s * GPW_WIDE + r * ROWS_REF
        pltpu.sync_copy(src_hbm.at[pl.ds(g0, ROWS_REF)], src_v)
        pltpu.sync_copy(dst_hbm.at[pl.ds(g0, ROWS_REF)], dst_v)

        for j in range(KDW):
            gather(j, j)

        def chunk(cix, carry2):
            base = cix * KDW
            for j in range(KDW):
                pltpu.make_async_copy(zeros_hbm.at[pl.ds(0, 128)],
                                      msg_v.at[j], sems.at[j]).wait()
                pltpu.sync_copy(msg_v.at[j], acc.at[dst_v.at[base + j]],
                                add=True)

                @pl.when(base + KDW + j < ROWS_REF)
                def _():
                    gather(base + KDW + j, j)
            return carry2

        lax.fori_loop(0, ROWS_REF // KDW, chunk, 0)
        return carry

    lax.fori_loop(0, NREF, refill, 0)
    plsc.subcore_barrier()
    _flush_acc(acc, out_hbm, c, s)



def _row_spec(width):
    return pl.BlockSpec((BLK, width), lambda i: (i, 0))


def _pair_spec(width):
    return pl.BlockSpec((2, BLK, width), lambda i: (0, i, 0))


def _full_spec(r, cols):
    return pl.BlockSpec((r, cols), lambda i: (0, 0))


def _tc_a_body(cnt_ref, x_ref, g0_ref):
    deg = cnt_ref[0, :, 0:1] + cnt_ref[1, :, 0:1] + 1.0
    dis = lax.rsqrt(deg)
    dinv = 1.0 / deg
    x = x_ref[...]
    pad = jnp.zeros((BLK, WN - 4), jnp.float32)
    g0_ref[...] = jnp.concatenate([dis * x, dis, dinv, x, pad], axis=1)


def _tc_a(cntp, xp):
    return pl.pallas_call(
        _tc_a_body,
        grid=(GRID,),
        in_specs=[_pair_spec(WN), _row_spec(1)],
        out_specs=_row_spec(WN),
        out_shape=jax.ShapeDtypeStruct((NACC, WN), jnp.float32),
    )(cntp, xp)


def _tc_b_body(s0_ref, g0_ref, delta_ref, w0_ref, b0_ref,
               h1_ref, g1a_ref, g1b_ref):
    g0 = g0_ref[...]
    dis = g0[:, 1:2]
    dinv = g0[:, 2:3]
    x = g0[:, 3:4]
    s0 = s0_ref[0] + s0_ref[1]
    a0 = dis * s0[:, 0:1] + dinv * x
    a1 = dis * s0[:, 1:2] + dinv
    w0d = jnp.sum(delta_ref[...].reshape(4, 1) * w0_ref[1:5, :], axis=0,
                  keepdims=True)
    z0 = a0 * w0_ref[0:1, :] + a1 * w0d + b0_ref[...]
    h1 = jnp.maximum(z0, 0.0)
    h1_ref[...] = h1
    g1 = dis * h1
    g1a_ref[...] = g1[:, 0:32]
    g1b_ref[...] = g1[:, 32:64]


def _tc_b(s0p, g0, delta, W0, b0):
    return pl.pallas_call(
        _tc_b_body,
        grid=(GRID,),
        in_specs=[_pair_spec(WN), _row_spec(WN),
                  _full_spec(1, 4), _full_spec(5, 64), _full_spec(1, 64)],
        out_specs=[_row_spec(64), _row_spec(32), _row_spec(32)],
        out_shape=[
            jax.ShapeDtypeStruct((NACC, 64), jnp.float32),
            jax.ShapeDtypeStruct((NACC, 32), jnp.float32),
            jax.ShapeDtypeStruct((NACC, 32), jnp.float32),
        ],
    )(s0p, g0, delta.reshape(1, 4), W0, b0.reshape(1, 64))


def _tc_c_body(s1_ref, h1_ref, g0_ref, w1_ref, b1_ref, w2_ref, g2_ref):
    g0 = g0_ref[...]
    dis = g0[:, 1:2]
    dinv = g0[:, 2:3]
    agg = jnp.concatenate([s1_ref[0], s1_ref[1]], axis=1)
    t = dis * agg + dinv * h1_ref[...]
    z1 = jnp.dot(t, w1_ref[...], preferred_element_type=jnp.float32)
    h2 = jnp.maximum(z1 + b1_ref[...], 0.0)
    m2 = jnp.dot(h2, w2_ref[...], preferred_element_type=jnp.float32)
    pad = jnp.zeros((BLK, WN - 8), jnp.float32)
    g2_ref[...] = jnp.concatenate([dis * m2, m2, pad], axis=1)


def _tc_c(s1, h1, g0, W1, b1, W2p):
    return pl.pallas_call(
        _tc_c_body,
        grid=(GRID,),
        in_specs=[_pair_spec(32), _row_spec(64), _row_spec(WN),
                  _full_spec(64, 64), _full_spec(1, 64), _full_spec(64, 4)],
        out_specs=_row_spec(WN),
        out_shape=jax.ShapeDtypeStruct((NACC, WN), jnp.float32),
    )(s1, h1, g0, W1, b1.reshape(1, 64), W2p)


def _tc_d_body(s2_ref, g2_ref, g0_ref, b2_ref, pos_ref, ntype_ref, npos_ref):
    g0 = g0_ref[...]
    dis = g0[:, 1:2]
    dinv = g0[:, 2:3]
    x = g0[:, 3:4]
    m2 = g2_ref[:, 4:8]
    o = (dis * (s2_ref[0, :, 0:4] + s2_ref[1, :, 0:4])
         + dinv * m2 + b2_ref[...])
    npos_ref[...] = pos_ref[...] + o[:, 0:2]
    ntype_ref[...] = x + o[:, 2:3]


def _tc_d(s2p, g2, g0, b2p, posp):
    return pl.pallas_call(
        _tc_d_body,
        grid=(GRID,),
        in_specs=[_pair_spec(WN), _row_spec(WN), _row_spec(WN),
                  _full_spec(1, 4), _row_spec(2)],
        out_specs=[_row_spec(1), _row_spec(2)],
        out_shape=[
            jax.ShapeDtypeStruct((N, 1), jnp.float32),
            jax.ShapeDtypeStruct((N, 2), jnp.float32),
        ],
    )(s2p, g2, g0, b2p, posp)


def kernel(x, pos, delta, edge_index, W0, b0, W1, b1, W2, b2):
    src = edge_index[0].astype(jnp.int32)
    dst = edge_index[1].astype(jnp.int32)
    pad = EPAD - E
    src_g = jnp.concatenate([src, jnp.zeros((pad,), jnp.int32)]).reshape(NG, 128)
    dst_g = jnp.concatenate([dst, jnp.full((pad,), TRASH, jnp.int32)]).reshape(NG, 128)
    zeros16 = jnp.zeros((NACC, WN), jnp.float32)
    zeros32 = jnp.zeros((NACC, 32), jnp.float32)
    ones16 = jnp.ones((128, WN), jnp.float32)
    W2p = jnp.pad(W2, ((0, 0), (0, 1)))
    b2p = jnp.pad(b2, (0, 1)).reshape(1, 4)

    cntp = _sc_degree(dst_g, ones16, zeros16)
    g0 = _tc_a(cntp, x)
    s0p = _sc_narrow_a(src_g, dst_g, g0, zeros16)
    h1, g1a, g1b = _tc_b(s0p, g0, delta, W0, b0)
    s1 = _sc_wide(src_g, dst_g, g1a, g1b, zeros32)
    g2 = _tc_c(s1, h1, g0, W1, b1, W2p)
    s2p = _sc_narrow_b(src_g, dst_g, g2, zeros16)
    ntype, npos = _tc_d(s2p, g2, g0, b2p, pos)
    return (ntype, npos)

# --- scband reference (transcript-rebuilt; emitter-appended) ---
"""Pipeline reference for scband-graph-correction-model-19456201850959 (READ-ONLY COPY).

The authoritative reference and input builder live on the scoring server;
editing this copy changes nothing except your own understanding.
"""

import jax, jax.numpy as jnp
import numpy as np

N_NODES = 50000
N_EDGES = 800000
NODE_FEAT_DIM = 1
DELTA_DIM = 4
HIDDEN_DIM = 64


def _glorot(key, shape):
    fan_in, fan_out = shape[0], shape[1]
    limit = np.sqrt(6.0 / (fan_in + fan_out))
    return jax.random.uniform(key, shape, dtype=jnp.float32, minval=-limit, maxval=limit)


def setup_inputs(seed: int = 0) -> dict:
    key = jax.random.key(seed)
    ks = jax.random.split(key, 10)
    x = jax.random.normal(ks[0], (N_NODES, NODE_FEAT_DIM), dtype=jnp.float32)
    pos = jax.random.normal(ks[1], (N_NODES, 2), dtype=jnp.float32)
    delta = jax.random.normal(ks[2], (DELTA_DIM,), dtype=jnp.float32)
    edge_index = jax.random.randint(ks[3], (2, N_EDGES), 0, N_NODES, dtype=jnp.int64)
    in_dim = NODE_FEAT_DIM + DELTA_DIM
    W0 = _glorot(ks[4], (in_dim, HIDDEN_DIM))
    b0 = jnp.zeros((HIDDEN_DIM,), dtype=jnp.float32)
    W1 = _glorot(ks[5], (HIDDEN_DIM, HIDDEN_DIM))
    b1 = jnp.zeros((HIDDEN_DIM,), dtype=jnp.float32)
    W2 = _glorot(ks[6], (HIDDEN_DIM, 3))
    b2 = jnp.zeros((3,), dtype=jnp.float32)
    return {"x": x, "pos": pos, "delta": delta, "edge_index": edge_index,
            "W0": W0, "b0": b0, "W1": W1, "b1": b1, "W2": W2, "b2": b2}


def _gcn_conv(h, W, b, src, dst, num_nodes):
    # GCNConv: symmetric-normalized aggregation with self-loops already in src/dst.
    hw = h @ W
    ones = jnp.ones((src.shape[0],), dtype=hw.dtype)
    deg = jnp.zeros((num_nodes,), dtype=hw.dtype).at[dst].add(ones)
    deg_inv_sqrt = jnp.where(deg > 0, 1.0 / jnp.sqrt(deg), 0.0)
    norm = deg_inv_sqrt[src] * deg_inv_sqrt[dst]
    msg = hw[src] * norm[:, None]
    out = jnp.zeros((num_nodes, hw.shape[1]), dtype=hw.dtype).at[dst].add(msg)
    return out + b


def reference(x, pos, delta, edge_index, W0, b0, W1, b1, W2, b2):
    num_nodes = x.shape[0]
    # add self-loops (as in PyG GCNConv default)
    loop = jnp.arange(num_nodes, dtype=edge_index.dtype)
    src = jnp.concatenate([edge_index[0], loop])
    dst = jnp.concatenate([edge_index[1], loop])
    delta_expand = jnp.broadcast_to(delta.reshape(1, -1), (num_nodes, delta.shape[0]))
    h = jnp.concatenate([x, delta_expand], axis=1)
    h = jax.nn.relu(_gcn_conv(h, W0, b0, src, dst, num_nodes))
    h = jax.nn.relu(_gcn_conv(h, W1, b1, src, dst, num_nodes))
    out = _gcn_conv(h, W2, b2, src, dst, num_nodes)
    delta_pos = out[:, :2]
    delta_type = out[:, 2:3]
    new_pos = pos + delta_pos
    new_type = x + delta_type
    return (new_type, new_pos)

if __name__ == "__main__":
    import jax
    _d = setup_inputs()
    print(jax.jit(kernel)(*tuple(_d.values())))

</pallas_src>

<mosaic_0001>
#map = affine_map<(d0, d1) -> (0, 0)>
#map1 = affine_map<(d0, d1) -> (0, 0, 0)>
module attributes {stable_mosaic.version = 14 : i64} {
  func.func @_sc_degree(%arg0: i32, %arg1: i32, %arg2: memref<6400x128xi32, #tpu.memory_space<hbm>>, %arg3: memref<128x16xf32, #tpu.memory_space<hbm>>, %arg4: memref<50048x16xf32, #tpu.memory_space<hbm>>, %arg5: memref<2x50048x16xf32, #tpu.memory_space<hbm>>, %arg6: memref<50048x16xf32, #tpu.memory_space<vmem_shared>>, %arg7: memref<200x128xi32, #tpu.memory_space<vmem>>, %arg8: memref<128x16xf32, #tpu.memory_space<vmem>>, %arg9: memref<!tpu.dma_semaphore, #tpu.memory_space<semaphore_mem>>) attributes {dimension_semantics = [#tpu.dimension_semantics<core_parallel>, #tpu.dimension_semantics<subcore_parallel>], iteration_bounds = array<i64: 2, 16>, scalar_prefetch = 0 : i64, scratch_operands = 4 : i64, tpu.core_type = #tpu.core_type<sc_vector_subcore>, window_params = [{transform_indices = #map}, {transform_indices = #map}, {transform_indices = #map}, {transform_indices = #map1}]} {
    %mul3A = arith.constant 16 : i32
    %mul3A_0 = arith.muli %arg0, %mul3A : i32
    %add3A = arith.addi %mul3A_0, %arg1 : i32
    %mul3A_1 = arith.constant 3128 : i32
    %mul3A_2 = arith.muli %arg1, %mul3A_1 : i32
    "tpu.region"() ({
      %run_scoped3A = tpu.sem_alloc : memref<!tpu.dma_semaphore, #tpu.memory_space<semaphore_mem>>
      %dma_start3A = arith.constant 0 : i32
      %dma_start3A_19 = tpu.memref_slice %arg6[%mul3A_2, %dma_start3A] : memref<50048x16xf32, #tpu.memory_space<vmem_shared>> -> memref<3128x16xf32, #tpu.memory_space<vmem_shared>>
      %dma_start3A_20 = arith.constant 0 : i32
      %dma_start3A_21 = tpu.memref_slice %arg4[%mul3A_2, %dma_start3A_20] : memref<50048x16xf32, #tpu.memory_space<hbm>> -> memref<3128x16xf32, #tpu.memory_space<hbm>>
      tpu.enqueue_dma source(%dma_start3A_21 : memref<3128x16xf32, #tpu.memory_space<hbm>>) target(%dma_start3A_19 : memref<3128x16xf32, #tpu.memory_space<vmem_shared>>) target_semaphore(%run_scoped3A : memref<!tpu.dma_semaphore, #tpu.memory_space<semaphore_mem>>)
      %dma_wait3A = arith.constant 0 : i32
      %dma_wait3A_22 = tpu.memref_slice %arg6[%mul3A_2, %dma_wait3A] : memref<50048x16xf32, #tpu.memory_space<vmem_shared>> -> memref<3128x16xf32, #tpu.memory_space<vmem_shared>>
      %dma_wait3A_23 = arith.constant 0 : i32
      %dma_wait3A_24 = tpu.memref_slice %arg4[%mul3A_2, %dma_wait3A_23] : memref<50048x16xf32, #tpu.memory_space<hbm>> -> memref<3128x16xf32, #tpu.memory_space<hbm>>
      tpu.wait_dma2 semaphore(%run_scoped3A : memref<!tpu.dma_semaphore, #tpu.memory_space<semaphore_mem>>) src(%dma_wait3A_24 : memref<3128x16xf32, #tpu.memory_space<hbm>>) dst(%dma_wait3A_22 : memref<3128x16xf32, #tpu.memory_space<vmem_shared>>)
      tpu.yield
    }) : () -> ()
    "tpu.region"() ({
      %run_scoped3A = tpu.sem_alloc : memref<!tpu.dma_semaphore, #tpu.memory_space<semaphore_mem>>
      tpu.enqueue_dma source(%arg3 : memref<128x16xf32, #tpu.memory_space<hbm>>) target(%arg8 : memref<128x16xf32, #tpu.memory_space<vmem>>) target_semaphore(%run_scoped3A : memref<!tpu.dma_semaphore, #tpu.memory_space<semaphore_mem>>)
      tpu.wait_dma2 semaphore(%run_scoped3A : memref<!tpu.dma_semaphore, #tpu.memory_space<semaphore_mem>>) src(%arg3 : memref<128x16xf32, #tpu.memory_space<hbm>>) dst(%arg8 : memref<128x16xf32, #tpu.memory_space<vmem>>)
      tpu.yield
    }) : () -> ()
    %mul3A_3 = arith.constant 200 : i32
    %mul3A_4 = arith.muli %add3A, %mul3A_3 : i32
    "tpu.region"() ({
      %run_scoped3A = tpu.sem_alloc : memref<!tpu.dma_semaphore, #tpu.memory_space<semaphore_mem>>
      %dma_start3A = arith.constant 0 : i32
      %dma_start3A_19 = tpu.memref_slice %arg2[%mul3A_4, %dma_start3A] : memref<6400x128xi32, #tpu.memory_space<hbm>> -> memref<200x128xi32, #tpu.memory_space<hbm>>
      %dma_start3A_20 = arith.constant 0 : i32
      %dma_start3A_21 = tpu.memref_slice %arg2[%mul3A_4, %dma_start3A_20] : memref<6400x128xi32, #tpu.memory_space<hbm>> -> memref<200x128xi32, #tpu.memory_space<hbm>>
      tpu.enqueue_dma source(%dma_start3A_21 : memref<200x128xi32, #tpu.memory_space<hbm>>) target(%arg7 : memref<200x128xi32, #tpu.memory_space<vmem>>) target_semaphore(%run_scoped3A : memref<!tpu.dma_semaphore, #tpu.memory_space<semaphore_mem>>)
      %dma_wait3A = arith.constant 0 : i32
      %dma_wait3A_22 = tpu.memref_slice %arg2[%mul3A_4, %dma_wait3A] : memref<6400x128xi32, #tpu.memory_space<hbm>> -> memref<200x128xi32, #tpu.memory_space<hbm>>
      %dma_wait3A_23 = arith.constant 0 : i32
      %dma_wait3A_24 = tpu.memref_slice %arg2[%mul3A_4, %dma_wait3A_23] : memref<6400x128xi32, #tpu.memory_space<hbm>> -> memref<200x128xi32, #tpu.memory_space<hbm>>
      tpu.wait_dma2 semaphore(%run_scoped3A : memref<!tpu.dma_semaphore, #tpu.memory_space<semaphore_mem>>) src(%dma_wait3A_24 : memref<200x128xi32, #tpu.memory_space<hbm>>) dst(%arg7 : memref<200x128xi32, #tpu.memory_space<vmem>>)
      tpu.yield
    }) : () -> ()
    %barrier3A = arith.constant 0 : index
    tpu.barrier barrier_id(%barrier3A)
    %scan3A = arith.constant 0 : i32
    %scan3A_5 = arith.constant 0 : i32
    %scan3A_6 = arith.constant 200 : i32
    %scan3A_7 = arith.addi %scan3A_5, %scan3A_6 : i32
    %scan3A_8 = arith.constant 1 : i32
    scf.for %scan3A_19 = %scan3A_5 to %scan3A_7 step %scan3A_8  : i32 {
      %dma_start3A = arith.constant 0 : i32
      %dma_start3A_20 = tpu.memref_slice %arg7[%scan3A_19, %dma_start3A] : memref<200x128xi32, #tpu.memory_space<vmem>> -> memref<1x128xi32, #tpu.memory_space<vmem>>
      %dma_start3A_21 = tpu.memref_squeeze %dma_start3A_20 : memref<1x128xi32, #tpu.memory_space<vmem>> -> memref<128xi32, #tpu.memory_space<vmem>>
      %dma_start3A_22 = arith.constant 0 : i32
      %dma_start3A_23 = arith.constant 0 : i32
      %dma_start3A_24 = tpu.memref_slice %arg6[%dma_start3A_22, %dma_start3A_23] : memref<50048x16xf32, #tpu.memory_space<vmem_shared>> -> memref<50048x16xf32, #tpu.memory_space<vmem_shared>>
      tpu.enqueue_indirect_dma source(%arg8 : memref<128x16xf32, #tpu.memory_space<vmem>>) target(%dma_start3A_24 : memref<50048x16xf32, #tpu.memory_space<vmem_shared>>) offsets(%dma_start3A_21 : memref<128xi32, #tpu.memory_space<vmem>>) semaphore(%arg9 : memref<!tpu.dma_semaphore, #tpu.memory_space<semaphore_mem>>) {add = true}
    }
    %scan3A_9 = arith.constant 200 : i32
    %scan3A_10 = arith.constant 0 : i32
    %scan3A_11 = arith.constant 0 : i32
    %scan3A_12 = arith.constant 200 : i32
    %scan3A_13 = arith.addi %scan3A_11, %scan3A_12 : i32
    %scan3A_14 = arith.constant 1 : i32
    scf.for %scan3A_19 = %scan3A_11 to %scan3A_13 step %scan3A_14  : i32 {
      %dma_wait3A = arith.constant 0 : i32
      %dma_wait3A_20 = arith.constant 0 : i32
      %dma_wait3A_21 = tpu.memref_slice %arg4[%dma_wait3A, %dma_wait3A_20] : memref<50048x16xf32, #tpu.memory_space<hbm>> -> memref<128x16xf32, #tpu.memory_space<hbm>>
      %dma_wait3A_22 = arith.constant 0 : i32
      %dma_wait3A_23 = arith.constant 0 : i32
      %dma_wait3A_24 = tpu.memref_slice %arg4[%dma_wait3A_22, %dma_wait3A_23] : memref<50048x16xf32, #tpu.memory_space<hbm>> -> memref<128x16xf32, #tpu.memory_space<hbm>>
      tpu.wait_dma2 semaphore(%arg9 : memref<!tpu.dma_semaphore, #tpu.memory_space<semaphore_mem>>) src(%dma_wait3A_24 : memref<128x16xf32, #tpu.memory_space<hbm>>) dst(%arg8 : memref<128x16xf32, #tpu.memory_space<vmem>>)
    }
    %scan3A_15 = arith.constant 200 : i32
    %barrier3A_16 = arith.constant 0 : index
    tpu.barrier barrier_id(%barrier3A_16)
    %mul3A_17 = arith.constant 3128 : i32
    %mul3A_18 = arith.muli %arg1, %mul3A_17 : i32
    "tpu.region"() ({
      %run_scoped3A = tpu.sem_alloc : memref<!tpu.dma_semaphore, #tpu.memory_space<semaphore_mem>>
      %dma_start3A = arith.constant 0 : i32
      %dma_start3A_19 = tpu.memref_slice %arg5[%arg0, %mul3A_18, %dma_start3A] : memref<2x50048x16xf32, #tpu.memory_space<hbm>> -> memref<1x3128x16xf32, #tpu.memory_space<hbm>>
      %dma_start3A_20 = tpu.memref_squeeze %dma_start3A_19 : memref<1x3128x16xf32, #tpu.memory_space<hbm>> -> memref<3128x16xf32, #tpu.memory_space<hbm>>
      %dma_start3A_21 = arith.constant 0 : i32
      %dma_start3A_22 = tpu.memref_slice %arg6[%mul3A_18, %dma_start3A_21] : memref<50048x16xf32, #tpu.memory_space<vmem_shared>> -> memref<3128x16xf32, #tpu.memory_space<vmem_shared>>
      tpu.enqueue_dma source(%dma_start3A_22 : memref<3128x16xf32, #tpu.memory_space<vmem_shared>>) target(%dma_start3A_20 : memref<3128x16xf32, #tpu.memory_space<hbm>>) target_semaphore(%run_scoped3A : memref<!tpu.dma_semaphore, #tpu.memory_space<semaphore_mem>>)
      %dma_wait3A = arith.constant 0 : i32
      %dma_wait3A_23 = tpu.memref_slice %arg5[%arg0, %mul3A_18, %dma_wait3A] : memref<2x50048x16xf32, #tpu.memory_space<hbm>> -> memref<1x3128x16xf32, #tpu.memory_space<hbm>>
      %dma_wait3A_24 = tpu.memref_squeeze %dma_wait3A_23 : memref<1x3128x16xf32, #tpu.memory_space<hbm>> -> memref<3128x16xf32, #tpu.memory_space<hbm>>
      %dma_wait3A_25 = arith.constant 0 : i32
      %dma_wait3A_26 = tpu.memref_slice %arg6[%mul3A_18, %dma_wait3A_25] : memref<50048x16xf32, #tpu.memory_space<vmem_shared>> -> memref<3128x16xf32, #tpu.memory_space<vmem_shared>>
      tpu.wait_dma2 semaphore(%run_scoped3A : memref<!tpu.dma_semaphore, #tpu.memory_space<semaphore_mem>>) src(%dma_wait3A_26 : memref<3128x16xf32, #tpu.memory_space<vmem_shared>>) dst(%dma_wait3A_24 : memref<3128x16xf32, #tpu.memory_space<hbm>>)
      tpu.yield
    }) : () -> ()
    return
  }
}

#map = affine_map<(d0, d1) -> (0, 0)>
#map1 = affine_map<(d0, d1) -> (0, 0, 0)>
module attributes {stable_mosaic.version = 14 : i64} {
  func.func @_sc_wide(%arg0: i32, %arg1: i32, %arg2: memref<6400x128xi32, #tpu.memory_space<hbm>>, %arg3: memref<6400x128xi32, #tpu.memory_space<hbm>>, %arg4: memref<50048x32xf32, #tpu.memory_space<hbm>>, %arg5: memref<50048x32xf32, #tpu.memory_space<hbm>>, %arg6: memref<50048x32xf32, #tpu.memory_space<hbm>>, %arg7: memref<2x50048x32xf32, #tpu.memory_space<hbm>>, %arg8: memref<50048x32xf32, #tpu.memory_space<vmem_shared>>, %arg9: memref<20x128xi32, #tpu.memory_space<vmem>>, %arg10: memref<20x128xi32, #tpu.memory_space<vmem>>, %arg11: memref<4x128x32xf32, #tpu.memory_space<vmem>>, %arg12: memref<4x!tpu.dma_semaphore, #tpu.memory_space<semaphore_mem>>) attributes {dimension_semantics = [#tpu.dimension_semantics<core_parallel>, #tpu.dimension_semantics<subcore_parallel>], iteration_bounds = array<i64: 2, 16>, scalar_prefetch = 0 : i64, scratch_operands = 5 : i64, tpu.core_type = #tpu.core_type<sc_vector_subcore>, window_params = [{transform_indices = #map}, {transform_indices = #map}, {transform_indices = #map}, {transform_indices = #map}, {transform_indices = #map}, {transform_indices = #map1}]} {
    %mul3A = arith.constant 3128 : i32
    %mul3A_0 = arith.muli %arg1, %mul3A : i32
    "tpu.region"() ({
      %run_scoped3A = tpu.sem_alloc : memref<!tpu.dma_semaphore, #tpu.memory_space<semaphore_mem>>
      %dma_start3A = arith.constant 0 : i32
      %dma_start3A_9 = tpu.memref_slice %arg8[%mul3A_0, %dma_start3A] : memref<50048x32xf32, #tpu.memory_space<vmem_shared>> -> memref<3128x32xf32, #tpu.memory_space<vmem_shared>>
      %dma_start3A_10 = arith.constant 0 : i32
      %dma_start3A_11 = tpu.memref_slice %arg6[%mul3A_0, %dma_start3A_10] : memref<50048x32xf32, #tpu.memory_space<hbm>> -> memref<3128x32xf32, #tpu.memory_space<hbm>>
      tpu.enqueue_dma source(%dma_start3A_11 : memref<3128x32xf32, #tpu.memory_space<hbm>>) target(%dma_start3A_9 : memref<3128x32xf32, #tpu.memory_space<vmem_shared>>) target_semaphore(%run_scoped3A : memref<!tpu.dma_semaphore, #tpu.memory_space<semaphore_mem>>)
      %dma_wait3A = arith.constant 0 : i32
      %dma_wait3A_12 = tpu.memref_slice %arg8[%mul3A_0, %dma_wait3A] : memref<50048x32xf32, #tpu.memory_space<vmem_shared>> -> memref<3128x32xf32, #tpu.memory_space<vmem_shared>>
      %dma_wait3A_13 = arith.constant 0 : i32
      %dma_wait3A_14 = tpu.memref_slice %arg6[%mul3A_0, %dma_wait3A_13] : memref<50048x32xf32, #tpu.memory_space<hbm>> -> memref<3128x32xf32, #tpu.memory_space<hbm>>
      tpu.wait_dma2 semaphore(%run_scoped3A : memref<!tpu.dma_semaphore, #tpu.memory_space<semaphore_mem>>) src(%dma_wait3A_14 : memref<3128x32xf32, #tpu.memory_space<hbm>>) dst(%dma_wait3A_12 : memref<3128x32xf32, #tpu.memory_space<vmem_shared>>)
      tpu.yield
    }) : () -> ()
    %barrier3A = arith.constant 0 : index
    tpu.barrier barrier_id(%barrier3A)
    %scan3A = arith.constant 0 : i32
    %scan3A_1 = arith.constant 0 : i32
    %scan3A_2 = arith.constant 20 : i32
    %scan3A_3 = arith.addi %scan3A_1, %scan3A_2 : i32
    %scan3A_4 = arith.constant 1 : i32
    scf.for %scan3A_9 = %scan3A_1 to %scan3A_3 step %scan3A_4  : i32 {
      %mul3A_10 = arith.constant 400 : i32
      %mul3A_11 = arith.muli %arg1, %mul3A_10 : i32
      %mul3A_12 = arith.constant 20 : i32
      %mul3A_13 = arith.muli %scan3A_9, %mul3A_12 : i32
      %add3A = arith.addi %mul3A_11, %mul3A_13 : i32
      "tpu.region"() ({
        %run_scoped3A = tpu.sem_alloc : memref<!tpu.dma_semaphore, #tpu.memory_space<semaphore_mem>>
        %dma_start3A = arith.constant 0 : i32
        %dma_start3A_57 = tpu.memref_slice %arg2[%add3A, %dma_start3A] : memref<6400x128xi32, #tpu.memory_space<hbm>> -> memref<20x128xi32, #tpu.memory_space<hbm>>
        %dma_start3A_58 = arith.constant 0 : i32
        %dma_start3A_59 = tpu.memref_slice %arg2[%add3A, %dma_start3A_58] : memref<6400x128xi32, #tpu.memory_space<hbm>> -> memref<20x128xi32, #tpu.memory_space<hbm>>
        tpu.enqueue_dma source(%dma_start3A_59 : memref<20x128xi32, #tpu.memory_space<hbm>>) target(%arg9 : memref<20x128xi32, #tpu.memory_space<vmem>>) target_semaphore(%run_scoped3A : memref<!tpu.dma_semaphore, #tpu.memory_space<semaphore_mem>>)
        %dma_wait3A = arith.constant 0 : i32
        %dma_wait3A_60 = tpu.memref_slice %arg2[%add3A, %dma_wait3A] : memref<6400x128xi32, #tpu.memory_space<hbm>> -> memref<20x128xi32, #tpu.memory_space<hbm>>
        %dma_wait3A_61 = arith.constant 0 : i32
        %dma_wait3A_62 = tpu.memref_slice %arg2[%add3A, %dma_wait3A_61] : memref<6400x128xi32, #tpu.memory_space<hbm>> -> memref<20x128xi32, #tpu.memory_space<hbm>>
        tpu.wait_dma2 semaphore(%run_scoped3A : memref<!tpu.dma_semaphore, #tpu.memory_space<semaphore_mem>>) src(%dma_wait3A_62 : memref<20x128xi32, #tpu.memory_space<hbm>>) dst(%arg9 : memref<20x128xi32, #tpu.memory_space<vmem>>)
        tpu.yield
      }) : () -> ()
      "tpu.region"() ({
        %run_scoped3A = tpu.sem_alloc : memref<!tpu.dma_semaphore, #tpu.memory_space<semaphore_mem>>
        %dma_start3A = arith.constant 0 : i32
        %dma_start3A_57 = tpu.memref_slice %arg3[%add3A, %dma_start3A] : memref<6400x128xi32, #tpu.memory_space<hbm>> -> memref<20x128xi32, #tpu.memory_space<hbm>>
        %dma_start3A_58 = arith.constant 0 : i32
        %dma_start3A_59 = tpu.memref_slice %arg3[%add3A, %dma_start3A_58] : memref<6400x128xi32, #tpu.memory_space<hbm>> -> memref<20x128xi32, #tpu.memory_space<hbm>>
        tpu.enqueue_dma source(%dma_start3A_59 : memref<20x128xi32, #tpu.memory_space<hbm>>) target(%arg10 : memref<20x128xi32, #tpu.memory_space<vmem>>) target_semaphore(%run_scoped3A : memref<!tpu.dma_semaphore, #tpu.memory_space<semaphore_mem>>)
        %dma_wait3A = arith.constant 0 : i32
        %dma_wait3A_60 = tpu.memref_slice %arg3[%add3A, %dma_wait3A] : memref<6400x128xi32, #tpu.memory_space<hbm>> -> memref<20x128xi32, #tpu.memory_space<hbm>>
        %dma_wait3A_61 = arith.constant 0 : i32
        %dma_wait3A_62 = tpu.memref_slice %arg3[%add3A, %dma_wait3A_61] : memref<6400x128xi32, #tpu.memory_space<hbm>> -> memref<20x128xi32, #tpu.memory_space<hbm>>
        tpu.wait_dma2 semaphore(%run_scoped3A : memref<!tpu.dma_semaphore, #tpu.memory_space<semaphore_mem>>) src(%dma_wait3A_62 : memref<20x128xi32, #tpu.memory_space<hbm>>) dst(%arg10 : memref<20x128xi32, #tpu.memory_space<vmem>>)
        tpu.yield
      }) : () -> ()
      %eq3A = arith.constant 0 : i32
      %eq3A_14 = arith.cmpi eq, %arg0, %eq3A : i32
      %convert_element_type3A = arith.extui %eq3A_14 : i1 to i32
      %cond3A = arith.constant 0 : i32
      %cond3A_15 = arith.cmpi ne, %convert_element_type3A, %cond3A : i32
      scf.if %cond3A_15 {
        %dma_start3A = arith.constant 0 : i32
        %dma_start3A_57 = arith.constant 0 : i32
        %dma_start3A_58 = arith.constant 0 : i32
        %dma_start3A_59 = arith.constant 0 : i32
        %dma_start3A_60 = arith.constant 0 : i32
        %dma_start3A_61 = tpu.memref_slice %arg11[%dma_start3A_57, %dma_start3A_59, %dma_start3A_60] : memref<4x128x32xf32, #tpu.memory_space<vmem>> -> memref<1x128x32xf32, #tpu.memory_space<vmem>>
        %dma_start3A_62 = tpu.memref_squeeze %dma_start3A_61 : memref<1x128x32xf32, #tpu.memory_space<vmem>> -> memref<128x32xf32, #tpu.memory_space<vmem>>
        %dma_start3A_63 = arith.constant 0 : i32
        %dma_start3A_64 = tpu.memref_slice %arg9[%dma_start3A, %dma_start3A_63] : memref<20x128xi32, #tpu.memory_space<vmem>> -> memref<1x128xi32, #tpu.memory_space<vmem>>
        %dma_start3A_65 = tpu.memref_squeeze %dma_start3A_64 : memref<1x128xi32, #tpu.memory_space<vmem>> -> memref<128xi32, #tpu.memory_space<vmem>>
        %dma_start3A_66 = arith.constant 0 : i32
        %dma_start3A_67 = arith.constant 0 : i32
        %dma_start3A_68 = tpu.memref_slice %arg4[%dma_start3A_66, %dma_start3A_67] : memref<50048x32xf32, #tpu.memory_space<hbm>> -> memref<50048x32xf32, #tpu.memory_space<hbm>>
        %dma_start3A_69 = tpu.memref_slice %arg12[%dma_start3A_58] : memref<4x!tpu.dma_semaphore, #tpu.memory_space<semaphore_mem>> -> memref<1x!tpu.dma_semaphore, #tpu.memory_space<semaphore_mem>>
        %dma_start3A_70 = tpu.memref_squeeze %dma_start3A_69 : memref<1x!tpu.dma_semaphore, #tpu.memory_space<semaphore_mem>> -> memref<!tpu.dma_semaphore, #tpu.memory_space<semaphore_mem>>
        tpu.enqueue_indirect_dma source(%dma_start3A_68 : memref<50048x32xf32, #tpu.memory_space<hbm>>) target(%dma_start3A_62 : memref<128x32xf32, #tpu.memory_space<vmem>>) offsets(%dma_start3A_65 : memref<128xi32, #tpu.memory_space<vmem>>) semaphore(%dma_start3A_70 : memref<!tpu.dma_semaphore, #tpu.memory_space<semaphore_mem>>)
      } else {
      }
      %eq3A_16 = arith.constant 1 : i32
      %eq3A_17 = arith.cmpi eq, %arg0, %eq3A_16 : i32
      %convert_element_type3A_18 = arith.extui %eq3A_17 : i1 to i32
      %cond3A_19 = arith.constant 0 : i32
      %cond3A_20 = arith.cmpi ne, %convert_element_type3A_18, %cond3A_19 : i32
      scf.if %cond3A_20 {
        %dma_start3A = arith.constant 0 : i32
        %dma_start3A_57 = arith.constant 0 : i32
        %dma_start3A_58 = arith.constant 0 : i32
        %dma_start3A_59 = arith.constant 0 : i32
        %dma_start3A_60 = arith.constant 0 : i32
        %dma_start3A_61 = tpu.memref_slice %arg11[%dma_start3A_57, %dma_start3A_59, %dma_start3A_60] : memref<4x128x32xf32, #tpu.memory_space<vmem>> -> memref<1x128x32xf32, #tpu.memory_space<vmem>>
        %dma_start3A_62 = tpu.memref_squeeze %dma_start3A_61 : memref<1x128x32xf32, #tpu.memory_space<vmem>> -> memref<128x32xf32, #tpu.memory_space<vmem>>
        %dma_start3A_63 = arith.constant 0 : i32
        %dma_start3A_64 = tpu.memref_slice %arg9[%dma_start3A, %dma_start3A_63] : memref<20x128xi32, #tpu.memory_space<vmem>> -> memref<1x128xi32, #tpu.memory_space<vmem>>
        %dma_start3A_65 = tpu.memref_squeeze %dma_start3A_64 : memref<1x128xi32, #tpu.memory_space<vmem>> -> memref<128xi32, #tpu.memory_space<vmem>>
        %dma_start3A_66 = arith.constant 0 : i32
        %dma_start3A_67 = arith.constant 0 : i32
        %dma_start3A_68 = tpu.memref_slice %arg5[%dma_start3A_66, %dma_start3A_67] : memref<50048x32xf32, #tpu.memory_space<hbm>> -> memref<50048x32xf32, #tpu.memory_space<hbm>>
        %dma_start3A_69 = tpu.memref_slice %arg12[%dma_start3A_58] : memref<4x!tpu.dma_semaphore, #tpu.memory_space<semaphore_mem>> -> memref<1x!tpu.dma_semaphore, #tpu.memory_space<semaphore_mem>>
        %dma_start3A_70 = tpu.memref_squeeze %dma_start3A_69 : memref<1x!tpu.dma_semaphore, #tpu.memory_space<semaphore_mem>> -> memref<!tpu.dma_semaphore, #tpu.memory_space<semaphore_mem>>
        tpu.enqueue_indirect_dma source(%dma_start3A_68 : memref<50048x32xf32, #tpu.memory_space<hbm>>) target(%dma_start3A_62 : memref<128x32xf32, #tpu.memory_space<vmem>>) offsets(%dma_start3A_65 : memref<128xi32, #tpu.memory_space<vmem>>) semaphore(%dma_start3A_70 : memref<!tpu.dma_semaphore, #tpu.memory_space<semaphore_mem>>)
      } else {
      }
      %eq3A_21 = arith.constant 0 : i32
      %eq3A_22 = arith.cmpi eq, %arg0, %eq3A_21 : i32
      %convert_element_type3A_23 = arith.extui %eq3A_22 : i1 to i32
      %cond3A_24 = arith.constant 0 : i32
      %cond3A_25 = arith.cmpi ne, %convert_element_type3A_23, %cond3A_24 : i32
      scf.if %cond3A_25 {
        %dma_start3A = arith.constant 1 : i32
        %dma_start3A_57 = arith.constant 1 : i32
        %dma_start3A_58 = arith.constant 1 : i32
        %dma_start3A_59 = arith.constant 0 : i32
        %dma_start3A_60 = arith.constant 0 : i32
        %dma_start3A_61 = tpu.memref_slice %arg11[%dma_start3A_57, %dma_start3A_59, %dma_start3A_60] : memref<4x128x32xf32, #tpu.memory_space<vmem>> -> memref<1x128x32xf32, #tpu.memory_space<vmem>>
        %dma_start3A_62 = tpu.memref_squeeze %dma_start3A_61 : memref<1x128x32xf32, #tpu.memory_space<vmem>> -> memref<128x32xf32, #tpu.memory_space<vmem>>
        %dma_start3A_63 = arith.constant 0 : i32
        %dma_start3A_64 = tpu.memref_slice %arg9[%dma_start3A, %dma_start3A_63] : memref<20x128xi32, #tpu.memory_space<vmem>> -> memref<1x128xi32, #tpu.memory_space<vmem>>
        %dma_start3A_65 = tpu.memref_squeeze %dma_start3A_64 : memref<1x128xi32, #tpu.memory_space<vmem>> -> memref<128xi32, #tpu.memory_space<vmem>>
        %dma_start3A_66 = arith.constant 0 : i32
        %dma_start3A_67 = arith.constant 0 : i32
        %dma_start3A_68 = tpu.memref_slice %arg4[%dma_start3A_66, %dma_start3A_67] : memref<50048x32xf32, #tpu.memory_space<hbm>> -> memref<50048x32xf32, #tpu.memory_space<hbm>>
        %dma_start3A_69 = tpu.memref_slice %arg12[%dma_start3A_58] : memref<4x!tpu.dma_semaphore, #tpu.memory_space<semaphore_mem>> -> memref<1x!tpu.dma_semaphore, #tpu.memory_space<semaphore_mem>>
        %dma_start3A_70 = tpu.memref_squeeze %dma_start3A_69 : memref<1x!tpu.dma_semaphore, #tpu.memory_space<semaphore_mem>> -> memref<!tpu.dma_semaphore, #tpu.memory_space<semaphore_mem>>
        tpu.enqueue_indirect_dma source(%dma_start3A_68 : memref<50048x32xf32, #tpu.memory_space<hbm>>) target(%dma_start3A_62 : memref<128x32xf32, #tpu.memory_space<vmem>>) offsets(%dma_start3A_65 : memref<128xi32, #tpu.memory_space<vmem>>) semaphore(%dma_start3A_70 : memref<!tpu.dma_semaphore, #tpu.memory_space<semaphore_mem>>)
      } else {
      }
      %eq3A_26 = arith.constant 1 : i32
      %eq3A_27 = arith.cmpi eq, %arg0, %eq3A_26 : i32
      %convert_element_type3A_28 = arith.extui %eq3A_27 : i1 to i32
      %cond3A_29 = arith.constant 0 : i32
      %cond3A_30 = arith.cmpi ne, %convert_element_type3A_28, %cond3A_29 : i32
      scf.if %cond3A_30 {
        %dma_start3A = arith.constant 1 : i32
        %dma_start3A_57 = arith.constant 1 : i32
        %dma_start3A_58 = arith.constant 1 : i32
        %dma_start3A_59 = arith.constant 0 : i32
        %dma_start3A_60 = arith.constant 0 : i32
        %dma_start3A_61 = tpu.memref_slice %arg11[%dma_start3A_57, %dma_start3A_59, %dma_start3A_60] : memref<4x128x32xf32, #tpu.memory_space<vmem>> -> memref<1x128x32xf32, #tpu.memory_space<vmem>>
        %dma_start3A_62 = tpu.memref_squeeze %dma_start3A_61 : memref<1x128x32xf32, #tpu.memory_space<vmem>> -> memref<128x32xf32, #tpu.memory_space<vmem>>
        %dma_start3A_63 = arith.constant 0 : i32
        %dma_start3A_64 = tpu.memref_slice %arg9[%dma_start3A, %dma_start3A_63] : memref<20x128xi32, #tpu.memory_space<vmem>> -> memref<1x128xi32, #tpu.memory_space<vmem>>
        %dma_start3A_65 = tpu.memref_squeeze %dma_start3A_64 : memref<1x128xi32, #tpu.memory_space<vmem>> -> memref<128xi32, #tpu.memory_space<vmem>>
        %dma_start3A_66 = arith.constant 0 : i32
        %dma_start3A_67 = arith.constant 0 : i32
        %dma_start3A_68 = tpu.memref_slice %arg5[%dma_start3A_66, %dma_start3A_67] : memref<50048x32xf32, #tpu.memory_space<hbm>> -> memref<50048x32xf32, #tpu.memory_space<hbm>>
        %dma_start3A_69 = tpu.memref_slice %arg12[%dma_start3A_58] : memref<4x!tpu.dma_semaphore, #tpu.memory_space<semaphore_mem>> -> memref<1x!tpu.dma_semaphore, #tpu.memory_space<semaphore_mem>>
        %dma_start3A_70 = tpu.memref_squeeze %dma_start3A_69 : memref<1x!tpu.dma_semaphore, #tpu.memory_space<semaphore_mem>> -> memref<!tpu.dma_semaphore, #tpu.memory_space<semaphore_mem>>
        tpu.enqueue_indirect_dma source(%dma_start3A_68 : memref<50048x32xf32, #tpu.memory_space<hbm>>) target(%dma_start3A_62 : memref<128x32xf32, #tpu.memory_space<vmem>>) offsets(%dma_start3A_65 : memref<128xi32, #tpu.memory_space<vmem>>) semaphore(%dma_start3A_70 : memref<!tpu.dma_semaphore, #tpu.memory_space<semaphore_mem>>)
      } else {
      }
      %eq3A_31 = arith.constant 0 : i32
      %eq3A_32 = arith.cmpi eq, %arg0, %eq3A_31 : i32
      %convert_element_type3A_33 = arith.extui %eq3A_32 : i1 to i32
      %cond3A_34 = arith.constant 0 : i32
      %cond3A_35 = arith.cmpi ne, %convert_element_type3A_33, %cond3A_34 : i32
      scf.if %cond3A_35 {
        %dma_start3A = arith.constant 2 : i32
        %dma_start3A_57 = arith.constant 2 : i32
        %dma_start3A_58 = arith.constant 2 : i32
        %dma_start3A_59 = arith.constant 0 : i32
        %dma_start3A_60 = arith.constant 0 : i32
        %dma_start3A_61 = tpu.memref_slice %arg11[%dma_start3A_57, %dma_start3A_59, %dma_start3A_60] : memref<4x128x32xf32, #tpu.memory_space<vmem>> -> memref<1x128x32xf32, #tpu.memory_space<vmem>>
        %dma_start3A_62 = tpu.memref_squeeze %dma_start3A_61 : memref<1x128x32xf32, #tpu.memory_space<vmem>> -> memref<128x32xf32, #tpu.memory_space<vmem>>
        %dma_start3A_63 = arith.constant 0 : i32
        %dma_start3A_64 = tpu.memref_slice %arg9[%dma_start3A, %dma_start3A_63] : memref<20x128xi32, #tpu.memory_space<vmem>> -> memref<1x128xi32, #tpu.memory_space<vmem>>
        %dma_start3A_65 = tpu.memref_squeeze %dma_start3A_64 : memref<1x128xi32, #tpu.memory_space<vmem>> -> memref<128xi32, #tpu.memory_space<vmem>>
        %dma_start3A_66 = arith.constant 0 : i32
        %dma_start3A_67 = arith.constant 0 : i32
        %dma_start3A_68 = tpu.memref_slice %arg4[%dma_start3A_66, %dma_start3A_67] : memref<50048x32xf32, #tpu.memory_space<hbm>> -> memref<50048x32xf32, #tpu.memory_space<hbm>>
        %dma_start3A_69 = tpu.memref_slice %arg12[%dma_start3A_58] : memref<4x!tpu.dma_semaphore, #tpu.memory_space<semaphore_mem>> -> memref<1x!tpu.dma_semaphore, #tpu.memory_space<semaphore_mem>>
        %dma_start3A_70 = tpu.memref_squeeze %dma_start3A_69 : memref<1x!tpu.dma_semaphore, #tpu.memory_space<semaphore_mem>> -> memref<!tpu.dma_semaphore, #tpu.memory_space<semaphore_mem>>
        tpu.enqueue_indirect_dma source(%dma_start3A_68 : memref<50048x32xf32, #tpu.memory_space<hbm>>) target(%dma_start3A_62 : memref<128x32xf32, #tpu.memory_space<vmem>>) offsets(%dma_start3A_65 : memref<128xi32, #tpu.memory_space<vmem>>) semaphore(%dma_start3A_70 : memref<!tpu.dma_semaphore, #tpu.memory_space<semaphore_mem>>)
      } else {
      }
      %eq3A_36 = arith.constant 1 : i32
      %eq3A_37 = arith.cmpi eq, %arg0, %eq3A_36 : i32
      %convert_element_type3A_38 = arith.extui %eq3A_37 : i1 to i32
      %cond3A_39 = arith.constant 0 : i32
      %cond3A_40 = arith.cmpi ne, %convert_element_type3A_38, %cond3A_39 : i32
      scf.if %cond3A_40 {
        %dma_start3A = arith.constant 2 : i32
        %dma_start3A_57 = arith.constant 2 : i32
        %dma_start3A_58 = arith.constant 2 : i32
        %dma_start3A_59 = arith.constant 0 : i32
        %dma_start3A_60 = arith.constant 0 : i32
        %dma_start3A_61 = tpu.memref_slice %arg11[%dma_start3A_57, %dma_start3A_59, %dma_start3A_60] : memref<4x128x32xf32, #tpu.memory_space<vmem>> -> memref<1x128x32xf32, #tpu.memory_space<vmem>>
        %dma_start3A_62 = tpu.memref_squeeze %dma_start3A_61 : memref<1x128x32xf32, #tpu.memory_space<vmem>> -> memref<128x32xf32, #tpu.memory_space<vmem>>
        %dma_start3A_63 = arith.constant 0 : i32
        %dma_start3A_64 = tpu.memref_slice %arg9[%dma_start3A, %dma_start3A_63] : memref<20x128xi32, #tpu.memory_space<vmem>> -> memref<1x128xi32, #tpu.memory_space<vmem>>
        %dma_start3A_65 = tpu.memref_squeeze %dma_start3A_64 : memref<1x128xi32, #tpu.memory_space<vmem>> -> memref<128xi32, #tpu.memory_space<vmem>>
        %dma_start3A_66 = arith.constant 0 : i32
        %dma_start3A_67 = arith.constant 0 : i32
        %dma_start3A_68 = tpu.memref_slice %arg5[%dma_start3A_66, %dma_start3A_67] : memref<50048x32xf32, #tpu.memory_space<hbm>> -> memref<50048x32xf32, #tpu.memory_space<hbm>>
        %dma_start3A_69 = tpu.memref_slice %arg12[%dma_start3A_58] : memref<4x!tpu.dma_semaphore, #tpu.memory_space<semaphore_mem>> -> memref<1x!tpu.dma_semaphore, #tpu.memory_space<semaphore_mem>>
        %dma_start3A_70 = tpu.memref_squeeze %dma_start3A_69 : memref<1x!tpu.dma_semaphore, #tpu.memory_space<semaphore_mem>> -> memref<!tpu.dma_semaphore, #tpu.memory_space<semaphore_mem>>
        tpu.enqueue_indirect_dma source(%dma_start3A_68 : memref<50048x32xf32, #tpu.memory_space<hbm>>) target(%dma_start3A_62 : memref<128x32xf32, #tpu.memory_space<vmem>>) offsets(%dma_start3A_65 : memref<128xi32, #tpu.memory_space<vmem>>) semaphore(%dma_start3A_70 : memref<!tpu.dma_semaphore, #tpu.memory_space<semaphore_mem>>)
      } else {
      }
      %eq3A_41 = arith.constant 0 : i32
      %eq3A_42 = arith.cmpi eq, %arg0, %eq3A_41 : i32
      %convert_element_type3A_43 = arith.extui %eq3A_42 : i1 to i32
      %cond3A_44 = arith.constant 0 : i32
      %cond3A_45 = arith.cmpi ne, %convert_element_type3A_43, %cond3A_44 : i32
      scf.if %cond3A_45 {
        %dma_start3A = arith.constant 3 : i32
        %dma_start3A_57 = arith.constant 3 : i32
        %dma_start3A_58 = arith.constant 3 : i32
        %dma_start3A_59 = arith.constant 0 : i32
        %dma_start3A_60 = arith.constant 0 : i32
        %dma_start3A_61 = tpu.memref_slice %arg11[%dma_start3A_57, %dma_start3A_59, %dma_start3A_60] : memref<4x128x32xf32, #tpu.memory_space<vmem>> -> memref<1x128x32xf32, #tpu.memory_space<vmem>>
        %dma_start3A_62 = tpu.memref_squeeze %dma_start3A_61 : memref<1x128x32xf32, #tpu.memory_space<vmem>> -> memref<128x32xf32, #tpu.memory_space<vmem>>
        %dma_start3A_63 = arith.constant 0 : i32
        %dma_start3A_64 = tpu.memref_slice %arg9[%dma_start3A, %dma_start3A_63] : memref<20x128xi32, #tpu.memory_space<vmem>> -> memref<1x128xi32, #tpu.memory_space<vmem>>
        %dma_start3A_65 = tpu.memref_squeeze %dma_start3A_64 : memref<1x128xi32, #tpu.memory_space<vmem>> -> memref<128xi32, #tpu.memory_space<vmem>>
        %dma_start3A_66 = arith.constant 0 : i32
        %dma_start3A_67 = arith.constant 0 : i32
        %dma_start3A_68 = tpu.memref_slice %arg4[%dma_start3A_66, %dma_start3A_67] : memref<50048x32xf32, #tpu.memory_space<hbm>> -> memref<50048x32xf32, #tpu.memory_space<hbm>>
        %dma_start3A_69 = tpu.memref_slice %arg12[%dma_start3A_58] : memref<4x!tpu.dma_semaphore, #tpu.memory_space<semaphore_mem>> -> memref<1x!tpu.dma_semaphore, #tpu.memory_space<semaphore_mem>>
        %dma_start3A_70 = tpu.memref_squeeze %dma_start3A_69 : memref<1x!tpu.dma_semaphore, #tpu.memory_space<semaphore_mem>> -> memref<!tpu.dma_semaphore, #tpu.memory_space<semaphore_mem>>
        tpu.enqueue_indirect_dma source(%dma_start3A_68 : memref<50048x32xf32, #tpu.memory_space<hbm>>) target(%dma_start3A_62 : memref<128x32xf32, #tpu.memory_space<vmem>>) offsets(%dma_start3A_65 : memref<128xi32, #tpu.memory_space<vmem>>) semaphore(%dma_start3A_70 : memref<!tpu.dma_semaphore, #tpu.memory_space<semaphore_mem>>)
      } else {
      }
      %eq3A_46 = arith.constant 1 : i32
      %eq3A_47 = arith.cmpi eq, %arg0, %eq3A_46 : i32
      %convert_element_type3A_48 = arith.extui %eq3A_47 : i1 to i32
      %cond3A_49 = arith.constant 0 : i32
      %cond3A_50 = arith.cmpi ne, %convert_element_type3A_48, %cond3A_49 : i32
      scf.if %cond3A_50 {
        %dma_start3A = arith.constant 3 : i32
        %dma_start3A_57 = arith.constant 3 : i32
        %dma_start3A_58 = arith.constant 3 : i32
        %dma_start3A_59 = arith.constant 0 : i32
        %dma_start3A_60 = arith.constant 0 : i32
        %dma_start3A_61 = tpu.memref_slice %arg11[%dma_start3A_57, %dma_start3A_59, %dma_start3A_60] : memref<4x128x32xf32, #tpu.memory_space<vmem>> -> memref<1x128x32xf32, #tpu.memory_space<vmem>>
        %dma_start3A_62 = tpu.memref_squeeze %dma_start3A_61 : memref<1x128x32xf32, #tpu.memory_space<vmem>> -> memref<128x32xf32, #tpu.memory_space<vmem>>
        %dma_start3A_63 = arith.constant 0 : i32
        %dma_start3A_64 = tpu.memref_slice %arg9[%dma_start3A, %dma_start3A_63] : memref<20x128xi32, #tpu.memory_space<vmem>> -> memref<1x128xi32, #tpu.memory_space<vmem>>
        %dma_start3A_65 = tpu.memref_squeeze %dma_start3A_64 : memref<1x128xi32, #tpu.memory_space<vmem>> -> memref<128xi32, #tpu.memory_space<vmem>>
        %dma_start3A_66 = arith.constant 0 : i32
        %dma_start3A_67 = arith.constant 0 : i32
        %dma_start3A_68 = tpu.memref_slice %arg5[%dma_start3A_66, %dma_start3A_67] : memref<50048x32xf32, #tpu.memory_space<hbm>> -> memref<50048x32xf32, #tpu.memory_space<hbm>>
        %dma_start3A_69 = tpu.memref_slice %arg12[%dma_start3A_58] : memref<4x!tpu.dma_semaphore, #tpu.memory_space<semaphore_mem>> -> memref<1x!tpu.dma_semaphore, #tpu.memory_space<semaphore_mem>>
        %dma_start3A_70 = tpu.memref_squeeze %dma_start3A_69 : memref<1x!tpu.dma_semaphore, #tpu.memory_space<semaphore_mem>> -> memref<!tpu.dma_semaphore, #tpu.memory_space<semaphore_mem>>
        tpu.enqueue_indirect_dma source(%dma_start3A_68 : memref<50048x32xf32, #tpu.memory_space<hbm>>) target(%dma_start3A_62 : memref<128x32xf32, #tpu.memory_space<vmem>>) offsets(%dma_start3A_65 : memref<128xi32, #tpu.memory_space<vmem>>) semaphore(%dma_start3A_70 : memref<!tpu.dma_semaphore, #tpu.memory_space<semaphore_mem>>)
      } else {
      }
      %scan3A_51 = arith.constant 0 : i32
      %scan3A_52 = arith.constant 0 : i32
      %scan3A_53 = arith.constant 5 : i32
      %scan3A_54 = arith.addi %scan3A_52, %scan3A_53 : i32
      %scan3A_55 = arith.constant 1 : i32
      scf.for %scan3A_57 = %scan3A_52 to %scan3A_54 step %scan3A_55  : i32 {
        %mul3A_58 = arith.constant 4 : i32
        %mul3A_59 = arith.muli %scan3A_57, %mul3A_58 : i32
        %dma_wait3A = arith.constant 0 : i32
        %dma_wait3A_60 = arith.constant 0 : i32
        %dma_wait3A_61 = arith.constant 0 : i32
        %dma_wait3A_62 = arith.constant 0 : i32
        %dma_wait3A_63 = tpu.memref_slice %arg11[%dma_wait3A, %dma_wait3A_61, %dma_wait3A_62] : memref<4x128x32xf32, #tpu.memory_space<vmem>> -> memref<1x128x32xf32, #tpu.memory_space<vmem>>
        %dma_wait3A_64 = tpu.memref_squeeze %dma_wait3A_63 : memref<1x128x32xf32, #tpu.memory_space<vmem>> -> memref<128x32xf32, #tpu.memory_space<vmem>>
        %dma_wait3A_65 = arith.constant 0 : i32
        %dma_wait3A_66 = arith.constant 0 : i32
        %dma_wait3A_67 = tpu.memref_slice %arg6[%dma_wait3A_65, %dma_wait3A_66] : memref<50048x32xf32, #tpu.memory_space<hbm>> -> memref<128x32xf32, #tpu.memory_space<hbm>>
        %dma_wait3A_68 = tpu.memref_slice %arg12[%dma_wait3A_60] : memref<4x!tpu.dma_semaphore, #tpu.memory_space<semaphore_mem>> -> memref<1x!tpu.dma_semaphore, #tpu.memory_space<semaphore_mem>>
        %dma_wait3A_69 = tpu.memref_squeeze %dma_wait3A_68 : memref<1x!tpu.dma_semaphore, #tpu.memory_space<semaphore_mem>> -> memref<!tpu.dma_semaphore, #tpu.memory_space<semaphore_mem>>
        %dma_wait3A_70 = arith.constant 0 : i32
        %dma_wait3A_71 = arith.constant 0 : i32
        %dma_wait3A_72 = tpu.memref_slice %arg11[%dma_wait3A, %dma_wait3A_70, %dma_wait3A_71] : memref<4x128x32xf32, #tpu.memory_space<vmem>> -> memref<1x128x32xf32, #tpu.memory_space<vmem>>
        %dma_wait3A_73 = tpu.memref_squeeze %dma_wait3A_72 : memref<1x128x32xf32, #tpu.memory_space<vmem>> -> memref<128x32xf32, #tpu.memory_space<vmem>>
        %dma_wait3A_74 = arith.constant 0 : i32
        %dma_wait3A_75 = arith.constant 0 : i32
        %dma_wait3A_76 = tpu.memref_slice %arg6[%dma_wait3A_74, %dma_wait3A_75] : memref<50048x32xf32, #tpu.memory_space<hbm>> -> memref<128x32xf32, #tpu.memory_space<hbm>>
        tpu.wait_dma2 semaphore(%dma_wait3A_69 : memref<!tpu.dma_semaphore, #tpu.memory_space<semaphore_mem>>) src(%dma_wait3A_76 : memref<128x32xf32, #tpu.memory_space<hbm>>) dst(%dma_wait3A_73 : memref<128x32xf32, #tpu.memory_space<vmem>>)
        %add3A_77 = arith.constant 0 : i32
        %add3A_78 = arith.addi %mul3A_59, %add3A_77 : i32
        %run_scoped3A = arith.constant 0 : i32
        "tpu.region"() ({
          %run_scoped3A_177 = tpu.sem_alloc : memref<!tpu.dma_semaphore, #tpu.memory_space<semaphore_mem>>
          %dma_start3A = arith.constant 0 : i32
          %dma_start3A_178 = arith.constant 0 : i32
          %dma_start3A_179 = tpu.memref_slice %arg11[%run_scoped3A, %dma_start3A, %dma_start3A_178] : memref<4x128x32xf32, #tpu.memory_space<vmem>> -> memref<1x128x32xf32, #tpu.memory_space<vmem>>
          %dma_start3A_180 = tpu.memref_squeeze %dma_start3A_179 : memref<1x128x32xf32, #tpu.memory_space<vmem>> -> memref<128x32xf32, #tpu.memory_space<vmem>>
          %dma_start3A_181 = arith.constant 0 : i32
          %dma_start3A_182 = tpu.memref_slice %arg10[%add3A_78, %dma_start3A_181] : memref<20x128xi32, #tpu.memory_space<vmem>> -> memref<1x128xi32, #tpu.memory_space<vmem>>
          %dma_start3A_183 = tpu.memref_squeeze %dma_start3A_182 : memref<1x128xi32, #tpu.memory_space<vmem>> -> memref<128xi32, #tpu.memory_space<vmem>>
          %dma_start3A_184 = arith.constant 0 : i32
          %dma_start3A_185 = arith.constant 0 : i32
          %dma_start3A_186 = tpu.memref_slice %arg8[%dma_start3A_184, %dma_start3A_185] : memref<50048x32xf32, #tpu.memory_space<vmem_shared>> -> memref<50048x32xf32, #tpu.memory_space<vmem_shared>>
          tpu.enqueue_indirect_dma source(%dma_start3A_180 : memref<128x32xf32, #tpu.memory_space<vmem>>) target(%dma_start3A_186 : memref<50048x32xf32, #tpu.memory_space<vmem_shared>>) offsets(%dma_start3A_183 : memref<128xi32, #tpu.memory_space<vmem>>) semaphore(%run_scoped3A_177 : memref<!tpu.dma_semaphore, #tpu.memory_space<semaphore_mem>>) {add = true}
          %dma_wait3A_187 = arith.constant 0 : i32
          %dma_wait3A_188 = arith.constant 0 : i32
          %dma_wait3A_189 = tpu.memref_slice %arg11[%run_scoped3A, %dma_wait3A_187, %dma_wait3A_188] : memref<4x128x32xf32, #tpu.memory_space<vmem>> -> memref<1x128x32xf32, #tpu.memory_space<vmem>>
          %dma_wait3A_190 = tpu.memref_squeeze %dma_wait3A_189 : memref<1x128x32xf32, #tpu.memory_space<vmem>> -> memref<128x32xf32, #tpu.memory_space<vmem>>
          %dma_wait3A_191 = arith.constant 0 : i32
          %dma_wait3A_192 = tpu.memref_slice %arg10[%add3A_78, %dma_wait3A_191] : memref<20x128xi32, #tpu.memory_space<vmem>> -> memref<1x128xi32, #tpu.memory_space<vmem>>
          %dma_wait3A_193 = tpu.memref_squeeze %dma_wait3A_192 : memref<1x128xi32, #tpu.memory_space<vmem>> -> memref<128xi32, #tpu.memory_space<vmem>>
          %dma_wait3A_194 = arith.constant 0 : i32
          %dma_wait3A_195 = arith.constant 0 : i32
          %dma_wait3A_196 = tpu.memref_slice %arg8[%dma_wait3A_194, %dma_wait3A_195] : memref<50048x32xf32, #tpu.memory_space<vmem_shared>> -> memref<50048x32xf32, #tpu.memory_space<vmem_shared>>
          tpu.wait_indirect_dma semaphore(%run_scoped3A_177 : memref<!tpu.dma_semaphore, #tpu.memory_space<semaphore_mem>>) src(%dma_wait3A_190 : memref<128x32xf32, #tpu.memory_space<vmem>>) dst(%dma_wait3A_196 : memref<50048x32xf32, #tpu.memory_space<vmem_shared>>)
          tpu.yield
        }) : () -> ()
        %add3A_79 = arith.constant 4 : i32
        %add3A_80 = arith.addi %mul3A_59, %add3A_79 : i32
        %add3A_81 = arith.constant 0 : i32
        %add3A_82 = arith.addi %add3A_80, %add3A_81 : i32
        %lt3A = arith.constant 20 : i32
        %lt3A_83 = arith.cmpi slt, %add3A_82, %lt3A : i32
        %convert_element_type3A_84 = arith.extui %lt3A_83 : i1 to i32
        %cond3A_85 = arith.constant 0 : i32
        %cond3A_86 = arith.cmpi ne, %convert_element_type3A_84, %cond3A_85 : i32
        scf.if %cond3A_86 {
          %add3A_177 = arith.constant 4 : i32
          %add3A_178 = arith.addi %mul3A_59, %add3A_177 : i32
          %add3A_179 = arith.constant 0 : i32
          %add3A_180 = arith.addi %add3A_178, %add3A_179 : i32
          %eq3A_181 = arith.constant 0 : i32
          %eq3A_182 = arith.cmpi eq, %arg0, %eq3A_181 : i32
          %convert_element_type3A_183 = arith.extui %eq3A_182 : i1 to i32
          %cond3A_184 = arith.constant 0 : i32
          %cond3A_185 = arith.cmpi ne, %convert_element_type3A_183, %cond3A_184 : i32
          scf.if %cond3A_185 {
            %dma_start3A = arith.constant 0 : i32
            %dma_start3A_191 = arith.constant 0 : i32
            %dma_start3A_192 = arith.constant 0 : i32
            %dma_start3A_193 = arith.constant 0 : i32
            %dma_start3A_194 = tpu.memref_slice %arg11[%dma_start3A, %dma_start3A_192, %dma_start3A_193] : memref<4x128x32xf32, #tpu.memory_space<vmem>> -> memref<1x128x32xf32, #tpu.memory_space<vmem>>
            %dma_start3A_195 = tpu.memref_squeeze %dma_start3A_194 : memref<1x128x32xf32, #tpu.memory_space<vmem>> -> memref<128x32xf32, #tpu.memory_space<vmem>>
            %dma_start3A_196 = arith.constant 0 : i32
            %dma_start3A_197 = tpu.memref_slice %arg9[%add3A_180, %dma_start3A_196] : memref<20x128xi32, #tpu.memory_space<vmem>> -> memref<1x128xi32, #tpu.memory_space<vmem>>
            %dma_start3A_198 = tpu.memref_squeeze %dma_start3A_197 : memref<1x128xi32, #tpu.memory_space<vmem>> -> memref<128xi32, #tpu.memory_space<vmem>>
            %dma_start3A_199 = arith.constant 0 : i32
            %dma_start3A_200 = arith.constant 0 : i32
            %dma_start3A_201 = tpu.memref_slice %arg4[%dma_start3A_199, %dma_start3A_200] : memref<50048x32xf32, #tpu.memory_space<hbm>> -> memref<50048x32xf32, #tpu.memory_space<hbm>>
            %dma_start3A_202 = tpu.memref_slice %arg12[%dma_start3A_191] : memref<4x!tpu.dma_semaphore, #tpu.memory_space<semaphore_mem>> -> memref<1x!tpu.dma_semaphore, #tpu.memory_space<semaphore_mem>>
            %dma_start3A_203 = tpu.memref_squeeze %dma_start3A_202 : memref<1x!tpu.dma_semaphore, #tpu.memory_space<semaphore_mem>> -> memref<!tpu.dma_semaphore, #tpu.memory_space<semaphore_mem>>
            tpu.enqueue_indirect_dma source(%dma_start3A_201 : memref<50048x32xf32, #tpu.memory_space<hbm>>) target(%dma_start3A_195 : memref<128x32xf32, #tpu.memory_space<vmem>>) offsets(%dma_start3A_198 : memref<128xi32, #tpu.memory_space<vmem>>) semaphore(%dma_start3A_203 : memref<!tpu.dma_semaphore, #tpu.memory_space<semaphore_mem>>)
          } else {
          }
          %eq3A_186 = arith.constant 1 : i32
          %eq3A_187 = arith.cmpi eq, %arg0, %eq3A_186 : i32
          %convert_element_type3A_188 = arith.extui %eq3A_187 : i1 to i32
          %cond3A_189 = arith.constant 0 : i32
          %cond3A_190 = arith.cmpi ne, %convert_element_type3A_188, %cond3A_189 : i32
          scf.if %cond3A_190 {
            %dma_start3A = arith.constant 0 : i32
            %dma_start3A_191 = arith.constant 0 : i32
            %dma_start3A_192 = arith.constant 0 : i32
            %dma_start3A_193 = arith.constant 0 : i32
            %dma_start3A_194 = tpu.memref_slice %arg11[%dma_start3A, %dma_start3A_192, %dma_start3A_193] : memref<4x128x32xf32, #tpu.memory_space<vmem>> -> memref<1x128x32xf32, #tpu.memory_space<vmem>>
            %dma_start3A_195 = tpu.memref_squeeze %dma_start3A_194 : memref<1x128x32xf32, #tpu.memory_space<vmem>> -> memref<128x32xf32, #tpu.memory_space<vmem>>
            %dma_start3A_196 = arith.constant 0 : i32
            %dma_start3A_197 = tpu.memref_slice %arg9[%add3A_180, %dma_start3A_196] : memref<20x128xi32, #tpu.memory_space<vmem>> -> memref<1x128xi32, #tpu.memory_space<vmem>>
            %dma_start3A_198 = tpu.memref_squeeze %dma_start3A_197 : memref<1x128xi32, #tpu.memory_space<vmem>> -> memref<128xi32, #tpu.memory_space<vmem>>
            %dma_start3A_199 = arith.constant 0 : i32
            %dma_start3A_200 = arith.constant 0 : i32
            %dma_start3A_201 = tpu.memref_slice %arg5[%dma_start3A_199, %dma_start3A_200] : memref<50048x32xf32, #tpu.memory_space<hbm>> -> memref<50048x32xf32, #tpu.memory_space<hbm>>
            %dma_start3A_202 = tpu.memref_slice %arg12[%dma_start3A_191] : memref<4x!tpu.dma_semaphore, #tpu.memory_space<semaphore_mem>> -> memref<1x!tpu.dma_semaphore, #tpu.memory_space<semaphore_mem>>
            %dma_start3A_203 = tpu.memref_squeeze %dma_start3A_202 : memref<1x!tpu.dma_semaphore, #tpu.memory_space<semaphore_mem>> -> memref<!tpu.dma_semaphore, #tpu.memory_space<semaphore_mem>>
            tpu.enqueue_indirect_dma source(%dma_start3A_201 : memref<50048x32xf32, #tpu.memory_space<hbm>>) target(%dma_start3A_195 : memref<128x32xf32, #tpu.memory_space<vmem>>) offsets(%dma_start3A_198 : memref<128xi32, #tpu.memory_space<vmem>>) semaphore(%dma_start3A_203 : memref<!tpu.dma_semaphore, #tpu.memory_space<semaphore_mem>>)
          } else {
          }
        } else {
        }
        %dma_wait3A_87 = arith.constant 1 : i32
        %dma_wait3A_88 = arith.constant 1 : i32
        %dma_wait3A_89 = arith.constant 0 : i32
        %dma_wait3A_90 = arith.constant 0 : i32
        %dma_wait3A_91 = tpu.memref_slice %arg11[%dma_wait3A_87, %dma_wait3A_89, %dma_wait3A_90] : memref<4x128x32xf32, #tpu.memory_space<vmem>> -> memref<1x128x32xf32, #tpu.memory_space<vmem>>
        %dma_wait3A_92 = tpu.memref_squeeze %dma_wait3A_91 : memref<1x128x32xf32, #tpu.memory_space<vmem>> -> memref<128x32xf32, #tpu.memory_space<vmem>>
        %dma_wait3A_93 = arith.constant 0 : i32
        %dma_wait3A_94 = arith.constant 0 : i32
        %dma_wait3A_95 = tpu.memref_slice %arg6[%dma_wait3A_93, %dma_wait3A_94] : memref<50048x32xf32, #tpu.memory_space<hbm>> -> memref<128x32xf32, #tpu.memory_space<hbm>>
        %dma_wait3A_96 = tpu.memref_slice %arg12[%dma_wait3A_88] : memref<4x!tpu.dma_semaphore, #tpu.memory_space<semaphore_mem>> -> memref<1x!tpu.dma_semaphore, #tpu.memory_space<semaphore_mem>>
        %dma_wait3A_97 = tpu.memref_squeeze %dma_wait3A_96 : memref<1x!tpu.dma_semaphore, #tpu.memory_space<semaphore_mem>> -> memref<!tpu.dma_semaphore, #tpu.memory_space<semaphore_mem>>
        %dma_wait3A_98 = arith.constant 0 : i32
        %dma_wait3A_99 = arith.constant 0 : i32
        %dma_wait3A_100 = tpu.memref_slice %arg11[%dma_wait3A_87, %dma_wait3A_98, %dma_wait3A_99] : memref<4x128x32xf32, #tpu.memory_space<vmem>> -> memref<1x128x32xf32, #tpu.memory_space<vmem>>
        %dma_wait3A_101 = tpu.memref_squeeze %dma_wait3A_100 : memref<1x128x32xf32, #tpu.memory_space<vmem>> -> memref<128x32xf32, #tpu.memory_space<vmem>>
        %dma_wait3A_102 = arith.constant 0 : i32
        %dma_wait3A_103 = arith.constant 0 : i32
        %dma_wait3A_104 = tpu.memref_slice %arg6[%dma_wait3A_102, %dma_wait3A_103] : memref<50048x32xf32, #tpu.memory_space<hbm>> -> memref<128x32xf32, #tpu.memory_space<hbm>>
        tpu.wait_dma2 semaphore(%dma_wait3A_97 : memref<!tpu.dma_semaphore, #tpu.memory_space<semaphore_mem>>) src(%dma_wait3A_104 : memref<128x32xf32, #tpu.memory_space<hbm>>) dst(%dma_wait3A_101 : memref<128x32xf32, #tpu.memory_space<vmem>>)
        %add3A_105 = arith.constant 1 : i32
        %add3A_106 = arith.addi %mul3A_59, %add3A_105 : i32
        %run_scoped3A_107 = arith.constant 1 : i32
        "tpu.region"() ({
          %run_scoped3A_177 = tpu.sem_alloc : memref<!tpu.dma_semaphore, #tpu.memory_space<semaphore_mem>>
          %dma_start3A = arith.constant 0 : i32
          %dma_start3A_178 = arith.constant 0 : i32
          %dma_start3A_179 = tpu.memref_slice %arg11[%run_scoped3A_107, %dma_start3A, %dma_start3A_178] : memref<4x128x32xf32, #tpu.memory_space<vmem>> -> memref<1x128x32xf32, #tpu.memory_space<vmem>>
          %dma_start3A_180 = tpu.memref_squeeze %dma_start3A_179 : memref<1x128x32xf32, #tpu.memory_space<vmem>> -> memref<128x32xf32, #tpu.memory_space<vmem>>
          %dma_start3A_181 = arith.constant 0 : i32
          %dma_start3A_182 = tpu.memref_slice %arg10[%add3A_106, %dma_start3A_181] : memref<20x128xi32, #tpu.memory_space<vmem>> -> memref<1x128xi32, #tpu.memory_space<vmem>>
          %dma_start3A_183 = tpu.memref_squeeze %dma_start3A_182 : memref<1x128xi32, #tpu.memory_space<vmem>> -> memref<128xi32, #tpu.memory_space<vmem>>
          %dma_start3A_184 = arith.constant 0 : i32
          %dma_start3A_185 = arith.constant 0 : i32
          %dma_start3A_186 = tpu.memref_slice %arg8[%dma_start3A_184, %dma_start3A_185] : memref<50048x32xf32, #tpu.memory_space<vmem_shared>> -> memref<50048x32xf32, #tpu.memory_space<vmem_shared>>
          tpu.enqueue_indirect_dma source(%dma_start3A_180 : memref<128x32xf32, #tpu.memory_space<vmem>>) target(%dma_start3A_186 : memref<50048x32xf32, #tpu.memory_space<vmem_shared>>) offsets(%dma_start3A_183 : memref<128xi32, #tpu.memory_space<vmem>>) semaphore(%run_scoped3A_177 : memref<!tpu.dma_semaphore, #tpu.memory_space<semaphore_mem>>) {add = true}
          %dma_wait3A_187 = arith.constant 0 : i32
          %dma_wait3A_188 = arith.constant 0 : i32
          %dma_wait3A_189 = tpu.memref_slice %arg11[%run_scoped3A_107, %dma_wait3A_187, %dma_wait3A_188] : memref<4x128x32xf32, #tpu.memory_space<vmem>> -> memref<1x128x32xf32, #tpu.memory_space<vmem>>
          %dma_wait3A_190 = tpu.memref_squeeze %dma_wait3A_189 : memref<1x128x32xf32, #tpu.memory_space<vmem>> -> memref<128x32xf32, #tpu.memory_space<vmem>>
          %dma_wait3A_191 = arith.constant 0 : i32
          %dma_wait3A_192 = tpu.memref_slice %arg10[%add3A_106, %dma_wait3A_191] : memref<20x128xi32, #tpu.memory_space<vmem>> -> memref<1x128xi32, #tpu.memory_space<vmem>>
          %dma_wait3A_193 = tpu.memref_squeeze %dma_wait3A_192 : memref<1x128xi32, #tpu.memory_space<vmem>> -> memref<128xi32, #tpu.memory_space<vmem>>
          %dma_wait3A_194 = arith.constant 0 : i32
          %dma_wait3A_195 = arith.constant 0 : i32
          %dma_wait3A_196 = tpu.memref_slice %arg8[%dma_wait3A_194, %dma_wait3A_195] : memref<50048x32xf32, #tpu.memory_space<vmem_shared>> -> memref<50048x32xf32, #tpu.memory_space<vmem_shared>>
          tpu.wait_indirect_dma semaphore(%run_scoped3A_177 : memref<!tpu.dma_semaphore, #tpu.memory_space<semaphore_mem>>) src(%dma_wait3A_190 : memref<128x32xf32, #tpu.memory_space<vmem>>) dst(%dma_wait3A_196 : memref<50048x32xf32, #tpu.memory_space<vmem_shared>>)
          tpu.yield
        }) : () -> ()
        %add3A_108 = arith.constant 4 : i32
        %add3A_109 = arith.addi %mul3A_59, %add3A_108 : i32
        %add3A_110 = arith.constant 1 : i32
        %add3A_111 = arith.addi %add3A_109, %add3A_110 : i32
        %lt3A_112 = arith.constant 20 : i32
        %lt3A_113 = arith.cmpi slt, %add3A_111, %lt3A_112 : i32
        %convert_element_type3A_114 = arith.extui %lt3A_113 : i1 to i32
        %cond3A_115 = arith.constant 0 : i32
        %cond3A_116 = arith.cmpi ne, %convert_element_type3A_114, %cond3A_115 : i32
        scf.if %cond3A_116 {
          %add3A_177 = arith.constant 4 : i32
          %add3A_178 = arith.addi %mul3A_59, %add3A_177 : i32
          %add3A_179 = arith.constant 1 : i32
          %add3A_180 = arith.addi %add3A_178, %add3A_179 : i32
          %eq3A_181 = arith.constant 0 : i32
          %eq3A_182 = arith.cmpi eq, %arg0, %eq3A_181 : i32
          %convert_element_type3A_183 = arith.extui %eq3A_182 : i1 to i32
          %cond3A_184 = arith.constant 0 : i32
          %cond3A_185 = arith.cmpi ne, %convert_element_type3A_183, %cond3A_184 : i32
          scf.if %cond3A_185 {
            %dma_start3A = arith.constant 1 : i32
            %dma_start3A_191 = arith.constant 1 : i32
            %dma_start3A_192 = arith.constant 0 : i32
            %dma_start3A_193 = arith.constant 0 : i32
            %dma_start3A_194 = tpu.memref_slice %arg11[%dma_start3A, %dma_start3A_192, %dma_start3A_193] : memref<4x128x32xf32, #tpu.memory_space<vmem>> -> memref<1x128x32xf32, #tpu.memory_space<vmem>>
            %dma_start3A_195 = tpu.memref_squeeze %dma_start3A_194 : memref<1x128x32xf32, #tpu.memory_space<vmem>> -> memref<128x32xf32, #tpu.memory_space<vmem>>
            %dma_start3A_196 = arith.constant 0 : i32
            %dma_start3A_197 = tpu.memref_slice %arg9[%add3A_180, %dma_start3A_196] : memref<20x128xi32, #tpu.memory_space<vmem>> -> memref<1x128xi32, #tpu.memory_space<vmem>>
            %dma_start3A_198 = tpu.memref_squeeze %dma_start3A_197 : memref<1x128xi32, #tpu.memory_space<vmem>> -> memref<128xi32, #tpu.memory_space<vmem>>
            %dma_start3A_199 = arith.constant 0 : i32
            %dma_start3A_200 = arith.constant 0 : i32
            %dma_start3A_201 = tpu.memref_slice %arg4[%dma_start3A_199, %dma_start3A_200] : memref<50048x32xf32, #tpu.memory_space<hbm>> -> memref<50048x32xf32, #tpu.memory_space<hbm>>
            %dma_start3A_202 = tpu.memref_slice %arg12[%dma_start3A_191] : memref<4x!tpu.dma_semaphore, #tpu.memory_space<semaphore_mem>> -> memref<1x!tpu.dma_semaphore, #tpu.memory_space<semaphore_mem>>
            %dma_start3A_203 = tpu.memref_squeeze %dma_start3A_202 : memref<1x!tpu.dma_semaphore, #tpu.memory_space<semaphore_mem>> -> memref<!tpu.dma_semaphore, #tpu.memory_space<semaphore_mem>>
            tpu.enqueue_indirect_dma source(%dma_start3A_201 : memref<50048x32xf32, #tpu.memory_space<hbm>>) target(%dma_start3A_195 : memref<128x32xf32, #tpu.memory_space<vmem>>) offsets(%dma_start3A_198 : memref<128xi32, #tpu.memory_space<vmem>>) semaphore(%dma_start3A_203 : memref<!tpu.dma_semaphore, #tpu.memory_space<semaphore_mem>>)
          } else {
          }
          %eq3A_186 = arith.constant 1 : i32
          %eq3A_187 = arith.cmpi eq, %arg0, %eq3A_186 : i32
          %convert_element_type3A_188 = arith.extui %eq3A_187 : i1 to i32
          %cond3A_189 = arith.constant 0 : i32
          %cond3A_190 = arith.cmpi ne, %convert_element_type3A_188, %cond3A_189 : i32
          scf.if %cond3A_190 {
            %dma_start3A = arith.constant 1 : i32
            %dma_start3A_191 = arith.constant 1 : i32
            %dma_start3A_192 = arith.constant 0 : i32
            %dma_start3A_193 = arith.constant 0 : i32
            %dma_start3A_194 = tpu.memref_slice %arg11[%dma_start3A, %dma_start3A_192, %dma_start3A_193] : memref<4x128x32xf32, #tpu.memory_space<vmem>> -> memref<1x128x32xf32, #tpu.memory_space<vmem>>
            %dma_start3A_195 = tpu.memref_squeeze %dma_start3A_194 : memref<1x128x32xf32, #tpu.memory_space<vmem>> -> memref<128x32xf32, #tpu.memory_space<vmem>>
            %dma_start3A_196 = arith.constant 0 : i32
            %dma_start3A_197 = tpu.memref_slice %arg9[%add3A_180, %dma_start3A_196] : memref<20x128xi32, #tpu.memory_space<vmem>> -> memref<1x128xi32, #tpu.memory_space<vmem>>
            %dma_start3A_198 = tpu.memref_squeeze %dma_start3A_197 : memref<1x128xi32, #tpu.memory_space<vmem>> -> memref<128xi32, #tpu.memory_space<vmem>>
            %dma_start3A_199 = arith.constant 0 : i32
            %dma_start3A_200 = arith.constant 0 : i32
            %dma_start3A_201 = tpu.memref_slice %arg5[%dma_start3A_199, %dma_start3A_200] : memref<50048x32xf32, #tpu.memory_space<hbm>> -> memref<50048x32xf32, #tpu.memory_space<hbm>>
            %dma_start3A_202 = tpu.memref_slice %arg12[%dma_start3A_191] : memref<4x!tpu.dma_semaphore, #tpu.memory_space<semaphore_mem>> -> memref<1x!tpu.dma_semaphore, #tpu.memory_space<semaphore_mem>>
            %dma_start3A_203 = tpu.memref_squeeze %dma_start3A_202 : memref<1x!tpu.dma_semaphore, #tpu.memory_space<semaphore_mem>> -> memref<!tpu.dma_semaphore, #tpu.memory_space<semaphore_mem>>
            tpu.enqueue_indirect_dma source(%dma_start3A_201 : memref<50048x32xf32, #tpu.memory_space<hbm>>) target(%dma_start3A_195 : memref<128x32xf32, #tpu.memory_space<vmem>>) offsets(%dma_start3A_198 : memref<128xi32, #tpu.memory_space<vmem>>) semaphore(%dma_start3A_203 : memref<!tpu.dma_semaphore, #tpu.memory_space<semaphore_mem>>)
          } else {
          }
        } else {
        }
        %dma_wait3A_117 = arith.constant 2 : i32
        %dma_wait3A_118 = arith.constant 2 : i32
        %dma_wait3A_119 = arith.constant 0 : i32
        %dma_wait3A_120 = arith.constant 0 : i32
        %dma_wait3A_121 = tpu.memref_slice %arg11[%dma_wait3A_117, %dma_wait3A_119, %dma_wait3A_120] : memref<4x128x32xf32, #tpu.memory_space<vmem>> -> memref<1x128x32xf32, #tpu.memory_space<vmem>>
        %dma_wait3A_122 = tpu.memref_squeeze %dma_wait3A_121 : memref<1x128x32xf32, #tpu.memory_space<vmem>> -> memref<128x32xf32, #tpu.memory_space<vmem>>
        %dma_wait3A_123 = arith.constant 0 : i32
        %dma_wait3A_124 = arith.constant 0 : i32
        %dma_wait3A_125 = tpu.memref_slice %arg6[%dma_wait3A_123, %dma_wait3A_124] : memref<50048x32xf32, #tpu.memory_space<hbm>> -> memref<128x32xf32, #tpu.memory_space<hbm>>
        %dma_wait3A_126 = tpu.memref_slice %arg12[%dma_wait3A_118] : memref<4x!tpu.dma_semaphore, #tpu.memory_space<semaphore_mem>> -> memref<1x!tpu.dma_semaphore, #tpu.memory_space<semaphore_mem>>
        %dma_wait3A_127 = tpu.memref_squeeze %dma_wait3A_126 : memref<1x!tpu.dma_semaphore, #tpu.memory_space<semaphore_mem>> -> memref<!tpu.dma_semaphore, #tpu.memory_space<semaphore_mem>>
        %dma_wait3A_128 = arith.constant 0 : i32
        %dma_wait3A_129 = arith.constant 0 : i32
        %dma_wait3A_130 = tpu.memref_slice %arg11[%dma_wait3A_117, %dma_wait3A_128, %dma_wait3A_129] : memref<4x128x32xf32, #tpu.memory_space<vmem>> -> memref<1x128x32xf32, #tpu.memory_space<vmem>>
        %dma_wait3A_131 = tpu.memref_squeeze %dma_wait3A_130 : memref<1x128x32xf32, #tpu.memory_space<vmem>> -> memref<128x32xf32, #tpu.memory_space<vmem>>
        %dma_wait3A_132 = arith.constant 0 : i32
        %dma_wait3A_133 = arith.constant 0 : i32
        %dma_wait3A_134 = tpu.memref_slice %arg6[%dma_wait3A_132, %dma_wait3A_133] : memref<50048x32xf32, #tpu.memory_space<hbm>> -> memref<128x32xf32, #tpu.memory_space<hbm>>
        tpu.wait_dma2 semaphore(%dma_wait3A_127 : memref<!tpu.dma_semaphore, #tpu.memory_space<semaphore_mem>>) src(%dma_wait3A_134 : memref<128x32xf32, #tpu.memory_space<hbm>>) dst(%dma_wait3A_131 : memref<128x32xf32, #tpu.memory_space<vmem>>)
        %add3A_135 = arith.constant 2 : i32
        %add3A_136 = arith.addi %mul3A_59, %add3A_135 : i32
        %run_scoped3A_137 = arith.constant 2 : i32
        "tpu.region"() ({
          %run_scoped3A_177 = tpu.sem_alloc : memref<!tpu.dma_semaphore, #tpu.memory_space<semaphore_mem>>
          %dma_start3A = arith.constant 0 : i32
          %dma_start3A_178 = arith.constant 0 : i32
          %dma_start3A_179 = tpu.memref_slice %arg11[%run_scoped3A_137, %dma_start3A, %dma_start3A_178] : memref<4x128x32xf32, #tpu.memory_space<vmem>> -> memref<1x128x32xf32, #tpu.memory_space<vmem>>
          %dma_start3A_180 = tpu.memref_squeeze %dma_start3A_179 : memref<1x128x32xf32, #tpu.memory_space<vmem>> -> memref<128x32xf32, #tpu.memory_space<vmem>>
          %dma_start3A_181 = arith.constant 0 : i32
          %dma_start3A_182 = tpu.memref_slice %arg10[%add3A_136, %dma_start3A_181] : memref<20x128xi32, #tpu.memory_space<vmem>> -> memref<1x128xi32, #tpu.memory_space<vmem>>
          %dma_start3A_183 = tpu.memref_squeeze %dma_start3A_182 : memref<1x128xi32, #tpu.memory_space<vmem>> -> memref<128xi32, #tpu.memory_space<vmem>>
          %dma_start3A_184 = arith.constant 0 : i32
          %dma_start3A_185 = arith.constant 0 : i32
          %dma_start3A_186 = tpu.memref_slice %arg8[%dma_start3A_184, %dma_start3A_185] : memref<50048x32xf32, #tpu.memory_space<vmem_shared>> -> memref<50048x32xf32, #tpu.memory_space<vmem_shared>>
          tpu.enqueue_indirect_dma source(%dma_start3A_180 : memref<128x32xf32, #tpu.memory_space<vmem>>) target(%dma_start3A_186 : memref<50048x32xf32, #tpu.memory_space<vmem_shared>>) offsets(%dma_start3A_183 : memref<128xi32, #tpu.memory_space<vmem>>) semaphore(%run_scoped3A_177 : memref<!tpu.dma_semaphore, #tpu.memory_space<semaphore_mem>>) {add = true}
          %dma_wait3A_187 = arith.constant 0 : i32
          %dma_wait3A_188 = arith.constant 0 : i32
          %dma_wait3A_189 = tpu.memref_slice %arg11[%run_scoped3A_137, %dma_wait3A_187, %dma_wait3A_188] : memref<4x128x32xf32, #tpu.memory_space<vmem>> -> memref<1x128x32xf32, #tpu.memory_space<vmem>>
          %dma_wait3A_190 = tpu.memref_squeeze %dma_wait3A_189 : memref<1x128x32xf32, #tpu.memory_space<vmem>> -> memref<128x32xf32, #tpu.memory_space<vmem>>
          %dma_wait3A_191 = arith.constant 0 : i32
          %dma_wait3A_192 = tpu.memref_slice %arg10[%add3A_136, %dma_wait3A_191] : memref<20x128xi32, #tpu.memory_space<vmem>> -> memref<1x128xi32, #tpu.memory_space<vmem>>
          %dma_wait3A_193 = tpu.memref_squeeze %dma_wait3A_192 : memref<1x128xi32, #tpu.memory_space<vmem>> -> memref<128xi32, #tpu.memory_space<vmem>>
          %dma_wait3A_194 = arith.constant 0 : i32
          %dma_wait3A_195 = arith.constant 0 : i32
          %dma_wait3A_196 = tpu.memref_slice %arg8[%dma_wait3A_194, %dma_wait3A_195] : memref<50048x32xf32, #tpu.memory_space<vmem_shared>> -> memref<50048x32xf32, #tpu.memory_space<vmem_shared>>
          tpu.wait_indirect_dma semaphore(%run_scoped3A_177 : memref<!tpu.dma_semaphore, #tpu.memory_space<semaphore_mem>>) src(%dma_wait3A_190 : memref<128x32xf32, #tpu.memory_space<vmem>>) dst(%dma_wait3A_196 : memref<50048x32xf32, #tpu.memory_space<vmem_shared>>)
          tpu.yield
        }) : () -> ()
        %add3A_138 = arith.constant 4 : i32
        %add3A_139 = arith.addi %mul3A_59, %add3A_138 : i32
        %add3A_140 = arith.constant 2 : i32
        %add3A_141 = arith.addi %add3A_139, %add3A_140 : i32
        %lt3A_142 = arith.constant 20 : i32
        %lt3A_143 = arith.cmpi slt, %add3A_141, %lt3A_142 : i32
        %convert_element_type3A_144 = arith.extui %lt3A_143 : i1 to i32
        %cond3A_145 = arith.constant 0 : i32
        %cond3A_146 = arith.cmpi ne, %convert_element_type3A_144, %cond3A_145 : i32
        scf.if %cond3A_146 {
          %add3A_177 = arith.constant 4 : i32
          %add3A_178 = arith.addi %mul3A_59, %add3A_177 : i32
          %add3A_179 = arith.constant 2 : i32
          %add3A_180 = arith.addi %add3A_178, %add3A_179 : i32
          %eq3A_181 = arith.constant 0 : i32
          %eq3A_182 = arith.cmpi eq, %arg0, %eq3A_181 : i32
          %convert_element_type3A_183 = arith.extui %eq3A_182 : i1 to i32
          %cond3A_184 = arith.constant 0 : i32
          %cond3A_185 = arith.cmpi ne, %convert_element_type3A_183, %cond3A_184 : i32
          scf.if %cond3A_185 {
            %dma_start3A = arith.constant 2 : i32
            %dma_start3A_191 = arith.constant 2 : i32
            %dma_start3A_192 = arith.constant 0 : i32
            %dma_start3A_193 = arith.constant 0 : i32
            %dma_start3A_194 = tpu.memref_slice %arg11[%dma_start3A, %dma_start3A_192, %dma_start3A_193] : memref<4x128x32xf32, #tpu.memory_space<vmem>> -> memref<1x128x32xf32, #tpu.memory_space<vmem>>
            %dma_start3A_195 = tpu.memref_squeeze %dma_start3A_194 : memref<1x128x32xf32, #tpu.memory_space<vmem>> -> memref<128x32xf32, #tpu.memory_space<vmem>>
            %dma_start3A_196 = arith.constant 0 : i32
            %dma_start3A_197 = tpu.memref_slice %arg9[%add3A_180, %dma_start3A_196] : memref<20x128xi32, #tpu.memory_space<vmem>> -> memref<1x128xi32, #tpu.memory_space<vmem>>
            %dma_start3A_198 = tpu.memref_squeeze %dma_start3A_197 : memref<1x128xi32, #tpu.memory_space<vmem>> -> memref<128xi32, #tpu.memory_space<vmem>>
            %dma_start3A_199 = arith.constant 0 : i32
            %dma_start3A_200 = arith.constant 0 : i32
            %dma_start3A_201 = tpu.memref_slice %arg4[%dma_start3A_199, %dma_start3A_200] : memref<50048x32xf32, #tpu.memory_space<hbm>> -> memref<50048x32xf32, #tpu.memory_space<hbm>>
            %dma_start3A_202 = tpu.memref_slice %arg12[%dma_start3A_191] : memref<4x!tpu.dma_semaphore, #tpu.memory_space<semaphore_mem>> -> memref<1x!tpu.dma_semaphore, #tpu.memory_space<semaphore_mem>>
            %dma_start3A_203 = tpu.memref_squeeze %dma_start3A_202 : memref<1x!tpu.dma_semaphore, #tpu.memory_space<semaphore_mem>> -> memref<!tpu.dma_semaphore, #tpu.memory_space<semaphore_mem>>
            tpu.enqueue_indirect_dma source(%dma_start3A_201 : memref<50048x32xf32, #tpu.memory_space<hbm>>) target(%dma_start3A_195 : memref<128x32xf32, #tpu.memory_space<vmem>>) offsets(%dma_start3A_198 : memref<128xi32, #tpu.memory_space<vmem>>) semaphore(%dma_start3A_203 : memref<!tpu.dma_semaphore, #tpu.memory_space<semaphore_mem>>)
          } else {
          }
          %eq3A_186 = arith.constant 1 : i32
          %eq3A_187 = arith.cmpi eq, %arg0, %eq3A_186 : i32
          %convert_element_type3A_188 = arith.extui %eq3A_187 : i1 to i32
          %cond3A_189 = arith.constant 0 : i32
          %cond3A_190 = arith.cmpi ne, %convert_element_type3A_188, %cond3A_189 : i32
          scf.if %cond3A_190 {
            %dma_start3A = arith.constant 2 : i32
            %dma_start3A_191 = arith.constant 2 : i32
            %dma_start3A_192 = arith.constant 0 : i32
            %dma_start3A_193 = arith.constant 0 : i32
            %dma_start3A_194 = tpu.memref_slice %arg11[%dma_start3A, %dma_start3A_192, %dma_start3A_193] : memref<4x128x32xf32, #tpu.memory_space<vmem>> -> memref<1x128x32xf32, #tpu.memory_space<vmem>>
            %dma_start3A_195 = tpu.memref_squeeze %dma_start3A_194 : memref<1x128x32xf32, #tpu.memory_space<vmem>> -> memref<128x32xf32, #tpu.memory_space<vmem>>
            %dma_start3A_196 = arith.constant 0 : i32
            %dma_start3A_197 = tpu.memref_slice %arg9[%add3A_180, %dma_start3A_196] : memref<20x128xi32, #tpu.memory_space<vmem>> -> memref<1x128xi32, #tpu.memory_space<vmem>>
            %dma_start3A_198 = tpu.memref_squeeze %dma_start3A_197 : memref<1x128xi32, #tpu.memory_space<vmem>> -> memref<128xi32, #tpu.memory_space<vmem>>
            %dma_start3A_199 = arith.constant 0 : i32
            %dma_start3A_200 = arith.constant 0 : i32
            %dma_start3A_201 = tpu.memref_slice %arg5[%dma_start3A_199, %dma_start3A_200] : memref<50048x32xf32, #tpu.memory_space<hbm>> -> memref<50048x32xf32, #tpu.memory_space<hbm>>
            %dma_start3A_202 = tpu.memref_slice %arg12[%dma_start3A_191] : memref<4x!tpu.dma_semaphore, #tpu.memory_space<semaphore_mem>> -> memref<1x!tpu.dma_semaphore, #tpu.memory_space<semaphore_mem>>
            %dma_start3A_203 = tpu.memref_squeeze %dma_start3A_202 : memref<1x!tpu.dma_semaphore, #tpu.memory_space<semaphore_mem>> -> memref<!tpu.dma_semaphore, #tpu.memory_space<semaphore_mem>>
            tpu.enqueue_indirect_dma source(%dma_start3A_201 : memref<50048x32xf32, #tpu.memory_space<hbm>>) target(%dma_start3A_195 : memref<128x32xf32, #tpu.memory_space<vmem>>) offsets(%dma_start3A_198 : memref<128xi32, #tpu.memory_space<vmem>>) semaphore(%dma_start3A_203 : memref<!tpu.dma_semaphore, #tpu.memory_space<semaphore_mem>>)
          } else {
          }
        } else {
        }
        %dma_wait3A_147 = arith.constant 3 : i32
        %dma_wait3A_148 = arith.constant 3 : i32
        %dma_wait3A_149 = arith.constant 0 : i32
        %dma_wait3A_150 = arith.constant 0 : i32
        %dma_wait3A_151 = tpu.memref_slice %arg11[%dma_wait3A_147, %dma_wait3A_149, %dma_wait3A_150] : memref<4x128x32xf32, #tpu.memory_space<vmem>> -> memref<1x128x32xf32, #tpu.memory_space<vmem>>
        %dma_wait3A_152 = tpu.memref_squeeze %dma_wait3A_151 : memref<1x128x32xf32, #tpu.memory_space<vmem>> -> memref<128x32xf32, #tpu.memory_space<vmem>>
        %dma_wait3A_153 = arith.constant 0 : i32
        %dma_wait3A_154 = arith.constant 0 : i32
        %dma_wait3A_155 = tpu.memref_slice %arg6[%dma_wait3A_153, %dma_wait3A_154] : memref<50048x32xf32, #tpu.memory_space<hbm>> -> memref<128x32xf32, #tpu.memory_space<hbm>>
        %dma_wait3A_156 = tpu.memref_slice %arg12[%dma_wait3A_148] : memref<4x!tpu.dma_semaphore, #tpu.memory_space<semaphore_mem>> -> memref<1x!tpu.dma_semaphore, #tpu.memory_space<semaphore_mem>>
        %dma_wait3A_157 = tpu.memref_squeeze %dma_wait3A_156 : memref<1x!tpu.dma_semaphore, #tpu.memory_space<semaphore_mem>> -> memref<!tpu.dma_semaphore, #tpu.memory_space<semaphore_mem>>
        %dma_wait3A_158 = arith.constant 0 : i32
        %dma_wait3A_159 = arith.constant 0 : i32
        %dma_wait3A_160 = tpu.memref_slice %arg11[%dma_wait3A_147, %dma_wait3A_158, %dma_wait3A_159] : memref<4x128x32xf32, #tpu.memory_space<vmem>> -> memref<1x128x32xf32, #tpu.memory_space<vmem>>
        %dma_wait3A_161 = tpu.memref_squeeze %dma_wait3A_160 : memref<1x128x32xf32, #tpu.memory_space<vmem>> -> memref<128x32xf32, #tpu.memory_space<vmem>>
        %dma_wait3A_162 = arith.constant 0 : i32
        %dma_wait3A_163 = arith.constant 0 : i32
        %dma_wait3A_164 = tpu.memref_slice %arg6[%dma_wait3A_162, %dma_wait3A_163] : memref<50048x32xf32, #tpu.memory_space<hbm>> -> memref<128x32xf32, #tpu.memory_space<hbm>>
        tpu.wait_dma2 semaphore(%dma_wait3A_157 : memref<!tpu.dma_semaphore, #tpu.memory_space<semaphore_mem>>) src(%dma_wait3A_164 : memref<128x32xf32, #tpu.memory_space<hbm>>) dst(%dma_wait3A_161 : memref<128x32xf32, #tpu.memory_space<vmem>>)
        %add3A_165 = arith.constant 3 : i32
        %add3A_166 = arith.addi %mul3A_59, %add3A_165 : i32
        %run_scoped3A_167 = arith.constant 3 : i32
        "tpu.region"() ({
          %run_scoped3A_177 = tpu.sem_alloc : memref<!tpu.dma_semaphore, #tpu.memory_space<semaphore_mem>>
          %dma_start3A = arith.constant 0 : i32
          %dma_start3A_178 = arith.constant 0 : i32
          %dma_start3A_179 = tpu.memref_slice %arg11[%run_scoped3A_167, %dma_start3A, %dma_start3A_178] : memref<4x128x32xf32, #tpu.memory_space<vmem>> -> memref<1x128x32xf32, #tpu.memory_space<vmem>>
          %dma_start3A_180 = tpu.memref_squeeze %dma_start3A_179 : memref<1x128x32xf32, #tpu.memory_space<vmem>> -> memref<128x32xf32, #tpu.memory_space<vmem>>
          %dma_start3A_181 = arith.constant 0 : i32
          %dma_start3A_182 = tpu.memref_slice %arg10[%add3A_166, %dma_start3A_181] : memref<20x128xi32, #tpu.memory_space<vmem>> -> memref<1x128xi32, #tpu.memory_space<vmem>>
          %dma_start3A_183 = tpu.memref_squeeze %dma_start3A_182 : memref<1x128xi32, #tpu.memory_space<vmem>> -> memref<128xi32, #tpu.memory_space<vmem>>
          %dma_start3A_184 = arith.constant 0 : i32
          %dma_start3A_185 = arith.constant 0 : i32
          %dma_start3A_186 = tpu.memref_slice %arg8[%dma_start3A_184, %dma_start3A_185] : memref<50048x32xf32, #tpu.memory_space<vmem_shared>> -> memref<50048x32xf32, #tpu.memory_space<vmem_shared>>
          tpu.enqueue_indirect_dma source(%dma_start3A_180 : memref<128x32xf32, #tpu.memory_space<vmem>>) target(%dma_start3A_186 : memref<50048x32xf32, #tpu.memory_space<vmem_shared>>) offsets(%dma_start3A_183 : memref<128xi32, #tpu.memory_space<vmem>>) semaphore(%run_scoped3A_177 : memref<!tpu.dma_semaphore, #tpu.memory_space<semaphore_mem>>) {add = true}
          %dma_wait3A_187 = arith.constant 0 : i32
          %dma_wait3A_188 = arith.constant 0 : i32
          %dma_wait3A_189 = tpu.memref_slice %arg11[%run_scoped3A_167, %dma_wait3A_187, %dma_wait3A_188] : memref<4x128x32xf32, #tpu.memory_space<vmem>> -> memref<1x128x32xf32, #tpu.memory_space<vmem>>
          %dma_wait3A_190 = tpu.memref_squeeze %dma_wait3A_189 : memref<1x128x32xf32, #tpu.memory_space<vmem>> -> memref<128x32xf32, #tpu.memory_space<vmem>>
          %dma_wait3A_191 = arith.constant 0 : i32
          %dma_wait3A_192 = tpu.memref_slice %arg10[%add3A_166, %dma_wait3A_191] : memref<20x128xi32, #tpu.memory_space<vmem>> -> memref<1x128xi32, #tpu.memory_space<vmem>>
          %dma_wait3A_193 = tpu.memref_squeeze %dma_wait3A_192 : memref<1x128xi32, #tpu.memory_space<vmem>> -> memref<128xi32, #tpu.memory_space<vmem>>
          %dma_wait3A_194 = arith.constant 0 : i32
          %dma_wait3A_195 = arith.constant 0 : i32
          %dma_wait3A_196 = tpu.memref_slice %arg8[%dma_wait3A_194, %dma_wait3A_195] : memref<50048x32xf32, #tpu.memory_space<vmem_shared>> -> memref<50048x32xf32, #tpu.memory_space<vmem_shared>>
          tpu.wait_indirect_dma semaphore(%run_scoped3A_177 : memref<!tpu.dma_semaphore, #tpu.memory_space<semaphore_mem>>) src(%dma_wait3A_190 : memref<128x32xf32, #tpu.memory_space<vmem>>) dst(%dma_wait3A_196 : memref<50048x32xf32, #tpu.memory_space<vmem_shared>>)
          tpu.yield
        }) : () -> ()
        %add3A_168 = arith.constant 4 : i32
        %add3A_169 = arith.addi %mul3A_59, %add3A_168 : i32
        %add3A_170 = arith.constant 3 : i32
        %add3A_171 = arith.addi %add3A_169, %add3A_170 : i32
        %lt3A_172 = arith.constant 20 : i32
        %lt3A_173 = arith.cmpi slt, %add3A_171, %lt3A_172 : i32
        %convert_element_type3A_174 = arith.extui %lt3A_173 : i1 to i32
        %cond3A_175 = arith.constant 0 : i32
        %cond3A_176 = arith.cmpi ne, %convert_element_type3A_174, %cond3A_175 : i32
        scf.if %cond3A_176 {
          %add3A_177 = arith.constant 4 : i32
          %add3A_178 = arith.addi %mul3A_59, %add3A_177 : i32
          %add3A_179 = arith.constant 3 : i32
          %add3A_180 = arith.addi %add3A_178, %add3A_179 : i32
          %eq3A_181 = arith.constant 0 : i32
          %eq3A_182 = arith.cmpi eq, %arg0, %eq3A_181 : i32
          %convert_element_type3A_183 = arith.extui %eq3A_182 : i1 to i32
          %cond3A_184 = arith.constant 0 : i32
          %cond3A_185 = arith.cmpi ne, %convert_element_type3A_183, %cond3A_184 : i32
          scf.if %cond3A_185 {
            %dma_start3A = arith.constant 3 : i32
            %dma_start3A_191 = arith.constant 3 : i32
            %dma_start3A_192 = arith.constant 0 : i32
            %dma_start3A_193 = arith.constant 0 : i32
            %dma_start3A_194 = tpu.memref_slice %arg11[%dma_start3A, %dma_start3A_192, %dma_start3A_193] : memref<4x128x32xf32, #tpu.memory_space<vmem>> -> memref<1x128x32xf32, #tpu.memory_space<vmem>>
            %dma_start3A_195 = tpu.memref_squeeze %dma_start3A_194 : memref<1x128x32xf32, #tpu.memory_space<vmem>> -> memref<128x32xf32, #tpu.memory_space<vmem>>
            %dma_start3A_196 = arith.constant 0 : i32
            %dma_start3A_197 = tpu.memref_slice %arg9[%add3A_180, %dma_start3A_196] : memref<20x128xi32, #tpu.memory_space<vmem>> -> memref<1x128xi32, #tpu.memory_space<vmem>>
            %dma_start3A_198 = tpu.memref_squeeze %dma_start3A_197 : memref<1x128xi32, #tpu.memory_space<vmem>> -> memref<128xi32, #tpu.memory_space<vmem>>
            %dma_start3A_199 = arith.constant 0 : i32
            %dma_start3A_200 = arith.constant 0 : i32
            %dma_start3A_201 = tpu.memref_slice %arg4[%dma_start3A_199, %dma_start3A_200] : memref<50048x32xf32, #tpu.memory_space<hbm>> -> memref<50048x32xf32, #tpu.memory_space<hbm>>
            %dma_start3A_202 = tpu.memref_slice %arg12[%dma_start3A_191] : memref<4x!tpu.dma_semaphore, #tpu.memory_space<semaphore_mem>> -> memref<1x!tpu.dma_semaphore, #tpu.memory_space<semaphore_mem>>
            %dma_start3A_203 = tpu.memref_squeeze %dma_start3A_202 : memref<1x!tpu.dma_semaphore, #tpu.memory_space<semaphore_mem>> -> memref<!tpu.dma_semaphore, #tpu.memory_space<semaphore_mem>>
            tpu.enqueue_indirect_dma source(%dma_start3A_201 : memref<50048x32xf32, #tpu.memory_space<hbm>>) target(%dma_start3A_195 : memref<128x32xf32, #tpu.memory_space<vmem>>) offsets(%dma_start3A_198 : memref<128xi32, #tpu.memory_space<vmem>>) semaphore(%dma_start3A_203 : memref<!tpu.dma_semaphore, #tpu.memory_space<semaphore_mem>>)
          } else {
          }
          %eq3A_186 = arith.constant 1 : i32
          %eq3A_187 = arith.cmpi eq, %arg0, %eq3A_186 : i32
          %convert_element_type3A_188 = arith.extui %eq3A_187 : i1 to i32
          %cond3A_189 = arith.constant 0 : i32
          %cond3A_190 = arith.cmpi ne, %convert_element_type3A_188, %cond3A_189 : i32
          scf.if %cond3A_190 {
            %dma_start3A = arith.constant 3 : i32
            %dma_start3A_191 = arith.constant 3 : i32
            %dma_start3A_192 = arith.constant 0 : i32
            %dma_start3A_193 = arith.constant 0 : i32
            %dma_start3A_194 = tpu.memref_slice %arg11[%dma_start3A, %dma_start3A_192, %dma_start3A_193] : memref<4x128x32xf32, #tpu.memory_space<vmem>> -> memref<1x128x32xf32, #tpu.memory_space<vmem>>
            %dma_start3A_195 = tpu.memref_squeeze %dma_start3A_194 : memref<1x128x32xf32, #tpu.memory_space<vmem>> -> memref<128x32xf32, #tpu.memory_space<vmem>>
            %dma_start3A_196 = arith.constant 0 : i32
            %dma_start3A_197 = tpu.memref_slice %arg9[%add3A_180, %dma_start3A_196] : memref<20x128xi32, #tpu.memory_space<vmem>> -> memref<1x128xi32, #tpu.memory_space<vmem>>
            %dma_start3A_198 = tpu.memref_squeeze %dma_start3A_197 : memref<1x128xi32, #tpu.memory_space<vmem>> -> memref<128xi32, #tpu.memory_space<vmem>>
            %dma_start3A_199 = arith.constant 0 : i32
            %dma_start3A_200 = arith.constant 0 : i32
            %dma_start3A_201 = tpu.memref_slice %arg5[%dma_start3A_199, %dma_start3A_200] : memref<50048x32xf32, #tpu.memory_space<hbm>> -> memref<50048x32xf32, #tpu.memory_space<hbm>>
            %dma_start3A_202 = tpu.memref_slice %arg12[%dma_start3A_191] : memref<4x!tpu.dma_semaphore, #tpu.memory_space<semaphore_mem>> -> memref<1x!tpu.dma_semaphore, #tpu.memory_space<semaphore_mem>>
            %dma_start3A_203 = tpu.memref_squeeze %dma_start3A_202 : memref<1x!tpu.dma_semaphore, #tpu.memory_space<semaphore_mem>> -> memref<!tpu.dma_semaphore, #tpu.memory_space<semaphore_mem>>
            tpu.enqueue_indirect_dma source(%dma_start3A_201 : memref<50048x32xf32, #tpu.memory_space<hbm>>) target(%dma_start3A_195 : memref<128x32xf32, #tpu.memory_space<vmem>>) offsets(%dma_start3A_198 : memref<128xi32, #tpu.memory_space<vmem>>) semaphore(%dma_start3A_203 : memref<!tpu.dma_semaphore, #tpu.memory_space<semaphore_mem>>)
          } else {
          }
        } else {
        }
      }
      %scan3A_56 = arith.constant 5 : i32
    }
    %scan3A_5 = arith.constant 20 : i32
    %barrier3A_6 = arith.constant 0 : index
    tpu.barrier barrier_id(%barrier3A_6)
    %mul3A_7 = arith.constant 3128 : i32
    %mul3A_8 = arith.muli %arg1, %mul3A_7 : i32
    "tpu.region"() ({
      %run_scoped3A = tpu.sem_alloc : memref<!tpu.dma_semaphore, #tpu.memory_space<semaphore_mem>>
      %dma_start3A = arith.constant 0 : i32
      %dma_start3A_9 = tpu.memref_slice %arg7[%arg0, %mul3A_8, %dma_start3A] : memref<2x50048x32xf32, #tpu.memory_space<hbm>> -> memref<1x3128x32xf32, #tpu.memory_space<hbm>>
      %dma_start3A_10 = tpu.memref_squeeze %dma_start3A_9 : memref<1x3128x32xf32, #tpu.memory_space<hbm>> -> memref<3128x32xf32, #tpu.memory_space<hbm>>
      %dma_start3A_11 = arith.constant 0 : i32
      %dma_start3A_12 = tpu.memref_slice %arg8[%mul3A_8, %dma_start3A_11] : memref<50048x32xf32, #tpu.memory_space<vmem_shared>> -> memref<3128x32xf32, #tpu.memory_space<vmem_shared>>
      tpu.enqueue_dma source(%dma_start3A_12 : memref<3128x32xf32, #tpu.memory_space<vmem_shared>>) target(%dma_start3A_10 : memref<3128x32xf32, #tpu.memory_space<hbm>>) target_semaphore(%run_scoped3A : memref<!tpu.dma_semaphore, #tpu.memory_space<semaphore_mem>>)
      %dma_wait3A = arith.constant 0 : i32
      %dma_wait3A_13 = tpu.memref_slice %arg7[%arg0, %mul3A_8, %dma_wait3A] : memref<2x50048x32xf32, #tpu.memory_space<hbm>> -> memref<1x3128x32xf32, #tpu.memory_space<hbm>>
      %dma_wait3A_14 = tpu.memref_squeeze %dma_wait3A_13 : memref<1x3128x32xf32, #tpu.memory_space<hbm>> -> memref<3128x32xf32, #tpu.memory_space<hbm>>
      %dma_wait3A_15 = arith.constant 0 : i32
      %dma_wait3A_16 = tpu.memref_slice %arg8[%mul3A_8, %dma_wait3A_15] : memref<50048x32xf32, #tpu.memory_space<vmem_shared>> -> memref<3128x32xf32, #tpu.memory_space<vmem_shared>>
      tpu.wait_dma2 semaphore(%run_scoped3A : memref<!tpu.dma_semaphore, #tpu.memory_space<semaphore_mem>>) src(%dma_wait3A_16 : memref<3128x32xf32, #tpu.memory_space<vmem_shared>>) dst(%dma_wait3A_14 : memref<3128x32xf32, #tpu.memory_space<hbm>>)
      tpu.yield
    }) : () -> ()
    return
  }
}

#map = affine_map<(d0, d1) -> (0, 0)>
#map1 = affine_map<(d0, d1) -> (0, 0, 0)>
module attributes {stable_mosaic.version = 14 : i64} {
  func.func @kern(%arg0: i32, %arg1: i32, %arg2: memref<6400x128xi32, #tpu.memory_space<hbm>>, %arg3: memref<6400x128xi32, #tpu.memory_space<hbm>>, %arg4: memref<50048x16xf32, #tpu.memory_space<hbm>>, %arg5: memref<50048x16xf32, #tpu.memory_space<hbm>>, %arg6: memref<2x50048x16xf32, #tpu.memory_space<hbm>>, %arg7: memref<50048x16xf32, #tpu.memory_space<vmem_shared>>, %arg8: memref<200x128xi32, #tpu.memory_space<vmem>>, %arg9: memref<200x128xi32, #tpu.memory_space<vmem>>, %arg10: memref<10x128x16xf32, #tpu.memory_space<vmem>>, %arg11: memref<10x!tpu.dma_semaphore, #tpu.memory_space<semaphore_mem>>) attributes {dimension_semantics = [#tpu.dimension_semantics<core_parallel>, #tpu.dimension_semantics<subcore_parallel>], iteration_bounds = array<i64: 2, 16>, scalar_prefetch = 0 : i64, scratch_operands = 5 : i64, tpu.core_type = #tpu.core_type<sc_vector_subcore>, window_params = [{transform_indices = #map}, {transform_indices = #map}, {transform_indices = #map}, {transform_indices = #map}, {transform_indices = #map1}]} {
    %mul3A = arith.constant 16 : i32
    %mul3A_0 = arith.muli %arg0, %mul3A : i32
    %add3A = arith.addi %mul3A_0, %arg1 : i32
    %mul3A_1 = arith.constant 200 : i32
    %mul3A_2 = arith.muli %add3A, %mul3A_1 : i32
    %mul3A_3 = arith.constant 3128 : i32
    %mul3A_4 = arith.muli %arg1, %mul3A_3 : i32
    "tpu.region"() ({
      %run_scoped3A = tpu.sem_alloc : memref<!tpu.dma_semaphore, #tpu.memory_space<semaphore_mem>>
      %dma_start3A_162 = arith.constant 0 : i32
      %dma_start3A_163 = tpu.memref_slice %arg7[%mul3A_4, %dma_start3A_162] : memref<50048x16xf32, #tpu.memory_space<vmem_shared>> -> memref<3128x16xf32, #tpu.memory_space<vmem_shared>>
      %dma_start3A_164 = arith.constant 0 : i32
      %dma_start3A_165 = tpu.memref_slice %arg5[%mul3A_4, %dma_start3A_164] : memref<50048x16xf32, #tpu.memory_space<hbm>> -> memref<3128x16xf32, #tpu.memory_space<hbm>>
      tpu.enqueue_dma source(%dma_start3A_165 : memref<3128x16xf32, #tpu.memory_space<hbm>>) target(%dma_start3A_163 : memref<3128x16xf32, #tpu.memory_space<vmem_shared>>) target_semaphore(%run_scoped3A : memref<!tpu.dma_semaphore, #tpu.memory_space<semaphore_mem>>)
      %dma_wait3A = arith.constant 0 : i32
      %dma_wait3A_166 = tpu.memref_slice %arg7[%mul3A_4, %dma_wait3A] : memref<50048x16xf32, #tpu.memory_space<vmem_shared>> -> memref<3128x16xf32, #tpu.memory_space<vmem_shared>>
      %dma_wait3A_167 = arith.constant 0 : i32
      %dma_wait3A_168 = tpu.memref_slice %arg5[%mul3A_4, %dma_wait3A_167] : memref<50048x16xf32, #tpu.memory_space<hbm>> -> memref<3128x16xf32, #tpu.memory_space<hbm>>
      tpu.wait_dma2 semaphore(%run_scoped3A : memref<!tpu.dma_semaphore, #tpu.memory_space<semaphore_mem>>) src(%dma_wait3A_168 : memref<3128x16xf32, #tpu.memory_space<hbm>>) dst(%dma_wait3A_166 : memref<3128x16xf32, #tpu.memory_space<vmem_shared>>)
      tpu.yield
    }) : () -> ()
    "tpu.region"() ({
      %run_scoped3A = tpu.sem_alloc : memref<!tpu.dma_semaphore, #tpu.memory_space<semaphore_mem>>
      %dma_start3A_162 = arith.constant 0 : i32
      %dma_start3A_163 = tpu.memref_slice %arg2[%mul3A_2, %dma_start3A_162] : memref<6400x128xi32, #tpu.memory_space<hbm>> -> memref<200x128xi32, #tpu.memory_space<hbm>>
      %dma_start3A_164 = arith.constant 0 : i32
      %dma_start3A_165 = tpu.memref_slice %arg2[%mul3A_2, %dma_start3A_164] : memref<6400x128xi32, #tpu.memory_space<hbm>> -> memref<200x128xi32, #tpu.memory_space<hbm>>
      tpu.enqueue_dma source(%dma_start3A_165 : memref<200x128xi32, #tpu.memory_space<hbm>>) target(%arg8 : memref<200x128xi32, #tpu.memory_space<vmem>>) target_semaphore(%run_scoped3A : memref<!tpu.dma_semaphore, #tpu.memory_space<semaphore_mem>>)
      %dma_wait3A = arith.constant 0 : i32
      %dma_wait3A_166 = tpu.memref_slice %arg2[%mul3A_2, %dma_wait3A] : memref<6400x128xi32, #tpu.memory_space<hbm>> -> memref<200x128xi32, #tpu.memory_space<hbm>>
      %dma_wait3A_167 = arith.constant 0 : i32
      %dma_wait3A_168 = tpu.memref_slice %arg2[%mul3A_2, %dma_wait3A_167] : memref<6400x128xi32, #tpu.memory_space<hbm>> -> memref<200x128xi32, #tpu.memory_space<hbm>>
      tpu.wait_dma2 semaphore(%run_scoped3A : memref<!tpu.dma_semaphore, #tpu.memory_space<semaphore_mem>>) src(%dma_wait3A_168 : memref<200x128xi32, #tpu.memory_space<hbm>>) dst(%arg8 : memref<200x128xi32, #tpu.memory_space<vmem>>)
      tpu.yield
    }) : () -> ()
    "tpu.region"() ({
      %run_scoped3A = tpu.sem_alloc : memref<!tpu.dma_semaphore, #tpu.memory_space<semaphore_mem>>
      %dma_start3A_162 = arith.constant 0 : i32
      %dma_start3A_163 = tpu.memref_slice %arg3[%mul3A_2, %dma_start3A_162] : memref<6400x128xi32, #tpu.memory_space<hbm>> -> memref<200x128xi32, #tpu.memory_space<hbm>>
      %dma_start3A_164 = arith.constant 0 : i32
      %dma_start3A_165 = tpu.memref_slice %arg3[%mul3A_2, %dma_start3A_164] : memref<6400x128xi32, #tpu.memory_space<hbm>> -> memref<200x128xi32, #tpu.memory_space<hbm>>
      tpu.enqueue_dma source(%dma_start3A_165 : memref<200x128xi32, #tpu.memory_space<hbm>>) target(%arg9 : memref<200x128xi32, #tpu.memory_space<vmem>>) target_semaphore(%run_scoped3A : memref<!tpu.dma_semaphore, #tpu.memory_space<semaphore_mem>>)
      %dma_wait3A = arith.constant 0 : i32
      %dma_wait3A_166 = tpu.memref_slice %arg3[%mul3A_2, %dma_wait3A] : memref<6400x128xi32, #tpu.memory_space<hbm>> -> memref<200x128xi32, #tpu.memory_space<hbm>>
      %dma_wait3A_167 = arith.constant 0 : i32
      %dma_wait3A_168 = tpu.memref_slice %arg3[%mul3A_2, %dma_wait3A_167] : memref<6400x128xi32, #tpu.memory_space<hbm>> -> memref<200x128xi32, #tpu.memory_space<hbm>>
      tpu.wait_dma2 semaphore(%run_scoped3A : memref<!tpu.dma_semaphore, #tpu.memory_space<semaphore_mem>>) src(%dma_wait3A_168 : memref<200x128xi32, #tpu.memory_space<hbm>>) dst(%arg9 : memref<200x128xi32, #tpu.memory_space<vmem>>)
      tpu.yield
    }) : () -> ()
    %barrier3A = arith.constant 0 : index
    tpu.barrier barrier_id(%barrier3A)
    %dma_start3A = arith.constant 0 : i32
    %dma_start3A_5 = arith.constant 0 : i32
    %dma_start3A_6 = arith.constant 0 : i32
    %dma_start3A_7 = arith.constant 0 : i32
    %dma_start3A_8 = arith.constant 0 : i32
    %dma_start3A_9 = tpu.memref_slice %arg10[%dma_start3A_5, %dma_start3A_7, %dma_start3A_8] : memref<10x128x16xf32, #tpu.memory_space<vmem>> -> memref<1x128x16xf32, #tpu.memory_space<vmem>>
    %dma_start3A_10 = tpu.memref_squeeze %dma_start3A_9 : memref<1x128x16xf32, #tpu.memory_space<vmem>> -> memref<128x16xf32, #tpu.memory_space<vmem>>
    %dma_start3A_11 = arith.constant 0 : i32
    %dma_start3A_12 = tpu.memref_slice %arg8[%dma_start3A, %dma_start3A_11] : memref<200x128xi32, #tpu.memory_space<vmem>> -> memref<1x128xi32, #tpu.memory_space<vmem>>
    %dma_start3A_13 = tpu.memref_squeeze %dma_start3A_12 : memref<1x128xi32, #tpu.memory_space<vmem>> -> memref<128xi32, #tpu.memory_space<vmem>>
    %dma_start3A_14 = arith.constant 0 : i32
    %dma_start3A_15 = arith.constant 0 : i32
    %dma_start3A_16 = tpu.memref_slice %arg4[%dma_start3A_14, %dma_start3A_15] : memref<50048x16xf32, #tpu.memory_space<hbm>> -> memref<50048x16xf32, #tpu.memory_space<hbm>>
    %dma_start3A_17 = tpu.memref_slice %arg11[%dma_start3A_6] : memref<10x!tpu.dma_semaphore, #tpu.memory_space<semaphore_mem>> -> memref<1x!tpu.dma_semaphore, #tpu.memory_space<semaphore_mem>>
    %dma_start3A_18 = tpu.memref_squeeze %dma_start3A_17 : memref<1x!tpu.dma_semaphore, #tpu.memory_space<semaphore_mem>> -> memref<!tpu.dma_semaphore, #tpu.memory_space<semaphore_mem>>
    tpu.enqueue_indirect_dma source(%dma_start3A_16 : memref<50048x16xf32, #tpu.memory_space<hbm>>) target(%dma_start3A_10 : memref<128x16xf32, #tpu.memory_space<vmem>>) offsets(%dma_start3A_13 : memref<128xi32, #tpu.memory_space<vmem>>) semaphore(%dma_start3A_18 : memref<!tpu.dma_semaphore, #tpu.memory_space<semaphore_mem>>)
    %dma_start3A_19 = arith.constant 1 : i32
    %dma_start3A_20 = arith.constant 1 : i32
    %dma_start3A_21 = arith.constant 1 : i32
    %dma_start3A_22 = arith.constant 0 : i32
    %dma_start3A_23 = arith.constant 0 : i32
    %dma_start3A_24 = tpu.memref_slice %arg10[%dma_start3A_20, %dma_start3A_22, %dma_start3A_23] : memref<10x128x16xf32, #tpu.memory_space<vmem>> -> memref<1x128x16xf32, #tpu.memory_space<vmem>>
    %dma_start3A_25 = tpu.memref_squeeze %dma_start3A_24 : memref<1x128x16xf32, #tpu.memory_space<vmem>> -> memref<128x16xf32, #tpu.memory_space<vmem>>
    %dma_start3A_26 = arith.constant 0 : i32
    %dma_start3A_27 = tpu.memref_slice %arg8[%dma_start3A_19, %dma_start3A_26] : memref<200x128xi32, #tpu.memory_space<vmem>> -> memref<1x128xi32, #tpu.memory_space<vmem>>
    %dma_start3A_28 = tpu.memref_squeeze %dma_start3A_27 : memref<1x128xi32, #tpu.memory_space<vmem>> -> memref<128xi32, #tpu.memory_space<vmem>>
    %dma_start3A_29 = arith.constant 0 : i32
    %dma_start3A_30 = arith.constant 0 : i32
    %dma_start3A_31 = tpu.memref_slice %arg4[%dma_start3A_29, %dma_start3A_30] : memref<50048x16xf32, #tpu.memory_space<hbm>> -> memref<50048x16xf32, #tpu.memory_space<hbm>>
    %dma_start3A_32 = tpu.memref_slice %arg11[%dma_start3A_21] : memref<10x!tpu.dma_semaphore, #tpu.memory_space<semaphore_mem>> -> memref<1x!tpu.dma_semaphore, #tpu.memory_space<semaphore_mem>>
    %dma_start3A_33 = tpu.memref_squeeze %dma_start3A_32 : memref<1x!tpu.dma_semaphore, #tpu.memory_space<semaphore_mem>> -> memref<!tpu.dma_semaphore, #tpu.memory_space<semaphore_mem>>
    tpu.enqueue_indirect_dma source(%dma_start3A_31 : memref<50048x16xf32, #tpu.memory_space<hbm>>) target(%dma_start3A_25 : memref<128x16xf32, #tpu.memory_space<vmem>>) offsets(%dma_start3A_28 : memref<128xi32, #tpu.memory_space<vmem>>) semaphore(%dma_start3A_33 : memref<!tpu.dma_semaphore, #tpu.memory_space<semaphore_mem>>)
    %dma_start3A_34 = arith.constant 2 : i32
    %dma_start3A_35 = arith.constant 2 : i32
    %dma_start3A_36 = arith.constant 2 : i32
    %dma_start3A_37 = arith.constant 0 : i32
    %dma_start3A_38 = arith.constant 0 : i32
    %dma_start3A_39 = tpu.memref_slice %arg10[%dma_start3A_35, %dma_start3A_37, %dma_start3A_38] : memref<10x128x16xf32, #tpu.memory_space<vmem>> -> memref<1x128x16xf32, #tpu.memory_space<vmem>>
    %dma_start3A_40 = tpu.memref_squeeze %dma_start3A_39 : memref<1x128x16xf32, #tpu.memory_space<vmem>> -> memref<128x16xf32, #tpu.memory_space<vmem>>
    %dma_start3A_41 = arith.constant 0 : i32
    %dma_start3A_42 = tpu.memref_slice %arg8[%dma_start3A_34, %dma_start3A_41] : memref<200x128xi32, #tpu.memory_space<vmem>> -> memref<1x128xi32, #tpu.memory_space<vmem>>
    %dma_start3A_43 = tpu.memref_squeeze %dma_start3A_42 : memref<1x128xi32, #tpu.memory_space<vmem>> -> memref<128xi32, #tpu.memory_space<vmem>>
    %dma_start3A_44 = arith.constant 0 : i32
    %dma_start3A_45 = arith.constant 0 : i32
    %dma_start3A_46 = tpu.memref_slice %arg4[%dma_start3A_44, %dma_start3A_45] : memref<50048x16xf32, #tpu.memory_space<hbm>> -> memref<50048x16xf32, #tpu.memory_space<hbm>>
    %dma_start3A_47 = tpu.memref_slice %arg11[%dma_start3A_36] : memref<10x!tpu.dma_semaphore, #tpu.memory_space<semaphore_mem>> -> memref<1x!tpu.dma_semaphore, #tpu.memory_space<semaphore_mem>>
    %dma_start3A_48 = tpu.memref_squeeze %dma_start3A_47 : memref<1x!tpu.dma_semaphore, #tpu.memory_space<semaphore_mem>> -> memref<!tpu.dma_semaphore, #tpu.memory_space<semaphore_mem>>
    tpu.enqueue_indirect_dma source(%dma_start3A_46 : memref<50048x16xf32, #tpu.memory_space<hbm>>) target(%dma_start3A_40 : memref<128x16xf32, #tpu.memory_space<vmem>>) offsets(%dma_start3A_43 : memref<128xi32, #tpu.memory_space<vmem>>) semaphore(%dma_start3A_48 : memref<!tpu.dma_semaphore, #tpu.memory_space<semaphore_mem>>)
    %dma_start3A_49 = arith.constant 3 : i32
    %dma_start3A_50 = arith.constant 3 : i32
    %dma_start3A_51 = arith.constant 3 : i32
    %dma_start3A_52 = arith.constant 0 : i32
    %dma_start3A_53 = arith.constant 0 : i32
    %dma_start3A_54 = tpu.memref_slice %arg10[%dma_start3A_50, %dma_start3A_52, %dma_start3A_53] : memref<10x128x16xf32, #tpu.memory_space<vmem>> -> memref<1x128x16xf32, #tpu.memory_space<vmem>>
    %dma_start3A_55 = tpu.memref_squeeze %dma_start3A_54 : memref<1x128x16xf32, #tpu.memory_space<vmem>> -> memref<128x16xf32, #tpu.memory_space<vmem>>
    %dma_start3A_56 = arith.constant 0 : i32
    %dma_start3A_57 = tpu.memref_slice %arg8[%dma_start3A_49, %dma_start3A_56] : memref<200x128xi32, #tpu.memory_space<vmem>> -> memref<1x128xi32, #tpu.memory_space<vmem>>
    %dma_start3A_58 = tpu.memref_squeeze %dma_start3A_57 : memref<1x128xi32, #tpu.memory_space<vmem>> -> memref<128xi32, #tpu.memory_space<vmem>>
    %dma_start3A_59 = arith.constant 0 : i32
    %dma_start3A_60 = arith.constant 0 : i32
    %dma_start3A_61 = tpu.memref_slice %arg4[%dma_start3A_59, %dma_start3A_60] : memref<50048x16xf32, #tpu.memory_space<hbm>> -> memref<50048x16xf32, #tpu.memory_space<hbm>>
    %dma_start3A_62 = tpu.memref_slice %arg11[%dma_start3A_51] : memref<10x!tpu.dma_semaphore, #tpu.memory_space<semaphore_mem>> -> memref<1x!tpu.dma_semaphore, #tpu.memory_space<semaphore_mem>>
    %dma_start3A_63 = tpu.memref_squeeze %dma_start3A_62 : memref<1x!tpu.dma_semaphore, #tpu.memory_space<semaphore_mem>> -> memref<!tpu.dma_semaphore, #tpu.memory_space<semaphore_mem>>
    tpu.enqueue_indirect_dma source(%dma_start3A_61 : memref<50048x16xf32, #tpu.memory_space<hbm>>) target(%dma_start3A_55 : memref<128x16xf32, #tpu.memory_space<vmem>>) offsets(%dma_start3A_58 : memref<128xi32, #tpu.memory_space<vmem>>) semaphore(%dma_start3A_63 : memref<!tpu.dma_semaphore, #tpu.memory_space<semaphore_mem>>)
    %dma_start3A_64 = arith.constant 4 : i32
    %dma_start3A_65 = arith.constant 4 : i32
    %dma_start3A_66 = arith.constant 4 : i32
    %dma_start3A_67 = arith.constant 0 : i32
    %dma_start3A_68 = arith.constant 0 : i32
    %dma_start3A_69 = tpu.memref_slice %arg10[%dma_start3A_65, %dma_start3A_67, %dma_start3A_68] : memref<10x128x16xf32, #tpu.memory_space<vmem>> -> memref<1x128x16xf32, #tpu.memory_space<vmem>>
    %dma_start3A_70 = tpu.memref_squeeze %dma_start3A_69 : memref<1x128x16xf32, #tpu.memory_space<vmem>> -> memref<128x16xf32, #tpu.memory_space<vmem>>
    %dma_start3A_71 = arith.constant 0 : i32
    %dma_start3A_72 = tpu.memref_slice %arg8[%dma_start3A_64, %dma_start3A_71] : memref<200x128xi32, #tpu.memory_space<vmem>> -> memref<1x128xi32, #tpu.memory_space<vmem>>
    %dma_start3A_73 = tpu.memref_squeeze %dma_start3A_72 : memref<1x128xi32, #tpu.memory_space<vmem>> -> memref<128xi32, #tpu.memory_space<vmem>>
    %dma_start3A_74 = arith.constant 0 : i32
    %dma_start3A_75 = arith.constant 0 : i32
    %dma_start3A_76 = tpu.memref_slice %arg4[%dma_start3A_74, %dma_start3A_75] : memref<50048x16xf32, #tpu.memory_space<hbm>> -> memref<50048x16xf32, #tpu.memory_space<hbm>>
    %dma_start3A_77 = tpu.memref_slice %arg11[%dma_start3A_66] : memref<10x!tpu.dma_semaphore, #tpu.memory_space<semaphore_mem>> -> memref<1x!tpu.dma_semaphore, #tpu.memory_space<semaphore_mem>>
    %dma_start3A_78 = tpu.memref_squeeze %dma_start3A_77 : memref<1x!tpu.dma_semaphore, #tpu.memory_space<semaphore_mem>> -> memref<!tpu.dma_semaphore, #tpu.memory_space<semaphore_mem>>
    tpu.enqueue_indirect_dma source(%dma_start3A_76 : memref<50048x16xf32, #tpu.memory_space<hbm>>) target(%dma_start3A_70 : memref<128x16xf32, #tpu.memory_space<vmem>>) offsets(%dma_start3A_73 : memref<128xi32, #tpu.memory_space<vmem>>) semaphore(%dma_start3A_78 : memref<!tpu.dma_semaphore, #tpu.memory_space<semaphore_mem>>)
    %dma_start3A_79 = arith.constant 5 : i32
    %dma_start3A_80 = arith.constant 5 : i32
    %dma_start3A_81 = arith.constant 5 : i32
    %dma_start3A_82 = arith.constant 0 : i32
    %dma_start3A_83 = arith.constant 0 : i32
    %dma_start3A_84 = tpu.memref_slice %arg10[%dma_start3A_80, %dma_start3A_82, %dma_start3A_83] : memref<10x128x16xf32, #tpu.memory_space<vmem>> -> memref<1x128x16xf32, #tpu.memory_space<vmem>>
    %dma_start3A_85 = tpu.memref_squeeze %dma_start3A_84 : memref<1x128x16xf32, #tpu.memory_space<vmem>> -> memref<128x16xf32, #tpu.memory_space<vmem>>
    %dma_start3A_86 = arith.constant 0 : i32
    %dma_start3A_87 = tpu.memref_slice %arg8[%dma_start3A_79, %dma_start3A_86] : memref<200x128xi32, #tpu.memory_space<vmem>> -> memref<1x128xi32, #tpu.memory_space<vmem>>
    %dma_start3A_88 = tpu.memref_squeeze %dma_start3A_87 : memref<1x128xi32, #tpu.memory_space<vmem>> -> memref<128xi32, #tpu.memory_space<vmem>>
    %dma_start3A_89 = arith.constant 0 : i32
    %dma_start3A_90 = arith.constant 0 : i32
    %dma_start3A_91 = tpu.memref_slice %arg4[%dma_start3A_89, %dma_start3A_90] : memref<50048x16xf32, #tpu.memory_space<hbm>> -> memref<50048x16xf32, #tpu.memory_space<hbm>>
    %dma_start3A_92 = tpu.memref_slice %arg11[%dma_start3A_81] : memref<10x!tpu.dma_semaphore, #tpu.memory_space<semaphore_mem>> -> memref<1x!tpu.dma_semaphore, #tpu.memory_space<semaphore_mem>>
    %dma_start3A_93 = tpu.memref_squeeze %dma_start3A_92 : memref<1x!tpu.dma_semaphore, #tpu.memory_space<semaphore_mem>> -> memref<!tpu.dma_semaphore, #tpu.memory_space<semaphore_mem>>
    tpu.enqueue_indirect_dma source(%dma_start3A_91 : memref<50048x16xf32, #tpu.memory_space<hbm>>) target(%dma_start3A_85 : memref<128x16xf32, #tpu.memory_space<vmem>>) offsets(%dma_start3A_88 : memref<128xi32, #tpu.memory_space<vmem>>) semaphore(%dma_start3A_93 : memref<!tpu.dma_semaphore, #tpu.memory_space<semaphore_mem>>)
    %dma_start3A_94 = arith.constant 6 : i32
    %dma_start3A_95 = arith.constant 6 : i32
    %dma_start3A_96 = arith.constant 6 : i32
    %dma_start3A_97 = arith.constant 0 : i32
    %dma_start3A_98 = arith.constant 0 : i32
    %dma_start3A_99 = tpu.memref_slice %arg10[%dma_start3A_95, %dma_start3A_97, %dma_start3A_98] : memref<10x128x16xf32, #tpu.memory_space<vmem>> -> memref<1x128x16xf32, #tpu.memory_space<vmem>>
    %dma_start3A_100 = tpu.memref_squeeze %dma_start3A_99 : memref<1x128x16xf32, #tpu.memory_space<vmem>> -> memref<128x16xf32, #tpu.memory_space<vmem>>
    %dma_start3A_101 = arith.constant 0 : i32
    %dma_start3A_102 = tpu.memref_slice %arg8[%dma_start3A_94, %dma_start3A_101] : memref<200x128xi32, #tpu.memory_space<vmem>> -> memref<1x128xi32, #tpu.memory_space<vmem>>
    %dma_start3A_103 = tpu.memref_squeeze %dma_start3A_102 : memref<1x128xi32, #tpu.memory_space<vmem>> -> memref<128xi32, #tpu.memory_space<vmem>>
    %dma_start3A_104 = arith.constant 0 : i32
    %dma_start3A_105 = arith.constant 0 : i32
    %dma_start3A_106 = tpu.memref_slice %arg4[%dma_start3A_104, %dma_start3A_105] : memref<50048x16xf32, #tpu.memory_space<hbm>> -> memref<50048x16xf32, #tpu.memory_space<hbm>>
    %dma_start3A_107 = tpu.memref_slice %arg11[%dma_start3A_96] : memref<10x!tpu.dma_semaphore, #tpu.memory_space<semaphore_mem>> -> memref<1x!tpu.dma_semaphore, #tpu.memory_space<semaphore_mem>>
    %dma_start3A_108 = tpu.memref_squeeze %dma_start3A_107 : memref<1x!tpu.dma_semaphore, #tpu.memory_space<semaphore_mem>> -> memref<!tpu.dma_semaphore, #tpu.memory_space<semaphore_mem>>
    tpu.enqueue_indirect_dma source(%dma_start3A_106 : memref<50048x16xf32, #tpu.memory_space<hbm>>) target(%dma_start3A_100 : memref<128x16xf32, #tpu.memory_space<vmem>>) offsets(%dma_start3A_103 : memref<128xi32, #tpu.memory_space<vmem>>) semaphore(%dma_start3A_108 : memref<!tpu.dma_semaphore, #tpu.memory_space<semaphore_mem>>)
    %dma_start3A_109 = arith.constant 7 : i32
    %dma_start3A_110 = arith.constant 7 : i32
    %dma_start3A_111 = arith.constant 7 : i32
    %dma_start3A_112 = arith.constant 0 : i32
    %dma_start3A_113 = arith.constant 0 : i32
    %dma_start3A_114 = tpu.memref_slice %arg10[%dma_start3A_110, %dma_start3A_112, %dma_start3A_113] : memref<10x128x16xf32, #tpu.memory_space<vmem>> -> memref<1x128x16xf32, #tpu.memory_space<vmem>>
    %dma_start3A_115 = tpu.memref_squeeze %dma_start3A_114 : memref<1x128x16xf32, #tpu.memory_space<vmem>> -> memref<128x16xf32, #tpu.memory_space<vmem>>
    %dma_start3A_116 = arith.constant 0 : i32
    %dma_start3A_117 = tpu.memref_slice %arg8[%dma_start3A_109, %dma_start3A_116] : memref<200x128xi32, #tpu.memory_space<vmem>> -> memref<1x128xi32, #tpu.memory_space<vmem>>
    %dma_start3A_118 = tpu.memref_squeeze %dma_start3A_117 : memref<1x128xi32, #tpu.memory_space<vmem>> -> memref<128xi32, #tpu.memory_space<vmem>>
    %dma_start3A_119 = arith.constant 0 : i32
    %dma_start3A_120 = arith.constant 0 : i32
    %dma_start3A_121 = tpu.memref_slice %arg4[%dma_start3A_119, %dma_start3A_120] : memref<50048x16xf32, #tpu.memory_space<hbm>> -> memref<50048x16xf32, #tpu.memory_space<hbm>>
    %dma_start3A_122 = tpu.memref_slice %arg11[%dma_start3A_111] : memref<10x!tpu.dma_semaphore, #tpu.memory_space<semaphore_mem>> -> memref<1x!tpu.dma_semaphore, #tpu.memory_space<semaphore_mem>>
    %dma_start3A_123 = tpu.memref_squeeze %dma_start3A_122 : memref<1x!tpu.dma_semaphore, #tpu.memory_space<semaphore_mem>> -> memref<!tpu.dma_semaphore, #tpu.memory_space<semaphore_mem>>
    tpu.enqueue_indirect_dma source(%dma_start3A_121 : memref<50048x16xf32, #tpu.memory_space<hbm>>) target(%dma_start3A_115 : memref<128x16xf32, #tpu.memory_space<vmem>>) offsets(%dma_start3A_118 : memref<128xi32, #tpu.memory_space<vmem>>) semaphore(%dma_start3A_123 : memref<!tpu.dma_semaphore, #tpu.memory_space<semaphore_mem>>)
    %dma_start3A_124 = arith.constant 8 : i32
    %dma_start3A_125 = arith.constant 8 : i32
    %dma_start3A_126 = arith.constant 8 : i32
    %dma_start3A_127 = arith.constant 0 : i32
    %dma_start3A_128 = arith.constant 0 : i32
    %dma_start3A_129 = tpu.memref_slice %arg10[%dma_start3A_125, %dma_start3A_127, %dma_start3A_128] : memref<10x128x16xf32, #tpu.memory_space<vmem>> -> memref<1x128x16xf32, #tpu.memory_space<vmem>>
    %dma_start3A_130 = tpu.memref_squeeze %dma_start3A_129 : memref<1x128x16xf32, #tpu.memory_space<vmem>> -> memref<128x16xf32, #tpu.memory_space<vmem>>
    %dma_start3A_131 = arith.constant 0 : i32
    %dma_start3A_132 = tpu.memref_slice %arg8[%dma_start3A_124, %dma_start3A_131] : memref<200x128xi32, #tpu.memory_space<vmem>> -> memref<1x128xi32, #tpu.memory_space<vmem>>
    %dma_start3A_133 = tpu.memref_squeeze %dma_start3A_132 : memref<1x128xi32, #tpu.memory_space<vmem>> -> memref<128xi32, #tpu.memory_space<vmem>>
    %dma_start3A_134 = arith.constant 0 : i32
    %dma_start3A_135 = arith.constant 0 : i32
    %dma_start3A_136 = tpu.memref_slice %arg4[%dma_start3A_134, %dma_start3A_135] : memref<50048x16xf32, #tpu.memory_space<hbm>> -> memref<50048x16xf32, #tpu.memory_space<hbm>>
    %dma_start3A_137 = tpu.memref_slice %arg11[%dma_start3A_126] : memref<10x!tpu.dma_semaphore, #tpu.memory_space<semaphore_mem>> -> memref<1x!tpu.dma_semaphore, #tpu.memory_space<semaphore_mem>>
    %dma_start3A_138 = tpu.memref_squeeze %dma_start3A_137 : memref<1x!tpu.dma_semaphore, #tpu.memory_space<semaphore_mem>> -> memref<!tpu.dma_semaphore, #tpu.memory_space<semaphore_mem>>
    tpu.enqueue_indirect_dma source(%dma_start3A_136 : memref<50048x16xf32, #tpu.memory_space<hbm>>) target(%dma_start3A_130 : memref<128x16xf32, #tpu.memory_space<vmem>>) offsets(%dma_start3A_133 : memref<128xi32, #tpu.memory_space<vmem>>) semaphore(%dma_start3A_138 : memref<!tpu.dma_semaphore, #tpu.memory_space<semaphore_mem>>)
    %dma_start3A_139 = arith.constant 9 : i32
    %dma_start3A_140 = arith.constant 9 : i32
    %dma_start3A_141 = arith.constant 9 : i32
    %dma_start3A_142 = arith.constant 0 : i32
    %dma_start3A_143 = arith.constant 0 : i32
    %dma_start3A_144 = tpu.memref_slice %arg10[%dma_start3A_140, %dma_start3A_142, %dma_start3A_143] : memref<10x128x16xf32, #tpu.memory_space<vmem>> -> memref<1x128x16xf32, #tpu.memory_space<vmem>>
    %dma_start3A_145 = tpu.memref_squeeze %dma_start3A_144 : memref<1x128x16xf32, #tpu.memory_space<vmem>> -> memref<128x16xf32, #tpu.memory_space<vmem>>
    %dma_start3A_146 = arith.constant 0 : i32
    %dma_start3A_147 = tpu.memref_slice %arg8[%dma_start3A_139, %dma_start3A_146] : memref<200x128xi32, #tpu.memory_space<vmem>> -> memref<1x128xi32, #tpu.memory_space<vmem>>
    %dma_start3A_148 = tpu.memref_squeeze %dma_start3A_147 : memref<1x128xi32, #tpu.memory_space<vmem>> -> memref<128xi32, #tpu.memory_space<vmem>>
    %dma_start3A_149 = arith.constant 0 : i32
    %dma_start3A_150 = arith.constant 0 : i32
    %dma_start3A_151 = tpu.memref_slice %arg4[%dma_start3A_149, %dma_start3A_150] : memref<50048x16xf32, #tpu.memory_space<hbm>> -> memref<50048x16xf32, #tpu.memory_space<hbm>>
    %dma_start3A_152 = tpu.memref_slice %arg11[%dma_start3A_141] : memref<10x!tpu.dma_semaphore, #tpu.memory_space<semaphore_mem>> -> memref<1x!tpu.dma_semaphore, #tpu.memory_space<semaphore_mem>>
    %dma_start3A_153 = tpu.memref_squeeze %dma_start3A_152 : memref<1x!tpu.dma_semaphore, #tpu.memory_space<semaphore_mem>> -> memref<!tpu.dma_semaphore, #tpu.memory_space<semaphore_mem>>
    tpu.enqueue_indirect_dma source(%dma_start3A_151 : memref<50048x16xf32, #tpu.memory_space<hbm>>) target(%dma_start3A_145 : memref<128x16xf32, #tpu.memory_space<vmem>>) offsets(%dma_start3A_148 : memref<128xi32, #tpu.memory_space<vmem>>) semaphore(%dma_start3A_153 : memref<!tpu.dma_semaphore, #tpu.memory_space<semaphore_mem>>)
    %scan3A = arith.constant 0 : i32
    %scan3A_154 = arith.constant 0 : i32
    %scan3A_155 = arith.constant 20 : i32
    %scan3A_156 = arith.addi %scan3A_154, %scan3A_155 : i32
    %scan3A_157 = arith.constant 1 : i32
    scf.for %scan3A_162 = %scan3A_154 to %scan3A_156 step %scan3A_157  : i32 {
      %mul3A_163 = arith.constant 10 : i32
      %mul3A_164 = arith.muli %scan3A_162, %mul3A_163 : i32
      %dma_wait3A = arith.constant 0 : i32
      %dma_wait3A_165 = arith.constant 0 : i32
      %dma_wait3A_166 = arith.constant 0 : i32
      %dma_wait3A_167 = arith.constant 0 : i32
      %dma_wait3A_168 = tpu.memref_slice %arg10[%dma_wait3A, %dma_wait3A_166, %dma_wait3A_167] : memref<10x128x16xf32, #tpu.memory_space<vmem>> -> memref<1x128x16xf32, #tpu.memory_space<vmem>>
      %dma_wait3A_169 = tpu.memref_squeeze %dma_wait3A_168 : memref<1x128x16xf32, #tpu.memory_space<vmem>> -> memref<128x16xf32, #tpu.memory_space<vmem>>
      %dma_wait3A_170 = arith.constant 0 : i32
      %dma_wait3A_171 = arith.constant 0 : i32
      %dma_wait3A_172 = tpu.memref_slice %arg5[%dma_wait3A_170, %dma_wait3A_171] : memref<50048x16xf32, #tpu.memory_space<hbm>> -> memref<128x16xf32, #tpu.memory_space<hbm>>
      %dma_wait3A_173 = tpu.memref_slice %arg11[%dma_wait3A_165] : memref<10x!tpu.dma_semaphore, #tpu.memory_space<semaphore_mem>> -> memref<1x!tpu.dma_semaphore, #tpu.memory_space<semaphore_mem>>
      %dma_wait3A_174 = tpu.memref_squeeze %dma_wait3A_173 : memref<1x!tpu.dma_semaphore, #tpu.memory_space<semaphore_mem>> -> memref<!tpu.dma_semaphore, #tpu.memory_space<semaphore_mem>>
      %dma_wait3A_175 = arith.constant 0 : i32
      %dma_wait3A_176 = arith.constant 0 : i32
      %dma_wait3A_177 = tpu.memref_slice %arg10[%dma_wait3A, %dma_wait3A_175, %dma_wait3A_176] : memref<10x128x16xf32, #tpu.memory_space<vmem>> -> memref<1x128x16xf32, #tpu.memory_space<vmem>>
      %dma_wait3A_178 = tpu.memref_squeeze %dma_wait3A_177 : memref<1x128x16xf32, #tpu.memory_space<vmem>> -> memref<128x16xf32, #tpu.memory_space<vmem>>
      %dma_wait3A_179 = arith.constant 0 : i32
      %dma_wait3A_180 = arith.constant 0 : i32
      %dma_wait3A_181 = tpu.memref_slice %arg5[%dma_wait3A_179, %dma_wait3A_180] : memref<50048x16xf32, #tpu.memory_space<hbm>> -> memref<128x16xf32, #tpu.memory_space<hbm>>
      tpu.wait_dma2 semaphore(%dma_wait3A_174 : memref<!tpu.dma_semaphore, #tpu.memory_space<semaphore_mem>>) src(%dma_wait3A_181 : memref<128x16xf32, #tpu.memory_space<hbm>>) dst(%dma_wait3A_178 : memref<128x16xf32, #tpu.memory_space<vmem>>)
      %add3A_182 = arith.constant 0 : i32
      %add3A_183 = arith.addi %mul3A_164, %add3A_182 : i32
      %run_scoped3A = arith.constant 0 : i32
      "tpu.region"() ({
        %run_scoped3A_460 = tpu.sem_alloc : memref<!tpu.dma_semaphore, #tpu.memory_space<semaphore_mem>>
        %dma_start3A_461 = arith.constant 0 : i32
        %dma_start3A_462 = arith.constant 0 : i32
        %dma_start3A_463 = tpu.memref_slice %arg10[%run_scoped3A, %dma_start3A_461, %dma_start3A_462] : memref<10x128x16xf32, #tpu.memory_space<vmem>> -> memref<1x128x16xf32, #tpu.memory_space<vmem>>
        %dma_start3A_464 = tpu.memref_squeeze %dma_start3A_463 : memref<1x128x16xf32, #tpu.memory_space<vmem>> -> memref<128x16xf32, #tpu.memory_space<vmem>>
        %dma_start3A_465 = arith.constant 0 : i32
        %dma_start3A_466 = tpu.memref_slice %arg9[%add3A_183, %dma_start3A_465] : memref<200x128xi32, #tpu.memory_space<vmem>> -> memref<1x128xi32, #tpu.memory_space<vmem>>
        %dma_start3A_467 = tpu.memref_squeeze %dma_start3A_466 : memref<1x128xi32, #tpu.memory_space<vmem>> -> memref<128xi32, #tpu.memory_space<vmem>>
        %dma_start3A_468 = arith.constant 0 : i32
        %dma_start3A_469 = arith.constant 0 : i32
        %dma_start3A_470 = tpu.memref_slice %arg7[%dma_start3A_468, %dma_start3A_469] : memref<50048x16xf32, #tpu.memory_space<vmem_shared>> -> memref<50048x16xf32, #tpu.memory_space<vmem_shared>>
        tpu.enqueue_indirect_dma source(%dma_start3A_464 : memref<128x16xf32, #tpu.memory_space<vmem>>) target(%dma_start3A_470 : memref<50048x16xf32, #tpu.memory_space<vmem_shared>>) offsets(%dma_start3A_467 : memref<128xi32, #tpu.memory_space<vmem>>) semaphore(%run_scoped3A_460 : memref<!tpu.dma_semaphore, #tpu.memory_space<semaphore_mem>>) {add = true}
        %dma_wait3A_471 = arith.constant 0 : i32
        %dma_wait3A_472 = arith.constant 0 : i32
        %dma_wait3A_473 = tpu.memref_slice %arg10[%run_scoped3A, %dma_wait3A_471, %dma_wait3A_472] : memref<10x128x16xf32, #tpu.memory_space<vmem>> -> memref<1x128x16xf32, #tpu.memory_space<vmem>>
        %dma_wait3A_474 = tpu.memref_squeeze %dma_wait3A_473 : memref<1x128x16xf32, #tpu.memory_space<vmem>> -> memref<128x16xf32, #tpu.memory_space<vmem>>
        %dma_wait3A_475 = arith.constant 0 : i32
        %dma_wait3A_476 = tpu.memref_slice %arg9[%add3A_183, %dma_wait3A_475] : memref<200x128xi32, #tpu.memory_space<vmem>> -> memref<1x128xi32, #tpu.memory_space<vmem>>
        %dma_wait3A_477 = tpu.memref_squeeze %dma_wait3A_476 : memref<1x128xi32, #tpu.memory_space<vmem>> -> memref<128xi32, #tpu.memory_space<vmem>>
        %dma_wait3A_478 = arith.constant 0 : i32
        %dma_wait3A_479 = arith.constant 0 : i32
        %dma_wait3A_480 = tpu.memref_slice %arg7[%dma_wait3A_478, %dma_wait3A_479] : memref<50048x16xf32, #tpu.memory_space<vmem_shared>> -> memref<50048x16xf32, #tpu.memory_space<vmem_shared>>
        tpu.wait_indirect_dma semaphore(%run_scoped3A_460 : memref<!tpu.dma_semaphore, #tpu.memory_space<semaphore_mem>>) src(%dma_wait3A_474 : memref<128x16xf32, #tpu.memory_space<vmem>>) dst(%dma_wait3A_480 : memref<50048x16xf32, #tpu.memory_space<vmem_shared>>)
        tpu.yield
      }) : () -> ()
      %add3A_184 = arith.constant 10 : i32
      %add3A_185 = arith.addi %mul3A_164, %add3A_184 : i32
      %add3A_186 = arith.constant 0 : i32
      %add3A_187 = arith.addi %add3A_185, %add3A_186 : i32
      %lt3A = arith.constant 200 : i32
      %lt3A_188 = arith.cmpi slt, %add3A_187, %lt3A : i32
      %convert_element_type3A = arith.extui %lt3A_188 : i1 to i32
      %cond3A = arith.constant 0 : i32
      %cond3A_189 = arith.cmpi ne, %convert_element_type3A, %cond3A : i32
      scf.if %cond3A_189 {
        %add3A_460 = arith.constant 10 : i32
        %add3A_461 = arith.addi %mul3A_164, %add3A_460 : i32
        %add3A_462 = arith.constant 0 : i32
        %add3A_463 = arith.addi %add3A_461, %add3A_462 : i32
        %dma_start3A_464 = arith.constant 0 : i32
        %dma_start3A_465 = arith.constant 0 : i32
        %dma_start3A_466 = arith.constant 0 : i32
        %dma_start3A_467 = arith.constant 0 : i32
        %dma_start3A_468 = tpu.memref_slice %arg10[%dma_start3A_464, %dma_start3A_466, %dma_start3A_467] : memref<10x128x16xf32, #tpu.memory_space<vmem>> -> memref<1x128x16xf32, #tpu.memory_space<vmem>>
        %dma_start3A_469 = tpu.memref_squeeze %dma_start3A_468 : memref<1x128x16xf32, #tpu.memory_space<vmem>> -> memref<128x16xf32, #tpu.memory_space<vmem>>
        %dma_start3A_470 = arith.constant 0 : i32
        %dma_start3A_471 = tpu.memref_slice %arg8[%add3A_463, %dma_start3A_470] : memref<200x128xi32, #tpu.memory_space<vmem>> -> memref<1x128xi32, #tpu.memory_space<vmem>>
        %dma_start3A_472 = tpu.memref_squeeze %dma_start3A_471 : memref<1x128xi32, #tpu.memory_space<vmem>> -> memref<128xi32, #tpu.memory_space<vmem>>
        %dma_start3A_473 = arith.constant 0 : i32
        %dma_start3A_474 = arith.constant 0 : i32
        %dma_start3A_475 = tpu.memref_slice %arg4[%dma_start3A_473, %dma_start3A_474] : memref<50048x16xf32, #tpu.memory_space<hbm>> -> memref<50048x16xf32, #tpu.memory_space<hbm>>
        %dma_start3A_476 = tpu.memref_slice %arg11[%dma_start3A_465] : memref<10x!tpu.dma_semaphore, #tpu.memory_space<semaphore_mem>> -> memref<1x!tpu.dma_semaphore, #tpu.memory_space<semaphore_mem>>
        %dma_start3A_477 = tpu.memref_squeeze %dma_start3A_476 : memref<1x!tpu.dma_semaphore, #tpu.memory_space<semaphore_mem>> -> memref<!tpu.dma_semaphore, #tpu.memory_space<semaphore_mem>>
        tpu.enqueue_indirect_dma source(%dma_start3A_475 : memref<50048x16xf32, #tpu.memory_space<hbm>>) target(%dma_start3A_469 : memref<128x16xf32, #tpu.memory_space<vmem>>) offsets(%dma_start3A_472 : memref<128xi32, #tpu.memory_space<vmem>>) semaphore(%dma_start3A_477 : memref<!tpu.dma_semaphore, #tpu.memory_space<semaphore_mem>>)
      } else {
      }
      %dma_wait3A_190 = arith.constant 1 : i32
      %dma_wait3A_191 = arith.constant 1 : i32
      %dma_wait3A_192 = arith.constant 0 : i32
      %dma_wait3A_193 = arith.constant 0 : i32
      %dma_wait3A_194 = tpu.memref_slice %arg10[%dma_wait3A_190, %dma_wait3A_192, %dma_wait3A_193] : memref<10x128x16xf32, #tpu.memory_space<vmem>> -> memref<1x128x16xf32, #tpu.memory_space<vmem>>
      %dma_wait3A_195 = tpu.memref_squeeze %dma_wait3A_194 : memref<1x128x16xf32, #tpu.memory_space<vmem>> -> memref<128x16xf32, #tpu.memory_space<vmem>>
      %dma_wait3A_196 = arith.constant 0 : i32
      %dma_wait3A_197 = arith.constant 0 : i32
      %dma_wait3A_198 = tpu.memref_slice %arg5[%dma_wait3A_196, %dma_wait3A_197] : memref<50048x16xf32, #tpu.memory_space<hbm>> -> memref<128x16xf32, #tpu.memory_space<hbm>>
      %dma_wait3A_199 = tpu.memref_slice %arg11[%dma_wait3A_191] : memref<10x!tpu.dma_semaphore, #tpu.memory_space<semaphore_mem>> -> memref<1x!tpu.dma_semaphore, #tpu.memory_space<semaphore_mem>>
      %dma_wait3A_200 = tpu.memref_squeeze %dma_wait3A_199 : memref<1x!tpu.dma_semaphore, #tpu.memory_space<semaphore_mem>> -> memref<!tpu.dma_semaphore, #tpu.memory_space<semaphore_mem>>
      %dma_wait3A_201 = arith.constant 0 : i32
      %dma_wait3A_202 = arith.constant 0 : i32
      %dma_wait3A_203 = tpu.memref_slice %arg10[%dma_wait3A_190, %dma_wait3A_201, %dma_wait3A_202] : memref<10x128x16xf32, #tpu.memory_space<vmem>> -> memref<1x128x16xf32, #tpu.memory_space<vmem>>
      %dma_wait3A_204 = tpu.memref_squeeze %dma_wait3A_203 : memref<1x128x16xf32, #tpu.memory_space<vmem>> -> memref<128x16xf32, #tpu.memory_space<vmem>>
      %dma_wait3A_205 = arith.constant 0 : i32
      %dma_wait3A_206 = arith.constant 0 : i32
      %dma_wait3A_207 = tpu.memref_slice %arg5[%dma_wait3A_205, %dma_wait3A_206] : memref<50048x16xf32, #tpu.memory_space<hbm>> -> memref<128x16xf32, #tpu.memory_space<hbm>>
      tpu.wait_dma2 semaphore(%dma_wait3A_200 : memref<!tpu.dma_semaphore, #tpu.memory_space<semaphore_mem>>) src(%dma_wait3A_207 : memref<128x16xf32, #tpu.memory_space<hbm>>) dst(%dma_wait3A_204 : memref<128x16xf32, #tpu.memory_space<vmem>>)
      %add3A_208 = arith.constant 1 : i32
      %add3A_209 = arith.addi %mul3A_164, %add3A_208 : i32
      %run_scoped3A_210 = arith.constant 1 : i32
      "tpu.region"() ({
        %run_scoped3A_460 = tpu.sem_alloc : memref<!tpu.dma_semaphore, #tpu.memory_space<semaphore_mem>>
        %dma_start3A_461 = arith.constant 0 : i32
        %dma_start3A_462 = arith.constant 0 : i32
        %dma_start3A_463 = tpu.memref_slice %arg10[%run_scoped3A_210, %dma_start3A_461, %dma_start3A_462] : memref<10x128x16xf32, #tpu.memory_space<vmem>> -> memref<1x128x16xf32, #tpu.memory_space<vmem>>
        %dma_start3A_464 = tpu.memref_squeeze %dma_start3A_463 : memref<1x128x16xf32, #tpu.memory_space<vmem>> -> memref<128x16xf32, #tpu.memory_space<vmem>>
        %dma_start3A_465 = arith.constant 0 : i32
        %dma_start3A_466 = tpu.memref_slice %arg9[%add3A_209, %dma_start3A_465] : memref<200x128xi32, #tpu.memory_space<vmem>> -> memref<1x128xi32, #tpu.memory_space<vmem>>
        %dma_start3A_467 = tpu.memref_squeeze %dma_start3A_466 : memref<1x128xi32, #tpu.memory_space<vmem>> -> memref<128xi32, #tpu.memory_space<vmem>>
        %dma_start3A_468 = arith.constant 0 : i32
        %dma_start3A_469 = arith.constant 0 : i32
        %dma_start3A_470 = tpu.memref_slice %arg7[%dma_start3A_468, %dma_start3A_469] : memref<50048x16xf32, #tpu.memory_space<vmem_shared>> -> memref<50048x16xf32, #tpu.memory_space<vmem_shared>>
        tpu.enqueue_indirect_dma source(%dma_start3A_464 : memref<128x16xf32, #tpu.memory_space<vmem>>) target(%dma_start3A_470 : memref<50048x16xf32, #tpu.memory_space<vmem_shared>>) offsets(%dma_start3A_467 : memref<128xi32, #tpu.memory_space<vmem>>) semaphore(%run_scoped3A_460 : memref<!tpu.dma_semaphore, #tpu.memory_space<semaphore_mem>>) {add = true}
        %dma_wait3A_471 = arith.constant 0 : i32
        %dma_wait3A_472 = arith.constant 0 : i32
        %dma_wait3A_473 = tpu.memref_slice %arg10[%run_scoped3A_210, %dma_wait3A_471, %dma_wait3A_472] : memref<10x128x16xf32, #tpu.memory_space<vmem>> -> memref<1x128x16xf32, #tpu.memory_space<vmem>>
        %dma_wait3A_474 = tpu.memref_squeeze %dma_wait3A_473 : memref<1x128x16xf32, #tpu.memory_space<vmem>> -> memref<128x16xf32, #tpu.memory_space<vmem>>
        %dma_wait3A_475 = arith.constant 0 : i32
        %dma_wait3A_476 = tpu.memref_slice %arg9[%add3A_209, %dma_wait3A_475] : memref<200x128xi32, #tpu.memory_space<vmem>> -> memref<1x128xi32, #tpu.memory_space<vmem>>
        %dma_wait3A_477 = tpu.memref_squeeze %dma_wait3A_476 : memref<1x128xi32, #tpu.memory_space<vmem>> -> memref<128xi32, #tpu.memory_space<vmem>>
        %dma_wait3A_478 = arith.constant 0 : i32
        %dma_wait3A_479 = arith.constant 0 : i32
        %dma_wait3A_480 = tpu.memref_slice %arg7[%dma_wait3A_478, %dma_wait3A_479] : memref<50048x16xf32, #tpu.memory_space<vmem_shared>> -> memref<50048x16xf32, #tpu.memory_space<vmem_shared>>
        tpu.wait_indirect_dma semaphore(%run_scoped3A_460 : memref<!tpu.dma_semaphore, #tpu.memory_space<semaphore_mem>>) src(%dma_wait3A_474 : memref<128x16xf32, #tpu.memory_space<vmem>>) dst(%dma_wait3A_480 : memref<50048x16xf32, #tpu.memory_space<vmem_shared>>)
        tpu.yield
      }) : () -> ()
      %add3A_211 = arith.constant 10 : i32
      %add3A_212 = arith.addi %mul3A_164, %add3A_211 : i32
      %add3A_213 = arith.constant 1 : i32
      %add3A_214 = arith.addi %add3A_212, %add3A_213 : i32
      %lt3A_215 = arith.constant 200 : i32
      %lt3A_216 = arith.cmpi slt, %add3A_214, %lt3A_215 : i32
      %convert_element_type3A_217 = arith.extui %lt3A_216 : i1 to i32
      %cond3A_218 = arith.constant 0 : i32
      %cond3A_219 = arith.cmpi ne, %convert_element_type3A_217, %cond3A_218 : i32
      scf.if %cond3A_219 {
        %add3A_460 = arith.constant 10 : i32
        %add3A_461 = arith.addi %mul3A_164, %add3A_460 : i32
        %add3A_462 = arith.constant 1 : i32
        %add3A_463 = arith.addi %add3A_461, %add3A_462 : i32
        %dma_start3A_464 = arith.constant 1 : i32
        %dma_start3A_465 = arith.constant 1 : i32
        %dma_start3A_466 = arith.constant 0 : i32
        %dma_start3A_467 = arith.constant 0 : i32
        %dma_start3A_468 = tpu.memref_slice %arg10[%dma_start3A_464, %dma_start3A_466, %dma_start3A_467] : memref<10x128x16xf32, #tpu.memory_space<vmem>> -> memref<1x128x16xf32, #tpu.memory_space<vmem>>
        %dma_start3A_469 = tpu.memref_squeeze %dma_start3A_468 : memref<1x128x16xf32, #tpu.memory_space<vmem>> -> memref<128x16xf32, #tpu.memory_space<vmem>>
        %dma_start3A_470 = arith.constant 0 : i32
        %dma_start3A_471 = tpu.memref_slice %arg8[%add3A_463, %dma_start3A_470] : memref<200x128xi32, #tpu.memory_space<vmem>> -> memref<1x128xi32, #tpu.memory_space<vmem>>
        %dma_start3A_472 = tpu.memref_squeeze %dma_start3A_471 : memref<1x128xi32, #tpu.memory_space<vmem>> -> memref<128xi32, #tpu.memory_space<vmem>>
        %dma_start3A_473 = arith.constant 0 : i32
        %dma_start3A_474 = arith.constant 0 : i32
        %dma_start3A_475 = tpu.memref_slice %arg4[%dma_start3A_473, %dma_start3A_474] : memref<50048x16xf32, #tpu.memory_space<hbm>> -> memref<50048x16xf32, #tpu.memory_space<hbm>>
        %dma_start3A_476 = tpu.memref_slice %arg11[%dma_start3A_465] : memref<10x!tpu.dma_semaphore, #tpu.memory_space<semaphore_mem>> -> memref<1x!tpu.dma_semaphore, #tpu.memory_space<semaphore_mem>>
        %dma_start3A_477 = tpu.memref_squeeze %dma_start3A_476 : memref<1x!tpu.dma_semaphore, #tpu.memory_space<semaphore_mem>> -> memref<!tpu.dma_semaphore, #tpu.memory_space<semaphore_mem>>
        tpu.enqueue_indirect_dma source(%dma_start3A_475 : memref<50048x16xf32, #tpu.memory_space<hbm>>) target(%dma_start3A_469 : memref<128x16xf32, #tpu.memory_space<vmem>>) offsets(%dma_start3A_472 : memref<128xi32, #tpu.memory_space<vmem>>) semaphore(%dma_start3A_477 : memref<!tpu.dma_semaphore, #tpu.memory_space<semaphore_mem>>)
      } else {
      }
      %dma_wait3A_220 = arith.constant 2 : i32
      %dma_wait3A_221 = arith.constant 2 : i32
      %dma_wait3A_222 = arith.constant 0 : i32
      %dma_wait3A_223 = arith.constant 0 : i32
      %dma_wait3A_224 = tpu.memref_slice %arg10[%dma_wait3A_220, %dma_wait3A_222, %dma_wait3A_223] : memref<10x128x16xf32, #tpu.memory_space<vmem>> -> memref<1x128x16xf32, #tpu.memory_space<vmem>>
      %dma_wait3A_225 = tpu.memref_squeeze %dma_wait3A_224 : memref<1x128x16xf32, #tpu.memory_space<vmem>> -> memref<128x16xf32, #tpu.memory_space<vmem>>
      %dma_wait3A_226 = arith.constant 0 : i32
      %dma_wait3A_227 = arith.constant 0 : i32
      %dma_wait3A_228 = tpu.memref_slice %arg5[%dma_wait3A_226, %dma_wait3A_227] : memref<50048x16xf32, #tpu.memory_space<hbm>> -> memref<128x16xf32, #tpu.memory_space<hbm>>
      %dma_wait3A_229 = tpu.memref_slice %arg11[%dma_wait3A_221] : memref<10x!tpu.dma_semaphore, #tpu.memory_space<semaphore_mem>> -> memref<1x!tpu.dma_semaphore, #tpu.memory_space<semaphore_mem>>
      %dma_wait3A_230 = tpu.memref_squeeze %dma_wait3A_229 : memref<1x!tpu.dma_semaphore, #tpu.memory_space<semaphore_mem>> -> memref<!tpu.dma_semaphore, #tpu.memory_space<semaphore_mem>>
      %dma_wait3A_231 = arith.constant 0 : i32
      %dma_wait3A_232 = arith.constant 0 : i32
      %dma_wait3A_233 = tpu.memref_slice %arg10[%dma_wait3A_220, %dma_wait3A_231, %dma_wait3A_232] : memref<10x128x16xf32, #tpu.memory_space<vmem>> -> memref<1x128x16xf32, #tpu.memory_space<vmem>>
      %dma_wait3A_234 = tpu.memref_squeeze %dma_wait3A_233 : memref<1x128x16xf32, #tpu.memory_space<vmem>> -> memref<128x16xf32, #tpu.memory_space<vmem>>
      %dma_wait3A_235 = arith.constant 0 : i32
      %dma_wait3A_236 = arith.constant 0 : i32
      %dma_wait3A_237 = tpu.memref_slice %arg5[%dma_wait3A_235, %dma_wait3A_236] : memref<50048x16xf32, #tpu.memory_space<hbm>> -> memref<128x16xf32, #tpu.memory_space<hbm>>
      tpu.wait_dma2 semaphore(%dma_wait3A_230 : memref<!tpu.dma_semaphore, #tpu.memory_space<semaphore_mem>>) src(%dma_wait3A_237 : memref<128x16xf32, #tpu.memory_space<hbm>>) dst(%dma_wait3A_234 : memref<128x16xf32, #tpu.memory_space<vmem>>)
      %add3A_238 = arith.constant 2 : i32
      %add3A_239 = arith.addi %mul3A_164, %add3A_238 : i32
      %run_scoped3A_240 = arith.constant 2 : i32
      "tpu.region"() ({
        %run_scoped3A_460 = tpu.sem_alloc : memref<!tpu.dma_semaphore, #tpu.memory_space<semaphore_mem>>
        %dma_start3A_461 = arith.constant 0 : i32
        %dma_start3A_462 = arith.constant 0 : i32
        %dma_start3A_463 = tpu.memref_slice %arg10[%run_scoped3A_240, %dma_start3A_461, %dma_start3A_462] : memref<10x128x16xf32, #tpu.memory_space<vmem>> -> memref<1x128x16xf32, #tpu.memory_space<vmem>>
        %dma_start3A_464 = tpu.memref_squeeze %dma_start3A_463 : memref<1x128x16xf32, #tpu.memory_space<vmem>> -> memref<128x16xf32, #tpu.memory_space<vmem>>
        %dma_start3A_465 = arith.constant 0 : i32
        %dma_start3A_466 = tpu.memref_slice %arg9[%add3A_239, %dma_start3A_465] : memref<200x128xi32, #tpu.memory_space<vmem>> -> memref<1x128xi32, #tpu.memory_space<vmem>>
        %dma_start3A_467 = tpu.memref_squeeze %dma_start3A_466 : memref<1x128xi32, #tpu.memory_space<vmem>> -> memref<128xi32, #tpu.memory_space<vmem>>
        %dma_start3A_468 = arith.constant 0 : i32
        %dma_start3A_469 = arith.constant 0 : i32
        %dma_start3A_470 = tpu.memref_slice %arg7[%dma_start3A_468, %dma_start3A_469] : memref<50048x16xf32, #tpu.memory_space<vmem_shared>> -> memref<50048x16xf32, #tpu.memory_space<vmem_shared>>
        tpu.enqueue_indirect_dma source(%dma_start3A_464 : memref<128x16xf32, #tpu.memory_space<vmem>>) target(%dma_start3A_470 : memref<50048x16xf32, #tpu.memory_space<vmem_shared>>) offsets(%dma_start3A_467 : memref<128xi32, #tpu.memory_space<vmem>>) semaphore(%run_scoped3A_460 : memref<!tpu.dma_semaphore, #tpu.memory_space<semaphore_mem>>) {add = true}
        %dma_wait3A_471 = arith.constant 0 : i32
        %dma_wait3A_472 = arith.constant 0 : i32
        %dma_wait3A_473 = tpu.memref_slice %arg10[%run_scoped3A_240, %dma_wait3A_471, %dma_wait3A_472] : memref<10x128x16xf32, #tpu.memory_space<vmem>> -> memref<1x128x16xf32, #tpu.memory_space<vmem>>
        %dma_wait3A_474 = tpu.memref_squeeze %dma_wait3A_473 : memref<1x128x16xf32, #tpu.memory_space<vmem>> -> memref<128x16xf32, #tpu.memory_space<vmem>>
        %dma_wait3A_475 = arith.constant 0 : i32
        %dma_wait3A_476 = tpu.memref_slice %arg9[%add3A_239, %dma_wait3A_475] : memref<200x128xi32, #tpu.memory_space<vmem>> -> memref<1x128xi32, #tpu.memory_space<vmem>>
        %dma_wait3A_477 = tpu.memref_squeeze %dma_wait3A_476 : memref<1x128xi32, #tpu.memory_space<vmem>> -> memref<128xi32, #tpu.memory_space<vmem>>
        %dma_wait3A_478 = arith.constant 0 : i32
        %dma_wait3A_479 = arith.constant 0 : i32
        %dma_wait3A_480 = tpu.memref_slice %arg7[%dma_wait3A_478, %dma_wait3A_479] : memref<50048x16xf32, #tpu.memory_space<vmem_shared>> -> memref<50048x16xf32, #tpu.memory_space<vmem_shared>>
        tpu.wait_indirect_dma semaphore(%run_scoped3A_460 : memref<!tpu.dma_semaphore, #tpu.memory_space<semaphore_mem>>) src(%dma_wait3A_474 : memref<128x16xf32, #tpu.memory_space<vmem>>) dst(%dma_wait3A_480 : memref<50048x16xf32, #tpu.memory_space<vmem_shared>>)
        tpu.yield
      }) : () -> ()
      %add3A_241 = arith.constant 10 : i32
      %add3A_242 = arith.addi %mul3A_164, %add3A_241 : i32
      %add3A_243 = arith.constant 2 : i32
      %add3A_244 = arith.addi %add3A_242, %add3A_243 : i32
      %lt3A_245 = arith.constant 200 : i32
      %lt3A_246 = arith.cmpi slt, %add3A_244, %lt3A_245 : i32
      %convert_element_type3A_247 = arith.extui %lt3A_246 : i1 to i32
      %cond3A_248 = arith.constant 0 : i32
      %cond3A_249 = arith.cmpi ne, %convert_element_type3A_247, %cond3A_248 : i32
      scf.if %cond3A_249 {
        %add3A_460 = arith.constant 10 : i32
        %add3A_461 = arith.addi %mul3A_164, %add3A_460 : i32
        %add3A_462 = arith.constant 2 : i32
        %add3A_463 = arith.addi %add3A_461, %add3A_462 : i32
        %dma_start3A_464 = arith.constant 2 : i32
        %dma_start3A_465 = arith.constant 2 : i32
        %dma_start3A_466 = arith.constant 0 : i32
        %dma_start3A_467 = arith.constant 0 : i32
        %dma_start3A_468 = tpu.memref_slice %arg10[%dma_start3A_464, %dma_start3A_466, %dma_start3A_467] : memref<10x128x16xf32, #tpu.memory_space<vmem>> -> memref<1x128x16xf32, #tpu.memory_space<vmem>>
        %dma_start3A_469 = tpu.memref_squeeze %dma_start3A_468 : memref<1x128x16xf32, #tpu.memory_space<vmem>> -> memref<128x16xf32, #tpu.memory_space<vmem>>
        %dma_start3A_470 = arith.constant 0 : i32
        %dma_start3A_471 = tpu.memref_slice %arg8[%add3A_463, %dma_start3A_470] : memref<200x128xi32, #tpu.memory_space<vmem>> -> memref<1x128xi32, #tpu.memory_space<vmem>>
        %dma_start3A_472 = tpu.memref_squeeze %dma_start3A_471 : memref<1x128xi32, #tpu.memory_space<vmem>> -> memref<128xi32, #tpu.memory_space<vmem>>
        %dma_start3A_473 = arith.constant 0 : i32
        %dma_start3A_474 = arith.constant 0 : i32
        %dma_start3A_475 = tpu.memref_slice %arg4[%dma_start3A_473, %dma_start3A_474] : memref<50048x16xf32, #tpu.memory_space<hbm>> -> memref<50048x16xf32, #tpu.memory_space<hbm>>
        %dma_start3A_476 = tpu.memref_slice %arg11[%dma_start3A_465] : memref<10x!tpu.dma_semaphore, #tpu.memory_space<semaphore_mem>> -> memref<1x!tpu.dma_semaphore, #tpu.memory_space<semaphore_mem>>
        %dma_start3A_477 = tpu.memref_squeeze %dma_start3A_476 : memref<1x!tpu.dma_semaphore, #tpu.memory_space<semaphore_mem>> -> memref<!tpu.dma_semaphore, #tpu.memory_space<semaphore_mem>>
        tpu.enqueue_indirect_dma source(%dma_start3A_475 : memref<50048x16xf32, #tpu.memory_space<hbm>>) target(%dma_start3A_469 : memref<128x16xf32, #tpu.memory_space<vmem>>) offsets(%dma_start3A_472 : memref<128xi32, #tpu.memory_space<vmem>>) semaphore(%dma_start3A_477 : memref<!tpu.dma_semaphore, #tpu.memory_space<semaphore_mem>>)
      } else {
      }
      %dma_wait3A_250 = arith.constant 3 : i32
      %dma_wait3A_251 = arith.constant 3 : i32
      %dma_wait3A_252 = arith.constant 0 : i32
      %dma_wait3A_253 = arith.constant 0 : i32
      %dma_wait3A_254 = tpu.memref_slice %arg10[%dma_wait3A_250, %dma_wait3A_252, %dma_wait3A_253] : memref<10x128x16xf32, #tpu.memory_space<vmem>> -> memref<1x128x16xf32, #tpu.memory_space<vmem>>
      %dma_wait3A_255 = tpu.memref_squeeze %dma_wait3A_254 : memref<1x128x16xf32, #tpu.memory_space<vmem>> -> memref<128x16xf32, #tpu.memory_space<vmem>>
      %dma_wait3A_256 = arith.constant 0 : i32
      %dma_wait3A_257 = arith.constant 0 : i32
      %dma_wait3A_258 = tpu.memref_slice %arg5[%dma_wait3A_256, %dma_wait3A_257] : memref<50048x16xf32, #tpu.memory_space<hbm>> -> memref<128x16xf32, #tpu.memory_space<hbm>>
      %dma_wait3A_259 = tpu.memref_slice %arg11[%dma_wait3A_251] : memref<10x!tpu.dma_semaphore, #tpu.memory_space<semaphore_mem>> -> memref<1x!tpu.dma_semaphore, #tpu.memory_space<semaphore_mem>>
      %dma_wait3A_260 = tpu.memref_squeeze %dma_wait3A_259 : memref<1x!tpu.dma_semaphore, #tpu.memory_space<semaphore_mem>> -> memref<!tpu.dma_semaphore, #tpu.memory_space<semaphore_mem>>
      %dma_wait3A_261 = arith.constant 0 : i32
      %dma_wait3A_262 = arith.constant 0 : i32
      %dma_wait3A_263 = tpu.memref_slice %arg10[%dma_wait3A_250, %dma_wait3A_261, %dma_wait3A_262] : memref<10x128x16xf32, #tpu.memory_space<vmem>> -> memref<1x128x16xf32, #tpu.memory_space<vmem>>
      %dma_wait3A_264 = tpu.memref_squeeze %dma_wait3A_263 : memref<1x128x16xf32, #tpu.memory_space<vmem>> -> memref<128x16xf32, #tpu.memory_space<vmem>>
      %dma_wait3A_265 = arith.constant 0 : i32
      %dma_wait3A_266 = arith.constant 0 : i32
      %dma_wait3A_267 = tpu.memref_slice %arg5[%dma_wait3A_265, %dma_wait3A_266] : memref<50048x16xf32, #tpu.memory_space<hbm>> -> memref<128x16xf32, #tpu.memory_space<hbm>>
      tpu.wait_dma2 semaphore(%dma_wait3A_260 : memref<!tpu.dma_semaphore, #tpu.memory_space<semaphore_mem>>) src(%dma_wait3A_267 : memref<128x16xf32, #tpu.memory_space<hbm>>) dst(%dma_wait3A_264 : memref<128x16xf32, #tpu.memory_space<vmem>>)
      %add3A_268 = arith.constant 3 : i32
      %add3A_269 = arith.addi %mul3A_164, %add3A_268 : i32
      %run_scoped3A_270 = arith.constant 3 : i32
      "tpu.region"() ({
        %run_scoped3A_460 = tpu.sem_alloc : memref<!tpu.dma_semaphore, #tpu.memory_space<semaphore_mem>>
        %dma_start3A_461 = arith.constant 0 : i32
        %dma_start3A_462 = arith.constant 0 : i32
        %dma_start3A_463 = tpu.memref_slice %arg10[%run_scoped3A_270, %dma_start3A_461, %dma_start3A_462] : memref<10x128x16xf32, #tpu.memory_space<vmem>> -> memref<1x128x16xf32, #tpu.memory_space<vmem>>
        %dma_start3A_464 = tpu.memref_squeeze %dma_start3A_463 : memref<1x128x16xf32, #tpu.memory_space<vmem>> -> memref<128x16xf32, #tpu.memory_space<vmem>>
        %dma_start3A_465 = arith.constant 0 : i32
        %dma_start3A_466 = tpu.memref_slice %arg9[%add3A_269, %dma_start3A_465] : memref<200x128xi32, #tpu.memory_space<vmem>> -> memref<1x128xi32, #tpu.memory_space<vmem>>
        %dma_start3A_467 = tpu.memref_squeeze %dma_start3A_466 : memref<1x128xi32, #tpu.memory_space<vmem>> -> memref<128xi32, #tpu.memory_space<vmem>>
        %dma_start3A_468 = arith.constant 0 : i32
        %dma_start3A_469 = arith.constant 0 : i32
        %dma_start3A_470 = tpu.memref_slice %arg7[%dma_start3A_468, %dma_start3A_469] : memref<50048x16xf32, #tpu.memory_space<vmem_shared>> -> memref<50048x16xf32, #tpu.memory_space<vmem_shared>>
        tpu.enqueue_indirect_dma source(%dma_start3A_464 : memref<128x16xf32, #tpu.memory_space<vmem>>) target(%dma_start3A_470 : memref<50048x16xf32, #tpu.memory_space<vmem_shared>>) offsets(%dma_start3A_467 : memref<128xi32, #tpu.memory_space<vmem>>) semaphore(%run_scoped3A_460 : memref<!tpu.dma_semaphore, #tpu.memory_space<semaphore_mem>>) {add = true}
        %dma_wait3A_471 = arith.constant 0 : i32
        %dma_wait3A_472 = arith.constant 0 : i32
        %dma_wait3A_473 = tpu.memref_slice %arg10[%run_scoped3A_270, %dma_wait3A_471, %dma_wait3A_472] : memref<10x128x16xf32, #tpu.memory_space<vmem>> -> memref<1x128x16xf32, #tpu.memory_space<vmem>>
        %dma_wait3A_474 = tpu.memref_squeeze %dma_wait3A_473 : memref<1x128x16xf32, #tpu.memory_space<vmem>> -> memref<128x16xf32, #tpu.memory_space<vmem>>
        %dma_wait3A_475 = arith.constant 0 : i32
        %dma_wait3A_476 = tpu.memref_slice %arg9[%add3A_269, %dma_wait3A_475] : memref<200x128xi32, #tpu.memory_space<vmem>> -> memref<1x128xi32, #tpu.memory_space<vmem>>
        %dma_wait3A_477 = tpu.memref_squeeze %dma_wait3A_476 : memref<1x128xi32, #tpu.memory_space<vmem>> -> memref<128xi32, #tpu.memory_space<vmem>>
        %dma_wait3A_478 = arith.constant 0 : i32
        %dma_wait3A_479 = arith.constant 0 : i32
        %dma_wait3A_480 = tpu.memref_slice %arg7[%dma_wait3A_478, %dma_wait3A_479] : memref<50048x16xf32, #tpu.memory_space<vmem_shared>> -> memref<50048x16xf32, #tpu.memory_space<vmem_shared>>
        tpu.wait_indirect_dma semaphore(%run_scoped3A_460 : memref<!tpu.dma_semaphore, #tpu.memory_space<semaphore_mem>>) src(%dma_wait3A_474 : memref<128x16xf32, #tpu.memory_space<vmem>>) dst(%dma_wait3A_480 : memref<50048x16xf32, #tpu.memory_space<vmem_shared>>)
        tpu.yield
      }) : () -> ()
      %add3A_271 = arith.constant 10 : i32
      %add3A_272 = arith.addi %mul3A_164, %add3A_271 : i32
      %add3A_273 = arith.constant 3 : i32
      %add3A_274 = arith.addi %add3A_272, %add3A_273 : i32
      %lt3A_275 = arith.constant 200 : i32
      %lt3A_276 = arith.cmpi slt, %add3A_274, %lt3A_275 : i32
      %convert_element_type3A_277 = arith.extui %lt3A_276 : i1 to i32
      %cond3A_278 = arith.constant 0 : i32
      %cond3A_279 = arith.cmpi ne, %convert_element_type3A_277, %cond3A_278 : i32
      scf.if %cond3A_279 {
        %add3A_460 = arith.constant 10 : i32
        %add3A_461 = arith.addi %mul3A_164, %add3A_460 : i32
        %add3A_462 = arith.constant 3 : i32
        %add3A_463 = arith.addi %add3A_461, %add3A_462 : i32
        %dma_start3A_464 = arith.constant 3 : i32
        %dma_start3A_465 = arith.constant 3 : i32
        %dma_start3A_466 = arith.constant 0 : i32
        %dma_start3A_467 = arith.constant 0 : i32
        %dma_start3A_468 = tpu.memref_slice %arg10[%dma_start3A_464, %dma_start3A_466, %dma_start3A_467] : memref<10x128x16xf32, #tpu.memory_space<vmem>> -> memref<1x128x16xf32, #tpu.memory_space<vmem>>
        %dma_start3A_469 = tpu.memref_squeeze %dma_start3A_468 : memref<1x128x16xf32, #tpu.memory_space<vmem>> -> memref<128x16xf32, #tpu.memory_space<vmem>>
        %dma_start3A_470 = arith.constant 0 : i32
        %dma_start3A_471 = tpu.memref_slice %arg8[%add3A_463, %dma_start3A_470] : memref<200x128xi32, #tpu.memory_space<vmem>> -> memref<1x128xi32, #tpu.memory_space<vmem>>
        %dma_start3A_472 = tpu.memref_squeeze %dma_start3A_471 : memref<1x128xi32, #tpu.memory_space<vmem>> -> memref<128xi32, #tpu.memory_space<vmem>>
        %dma_start3A_473 = arith.constant 0 : i32
        %dma_start3A_474 = arith.constant 0 : i32
        %dma_start3A_475 = tpu.memref_slice %arg4[%dma_start3A_473, %dma_start3A_474] : memref<50048x16xf32, #tpu.memory_space<hbm>> -> memref<50048x16xf32, #tpu.memory_space<hbm>>
        %dma_start3A_476 = tpu.memref_slice %arg11[%dma_start3A_465] : memref<10x!tpu.dma_semaphore, #tpu.memory_space<semaphore_mem>> -> memref<1x!tpu.dma_semaphore, #tpu.memory_space<semaphore_mem>>
        %dma_start3A_477 = tpu.memref_squeeze %dma_start3A_476 : memref<1x!tpu.dma_semaphore, #tpu.memory_space<semaphore_mem>> -> memref<!tpu.dma_semaphore, #tpu.memory_space<semaphore_mem>>
        tpu.enqueue_indirect_dma source(%dma_start3A_475 : memref<50048x16xf32, #tpu.memory_space<hbm>>) target(%dma_start3A_469 : memref<128x16xf32, #tpu.memory_space<vmem>>) offsets(%dma_start3A_472 : memref<128xi32, #tpu.memory_space<vmem>>) semaphore(%dma_start3A_477 : memref<!tpu.dma_semaphore, #tpu.memory_space<semaphore_mem>>)
      } else {
      }
      %dma_wait3A_280 = arith.constant 4 : i32
      %dma_wait3A_281 = arith.constant 4 : i32
      %dma_wait3A_282 = arith.constant 0 : i32
      %dma_wait3A_283 = arith.constant 0 : i32
      %dma_wait3A_284 = tpu.memref_slice %arg10[%dma_wait3A_280, %dma_wait3A_282, %dma_wait3A_283] : memref<10x128x16xf32, #tpu.memory_space<vmem>> -> memref<1x128x16xf32, #tpu.memory_space<vmem>>
      %dma_wait3A_285 = tpu.memref_squeeze %dma_wait3A_284 : memref<1x128x16xf32, #tpu.memory_space<vmem>> -> memref<128x16xf32, #tpu.memory_space<vmem>>
      %dma_wait3A_286 = arith.constant 0 : i32
      %dma_wait3A_287 = arith.constant 0 : i32
      %dma_wait3A_288 = tpu.memref_slice %arg5[%dma_wait3A_286, %dma_wait3A_287] : memref<50048x16xf32, #tpu.memory_space<hbm>> -> memref<128x16xf32, #tpu.memory_space<hbm>>
      %dma_wait3A_289 = tpu.memref_slice %arg11[%dma_wait3A_281] : memref<10x!tpu.dma_semaphore, #tpu.memory_space<semaphore_mem>> -> memref<1x!tpu.dma_semaphore, #tpu.memory_space<semaphore_mem>>
      %dma_wait3A_290 = tpu.memref_squeeze %dma_wait3A_289 : memref<1x!tpu.dma_semaphore, #tpu.memory_space<semaphore_mem>> -> memref<!tpu.dma_semaphore, #tpu.memory_space<semaphore_mem>>
      %dma_wait3A_291 = arith.constant 0 : i32
      %dma_wait3A_292 = arith.constant 0 : i32
      %dma_wait3A_293 = tpu.memref_slice %arg10[%dma_wait3A_280, %dma_wait3A_291, %dma_wait3A_292] : memref<10x128x16xf32, #tpu.memory_space<vmem>> -> memref<1x128x16xf32, #tpu.memory_space<vmem>>
      %dma_wait3A_294 = tpu.memref_squeeze %dma_wait3A_293 : memref<1x128x16xf32, #tpu.memory_space<vmem>> -> memref<128x16xf32, #tpu.memory_space<vmem>>
      %dma_wait3A_295 = arith.constant 0 : i32
      %dma_wait3A_296 = arith.constant 0 : i32
      %dma_wait3A_297 = tpu.memref_slice %arg5[%dma_wait3A_295, %dma_wait3A_296] : memref<50048x16xf32, #tpu.memory_space<hbm>> -> memref<128x16xf32, #tpu.memory_space<hbm>>
      tpu.wait_dma2 semaphore(%dma_wait3A_290 : memref<!tpu.dma_semaphore, #tpu.memory_space<semaphore_mem>>) src(%dma_wait3A_297 : memref<128x16xf32, #tpu.memory_space<hbm>>) dst(%dma_wait3A_294 : memref<128x16xf32, #tpu.memory_space<vmem>>)
      %add3A_298 = arith.constant 4 : i32
      %add3A_299 = arith.addi %mul3A_164, %add3A_298 : i32
      %run_scoped3A_300 = arith.constant 4 : i32
      "tpu.region"() ({
        %run_scoped3A_460 = tpu.sem_alloc : memref<!tpu.dma_semaphore, #tpu.memory_space<semaphore_mem>>
        %dma_start3A_461 = arith.constant 0 : i32
        %dma_start3A_462 = arith.constant 0 : i32
        %dma_start3A_463 = tpu.memref_slice %arg10[%run_scoped3A_300, %dma_start3A_461, %dma_start3A_462] : memref<10x128x16xf32, #tpu.memory_space<vmem>> -> memref<1x128x16xf32, #tpu.memory_space<vmem>>
        %dma_start3A_464 = tpu.memref_squeeze %dma_start3A_463 : memref<1x128x16xf32, #tpu.memory_space<vmem>> -> memref<128x16xf32, #tpu.memory_space<vmem>>
        %dma_start3A_465 = arith.constant 0 : i32
        %dma_start3A_466 = tpu.memref_slice %arg9[%add3A_299, %dma_start3A_465] : memref<200x128xi32, #tpu.memory_space<vmem>> -> memref<1x128xi32, #tpu.memory_space<vmem>>
        %dma_start3A_467 = tpu.memref_squeeze %dma_start3A_466 : memref<1x128xi32, #tpu.memory_space<vmem>> -> memref<128xi32, #tpu.memory_space<vmem>>
        %dma_start3A_468 = arith.constant 0 : i32
        %dma_start3A_469 = arith.constant 0 : i32
        %dma_start3A_470 = tpu.memref_slice %arg7[%dma_start3A_468, %dma_start3A_469] : memref<50048x16xf32, #tpu.memory_space<vmem_shared>> -> memref<50048x16xf32, #tpu.memory_space<vmem_shared>>
        tpu.enqueue_indirect_dma source(%dma_start3A_464 : memref<128x16xf32, #tpu.memory_space<vmem>>) target(%dma_start3A_470 : memref<50048x16xf32, #tpu.memory_space<vmem_shared>>) offsets(%dma_start3A_467 : memref<128xi32, #tpu.memory_space<vmem>>) semaphore(%run_scoped3A_460 : memref<!tpu.dma_semaphore, #tpu.memory_space<semaphore_mem>>) {add = true}
        %dma_wait3A_471 = arith.constant 0 : i32
        %dma_wait3A_472 = arith.constant 0 : i32
        %dma_wait3A_473 = tpu.memref_slice %arg10[%run_scoped3A_300, %dma_wait3A_471, %dma_wait3A_472] : memref<10x128x16xf32, #tpu.memory_space<vmem>> -> memref<1x128x16xf32, #tpu.memory_space<vmem>>
        %dma_wait3A_474 = tpu.memref_squeeze %dma_wait3A_473 : memref<1x128x16xf32, #tpu.memory_space<vmem>> -> memref<128x16xf32, #tpu.memory_space<vmem>>
        %dma_wait3A_475 = arith.constant 0 : i32
        %dma_wait3A_476 = tpu.memref_slice %arg9[%add3A_299, %dma_wait3A_475] : memref<200x128xi32, #tpu.memory_space<vmem>> -> memref<1x128xi32, #tpu.memory_space<vmem>>
        %dma_wait3A_477 = tpu.memref_squeeze %dma_wait3A_476 : memref<1x128xi32, #tpu.memory_space<vmem>> -> memref<128xi32, #tpu.memory_space<vmem>>
        %dma_wait3A_478 = arith.constant 0 : i32
        %dma_wait3A_479 = arith.constant 0 : i32
        %dma_wait3A_480 = tpu.memref_slice %arg7[%dma_wait3A_478, %dma_wait3A_479] : memref<50048x16xf32, #tpu.memory_space<vmem_shared>> -> memref<50048x16xf32, #tpu.memory_space<vmem_shared>>
        tpu.wait_indirect_dma semaphore(%run_scoped3A_460 : memref<!tpu.dma_semaphore, #tpu.memory_space<semaphore_mem>>) src(%dma_wait3A_474 : memref<128x16xf32, #tpu.memory_space<vmem>>) dst(%dma_wait3A_480 : memref<50048x16xf32, #tpu.memory_space<vmem_shared>>)
        tpu.yield
      }) : () -> ()
      %add3A_301 = arith.constant 10 : i32
      %add3A_302 = arith.addi %mul3A_164, %add3A_301 : i32
      %add3A_303 = arith.constant 4 : i32
      %add3A_304 = arith.addi %add3A_302, %add3A_303 : i32
      %lt3A_305 = arith.constant 200 : i32
      %lt3A_306 = arith.cmpi slt, %add3A_304, %lt3A_305 : i32
      %convert_element_type3A_307 = arith.extui %lt3A_306 : i1 to i32
      %cond3A_308 = arith.constant 0 : i32
      %cond3A_309 = arith.cmpi ne, %convert_element_type3A_307, %cond3A_308 : i32
      scf.if %cond3A_309 {
        %add3A_460 = arith.constant 10 : i32
        %add3A_461 = arith.addi %mul3A_164, %add3A_460 : i32
        %add3A_462 = arith.constant 4 : i32
        %add3A_463 = arith.addi %add3A_461, %add3A_462 : i32
        %dma_start3A_464 = arith.constant 4 : i32
        %dma_start3A_465 = arith.constant 4 : i32
        %dma_start3A_466 = arith.constant 0 : i32
        %dma_start3A_467 = arith.constant 0 : i32
        %dma_start3A_468 = tpu.memref_slice %arg10[%dma_start3A_464, %dma_start3A_466, %dma_start3A_467] : memref<10x128x16xf32, #tpu.memory_space<vmem>> -> memref<1x128x16xf32, #tpu.memory_space<vmem>>
        %dma_start3A_469 = tpu.memref_squeeze %dma_start3A_468 : memref<1x128x16xf32, #tpu.memory_space<vmem>> -> memref<128x16xf32, #tpu.memory_space<vmem>>
        %dma_start3A_470 = arith.constant 0 : i32
        %dma_start3A_471 = tpu.memref_slice %arg8[%add3A_463, %dma_start3A_470] : memref<200x128xi32, #tpu.memory_space<vmem>> -> memref<1x128xi32, #tpu.memory_space<vmem>>
        %dma_start3A_472 = tpu.memref_squeeze %dma_start3A_471 : memref<1x128xi32, #tpu.memory_space<vmem>> -> memref<128xi32, #tpu.memory_space<vmem>>
        %dma_start3A_473 = arith.constant 0 : i32
        %dma_start3A_474 = arith.constant 0 : i32
        %dma_start3A_475 = tpu.memref_slice %arg4[%dma_start3A_473, %dma_start3A_474] : memref<50048x16xf32, #tpu.memory_space<hbm>> -> memref<50048x16xf32, #tpu.memory_space<hbm>>
        %dma_start3A_476 = tpu.memref_slice %arg11[%dma_start3A_465] : memref<10x!tpu.dma_semaphore, #tpu.memory_space<semaphore_mem>> -> memref<1x!tpu.dma_semaphore, #tpu.memory_space<semaphore_mem>>
        %dma_start3A_477 = tpu.memref_squeeze %dma_start3A_476 : memref<1x!tpu.dma_semaphore, #tpu.memory_space<semaphore_mem>> -> memref<!tpu.dma_semaphore, #tpu.memory_space<semaphore_mem>>
        tpu.enqueue_indirect_dma source(%dma_start3A_475 : memref<50048x16xf32, #tpu.memory_space<hbm>>) target(%dma_start3A_469 : memref<128x16xf32, #tpu.memory_space<vmem>>) offsets(%dma_start3A_472 : memref<128xi32, #tpu.memory_space<vmem>>) semaphore(%dma_start3A_477 : memref<!tpu.dma_semaphore, #tpu.memory_space<semaphore_mem>>)
      } else {
      }
      %dma_wait3A_310 = arith.constant 5 : i32
      %dma_wait3A_311 = arith.constant 5 : i32
      %dma_wait3A_312 = arith.constant 0 : i32
      %dma_wait3A_313 = arith.constant 0 : i32
      %dma_wait3A_314 = tpu.memref_slice %arg10[%dma_wait3A_310, %dma_wait3A_312, %dma_wait3A_313] : memref<10x128x16xf32, #tpu.memory_space<vmem>> -> memref<1x128x16xf32, #tpu.memory_space<vmem>>
      %dma_wait3A_315 = tpu.memref_squeeze %dma_wait3A_314 : memref<1x128x16xf32, #tpu.memory_space<vmem>> -> memref<128x16xf32, #tpu.memory_space<vmem>>
      %dma_wait3A_316 = arith.constant 0 : i32
      %dma_wait3A_317 = arith.constant 0 : i32
      %dma_wait3A_318 = tpu.memref_slice %arg5[%dma_wait3A_316, %dma_wait3A_317] : memref<50048x16xf32, #tpu.memory_space<hbm>> -> memref<128x16xf32, #tpu.memory_space<hbm>>
      %dma_wait3A_319 = tpu.memref_slice %arg11[%dma_wait3A_311] : memref<10x!tpu.dma_semaphore, #tpu.memory_space<semaphore_mem>> -> memref<1x!tpu.dma_semaphore, #tpu.memory_space<semaphore_mem>>
      %dma_wait3A_320 = tpu.memref_squeeze %dma_wait3A_319 : memref<1x!tpu.dma_semaphore, #tpu.memory_space<semaphore_mem>> -> memref<!tpu.dma_semaphore, #tpu.memory_space<semaphore_mem>>
      %dma_wait3A_321 = arith.constant 0 : i32
      %dma_wait3A_322 = arith.constant 0 : i32
      %dma_wait3A_323 = tpu.memref_slice %arg10[%dma_wait3A_310, %dma_wait3A_321, %dma_wait3A_322] : memref<10x128x16xf32, #tpu.memory_space<vmem>> -> memref<1x128x16xf32, #tpu.memory_space<vmem>>
      %dma_wait3A_324 = tpu.memref_squeeze %dma_wait3A_323 : memref<1x128x16xf32, #tpu.memory_space<vmem>> -> memref<128x16xf32, #tpu.memory_space<vmem>>
      %dma_wait3A_325 = arith.constant 0 : i32
      %dma_wait3A_326 = arith.constant 0 : i32
      %dma_wait3A_327 = tpu.memref_slice %arg5[%dma_wait3A_325, %dma_wait3A_326] : memref<50048x16xf32, #tpu.memory_space<hbm>> -> memref<128x16xf32, #tpu.memory_space<hbm>>
      tpu.wait_dma2 semaphore(%dma_wait3A_320 : memref<!tpu.dma_semaphore, #tpu.memory_space<semaphore_mem>>) src(%dma_wait3A_327 : memref<128x16xf32, #tpu.memory_space<hbm>>) dst(%dma_wait3A_324 : memref<128x16xf32, #tpu.memory_space<vmem>>)
      %add3A_328 = arith.constant 5 : i32
      %add3A_329 = arith.addi %mul3A_164, %add3A_328 : i32
      %run_scoped3A_330 = arith.constant 5 : i32
      "tpu.region"() ({
        %run_scoped3A_460 = tpu.sem_alloc : memref<!tpu.dma_semaphore, #tpu.memory_space<semaphore_mem>>
        %dma_start3A_461 = arith.constant 0 : i32
        %dma_start3A_462 = arith.constant 0 : i32
        %dma_start3A_463 = tpu.memref_slice %arg10[%run_scoped3A_330, %dma_start3A_461, %dma_start3A_462] : memref<10x128x16xf32, #tpu.memory_space<vmem>> -> memref<1x128x16xf32, #tpu.memory_space<vmem>>
        %dma_start3A_464 = tpu.memref_squeeze %dma_start3A_463 : memref<1x128x16xf32, #tpu.memory_space<vmem>> -> memref<128x16xf32, #tpu.memory_space<vmem>>
        %dma_start3A_465 = arith.constant 0 : i32
        %dma_start3A_466 = tpu.memref_slice %arg9[%add3A_329, %dma_start3A_465] : memref<200x128xi32, #tpu.memory_space<vmem>> -> memref<1x128xi32, #tpu.memory_space<vmem>>
        %dma_start3A_467 = tpu.memref_squeeze %dma_start3A_466 : memref<1x128xi32, #tpu.memory_space<vmem>> -> memref<128xi32, #tpu.memory_space<vmem>>
        %dma_start3A_468 = arith.constant 0 : i32
        %dma_start3A_469 = arith.constant 0 : i32
        %dma_start3A_470 = tpu.memref_slice %arg7[%dma_start3A_468, %dma_start3A_469] : memref<50048x16xf32, #tpu.memory_space<vmem_shared>> -> memref<50048x16xf32, #tpu.memory_space<vmem_shared>>
        tpu.enqueue_indirect_dma source(%dma_start3A_464 : memref<128x16xf32, #tpu.memory_space<vmem>>) target(%dma_start3A_470 : memref<50048x16xf32, #tpu.memory_space<vmem_shared>>) offsets(%dma_start3A_467 : memref<128xi32, #tpu.memory_space<vmem>>) semaphore(%run_scoped3A_460 : memref<!tpu.dma_semaphore, #tpu.memory_space<semaphore_mem>>) {add = true}
        %dma_wait3A_471 = arith.constant 0 : i32
        %dma_wait3A_472 = arith.constant 0 : i32
        %dma_wait3A_473 = tpu.memref_slice %arg10[%run_scoped3A_330, %dma_wait3A_471, %dma_wait3A_472] : memref<10x128x16xf32, #tpu.memory_space<vmem>> -> memref<1x128x16xf32, #tpu.memory_space<vmem>>
        %dma_wait3A_474 = tpu.memref_squeeze %dma_wait3A_473 : memref<1x128x16xf32, #tpu.memory_space<vmem>> -> memref<128x16xf32, #tpu.memory_space<vmem>>
        %dma_wait3A_475 = arith.constant 0 : i32
        %dma_wait3A_476 = tpu.memref_slice %arg9[%add3A_329, %dma_wait3A_475] : memref<200x128xi32, #tpu.memory_space<vmem>> -> memref<1x128xi32, #tpu.memory_space<vmem>>
        %dma_wait3A_477 = tpu.memref_squeeze %dma_wait3A_476 : memref<1x128xi32, #tpu.memory_space<vmem>> -> memref<128xi32, #tpu.memory_space<vmem>>
        %dma_wait3A_478 = arith.constant 0 : i32
        %dma_wait3A_479 = arith.constant 0 : i32
        %dma_wait3A_480 = tpu.memref_slice %arg7[%dma_wait3A_478, %dma_wait3A_479] : memref<50048x16xf32, #tpu.memory_space<vmem_shared>> -> memref<50048x16xf32, #tpu.memory_space<vmem_shared>>
        tpu.wait_indirect_dma semaphore(%run_scoped3A_460 : memref<!tpu.dma_semaphore, #tpu.memory_space<semaphore_mem>>) src(%dma_wait3A_474 : memref<128x16xf32, #tpu.memory_space<vmem>>) dst(%dma_wait3A_480 : memref<50048x16xf32, #tpu.memory_space<vmem_shared>>)
        tpu.yield
      }) : () -> ()
      %add3A_331 = arith.constant 10 : i32
      %add3A_332 = arith.addi %mul3A_164, %add3A_331 : i32
      %add3A_333 = arith.constant 5 : i32
      %add3A_334 = arith.addi %add3A_332, %add3A_333 : i32
      %lt3A_335 = arith.constant 200 : i32
      %lt3A_336 = arith.cmpi slt, %add3A_334, %lt3A_335 : i32
      %convert_element_type3A_337 = arith.extui %lt3A_336 : i1 to i32
      %cond3A_338 = arith.constant 0 : i32
      %cond3A_339 = arith.cmpi ne, %convert_element_type3A_337, %cond3A_338 : i32
      scf.if %cond3A_339 {
        %add3A_460 = arith.constant 10 : i32
        %add3A_461 = arith.addi %mul3A_164, %add3A_460 : i32
        %add3A_462 = arith.constant 5 : i32
        %add3A_463 = arith.addi %add3A_461, %add3A_462 : i32
        %dma_start3A_464 = arith.constant 5 : i32
        %dma_start3A_465 = arith.constant 5 : i32
        %dma_start3A_466 = arith.constant 0 : i32
        %dma_start3A_467 = arith.constant 0 : i32
        %dma_start3A_468 = tpu.memref_slice %arg10[%dma_start3A_464, %dma_start3A_466, %dma_start3A_467] : memref<10x128x16xf32, #tpu.memory_space<vmem>> -> memref<1x128x16xf32, #tpu.memory_space<vmem>>
        %dma_start3A_469 = tpu.memref_squeeze %dma_start3A_468 : memref<1x128x16xf32, #tpu.memory_space<vmem>> -> memref<128x16xf32, #tpu.memory_space<vmem>>
        %dma_start3A_470 = arith.constant 0 : i32
        %dma_start3A_471 = tpu.memref_slice %arg8[%add3A_463, %dma_start3A_470] : memref<200x128xi32, #tpu.memory_space<vmem>> -> memref<1x128xi32, #tpu.memory_space<vmem>>
        %dma_start3A_472 = tpu.memref_squeeze %dma_start3A_471 : memref<1x128xi32, #tpu.memory_space<vmem>> -> memref<128xi32, #tpu.memory_space<vmem>>
        %dma_start3A_473 = arith.constant 0 : i32
        %dma_start3A_474 = arith.constant 0 : i32
        %dma_start3A_475 = tpu.memref_slice %arg4[%dma_start3A_473, %dma_start3A_474] : memref<50048x16xf32, #tpu.memory_space<hbm>> -> memref<50048x16xf32, #tpu.memory_space<hbm>>
        %dma_start3A_476 = tpu.memref_slice %arg11[%dma_start3A_465] : memref<10x!tpu.dma_semaphore, #tpu.memory_space<semaphore_mem>> -> memref<1x!tpu.dma_semaphore, #tpu.memory_space<semaphore_mem>>
        %dma_start3A_477 = tpu.memref_squeeze %dma_start3A_476 : memref<1x!tpu.dma_semaphore, #tpu.memory_space<semaphore_mem>> -> memref<!tpu.dma_semaphore, #tpu.memory_space<semaphore_mem>>
        tpu.enqueue_indirect_dma source(%dma_start3A_475 : memref<50048x16xf32, #tpu.memory_space<hbm>>) target(%dma_start3A_469 : memref<128x16xf32, #tpu.memory_space<vmem>>) offsets(%dma_start3A_472 : memref<128xi32, #tpu.memory_space<vmem>>) semaphore(%dma_start3A_477 : memref<!tpu.dma_semaphore, #tpu.memory_space<semaphore_mem>>)
      } else {
      }
      %dma_wait3A_340 = arith.constant 6 : i32
      %dma_wait3A_341 = arith.constant 6 : i32
      %dma_wait3A_342 = arith.constant 0 : i32
      %dma_wait3A_343 = arith.constant 0 : i32
      %dma_wait3A_344 = tpu.memref_slice %arg10[%dma_wait3A_340, %dma_wait3A_342, %dma_wait3A_343] : memref<10x128x16xf32, #tpu.memory_space<vmem>> -> memref<1x128x16xf32, #tpu.memory_space<vmem>>
      %dma_wait3A_345 = tpu.memref_squeeze %dma_wait3A_344 : memref<1x128x16xf32, #tpu.memory_space<vmem>> -> memref<128x16xf32, #tpu.memory_space<vmem>>
      %dma_wait3A_346 = arith.constant 0 : i32
      %dma_wait3A_347 = arith.constant 0 : i32
      %dma_wait3A_348 = tpu.memref_slice %arg5[%dma_wait3A_346, %dma_wait3A_347] : memref<50048x16xf32, #tpu.memory_space<hbm>> -> memref<128x16xf32, #tpu.memory_space<hbm>>
      %dma_wait3A_349 = tpu.memref_slice %arg11[%dma_wait3A_341] : memref<10x!tpu.dma_semaphore, #tpu.memory_space<semaphore_mem>> -> memref<1x!tpu.dma_semaphore, #tpu.memory_space<semaphore_mem>>
      %dma_wait3A_350 = tpu.memref_squeeze %dma_wait3A_349 : memref<1x!tpu.dma_semaphore, #tpu.memory_space<semaphore_mem>> -> memref<!tpu.dma_semaphore, #tpu.memory_space<semaphore_mem>>
      %dma_wait3A_351 = arith.constant 0 : i32
      %dma_wait3A_352 = arith.constant 0 : i32
      %dma_wait3A_353 = tpu.memref_slice %arg10[%dma_wait3A_340, %dma_wait3A_351, %dma_wait3A_352] : memref<10x128x16xf32, #tpu.memory_space<vmem>> -> memref<1x128x16xf32, #tpu.memory_space<vmem>>
      %dma_wait3A_354 = tpu.memref_squeeze %dma_wait3A_353 : memref<1x128x16xf32, #tpu.memory_space<vmem>> -> memref<128x16xf32, #tpu.memory_space<vmem>>
      %dma_wait3A_355 = arith.constant 0 : i32
      %dma_wait3A_356 = arith.constant 0 : i32
      %dma_wait3A_357 = tpu.memref_slice %arg5[%dma_wait3A_355, %dma_wait3A_356] : memref<50048x16xf32, #tpu.memory_space<hbm>> -> memref<128x16xf32, #tpu.memory_space<hbm>>
      tpu.wait_dma2 semaphore(%dma_wait3A_350 : memref<!tpu.dma_semaphore, #tpu.memory_space<semaphore_mem>>) src(%dma_wait3A_357 : memref<128x16xf32, #tpu.memory_space<hbm>>) dst(%dma_wait3A_354 : memref<128x16xf32, #tpu.memory_space<vmem>>)
      %add3A_358 = arith.constant 6 : i32
      %add3A_359 = arith.addi %mul3A_164, %add3A_358 : i32
      %run_scoped3A_360 = arith.constant 6 : i32
      "tpu.region"() ({
        %run_scoped3A_460 = tpu.sem_alloc : memref<!tpu.dma_semaphore, #tpu.memory_space<semaphore_mem>>
        %dma_start3A_461 = arith.constant 0 : i32
        %dma_start3A_462 = arith.constant 0 : i32
        %dma_start3A_463 = tpu.memref_slice %arg10[%run_scoped3A_360, %dma_start3A_461, %dma_start3A_462] : memref<10x128x16xf32, #tpu.memory_space<vmem>> -> memref<1x128x16xf32, #tpu.memory_space<vmem>>
        %dma_start3A_464 = tpu.memref_squeeze %dma_start3A_463 : memref<1x128x16xf32, #tpu.memory_space<vmem>> -> memref<128x16xf32, #tpu.memory_space<vmem>>
        %dma_start3A_465 = arith.constant 0 : i32
        %dma_start3A_466 = tpu.memref_slice %arg9[%add3A_359, %dma_start3A_465] : memref<200x128xi32, #tpu.memory_space<vmem>> -> memref<1x128xi32, #tpu.memory_space<vmem>>
        %dma_start3A_467 = tpu.memref_squeeze %dma_start3A_466 : memref<1x128xi32, #tpu.memory_space<vmem>> -> memref<128xi32, #tpu.memory_space<vmem>>
        %dma_start3A_468 = arith.constant 0 : i32
        %dma_start3A_469 = arith.constant 0 : i32
        %dma_start3A_470 = tpu.memref_slice %arg7[%dma_start3A_468, %dma_start3A_469] : memref<50048x16xf32, #tpu.memory_space<vmem_shared>> -> memref<50048x16xf32, #tpu.memory_space<vmem_shared>>
        tpu.enqueue_indirect_dma source(%dma_start3A_464 : memref<128x16xf32, #tpu.memory_space<vmem>>) target(%dma_start3A_470 : memref<50048x16xf32, #tpu.memory_space<vmem_shared>>) offsets(%dma_start3A_467 : memref<128xi32, #tpu.memory_space<vmem>>) semaphore(%run_scoped3A_460 : memref<!tpu.dma_semaphore, #tpu.memory_space<semaphore_mem>>) {add = true}
        %dma_wait3A_471 = arith.constant 0 : i32
        %dma_wait3A_472 = arith.constant 0 : i32
        %dma_wait3A_473 = tpu.memref_slice %arg10[%run_scoped3A_360, %dma_wait3A_471, %dma_wait3A_472] : memref<10x128x16xf32, #tpu.memory_space<vmem>> -> memref<1x128x16xf32, #tpu.memory_space<vmem>>
        %dma_wait3A_474 = tpu.memref_squeeze %dma_wait3A_473 : memref<1x128x16xf32, #tpu.memory_space<vmem>> -> memref<128x16xf32, #tpu.memory_space<vmem>>
        %dma_wait3A_475 = arith.constant 0 : i32
        %dma_wait3A_476 = tpu.memref_slice %arg9[%add3A_359, %dma_wait3A_475] : memref<200x128xi32, #tpu.memory_space<vmem>> -> memref<1x128xi32, #tpu.memory_space<vmem>>
        %dma_wait3A_477 = tpu.memref_squeeze %dma_wait3A_476 : memref<1x128xi32, #tpu.memory_space<vmem>> -> memref<128xi32, #tpu.memory_space<vmem>>
        %dma_wait3A_478 = arith.constant 0 : i32
        %dma_wait3A_479 = arith.constant 0 : i32
        %dma_wait3A_480 = tpu.memref_slice %arg7[%dma_wait3A_478, %dma_wait3A_479] : memref<50048x16xf32, #tpu.memory_space<vmem_shared>> -> memref<50048x16xf32, #tpu.memory_space<vmem_shared>>
        tpu.wait_indirect_dma semaphore(%run_scoped3A_460 : memref<!tpu.dma_semaphore, #tpu.memory_space<semaphore_mem>>) src(%dma_wait3A_474 : memref<128x16xf32, #tpu.memory_space<vmem>>) dst(%dma_wait3A_480 : memref<50048x16xf32, #tpu.memory_space<vmem_shared>>)
        tpu.yield
      }) : () -> ()
      %add3A_361 = arith.constant 10 : i32
      %add3A_362 = arith.addi %mul3A_164, %add3A_361 : i32
      %add3A_363 = arith.constant 6 : i32
      %add3A_364 = arith.addi %add3A_362, %add3A_363 : i32
      %lt3A_365 = arith.constant 200 : i32
      %lt3A_366 = arith.cmpi slt, %add3A_364, %lt3A_365 : i32
      %convert_element_type3A_367 = arith.extui %lt3A_366 : i1 to i32
      %cond3A_368 = arith.constant 0 : i32
      %cond3A_369 = arith.cmpi ne, %convert_element_type3A_367, %cond3A_368 : i32
      scf.if %cond3A_369 {
        %add3A_460 = arith.constant 10 : i32
        %add3A_461 = arith.addi %mul3A_164, %add3A_460 : i32
        %add3A_462 = arith.constant 6 : i32
        %add3A_463 = arith.addi %add3A_461, %add3A_462 : i32
        %dma_start3A_464 = arith.constant 6 : i32
        %dma_start3A_465 = arith.constant 6 : i32
        %dma_start3A_466 = arith.constant 0 : i32
        %dma_start3A_467 = arith.constant 0 : i32
        %dma_start3A_468 = tpu.memref_slice %arg10[%dma_start3A_464, %dma_start3A_466, %dma_start3A_467] : memref<10x128x16xf32, #tpu.memory_space<vmem>> -> memref<1x128x16xf32, #tpu.memory_space<vmem>>
        %dma_start3A_469 = tpu.memref_squeeze %dma_start3A_468 : memref<1x128x16xf32, #tpu.memory_space<vmem>> -> memref<128x16xf32, #tpu.memory_space<vmem>>
        %dma_start3A_470 = arith.constant 0 : i32
        %dma_start3A_471 = tpu.memref_slice %arg8[%add3A_463, %dma_start3A_470] : memref<200x128xi32, #tpu.memory_space<vmem>> -> memref<1x128xi32, #tpu.memory_space<vmem>>
        %dma_start3A_472 = tpu.memref_squeeze %dma_start3A_471 : memref<1x128xi32, #tpu.memory_space<vmem>> -> memref<128xi32, #tpu.memory_space<vmem>>
        %dma_start3A_473 = arith.constant 0 : i32
        %dma_start3A_474 = arith.constant 0 : i32
        %dma_start3A_475 = tpu.memref_slice %arg4[%dma_start3A_473, %dma_start3A_474] : memref<50048x16xf32, #tpu.memory_space<hbm>> -> memref<50048x16xf32, #tpu.memory_space<hbm>>
        %dma_start3A_476 = tpu.memref_slice %arg11[%dma_start3A_465] : memref<10x!tpu.dma_semaphore, #tpu.memory_space<semaphore_mem>> -> memref<1x!tpu.dma_semaphore, #tpu.memory_space<semaphore_mem>>
        %dma_start3A_477 = tpu.memref_squeeze %dma_start3A_476 : memref<1x!tpu.dma_semaphore, #tpu.memory_space<semaphore_mem>> -> memref<!tpu.dma_semaphore, #tpu.memory_space<semaphore_mem>>
        tpu.enqueue_indirect_dma source(%dma_start3A_475 : memref<50048x16xf32, #tpu.memory_space<hbm>>) target(%dma_start3A_469 : memref<128x16xf32, #tpu.memory_space<vmem>>) offsets(%dma_start3A_472 : memref<128xi32, #tpu.memory_space<vmem>>) semaphore(%dma_start3A_477 : memref<!tpu.dma_semaphore, #tpu.memory_space<semaphore_mem>>)
      } else {
      }
      %dma_wait3A_370 = arith.constant 7 : i32
      %dma_wait3A_371 = arith.constant 7 : i32
      %dma_wait3A_372 = arith.constant 0 : i32
      %dma_wait3A_373 = arith.constant 0 : i32
      %dma_wait3A_374 = tpu.memref_slice %arg10[%dma_wait3A_370, %dma_wait3A_372, %dma_wait3A_373] : memref<10x128x16xf32, #tpu.memory_space<vmem>> -> memref<1x128x16xf32, #tpu.memory_space<vmem>>
      %dma_wait3A_375 = tpu.memref_squeeze %dma_wait3A_374 : memref<1x128x16xf32, #tpu.memory_space<vmem>> -> memref<128x16xf32, #tpu.memory_space<vmem>>
      %dma_wait3A_376 = arith.constant 0 : i32
      %dma_wait3A_377 = arith.constant 0 : i32
      %dma_wait3A_378 = tpu.memref_slice %arg5[%dma_wait3A_376, %dma_wait3A_377] : memref<50048x16xf32, #tpu.memory_space<hbm>> -> memref<128x16xf32, #tpu.memory_space<hbm>>
      %dma_wait3A_379 = tpu.memref_slice %arg11[%dma_wait3A_371] : memref<10x!tpu.dma_semaphore, #tpu.memory_space<semaphore_mem>> -> memref<1x!tpu.dma_semaphore, #tpu.memory_space<semaphore_mem>>
      %dma_wait3A_380 = tpu.memref_squeeze %dma_wait3A_379 : memref<1x!tpu.dma_semaphore, #tpu.memory_space<semaphore_mem>> -> memref<!tpu.dma_semaphore, #tpu.memory_space<semaphore_mem>>
      %dma_wait3A_381 = arith.constant 0 : i32
      %dma_wait3A_382 = arith.constant 0 : i32
      %dma_wait3A_383 = tpu.memref_slice %arg10[%dma_wait3A_370, %dma_wait3A_381, %dma_wait3A_382] : memref<10x128x16xf32, #tpu.memory_space<vmem>> -> memref<1x128x16xf32, #tpu.memory_space<vmem>>
      %dma_wait3A_384 = tpu.memref_squeeze %dma_wait3A_383 : memref<1x128x16xf32, #tpu.memory_space<vmem>> -> memref<128x16xf32, #tpu.memory_space<vmem>>
      %dma_wait3A_385 = arith.constant 0 : i32
      %dma_wait3A_386 = arith.constant 0 : i32
      %dma_wait3A_387 = tpu.memref_slice %arg5[%dma_wait3A_385, %dma_wait3A_386] : memref<50048x16xf32, #tpu.memory_space<hbm>> -> memref<128x16xf32, #tpu.memory_space<hbm>>
      tpu.wait_dma2 semaphore(%dma_wait3A_380 : memref<!tpu.dma_semaphore, #tpu.memory_space<semaphore_mem>>) src(%dma_wait3A_387 : memref<128x16xf32, #tpu.memory_space<hbm>>) dst(%dma_wait3A_384 : memref<128x16xf32, #tpu.memory_space<vmem>>)
      %add3A_388 = arith.constant 7 : i32
      %add3A_389 = arith.addi %mul3A_164, %add3A_388 : i32
      %run_scoped3A_390 = arith.constant 7 : i32
      "tpu.region"() ({
        %run_scoped3A_460 = tpu.sem_alloc : memref<!tpu.dma_semaphore, #tpu.memory_space<semaphore_mem>>
        %dma_start3A_461 = arith.constant 0 : i32
        %dma_start3A_462 = arith.constant 0 : i32
        %dma_start3A_463 = tpu.memref_slice %arg10[%run_scoped3A_390, %dma_start3A_461, %dma_start3A_462] : memref<10x128x16xf32, #tpu.memory_space<vmem>> -> memref<1x128x16xf32, #tpu.memory_space<vmem>>
        %dma_start3A_464 = tpu.memref_squeeze %dma_start3A_463 : memref<1x128x16xf32, #tpu.memory_space<vmem>> -> memref<128x16xf32, #tpu.memory_space<vmem>>
        %dma_start3A_465 = arith.constant 0 : i32
        %dma_start3A_466 = tpu.memref_slice %arg9[%add3A_389, %dma_start3A_465] : memref<200x128xi32, #tpu.memory_space<vmem>> -> memref<1x128xi32, #tpu.memory_space<vmem>>
        %dma_start3A_467 = tpu.memref_squeeze %dma_start3A_466 : memref<1x128xi32, #tpu.memory_space<vmem>> -> memref<128xi32, #tpu.memory_space<vmem>>
        %dma_start3A_468 = arith.constant 0 : i32
        %dma_start3A_469 = arith.constant 0 : i32
        %dma_start3A_470 = tpu.memref_slice %arg7[%dma_start3A_468, %dma_start3A_469] : memref<50048x16xf32, #tpu.memory_space<vmem_shared>> -> memref<50048x16xf32, #tpu.memory_space<vmem_shared>>
        tpu.enqueue_indirect_dma source(%dma_start3A_464 : memref<128x16xf32, #tpu.memory_space<vmem>>) target(%dma_start3A_470 : memref<50048x16xf32, #tpu.memory_space<vmem_shared>>) offsets(%dma_start3A_467 : memref<128xi32, #tpu.memory_space<vmem>>) semaphore(%run_scoped3A_460 : memref<!tpu.dma_semaphore, #tpu.memory_space<semaphore_mem>>) {add = true}
        %dma_wait3A_471 = arith.constant 0 : i32
        %dma_wait3A_472 = arith.constant 0 : i32
        %dma_wait3A_473 = tpu.memref_slice %arg10[%run_scoped3A_390, %dma_wait3A_471, %dma_wait3A_472] : memref<10x128x16xf32, #tpu.memory_space<vmem>> -> memref<1x128x16xf32, #tpu.memory_space<vmem>>
        %dma_wait3A_474 = tpu.memref_squeeze %dma_wait3A_473 : memref<1x128x16xf32, #tpu.memory_space<vmem>> -> memref<128x16xf32, #tpu.memory_space<vmem>>
        %dma_wait3A_475 = arith.constant 0 : i32
        %dma_wait3A_476 = tpu.memref_slice %arg9[%add3A_389, %dma_wait3A_475] : memref<200x128xi32, #tpu.memory_space<vmem>> -> memref<1x128xi32, #tpu.memory_space<vmem>>
        %dma_wait3A_477 = tpu.memref_squeeze %dma_wait3A_476 : memref<1x128xi32, #tpu.memory_space<vmem>> -> memref<128xi32, #tpu.memory_space<vmem>>
        %dma_wait3A_478 = arith.constant 0 : i32
        %dma_wait3A_479 = arith.constant 0 : i32
        %dma_wait3A_480 = tpu.memref_slice %arg7[%dma_wait3A_478, %dma_wait3A_479] : memref<50048x16xf32, #tpu.memory_space<vmem_shared>> -> memref<50048x16xf32, #tpu.memory_space<vmem_shared>>
        tpu.wait_indirect_dma semaphore(%run_scoped3A_460 : memref<!tpu.dma_semaphore, #tpu.memory_space<semaphore_mem>>) src(%dma_wait3A_474 : memref<128x16xf32, #tpu.memory_space<vmem>>) dst(%dma_wait3A_480 : memref<50048x16xf32, #tpu.memory_space<vmem_shared>>)
        tpu.yield
      }) : () -> ()
      %add3A_391 = arith.constant 10 : i32
      %add3A_392 = arith.addi %mul3A_164, %add3A_391 : i32
      %add3A_393 = arith.constant 7 : i32
      %add3A_394 = arith.addi %add3A_392, %add3A_393 : i32
      %lt3A_395 = arith.constant 200 : i32
      %lt3A_396 = arith.cmpi slt, %add3A_394, %lt3A_395 : i32
      %convert_element_type3A_397 = arith.extui %lt3A_396 : i1 to i32
      %cond3A_398 = arith.constant 0 : i32
      %cond3A_399 = arith.cmpi ne, %convert_element_type3A_397, %cond3A_398 : i32
      scf.if %cond3A_399 {
        %add3A_460 = arith.constant 10 : i32
        %add3A_461 = arith.addi %mul3A_164, %add3A_460 : i32
        %add3A_462 = arith.constant 7 : i32
        %add3A_463 = arith.addi %add3A_461, %add3A_462 : i32
        %dma_start3A_464 = arith.constant 7 : i32
        %dma_start3A_465 = arith.constant 7 : i32
        %dma_start3A_466 = arith.constant 0 : i32
        %dma_start3A_467 = arith.constant 0 : i32
        %dma_start3A_468 = tpu.memref_slice %arg10[%dma_start3A_464, %dma_start3A_466, %dma_start3A_467] : memref<10x128x16xf32, #tpu.memory_space<vmem>> -> memref<1x128x16xf32, #tpu.memory_space<vmem>>
        %dma_start3A_469 = tpu.memref_squeeze %dma_start3A_468 : memref<1x128x16xf32, #tpu.memory_space<vmem>> -> memref<128x16xf32, #tpu.memory_space<vmem>>
        %dma_start3A_470 = arith.constant 0 : i32
        %dma_start3A_471 = tpu.memref_slice %arg8[%add3A_463, %dma_start3A_470] : memref<200x128xi32, #tpu.memory_space<vmem>> -> memref<1x128xi32, #tpu.memory_space<vmem>>
        %dma_start3A_472 = tpu.memref_squeeze %dma_start3A_471 : memref<1x128xi32, #tpu.memory_space<vmem>> -> memref<128xi32, #tpu.memory_space<vmem>>
        %dma_start3A_473 = arith.constant 0 : i32
        %dma_start3A_474 = arith.constant 0 : i32
        %dma_start3A_475 = tpu.memref_slice %arg4[%dma_start3A_473, %dma_start3A_474] : memref<50048x16xf32, #tpu.memory_space<hbm>> -> memref<50048x16xf32, #tpu.memory_space<hbm>>
        %dma_start3A_476 = tpu.memref_slice %arg11[%dma_start3A_465] : memref<10x!tpu.dma_semaphore, #tpu.memory_space<semaphore_mem>> -> memref<1x!tpu.dma_semaphore, #tpu.memory_space<semaphore_mem>>
        %dma_start3A_477 = tpu.memref_squeeze %dma_start3A_476 : memref<1x!tpu.dma_semaphore, #tpu.memory_space<semaphore_mem>> -> memref<!tpu.dma_semaphore, #tpu.memory_space<semaphore_mem>>
        tpu.enqueue_indirect_dma source(%dma_start3A_475 : memref<50048x16xf32, #tpu.memory_space<hbm>>) target(%dma_start3A_469 : memref<128x16xf32, #tpu.memory_space<vmem>>) offsets(%dma_start3A_472 : memref<128xi32, #tpu.memory_space<vmem>>) semaphore(%dma_start3A_477 : memref<!tpu.dma_semaphore, #tpu.memory_space<semaphore_mem>>)
      } else {
      }
      %dma_wait3A_400 = arith.constant 8 : i32
      %dma_wait3A_401 = arith.constant 8 : i32
      %dma_wait3A_402 = arith.constant 0 : i32
      %dma_wait3A_403 = arith.constant 0 : i32
      %dma_wait3A_404 = tpu.memref_slice %arg10[%dma_wait3A_400, %dma_wait3A_402, %dma_wait3A_403] : memref<10x128x16xf32, #tpu.memory_space<vmem>> -> memref<1x128x16xf32, #tpu.memory_space<vmem>>
      %dma_wait3A_405 = tpu.memref_squeeze %dma_wait3A_404 : memref<1x128x16xf32, #tpu.memory_space<vmem>> -> memref<128x16xf32, #tpu.memory_space<vmem>>
      %dma_wait3A_406 = arith.constant 0 : i32
      %dma_wait3A_407 = arith.constant 0 : i32
      %dma_wait3A_408 = tpu.memref_slice %arg5[%dma_wait3A_406, %dma_wait3A_407] : memref<50048x16xf32, #tpu.memory_space<hbm>> -> memref<128x16xf32, #tpu.memory_space<hbm>>
      %dma_wait3A_409 = tpu.memref_slice %arg11[%dma_wait3A_401] : memref<10x!tpu.dma_semaphore, #tpu.memory_space<semaphore_mem>> -> memref<1x!tpu.dma_semaphore, #tpu.memory_space<semaphore_mem>>
      %dma_wait3A_410 = tpu.memref_squeeze %dma_wait3A_409 : memref<1x!tpu.dma_semaphore, #tpu.memory_space<semaphore_mem>> -> memref<!tpu.dma_semaphore, #tpu.memory_space<semaphore_mem>>
      %dma_wait3A_411 = arith.constant 0 : i32
      %dma_wait3A_412 = arith.constant 0 : i32
      %dma_wait3A_413 = tpu.memref_slice %arg10[%dma_wait3A_400, %dma_wait3A_411, %dma_wait3A_412] : memref<10x128x16xf32, #tpu.memory_space<vmem>> -> memref<1x128x16xf32, #tpu.memory_space<vmem>>
      %dma_wait3A_414 = tpu.memref_squeeze %dma_wait3A_413 : memref<1x128x16xf32, #tpu.memory_space<vmem>> -> memref<128x16xf32, #tpu.memory_space<vmem>>
      %dma_wait3A_415 = arith.constant 0 : i32
      %dma_wait3A_416 = arith.constant 0 : i32
      %dma_wait3A_417 = tpu.memref_slice %arg5[%dma_wait3A_415, %dma_wait3A_416] : memref<50048x16xf32, #tpu.memory_space<hbm>> -> memref<128x16xf32, #tpu.memory_space<hbm>>
      tpu.wait_dma2 semaphore(%dma_wait3A_410 : memref<!tpu.dma_semaphore, #tpu.memory_space<semaphore_mem>>) src(%dma_wait3A_417 : memref<128x16xf32, #tpu.memory_space<hbm>>) dst(%dma_wait3A_414 : memref<128x16xf32, #tpu.memory_space<vmem>>)
      %add3A_418 = arith.constant 8 : i32
      %add3A_419 = arith.addi %mul3A_164, %add3A_418 : i32
      %run_scoped3A_420 = arith.constant 8 : i32
      "tpu.region"() ({
        %run_scoped3A_460 = tpu.sem_alloc : memref<!tpu.dma_semaphore, #tpu.memory_space<semaphore_mem>>
        %dma_start3A_461 = arith.constant 0 : i32
        %dma_start3A_462 = arith.constant 0 : i32
        %dma_start3A_463 = tpu.memref_slice %arg10[%run_scoped3A_420, %dma_start3A_461, %dma_start3A_462] : memref<10x128x16xf32, #tpu.memory_space<vmem>> -> memref<1x128x16xf32, #tpu.memory_space<vmem>>
        %dma_start3A_464 = tpu.memref_squeeze %dma_start3A_463 : memref<1x128x16xf32, #tpu.memory_space<vmem>> -> memref<128x16xf32, #tpu.memory_space<vmem>>
        %dma_start3A_465 = arith.constant 0 : i32
        %dma_start3A_466 = tpu.memref_slice %arg9[%add3A_419, %dma_start3A_465] : memref<200x128xi32, #tpu.memory_space<vmem>> -> memref<1x128xi32, #tpu.memory_space<vmem>>
        %dma_start3A_467 = tpu.memref_squeeze %dma_start3A_466 : memref<1x128xi32, #tpu.memory_space<vmem>> -> memref<128xi32, #tpu.memory_space<vmem>>
        %dma_start3A_468 = arith.constant 0 : i32
        %dma_start3A_469 = arith.constant 0 : i32
        %dma_start3A_470 = tpu.memref_slice %arg7[%dma_start3A_468, %dma_start3A_469] : memref<50048x16xf32, #tpu.memory_space<vmem_shared>> -> memref<50048x16xf32, #tpu.memory_space<vmem_shared>>
        tpu.enqueue_indirect_dma source(%dma_start3A_464 : memref<128x16xf32, #tpu.memory_space<vmem>>) target(%dma_start3A_470 : memref<50048x16xf32, #tpu.memory_space<vmem_shared>>) offsets(%dma_start3A_467 : memref<128xi32, #tpu.memory_space<vmem>>) semaphore(%run_scoped3A_460 : memref<!tpu.dma_semaphore, #tpu.memory_space<semaphore_mem>>) {add = true}
        %dma_wait3A_471 = arith.constant 0 : i32
        %dma_wait3A_472 = arith.constant 0 : i32
        %dma_wait3A_473 = tpu.memref_slice %arg10[%run_scoped3A_420, %dma_wait3A_471, %dma_wait3A_472] : memref<10x128x16xf32, #tpu.memory_space<vmem>> -> memref<1x128x16xf32, #tpu.memory_space<vmem>>
        %dma_wait3A_474 = tpu.memref_squeeze %dma_wait3A_473 : memref<1x128x16xf32, #tpu.memory_space<vmem>> -> memref<128x16xf32, #tpu.memory_space<vmem>>
        %dma_wait3A_475 = arith.constant 0 : i32
        %dma_wait3A_476 = tpu.memref_slice %arg9[%add3A_419, %dma_wait3A_475] : memref<200x128xi32, #tpu.memory_space<vmem>> -> memref<1x128xi32, #tpu.memory_space<vmem>>
        %dma_wait3A_477 = tpu.memref_squeeze %dma_wait3A_476 : memref<1x128xi32, #tpu.memory_space<vmem>> -> memref<128xi32, #tpu.memory_space<vmem>>
        %dma_wait3A_478 = arith.constant 0 : i32
        %dma_wait3A_479 = arith.constant 0 : i32
        %dma_wait3A_480 = tpu.memref_slice %arg7[%dma_wait3A_478, %dma_wait3A_479] : memref<50048x16xf32, #tpu.memory_space<vmem_shared>> -> memref<50048x16xf32, #tpu.memory_space<vmem_shared>>
        tpu.wait_indirect_dma semaphore(%run_scoped3A_460 : memref<!tpu.dma_semaphore, #tpu.memory_space<semaphore_mem>>) src(%dma_wait3A_474 : memref<128x16xf32, #tpu.memory_space<vmem>>) dst(%dma_wait3A_480 : memref<50048x16xf32, #tpu.memory_space<vmem_shared>>)
        tpu.yield
      }) : () -> ()
      %add3A_421 = arith.constant 10 : i32
      %add3A_422 = arith.addi %mul3A_164, %add3A_421 : i32
      %add3A_423 = arith.constant 8 : i32
      %add3A_424 = arith.addi %add3A_422, %add3A_423 : i32
      %lt3A_425 = arith.constant 200 : i32
      %lt3A_426 = arith.cmpi slt, %add3A_424, %lt3A_425 : i32
      %convert_element_type3A_427 = arith.extui %lt3A_426 : i1 to i32
      %cond3A_428 = arith.constant 0 : i32
      %cond3A_429 = arith.cmpi ne, %convert_element_type3A_427, %cond3A_428 : i32
      scf.if %cond3A_429 {
        %add3A_460 = arith.constant 10 : i32
        %add3A_461 = arith.addi %mul3A_164, %add3A_460 : i32
        %add3A_462 = arith.constant 8 : i32
        %add3A_463 = arith.addi %add3A_461, %add3A_462 : i32
        %dma_start3A_464 = arith.constant 8 : i32
        %dma_start3A_465 = arith.constant 8 : i32
        %dma_start3A_466 = arith.constant 0 : i32
        %dma_start3A_467 = arith.constant 0 : i32
        %dma_start3A_468 = tpu.memref_slice %arg10[%dma_start3A_464, %dma_start3A_466, %dma_start3A_467] : memref<10x128x16xf32, #tpu.memory_space<vmem>> -> memref<1x128x16xf32, #tpu.memory_space<vmem>>
        %dma_start3A_469 = tpu.memref_squeeze %dma_start3A_468 : memref<1x128x16xf32, #tpu.memory_space<vmem>> -> memref<128x16xf32, #tpu.memory_space<vmem>>
        %dma_start3A_470 = arith.constant 0 : i32
        %dma_start3A_471 = tpu.memref_slice %arg8[%add3A_463, %dma_start3A_470] : memref<200x128xi32, #tpu.memory_space<vmem>> -> memref<1x128xi32, #tpu.memory_space<vmem>>
        %dma_start3A_472 = tpu.memref_squeeze %dma_start3A_471 : memref<1x128xi32, #tpu.memory_space<vmem>> -> memref<128xi32, #tpu.memory_space<vmem>>
        %dma_start3A_473 = arith.constant 0 : i32
        %dma_start3A_474 = arith.constant 0 : i32
        %dma_start3A_475 = tpu.memref_slice %arg4[%dma_start3A_473, %dma_start3A_474] : memref<50048x16xf32, #tpu.memory_space<hbm>> -> memref<50048x16xf32, #tpu.memory_space<hbm>>
        %dma_start3A_476 = tpu.memref_slice %arg11[%dma_start3A_465] : memref<10x!tpu.dma_semaphore, #tpu.memory_space<semaphore_mem>> -> memref<1x!tpu.dma_semaphore, #tpu.memory_space<semaphore_mem>>
        %dma_start3A_477 = tpu.memref_squeeze %dma_start3A_476 : memref<1x!tpu.dma_semaphore, #tpu.memory_space<semaphore_mem>> -> memref<!tpu.dma_semaphore, #tpu.memory_space<semaphore_mem>>
        tpu.enqueue_indirect_dma source(%dma_start3A_475 : memref<50048x16xf32, #tpu.memory_space<hbm>>) target(%dma_start3A_469 : memref<128x16xf32, #tpu.memory_space<vmem>>) offsets(%dma_start3A_472 : memref<128xi32, #tpu.memory_space<vmem>>) semaphore(%dma_start3A_477 : memref<!tpu.dma_semaphore, #tpu.memory_space<semaphore_mem>>)
      } else {
      }
      %dma_wait3A_430 = arith.constant 9 : i32
      %dma_wait3A_431 = arith.constant 9 : i32
      %dma_wait3A_432 = arith.constant 0 : i32
      %dma_wait3A_433 = arith.constant 0 : i32
      %dma_wait3A_434 = tpu.memref_slice %arg10[%dma_wait3A_430, %dma_wait3A_432, %dma_wait3A_433] : memref<10x128x16xf32, #tpu.memory_space<vmem>> -> memref<1x128x16xf32, #tpu.memory_space<vmem>>
      %dma_wait3A_435 = tpu.memref_squeeze %dma_wait3A_434 : memref<1x128x16xf32, #tpu.memory_space<vmem>> -> memref<128x16xf32, #tpu.memory_space<vmem>>
      %dma_wait3A_436 = arith.constant 0 : i32
      %dma_wait3A_437 = arith.constant 0 : i32
      %dma_wait3A_438 = tpu.memref_slice %arg5[%dma_wait3A_436, %dma_wait3A_437] : memref<50048x16xf32, #tpu.memory_space<hbm>> -> memref<128x16xf32, #tpu.memory_space<hbm>>
      %dma_wait3A_439 = tpu.memref_slice %arg11[%dma_wait3A_431] : memref<10x!tpu.dma_semaphore, #tpu.memory_space<semaphore_mem>> -> memref<1x!tpu.dma_semaphore, #tpu.memory_space<semaphore_mem>>
      %dma_wait3A_440 = tpu.memref_squeeze %dma_wait3A_439 : memref<1x!tpu.dma_semaphore, #tpu.memory_space<semaphore_mem>> -> memref<!tpu.dma_semaphore, #tpu.memory_space<semaphore_mem>>
      %dma_wait3A_441 = arith.constant 0 : i32
      %dma_wait3A_442 = arith.constant 0 : i32
      %dma_wait3A_443 = tpu.memref_slice %arg10[%dma_wait3A_430, %dma_wait3A_441, %dma_wait3A_442] : memref<10x128x16xf32, #tpu.memory_space<vmem>> -> memref<1x128x16xf32, #tpu.memory_space<vmem>>
      %dma_wait3A_444 = tpu.memref_squeeze %dma_wait3A_443 : memref<1x128x16xf32, #tpu.memory_space<vmem>> -> memref<128x16xf32, #tpu.memory_space<vmem>>
      %dma_wait3A_445 = arith.constant 0 : i32
      %dma_wait3A_446 = arith.constant 0 : i32
      %dma_wait3A_447 = tpu.memref_slice %arg5[%dma_wait3A_445, %dma_wait3A_446] : memref<50048x16xf32, #tpu.memory_space<hbm>> -> memref<128x16xf32, #tpu.memory_space<hbm>>
      tpu.wait_dma2 semaphore(%dma_wait3A_440 : memref<!tpu.dma_semaphore, #tpu.memory_space<semaphore_mem>>) src(%dma_wait3A_447 : memref<128x16xf32, #tpu.memory_space<hbm>>) dst(%dma_wait3A_444 : memref<128x16xf32, #tpu.memory_space<vmem>>)
      %add3A_448 = arith.constant 9 : i32
      %add3A_449 = arith.addi %mul3A_164, %add3A_448 : i32
      %run_scoped3A_450 = arith.constant 9 : i32
      "tpu.region"() ({
        %run_scoped3A_460 = tpu.sem_alloc : memref<!tpu.dma_semaphore, #tpu.memory_space<semaphore_mem>>
        %dma_start3A_461 = arith.constant 0 : i32
        %dma_start3A_462 = arith.constant 0 : i32
        %dma_start3A_463 = tpu.memref_slice %arg10[%run_scoped3A_450, %dma_start3A_461, %dma_start3A_462] : memref<10x128x16xf32, #tpu.memory_space<vmem>> -> memref<1x128x16xf32, #tpu.memory_space<vmem>>
        %dma_start3A_464 = tpu.memref_squeeze %dma_start3A_463 : memref<1x128x16xf32, #tpu.memory_space<vmem>> -> memref<128x16xf32, #tpu.memory_space<vmem>>
        %dma_start3A_465 = arith.constant 0 : i32
        %dma_start3A_466 = tpu.memref_slice %arg9[%add3A_449, %dma_start3A_465] : memref<200x128xi32, #tpu.memory_space<vmem>> -> memref<1x128xi32, #tpu.memory_space<vmem>>
        %dma_start3A_467 = tpu.memref_squeeze %dma_start3A_466 : memref<1x128xi32, #tpu.memory_space<vmem>> -> memref<128xi32, #tpu.memory_space<vmem>>
        %dma_start3A_468 = arith.constant 0 : i32
        %dma_start3A_469 = arith.constant 0 : i32
        %dma_start3A_470 = tpu.memref_slice %arg7[%dma_start3A_468, %dma_start3A_469] : memref<50048x16xf32, #tpu.memory_space<vmem_shared>> -> memref<50048x16xf32, #tpu.memory_space<vmem_shared>>
        tpu.enqueue_indirect_dma source(%dma_start3A_464 : memref<128x16xf32, #tpu.memory_space<vmem>>) target(%dma_start3A_470 : memref<50048x16xf32, #tpu.memory_space<vmem_shared>>) offsets(%dma_start3A_467 : memref<128xi32, #tpu.memory_space<vmem>>) semaphore(%run_scoped3A_460 : memref<!tpu.dma_semaphore, #tpu.memory_space<semaphore_mem>>) {add = true}
        %dma_wait3A_471 = arith.constant 0 : i32
        %dma_wait3A_472 = arith.constant 0 : i32
        %dma_wait3A_473 = tpu.memref_slice %arg10[%run_scoped3A_450, %dma_wait3A_471, %dma_wait3A_472] : memref<10x128x16xf32, #tpu.memory_space<vmem>> -> memref<1x128x16xf32, #tpu.memory_space<vmem>>
        %dma_wait3A_474 = tpu.memref_squeeze %dma_wait3A_473 : memref<1x128x16xf32, #tpu.memory_space<vmem>> -> memref<128x16xf32, #tpu.memory_space<vmem>>
        %dma_wait3A_475 = arith.constant 0 : i32
        %dma_wait3A_476 = tpu.memref_slice %arg9[%add3A_449, %dma_wait3A_475] : memref<200x128xi32, #tpu.memory_space<vmem>> -> memref<1x128xi32, #tpu.memory_space<vmem>>
        %dma_wait3A_477 = tpu.memref_squeeze %dma_wait3A_476 : memref<1x128xi32, #tpu.memory_space<vmem>> -> memref<128xi32, #tpu.memory_space<vmem>>
        %dma_wait3A_478 = arith.constant 0 : i32
        %dma_wait3A_479 = arith.constant 0 : i32
        %dma_wait3A_480 = tpu.memref_slice %arg7[%dma_wait3A_478, %dma_wait3A_479] : memref<50048x16xf32, #tpu.memory_space<vmem_shared>> -> memref<50048x16xf32, #tpu.memory_space<vmem_shared>>
        tpu.wait_indirect_dma semaphore(%run_scoped3A_460 : memref<!tpu.dma_semaphore, #tpu.memory_space<semaphore_mem>>) src(%dma_wait3A_474 : memref<128x16xf32, #tpu.memory_space<vmem>>) dst(%dma_wait3A_480 : memref<50048x16xf32, #tpu.memory_space<vmem_shared>>)
        tpu.yield
      }) : () -> ()
      %add3A_451 = arith.constant 10 : i32
      %add3A_452 = arith.addi %mul3A_164, %add3A_451 : i32
      %add3A_453 = arith.constant 9 : i32
      %add3A_454 = arith.addi %add3A_452, %add3A_453 : i32
      %lt3A_455 = arith.constant 200 : i32
      %lt3A_456 = arith.cmpi slt, %add3A_454, %lt3A_455 : i32
      %convert_element_type3A_457 = arith.extui %lt3A_456 : i1 to i32
      %cond3A_458 = arith.constant 0 : i32
      %cond3A_459 = arith.cmpi ne, %convert_element_type3A_457, %cond3A_458 : i32
      scf.if %cond3A_459 {
        %add3A_460 = arith.constant 10 : i32
        %add3A_461 = arith.addi %mul3A_164, %add3A_460 : i32
        %add3A_462 = arith.constant 9 : i32
        %add3A_463 = arith.addi %add3A_461, %add3A_462 : i32
        %dma_start3A_464 = arith.constant 9 : i32
        %dma_start3A_465 = arith.constant 9 : i32
        %dma_start3A_466 = arith.constant 0 : i32
        %dma_start3A_467 = arith.constant 0 : i32
        %dma_start3A_468 = tpu.memref_slice %arg10[%dma_start3A_464, %dma_start3A_466, %dma_start3A_467] : memref<10x128x16xf32, #tpu.memory_space<vmem>> -> memref<1x128x16xf32, #tpu.memory_space<vmem>>
        %dma_start3A_469 = tpu.memref_squeeze %dma_start3A_468 : memref<1x128x16xf32, #tpu.memory_space<vmem>> -> memref<128x16xf32, #tpu.memory_space<vmem>>
        %dma_start3A_470 = arith.constant 0 : i32
        %dma_start3A_471 = tpu.memref_slice %arg8[%add3A_463, %dma_start3A_470] : memref<200x128xi32, #tpu.memory_space<vmem>> -> memref<1x128xi32, #tpu.memory_space<vmem>>
        %dma_start3A_472 = tpu.memref_squeeze %dma_start3A_471 : memref<1x128xi32, #tpu.memory_space<vmem>> -> memref<128xi32, #tpu.memory_space<vmem>>
        %dma_start3A_473 = arith.constant 0 : i32
        %dma_start3A_474 = arith.constant 0 : i32
        %dma_start3A_475 = tpu.memref_slice %arg4[%dma_start3A_473, %dma_start3A_474] : memref<50048x16xf32, #tpu.memory_space<hbm>> -> memref<50048x16xf32, #tpu.memory_space<hbm>>
        %dma_start3A_476 = tpu.memref_slice %arg11[%dma_start3A_465] : memref<10x!tpu.dma_semaphore, #tpu.memory_space<semaphore_mem>> -> memref<1x!tpu.dma_semaphore, #tpu.memory_space<semaphore_mem>>
        %dma_start3A_477 = tpu.memref_squeeze %dma_start3A_476 : memref<1x!tpu.dma_semaphore, #tpu.memory_space<semaphore_mem>> -> memref<!tpu.dma_semaphore, #tpu.memory_space<semaphore_mem>>
        tpu.enqueue_indirect_dma source(%dma_start3A_475 : memref<50048x16xf32, #tpu.memory_space<hbm>>) target(%dma_start3A_469 : memref<128x16xf32, #tpu.memory_space<vmem>>) offsets(%dma_start3A_472 : memref<128xi32, #tpu.memory_space<vmem>>) semaphore(%dma_start3A_477 : memref<!tpu.dma_semaphore, #tpu.memory_space<semaphore_mem>>)
      } else {
      }
    }
    %scan3A_158 = arith.constant 20 : i32
    %barrier3A_159 = arith.constant 0 : index
    tpu.barrier barrier_id(%barrier3A_159)
    %mul3A_160 = arith.constant 3128 : i32
    %mul3A_161 = arith.muli %arg1, %mul3A_160 : i32
    "tpu.region"() ({
      %run_scoped3A = tpu.sem_alloc : memref<!tpu.dma_semaphore, #tpu.memory_space<semaphore_mem>>
      %dma_start3A_162 = arith.constant 0 : i32
      %dma_start3A_163 = tpu.memref_slice %arg6[%arg0, %mul3A_161, %dma_start3A_162] : memref<2x50048x16xf32, #tpu.memory_space<hbm>> -> memref<1x3128x16xf32, #tpu.memory_space<hbm>>
      %dma_start3A_164 = tpu.memref_squeeze %dma_start3A_163 : memref<1x3128x16xf32, #tpu.memory_space<hbm>> -> memref<3128x16xf32, #tpu.memory_space<hbm>>
      %dma_start3A_165 = arith.constant 0 : i32
      %dma_start3A_166 = tpu.memref_slice %arg7[%mul3A_161, %dma_start3A_165] : memref<50048x16xf32, #tpu.memory_space<vmem_shared>> -> memref<3128x16xf32, #tpu.memory_space<vmem_shared>>
      tpu.enqueue_dma source(%dma_start3A_166 : memref<3128x16xf32, #tpu.memory_space<vmem_shared>>) target(%dma_start3A_164 : memref<3128x16xf32, #tpu.memory_space<hbm>>) target_semaphore(%run_scoped3A : memref<!tpu.dma_semaphore, #tpu.memory_space<semaphore_mem>>)
      %dma_wait3A = arith.constant 0 : i32
      %dma_wait3A_167 = tpu.memref_slice %arg6[%arg0, %mul3A_161, %dma_wait3A] : memref<2x50048x16xf32, #tpu.memory_space<hbm>> -> memref<1x3128x16xf32, #tpu.memory_space<hbm>>
      %dma_wait3A_168 = tpu.memref_squeeze %dma_wait3A_167 : memref<1x3128x16xf32, #tpu.memory_space<hbm>> -> memref<3128x16xf32, #tpu.memory_space<hbm>>
      %dma_wait3A_169 = arith.constant 0 : i32
      %dma_wait3A_170 = tpu.memref_slice %arg7[%mul3A_161, %dma_wait3A_169] : memref<50048x16xf32, #tpu.memory_space<vmem_shared>> -> memref<3128x16xf32, #tpu.memory_space<vmem_shared>>
      tpu.wait_dma2 semaphore(%run_scoped3A : memref<!tpu.dma_semaphore, #tpu.memory_space<semaphore_mem>>) src(%dma_wait3A_170 : memref<3128x16xf32, #tpu.memory_space<vmem_shared>>) dst(%dma_wait3A_168 : memref<3128x16xf32, #tpu.memory_space<hbm>>)
      tpu.yield
    }) : () -> ()
    return
  }
}

#map = affine_map<(d0, d1) -> (0, 0)>
#map1 = affine_map<(d0, d1) -> (0, 0, 0)>
module attributes {stable_mosaic.version = 14 : i64} {
  func.func @kern(%arg0: i32, %arg1: i32, %arg2: memref<6400x128xi32, #tpu.memory_space<hbm>>, %arg3: memref<6400x128xi32, #tpu.memory_space<hbm>>, %arg4: memref<50048x16xf32, #tpu.memory_space<hbm>>, %arg5: memref<50048x16xf32, #tpu.memory_space<hbm>>, %arg6: memref<2x50048x16xf32, #tpu.memory_space<hbm>>, %arg7: memref<50048x16xf32, #tpu.memory_space<vmem_shared>>, %arg8: memref<200x128xi32, #tpu.memory_space<vmem>>, %arg9: memref<200x128xi32, #tpu.memory_space<vmem>>, %arg10: memref<10x128x16xf32, #tpu.memory_space<vmem>>, %arg11: memref<10x!tpu.dma_semaphore, #tpu.memory_space<semaphore_mem>>) attributes {dimension_semantics = [#tpu.dimension_semantics<core_parallel>, #tpu.dimension_semantics<subcore_parallel>], iteration_bounds = array<i64: 2, 16>, scalar_prefetch = 0 : i64, scratch_operands = 5 : i64, tpu.core_type = #tpu.core_type<sc_vector_subcore>, window_params = [{transform_indices = #map}, {transform_indices = #map}, {transform_indices = #map}, {transform_indices = #map}, {transform_indices = #map1}]} {
    %mul3A = arith.constant 16 : i32
    %mul3A_0 = arith.muli %arg0, %mul3A : i32
    %add3A = arith.addi %mul3A_0, %arg1 : i32
    %mul3A_1 = arith.constant 200 : i32
    %mul3A_2 = arith.muli %add3A, %mul3A_1 : i32
    %mul3A_3 = arith.constant 3128 : i32
    %mul3A_4 = arith.muli %arg1, %mul3A_3 : i32
    "tpu.region"() ({
      %run_scoped3A = tpu.sem_alloc : memref<!tpu.dma_semaphore, #tpu.memory_space<semaphore_mem>>
      %dma_start3A_162 = arith.constant 0 : i32
      %dma_start3A_163 = tpu.memref_slice %arg7[%mul3A_4, %dma_start3A_162] : memref<50048x16xf32, #tpu.memory_space<vmem_shared>> -> memref<3128x16xf32, #tpu.memory_space<vmem_shared>>
      %dma_start3A_164 = arith.constant 0 : i32
      %dma_start3A_165 = tpu.memref_slice %arg5[%mul3A_4, %dma_start3A_164] : memref<50048x16xf32, #tpu.memory_space<hbm>> -> memref<3128x16xf32, #tpu.memory_space<hbm>>
      tpu.enqueue_dma source(%dma_start3A_165 : memref<3128x16xf32, #tpu.memory_space<hbm>>) target(%dma_start3A_163 : memref<3128x16xf32, #tpu.memory_space<vmem_shared>>) target_semaphore(%run_scoped3A : memref<!tpu.dma_semaphore, #tpu.memory_space<semaphore_mem>>)
      %dma_wait3A = arith.constant 0 : i32
      %dma_wait3A_166 = tpu.memref_slice %arg7[%mul3A_4, %dma_wait3A] : memref<50048x16xf32, #tpu.memory_space<vmem_shared>> -> memref<3128x16xf32, #tpu.memory_space<vmem_shared>>
      %dma_wait3A_167 = arith.constant 0 : i32
      %dma_wait3A_168 = tpu.memref_slice %arg5[%mul3A_4, %dma_wait3A_167] : memref<50048x16xf32, #tpu.memory_space<hbm>> -> memref<3128x16xf32, #tpu.memory_space<hbm>>
      tpu.wait_dma2 semaphore(%run_scoped3A : memref<!tpu.dma_semaphore, #tpu.memory_space<semaphore_mem>>) src(%dma_wait3A_168 : memref<3128x16xf32, #tpu.memory_space<hbm>>) dst(%dma_wait3A_166 : memref<3128x16xf32, #tpu.memory_space<vmem_shared>>)
      tpu.yield
    }) : () -> ()
    "tpu.region"() ({
      %run_scoped3A = tpu.sem_alloc : memref<!tpu.dma_semaphore, #tpu.memory_space<semaphore_mem>>
      %dma_start3A_162 = arith.constant 0 : i32
      %dma_start3A_163 = tpu.memref_slice %arg2[%mul3A_2, %dma_start3A_162] : memref<6400x128xi32, #tpu.memory_space<hbm>> -> memref<200x128xi32, #tpu.memory_space<hbm>>
      %dma_start3A_164 = arith.constant 0 : i32
      %dma_start3A_165 = tpu.memref_slice %arg2[%mul3A_2, %dma_start3A_164] : memref<6400x128xi32, #tpu.memory_space<hbm>> -> memref<200x128xi32, #tpu.memory_space<hbm>>
      tpu.enqueue_dma source(%dma_start3A_165 : memref<200x128xi32, #tpu.memory_space<hbm>>) target(%arg8 : memref<200x128xi32, #tpu.memory_space<vmem>>) target_semaphore(%run_scoped3A : memref<!tpu.dma_semaphore, #tpu.memory_space<semaphore_mem>>)
      %dma_wait3A = arith.constant 0 : i32
      %dma_wait3A_166 = tpu.memref_slice %arg2[%mul3A_2, %dma_wait3A] : memref<6400x128xi32, #tpu.memory_space<hbm>> -> memref<200x128xi32, #tpu.memory_space<hbm>>
      %dma_wait3A_167 = arith.constant 0 : i32
      %dma_wait3A_168 = tpu.memref_slice %arg2[%mul3A_2, %dma_wait3A_167] : memref<6400x128xi32, #tpu.memory_space<hbm>> -> memref<200x128xi32, #tpu.memory_space<hbm>>
      tpu.wait_dma2 semaphore(%run_scoped3A : memref<!tpu.dma_semaphore, #tpu.memory_space<semaphore_mem>>) src(%dma_wait3A_168 : memref<200x128xi32, #tpu.memory_space<hbm>>) dst(%arg8 : memref<200x128xi32, #tpu.memory_space<vmem>>)
      tpu.yield
    }) : () -> ()
    "tpu.region"() ({
      %run_scoped3A = tpu.sem_alloc : memref<!tpu.dma_semaphore, #tpu.memory_space<semaphore_mem>>
      %dma_start3A_162 = arith.constant 0 : i32
      %dma_start3A_163 = tpu.memref_slice %arg3[%mul3A_2, %dma_start3A_162] : memref<6400x128xi32, #tpu.memory_space<hbm>> -> memref<200x128xi32, #tpu.memory_space<hbm>>
      %dma_start3A_164 = arith.constant 0 : i32
      %dma_start3A_165 = tpu.memref_slice %arg3[%mul3A_2, %dma_start3A_164] : memref<6400x128xi32, #tpu.memory_space<hbm>> -> memref<200x128xi32, #tpu.memory_space<hbm>>
      tpu.enqueue_dma source(%dma_start3A_165 : memref<200x128xi32, #tpu.memory_space<hbm>>) target(%arg9 : memref<200x128xi32, #tpu.memory_space<vmem>>) target_semaphore(%run_scoped3A : memref<!tpu.dma_semaphore, #tpu.memory_space<semaphore_mem>>)
      %dma_wait3A = arith.constant 0 : i32
      %dma_wait3A_166 = tpu.memref_slice %arg3[%mul3A_2, %dma_wait3A] : memref<6400x128xi32, #tpu.memory_space<hbm>> -> memref<200x128xi32, #tpu.memory_space<hbm>>
      %dma_wait3A_167 = arith.constant 0 : i32
      %dma_wait3A_168 = tpu.memref_slice %arg3[%mul3A_2, %dma_wait3A_167] : memref<6400x128xi32, #tpu.memory_space<hbm>> -> memref<200x128xi32, #tpu.memory_space<hbm>>
      tpu.wait_dma2 semaphore(%run_scoped3A : memref<!tpu.dma_semaphore, #tpu.memory_space<semaphore_mem>>) src(%dma_wait3A_168 : memref<200x128xi32, #tpu.memory_space<hbm>>) dst(%arg9 : memref<200x128xi32, #tpu.memory_space<vmem>>)
      tpu.yield
    }) : () -> ()
    %barrier3A = arith.constant 0 : index
    tpu.barrier barrier_id(%barrier3A)
    %dma_start3A = arith.constant 0 : i32
    %dma_start3A_5 = arith.constant 0 : i32
    %dma_start3A_6 = arith.constant 0 : i32
    %dma_start3A_7 = arith.constant 0 : i32
    %dma_start3A_8 = arith.constant 0 : i32
    %dma_start3A_9 = tpu.memref_slice %arg10[%dma_start3A_5, %dma_start3A_7, %dma_start3A_8] : memref<10x128x16xf32, #tpu.memory_space<vmem>> -> memref<1x128x16xf32, #tpu.memory_space<vmem>>
    %dma_start3A_10 = tpu.memref_squeeze %dma_start3A_9 : memref<1x128x16xf32, #tpu.memory_space<vmem>> -> memref<128x16xf32, #tpu.memory_space<vmem>>
    %dma_start3A_11 = arith.constant 0 : i32
    %dma_start3A_12 = tpu.memref_slice %arg8[%dma_start3A, %dma_start3A_11] : memref<200x128xi32, #tpu.memory_space<vmem>> -> memref<1x128xi32, #tpu.memory_space<vmem>>
    %dma_start3A_13 = tpu.memref_squeeze %dma_start3A_12 : memref<1x128xi32, #tpu.memory_space<vmem>> -> memref<128xi32, #tpu.memory_space<vmem>>
    %dma_start3A_14 = arith.constant 0 : i32
    %dma_start3A_15 = arith.constant 0 : i32
    %dma_start3A_16 = tpu.memref_slice %arg4[%dma_start3A_14, %dma_start3A_15] : memref<50048x16xf32, #tpu.memory_space<hbm>> -> memref<50048x16xf32, #tpu.memory_space<hbm>>
    %dma_start3A_17 = tpu.memref_slice %arg11[%dma_start3A_6] : memref<10x!tpu.dma_semaphore, #tpu.memory_space<semaphore_mem>> -> memref<1x!tpu.dma_semaphore, #tpu.memory_space<semaphore_mem>>
    %dma_start3A_18 = tpu.memref_squeeze %dma_start3A_17 : memref<1x!tpu.dma_semaphore, #tpu.memory_space<semaphore_mem>> -> memref<!tpu.dma_semaphore, #tpu.memory_space<semaphore_mem>>
    tpu.enqueue_indirect_dma source(%dma_start3A_16 : memref<50048x16xf32, #tpu.memory_space<hbm>>) target(%dma_start3A_10 : memref<128x16xf32, #tpu.memory_space<vmem>>) offsets(%dma_start3A_13 : memref<128xi32, #tpu.memory_space<vmem>>) semaphore(%dma_start3A_18 : memref<!tpu.dma_semaphore, #tpu.memory_space<semaphore_mem>>)
    %dma_start3A_19 = arith.constant 1 : i32
    %dma_start3A_20 = arith.constant 1 : i32
    %dma_start3A_21 = arith.constant 1 : i32
    %dma_start3A_22 = arith.constant 0 : i32
    %dma_start3A_23 = arith.constant 0 : i32
    %dma_start3A_24 = tpu.memref_slice %arg10[%dma_start3A_20, %dma_start3A_22, %dma_start3A_23] : memref<10x128x16xf32, #tpu.memory_space<vmem>> -> memref<1x128x16xf32, #tpu.memory_space<vmem>>
    %dma_start3A_25 = tpu.memref_squeeze %dma_start3A_24 : memref<1x128x16xf32, #tpu.memory_space<vmem>> -> memref<128x16xf32, #tpu.memory_space<vmem>>
    %dma_start3A_26 = arith.constant 0 : i32
    %dma_start3A_27 = tpu.memref_slice %arg8[%dma_start3A_19, %dma_start3A_26] : memref<200x128xi32, #tpu.memory_space<vmem>> -> memref<1x128xi32, #tpu.memory_space<vmem>>
    %dma_start3A_28 = tpu.memref_squeeze %dma_start3A_27 : memref<1x128xi32, #tpu.memory_space<vmem>> -> memref<128xi32, #tpu.memory_space<vmem>>
    %dma_start3A_29 = arith.constant 0 : i32
    %dma_start3A_30 = arith.constant 0 : i32
    %dma_start3A_31 = tpu.memref_slice %arg4[%dma_start3A_29, %dma_start3A_30] : memref<50048x16xf32, #tpu.memory_space<hbm>> -> memref<50048x16xf32, #tpu.memory_space<hbm>>
    %dma_start3A_32 = tpu.memref_slice %arg11[%dma_start3A_21] : memref<10x!tpu.dma_semaphore, #tpu.memory_space<semaphore_mem>> -> memref<1x!tpu.dma_semaphore, #tpu.memory_space<semaphore_mem>>
    %dma_start3A_33 = tpu.memref_squeeze %dma_start3A_32 : memref<1x!tpu.dma_semaphore, #tpu.memory_space<semaphore_mem>> -> memref<!tpu.dma_semaphore, #tpu.memory_space<semaphore_mem>>
    tpu.enqueue_indirect_dma source(%dma_start3A_31 : memref<50048x16xf32, #tpu.memory_space<hbm>>) target(%dma_start3A_25 : memref<128x16xf32, #tpu.memory_space<vmem>>) offsets(%dma_start3A_28 : memref<128xi32, #tpu.memory_space<vmem>>) semaphore(%dma_start3A_33 : memref<!tpu.dma_semaphore, #tpu.memory_space<semaphore_mem>>)
    %dma_start3A_34 = arith.constant 2 : i32
    %dma_start3A_35 = arith.constant 2 : i32
    %dma_start3A_36 = arith.constant 2 : i32
    %dma_start3A_37 = arith.constant 0 : i32
    %dma_start3A_38 = arith.constant 0 : i32
    %dma_start3A_39 = tpu.memref_slice %arg10[%dma_start3A_35, %dma_start3A_37, %dma_start3A_38] : memref<10x128x16xf32, #tpu.memory_space<vmem>> -> memref<1x128x16xf32, #tpu.memory_space<vmem>>
    %dma_start3A_40 = tpu.memref_squeeze %dma_start3A_39 : memref<1x128x16xf32, #tpu.memory_space<vmem>> -> memref<128x16xf32, #tpu.memory_space<vmem>>
    %dma_start3A_41 = arith.constant 0 : i32
    %dma_start3A_42 = tpu.memref_slice %arg8[%dma_start3A_34, %dma_start3A_41] : memref<200x128xi32, #tpu.memory_space<vmem>> -> memref<1x128xi32, #tpu.memory_space<vmem>>
    %dma_start3A_43 = tpu.memref_squeeze %dma_start3A_42 : memref<1x128xi32, #tpu.memory_space<vmem>> -> memref<128xi32, #tpu.memory_space<vmem>>
    %dma_start3A_44 = arith.constant 0 : i32
    %dma_start3A_45 = arith.constant 0 : i32
    %dma_start3A_46 = tpu.memref_slice %arg4[%dma_start3A_44, %dma_start3A_45] : memref<50048x16xf32, #tpu.memory_space<hbm>> -> memref<50048x16xf32, #tpu.memory_space<hbm>>
    %dma_start3A_47 = tpu.memref_slice %arg11[%dma_start3A_36] : memref<10x!tpu.dma_semaphore, #tpu.memory_space<semaphore_mem>> -> memref<1x!tpu.dma_semaphore, #tpu.memory_space<semaphore_mem>>
    %dma_start3A_48 = tpu.memref_squeeze %dma_start3A_47 : memref<1x!tpu.dma_semaphore, #tpu.memory_space<semaphore_mem>> -> memref<!tpu.dma_semaphore, #tpu.memory_space<semaphore_mem>>
    tpu.enqueue_indirect_dma source(%dma_start3A_46 : memref<50048x16xf32, #tpu.memory_space<hbm>>) target(%dma_start3A_40 : memref<128x16xf32, #tpu.memory_space<vmem>>) offsets(%dma_start3A_43 : memref<128xi32, #tpu.memory_space<vmem>>) semaphore(%dma_start3A_48 : memref<!tpu.dma_semaphore, #tpu.memory_space<semaphore_mem>>)
    %dma_start3A_49 = arith.constant 3 : i32
    %dma_start3A_50 = arith.constant 3 : i32
    %dma_start3A_51 = arith.constant 3 : i32
    %dma_start3A_52 = arith.constant 0 : i32
    %dma_start3A_53 = arith.constant 0 : i32
    %dma_start3A_54 = tpu.memref_slice %arg10[%dma_start3A_50, %dma_start3A_52, %dma_start3A_53] : memref<10x128x16xf32, #tpu.memory_space<vmem>> -> memref<1x128x16xf32, #tpu.memory_space<vmem>>
    %dma_start3A_55 = tpu.memref_squeeze %dma_start3A_54 : memref<1x128x16xf32, #tpu.memory_space<vmem>> -> memref<128x16xf32, #tpu.memory_space<vmem>>
    %dma_start3A_56 = arith.constant 0 : i32
    %dma_start3A_57 = tpu.memref_slice %arg8[%dma_start3A_49, %dma_start3A_56] : memref<200x128xi32, #tpu.memory_space<vmem>> -> memref<1x128xi32, #tpu.memory_space<vmem>>
    %dma_start3A_58 = tpu.memref_squeeze %dma_start3A_57 : memref<1x128xi32, #tpu.memory_space<vmem>> -> memref<128xi32, #tpu.memory_space<vmem>>
    %dma_start3A_59 = arith.constant 0 : i32
    %dma_start3A_60 = arith.constant 0 : i32
    %dma_start3A_61 = tpu.memref_slice %arg4[%dma_start3A_59, %dma_start3A_60] : memref<50048x16xf32, #tpu.memory_space<hbm>> -> memref<50048x16xf32, #tpu.memory_space<hbm>>
    %dma_start3A_62 = tpu.memref_slice %arg11[%dma_start3A_51] : memref<10x!tpu.dma_semaphore, #tpu.memory_space<semaphore_mem>> -> memref<1x!tpu.dma_semaphore, #tpu.memory_space<semaphore_mem>>
    %dma_start3A_63 = tpu.memref_squeeze %dma_start3A_62 : memref<1x!tpu.dma_semaphore, #tpu.memory_space<semaphore_mem>> -> memref<!tpu.dma_semaphore, #tpu.memory_space<semaphore_mem>>
    tpu.enqueue_indirect_dma source(%dma_start3A_61 : memref<50048x16xf32, #tpu.memory_space<hbm>>) target(%dma_start3A_55 : memref<128x16xf32, #tpu.memory_space<vmem>>) offsets(%dma_start3A_58 : memref<128xi32, #tpu.memory_space<vmem>>) semaphore(%dma_start3A_63 : memref<!tpu.dma_semaphore, #tpu.memory_space<semaphore_mem>>)
    %dma_start3A_64 = arith.constant 4 : i32
    %dma_start3A_65 = arith.constant 4 : i32
    %dma_start3A_66 = arith.constant 4 : i32
    %dma_start3A_67 = arith.constant 0 : i32
    %dma_start3A_68 = arith.constant 0 : i32
    %dma_start3A_69 = tpu.memref_slice %arg10[%dma_start3A_65, %dma_start3A_67, %dma_start3A_68] : memref<10x128x16xf32, #tpu.memory_space<vmem>> -> memref<1x128x16xf32, #tpu.memory_space<vmem>>
    %dma_start3A_70 = tpu.memref_squeeze %dma_start3A_69 : memref<1x128x16xf32, #tpu.memory_space<vmem>> -> memref<128x16xf32, #tpu.memory_space<vmem>>
    %dma_start3A_71 = arith.constant 0 : i32
    %dma_start3A_72 = tpu.memref_slice %arg8[%dma_start3A_64, %dma_start3A_71] : memref<200x128xi32, #tpu.memory_space<vmem>> -> memref<1x128xi32, #tpu.memory_space<vmem>>
    %dma_start3A_73 = tpu.memref_squeeze %dma_start3A_72 : memref<1x128xi32, #tpu.memory_space<vmem>> -> memref<128xi32, #tpu.memory_space<vmem>>
    %dma_start3A_74 = arith.constant 0 : i32
    %dma_start3A_75 = arith.constant 0 : i32
    %dma_start3A_76 = tpu.memref_slice %arg4[%dma_start3A_74, %dma_start3A_75] : memref<50048x16xf32, #tpu.memory_space<hbm>> -> memref<50048x16xf32, #tpu.memory_space<hbm>>
    %dma_start3A_77 = tpu.memref_slice %arg11[%dma_start3A_66] : memref<10x!tpu.dma_semaphore, #tpu.memory_space<semaphore_mem>> -> memref<1x!tpu.dma_semaphore, #tpu.memory_space<semaphore_mem>>
    %dma_start3A_78 = tpu.memref_squeeze %dma_start3A_77 : memref<1x!tpu.dma_semaphore, #tpu.memory_space<semaphore_mem>> -> memref<!tpu.dma_semaphore, #tpu.memory_space<semaphore_mem>>
    tpu.enqueue_indirect_dma source(%dma_start3A_76 : memref<50048x16xf32, #tpu.memory_space<hbm>>) target(%dma_start3A_70 : memref<128x16xf32, #tpu.memory_space<vmem>>) offsets(%dma_start3A_73 : memref<128xi32, #tpu.memory_space<vmem>>) semaphore(%dma_start3A_78 : memref<!tpu.dma_semaphore, #tpu.memory_space<semaphore_mem>>)
    %dma_start3A_79 = arith.constant 5 : i32
    %dma_start3A_80 = arith.constant 5 : i32
    %dma_start3A_81 = arith.constant 5 : i32
    %dma_start3A_82 = arith.constant 0 : i32
    %dma_start3A_83 = arith.constant 0 : i32
    %dma_start3A_84 = tpu.memref_slice %arg10[%dma_start3A_80, %dma_start3A_82, %dma_start3A_83] : memref<10x128x16xf32, #tpu.memory_space<vmem>> -> memref<1x128x16xf32, #tpu.memory_space<vmem>>
    %dma_start3A_85 = tpu.memref_squeeze %dma_start3A_84 : memref<1x128x16xf32, #tpu.memory_space<vmem>> -> memref<128x16xf32, #tpu.memory_space<vmem>>
    %dma_start3A_86 = arith.constant 0 : i32
    %dma_start3A_87 = tpu.memref_slice %arg8[%dma_start3A_79, %dma_start3A_86] : memref<200x128xi32, #tpu.memory_space<vmem>> -> memref<1x128xi32, #tpu.memory_space<vmem>>
    %dma_start3A_88 = tpu.memref_squeeze %dma_start3A_87 : memref<1x128xi32, #tpu.memory_space<vmem>> -> memref<128xi32, #tpu.memory_space<vmem>>
    %dma_start3A_89 = arith.constant 0 : i32
    %dma_start3A_90 = arith.constant 0 : i32
    %dma_start3A_91 = tpu.memref_slice %arg4[%dma_start3A_89, %dma_start3A_90] : memref<50048x16xf32, #tpu.memory_space<hbm>> -> memref<50048x16xf32, #tpu.memory_space<hbm>>
    %dma_start3A_92 = tpu.memref_slice %arg11[%dma_start3A_81] : memref<10x!tpu.dma_semaphore, #tpu.memory_space<semaphore_mem>> -> memref<1x!tpu.dma_semaphore, #tpu.memory_space<semaphore_mem>>
    %dma_start3A_93 = tpu.memref_squeeze %dma_start3A_92 : memref<1x!tpu.dma_semaphore, #tpu.memory_space<semaphore_mem>> -> memref<!tpu.dma_semaphore, #tpu.memory_space<semaphore_mem>>
    tpu.enqueue_indirect_dma source(%dma_start3A_91 : memref<50048x16xf32, #tpu.memory_space<hbm>>) target(%dma_start3A_85 : memref<128x16xf32, #tpu.memory_space<vmem>>) offsets(%dma_start3A_88 : memref<128xi32, #tpu.memory_space<vmem>>) semaphore(%dma_start3A_93 : memref<!tpu.dma_semaphore, #tpu.memory_space<semaphore_mem>>)
    %dma_start3A_94 = arith.constant 6 : i32
    %dma_start3A_95 = arith.constant 6 : i32
    %dma_start3A_96 = arith.constant 6 : i32
    %dma_start3A_97 = arith.constant 0 : i32
    %dma_start3A_98 = arith.constant 0 : i32
    %dma_start3A_99 = tpu.memref_slice %arg10[%dma_start3A_95, %dma_start3A_97, %dma_start3A_98] : memref<10x128x16xf32, #tpu.memory_space<vmem>> -> memref<1x128x16xf32, #tpu.memory_space<vmem>>
    %dma_start3A_100 = tpu.memref_squeeze %dma_start3A_99 : memref<1x128x16xf32, #tpu.memory_space<vmem>> -> memref<128x16xf32, #tpu.memory_space<vmem>>
    %dma_start3A_101 = arith.constant 0 : i32
    %dma_start3A_102 = tpu.memref_slice %arg8[%dma_start3A_94, %dma_start3A_101] : memref<200x128xi32, #tpu.memory_space<vmem>> -> memref<1x128xi32, #tpu.memory_space<vmem>>
    %dma_start3A_103 = tpu.memref_squeeze %dma_start3A_102 : memref<1x128xi32, #tpu.memory_space<vmem>> -> memref<128xi32, #tpu.memory_space<vmem>>
    %dma_start3A_104 = arith.constant 0 : i32
    %dma_start3A_105 = arith.constant 0 : i32
    %dma_start3A_106 = tpu.memref_slice %arg4[%dma_start3A_104, %dma_start3A_105] : memref<50048x16xf32, #tpu.memory_space<hbm>> -> memref<50048x16xf32, #tpu.memory_space<hbm>>
    %dma_start3A_107 = tpu.memref_slice %arg11[%dma_start3A_96] : memref<10x!tpu.dma_semaphore, #tpu.memory_space<semaphore_mem>> -> memref<1x!tpu.dma_semaphore, #tpu.memory_space<semaphore_mem>>
    %dma_start3A_108 = tpu.memref_squeeze %dma_start3A_107 : memref<1x!tpu.dma_semaphore, #tpu.memory_space<semaphore_mem>> -> memref<!tpu.dma_semaphore, #tpu.memory_space<semaphore_mem>>
    tpu.enqueue_indirect_dma source(%dma_start3A_106 : memref<50048x16xf32, #tpu.memory_space<hbm>>) target(%dma_start3A_100 : memref<128x16xf32, #tpu.memory_space<vmem>>) offsets(%dma_start3A_103 : memref<128xi32, #tpu.memory_space<vmem>>) semaphore(%dma_start3A_108 : memref<!tpu.dma_semaphore, #tpu.memory_space<semaphore_mem>>)
    %dma_start3A_109 = arith.constant 7 : i32
    %dma_start3A_110 = arith.constant 7 : i32
    %dma_start3A_111 = arith.constant 7 : i32
    %dma_start3A_112 = arith.constant 0 : i32
    %dma_start3A_113 = arith.constant 0 : i32
    %dma_start3A_114 = tpu.memref_slice %arg10[%dma_start3A_110, %dma_start3A_112, %dma_start3A_113] : memref<10x128x16xf32, #tpu.memory_space<vmem>> -> memref<1x128x16xf32, #tpu.memory_space<vmem>>
    %dma_start3A_115 = tpu.memref_squeeze %dma_start3A_114 : memref<1x128x16xf32, #tpu.memory_space<vmem>> -> memref<128x16xf32, #tpu.memory_space<vmem>>
    %dma_start3A_116 = arith.constant 0 : i32
    %dma_start3A_117 = tpu.memref_slice %arg8[%dma_start3A_109, %dma_start3A_116] : memref<200x128xi32, #tpu.memory_space<vmem>> -> memref<1x128xi32, #tpu.memory_space<vmem>>
    %dma_start3A_118 = tpu.memref_squeeze %dma_start3A_117 : memref<1x128xi32, #tpu.memory_space<vmem>> -> memref<128xi32, #tpu.memory_space<vmem>>
    %dma_start3A_119 = arith.constant 0 : i32
    %dma_start3A_120 = arith.constant 0 : i32
    %dma_start3A_121 = tpu.memref_slice %arg4[%dma_start3A_119, %dma_start3A_120] : memref<50048x16xf32, #tpu.memory_space<hbm>> -> memref<50048x16xf32, #tpu.memory_space<hbm>>
    %dma_start3A_122 = tpu.memref_slice %arg11[%dma_start3A_111] : memref<10x!tpu.dma_semaphore, #tpu.memory_space<semaphore_mem>> -> memref<1x!tpu.dma_semaphore, #tpu.memory_space<semaphore_mem>>
    %dma_start3A_123 = tpu.memref_squeeze %dma_start3A_122 : memref<1x!tpu.dma_semaphore, #tpu.memory_space<semaphore_mem>> -> memref<!tpu.dma_semaphore, #tpu.memory_space<semaphore_mem>>
    tpu.enqueue_indirect_dma source(%dma_start3A_121 : memref<50048x16xf32, #tpu.memory_space<hbm>>) target(%dma_start3A_115 : memref<128x16xf32, #tpu.memory_space<vmem>>) offsets(%dma_start3A_118 : memref<128xi32, #tpu.memory_space<vmem>>) semaphore(%dma_start3A_123 : memref<!tpu.dma_semaphore, #tpu.memory_space<semaphore_mem>>)
    %dma_start3A_124 = arith.constant 8 : i32
    %dma_start3A_125 = arith.constant 8 : i32
    %dma_start3A_126 = arith.constant 8 : i32
    %dma_start3A_127 = arith.constant 0 : i32
    %dma_start3A_128 = arith.constant 0 : i32
    %dma_start3A_129 = tpu.memref_slice %arg10[%dma_start3A_125, %dma_start3A_127, %dma_start3A_128] : memref<10x128x16xf32, #tpu.memory_space<vmem>> -> memref<1x128x16xf32, #tpu.memory_space<vmem>>
    %dma_start3A_130 = tpu.memref_squeeze %dma_start3A_129 : memref<1x128x16xf32, #tpu.memory_space<vmem>> -> memref<128x16xf32, #tpu.memory_space<vmem>>
    %dma_start3A_131 = arith.constant 0 : i32
    %dma_start3A_132 = tpu.memref_slice %arg8[%dma_start3A_124, %dma_start3A_131] : memref<200x128xi32, #tpu.memory_space<vmem>> -> memref<1x128xi32, #tpu.memory_space<vmem>>
    %dma_start3A_133 = tpu.memref_squeeze %dma_start3A_132 : memref<1x128xi32, #tpu.memory_space<vmem>> -> memref<128xi32, #tpu.memory_space<vmem>>
    %dma_start3A_134 = arith.constant 0 : i32
    %dma_start3A_135 = arith.constant 0 : i32
    %dma_start3A_136 = tpu.memref_slice %arg4[%dma_start3A_134, %dma_start3A_135] : memref<50048x16xf32, #tpu.memory_space<hbm>> -> memref<50048x16xf32, #tpu.memory_space<hbm>>
    %dma_start3A_137 = tpu.memref_slice %arg11[%dma_start3A_126] : memref<10x!tpu.dma_semaphore, #tpu.memory_space<semaphore_mem>> -> memref<1x!tpu.dma_semaphore, #tpu.memory_space<semaphore_mem>>
    %dma_start3A_138 = tpu.memref_squeeze %dma_start3A_137 : memref<1x!tpu.dma_semaphore, #tpu.memory_space<semaphore_mem>> -> memref<!tpu.dma_semaphore, #tpu.memory_space<semaphore_mem>>
    tpu.enqueue_indirect_dma source(%dma_start3A_136 : memref<50048x16xf32, #tpu.memory_space<hbm>>) target(%dma_start3A_130 : memref<128x16xf32, #tpu.memory_space<vmem>>) offsets(%dma_start3A_133 : memref<128xi32, #tpu.memory_space<vmem>>) semaphore(%dma_start3A_138 : memref<!tpu.dma_semaphore, #tpu.memory_space<semaphore_mem>>)
    %dma_start3A_139 = arith.constant 9 : i32
    %dma_start3A_140 = arith.constant 9 : i32
    %dma_start3A_141 = arith.constant 9 : i32
    %dma_start3A_142 = arith.constant 0 : i32
    %dma_start3A_143 = arith.constant 0 : i32
    %dma_start3A_144 = tpu.memref_slice %arg10[%dma_start3A_140, %dma_start3A_142, %dma_start3A_143] : memref<10x128x16xf32, #tpu.memory_space<vmem>> -> memref<1x128x16xf32, #tpu.memory_space<vmem>>
    %dma_start3A_145 = tpu.memref_squeeze %dma_start3A_144 : memref<1x128x16xf32, #tpu.memory_space<vmem>> -> memref<128x16xf32, #tpu.memory_space<vmem>>
    %dma_start3A_146 = arith.constant 0 : i32
    %dma_start3A_147 = tpu.memref_slice %arg8[%dma_start3A_139, %dma_start3A_146] : memref<200x128xi32, #tpu.memory_space<vmem>> -> memref<1x128xi32, #tpu.memory_space<vmem>>
    %dma_start3A_148 = tpu.memref_squeeze %dma_start3A_147 : memref<1x128xi32, #tpu.memory_space<vmem>> -> memref<128xi32, #tpu.memory_space<vmem>>
    %dma_start3A_149 = arith.constant 0 : i32
    %dma_start3A_150 = arith.constant 0 : i32
    %dma_start3A_151 = tpu.memref_slice %arg4[%dma_start3A_149, %dma_start3A_150] : memref<50048x16xf32, #tpu.memory_space<hbm>> -> memref<50048x16xf32, #tpu.memory_space<hbm>>
    %dma_start3A_152 = tpu.memref_slice %arg11[%dma_start3A_141] : memref<10x!tpu.dma_semaphore, #tpu.memory_space<semaphore_mem>> -> memref<1x!tpu.dma_semaphore, #tpu.memory_space<semaphore_mem>>
    %dma_start3A_153 = tpu.memref_squeeze %dma_start3A_152 : memref<1x!tpu.dma_semaphore, #tpu.memory_space<semaphore_mem>> -> memref<!tpu.dma_semaphore, #tpu.memory_space<semaphore_mem>>
    tpu.enqueue_indirect_dma source(%dma_start3A_151 : memref<50048x16xf32, #tpu.memory_space<hbm>>) target(%dma_start3A_145 : memref<128x16xf32, #tpu.memory_space<vmem>>) offsets(%dma_start3A_148 : memref<128xi32, #tpu.memory_space<vmem>>) semaphore(%dma_start3A_153 : memref<!tpu.dma_semaphore, #tpu.memory_space<semaphore_mem>>)
    %scan3A = arith.constant 0 : i32
    %scan3A_154 = arith.constant 0 : i32
    %scan3A_155 = arith.constant 20 : i32
    %scan3A_156 = arith.addi %scan3A_154, %scan3A_155 : i32
    %scan3A_157 = arith.constant 1 : i32
    scf.for %scan3A_162 = %scan3A_154 to %scan3A_156 step %scan3A_157  : i32 {
      %mul3A_163 = arith.constant 10 : i32
      %mul3A_164 = arith.muli %scan3A_162, %mul3A_163 : i32
      %dma_wait3A = arith.constant 0 : i32
      %dma_wait3A_165 = arith.constant 0 : i32
      %dma_wait3A_166 = arith.constant 0 : i32
      %dma_wait3A_167 = arith.constant 0 : i32
      %dma_wait3A_168 = tpu.memref_slice %arg10[%dma_wait3A, %dma_wait3A_166, %dma_wait3A_167] : memref<10x128x16xf32, #tpu.memory_space<vmem>> -> memref<1x128x16xf32, #tpu.memory_space<vmem>>
      %dma_wait3A_169 = tpu.memref_squeeze %dma_wait3A_168 : memref<1x128x16xf32, #tpu.memory_space<vmem>> -> memref<128x16xf32, #tpu.memory_space<vmem>>
      %dma_wait3A_170 = arith.constant 0 : i32
      %dma_wait3A_171 = arith.constant 0 : i32
      %dma_wait3A_172 = tpu.memref_slice %arg5[%dma_wait3A_170, %dma_wait3A_171] : memref<50048x16xf32, #tpu.memory_space<hbm>> -> memref<128x16xf32, #tpu.memory_space<hbm>>
      %dma_wait3A_173 = tpu.memref_slice %arg11[%dma_wait3A_165] : memref<10x!tpu.dma_semaphore, #tpu.memory_space<semaphore_mem>> -> memref<1x!tpu.dma_semaphore, #tpu.memory_space<semaphore_mem>>
      %dma_wait3A_174 = tpu.memref_squeeze %dma_wait3A_173 : memref<1x!tpu.dma_semaphore, #tpu.memory_space<semaphore_mem>> -> memref<!tpu.dma_semaphore, #tpu.memory_space<semaphore_mem>>
      %dma_wait3A_175 = arith.constant 0 : i32
      %dma_wait3A_176 = arith.constant 0 : i32
      %dma_wait3A_177 = tpu.memref_slice %arg10[%dma_wait3A, %dma_wait3A_175, %dma_wait3A_176] : memref<10x128x16xf32, #tpu.memory_space<vmem>> -> memref<1x128x16xf32, #tpu.memory_space<vmem>>
      %dma_wait3A_178 = tpu.memref_squeeze %dma_wait3A_177 : memref<1x128x16xf32, #tpu.memory_space<vmem>> -> memref<128x16xf32, #tpu.memory_space<vmem>>
      %dma_wait3A_179 = arith.constant 0 : i32
      %dma_wait3A_180 = arith.constant 0 : i32
      %dma_wait3A_181 = tpu.memref_slice %arg5[%dma_wait3A_179, %dma_wait3A_180] : memref<50048x16xf32, #tpu.memory_space<hbm>> -> memref<128x16xf32, #tpu.memory_space<hbm>>
      tpu.wait_dma2 semaphore(%dma_wait3A_174 : memref<!tpu.dma_semaphore, #tpu.memory_space<semaphore_mem>>) src(%dma_wait3A_181 : memref<128x16xf32, #tpu.memory_space<hbm>>) dst(%dma_wait3A_178 : memref<128x16xf32, #tpu.memory_space<vmem>>)
      %add3A_182 = arith.constant 0 : i32
      %add3A_183 = arith.addi %mul3A_164, %add3A_182 : i32
      %run_scoped3A = arith.constant 0 : i32
      "tpu.region"() ({
        %run_scoped3A_460 = tpu.sem_alloc : memref<!tpu.dma_semaphore, #tpu.memory_space<semaphore_mem>>
        %dma_start3A_461 = arith.constant 0 : i32
        %dma_start3A_462 = arith.constant 0 : i32
        %dma_start3A_463 = tpu.memref_slice %arg10[%run_scoped3A, %dma_start3A_461, %dma_start3A_462] : memref<10x128x16xf32, #tpu.memory_space<vmem>> -> memref<1x128x16xf32, #tpu.memory_space<vmem>>
        %dma_start3A_464 = tpu.memref_squeeze %dma_start3A_463 : memref<1x128x16xf32, #tpu.memory_space<vmem>> -> memref<128x16xf32, #tpu.memory_space<vmem>>
        %dma_start3A_465 = arith.constant 0 : i32
        %dma_start3A_466 = tpu.memref_slice %arg9[%add3A_183, %dma_start3A_465] : memref<200x128xi32, #tpu.memory_space<vmem>> -> memref<1x128xi32, #tpu.memory_space<vmem>>
        %dma_start3A_467 = tpu.memref_squeeze %dma_start3A_466 : memref<1x128xi32, #tpu.memory_space<vmem>> -> memref<128xi32, #tpu.memory_space<vmem>>
        %dma_start3A_468 = arith.constant 0 : i32
        %dma_start3A_469 = arith.constant 0 : i32
        %dma_start3A_470 = tpu.memref_slice %arg7[%dma_start3A_468, %dma_start3A_469] : memref<50048x16xf32, #tpu.memory_space<vmem_shared>> -> memref<50048x16xf32, #tpu.memory_space<vmem_shared>>
        tpu.enqueue_indirect_dma source(%dma_start3A_464 : memref<128x16xf32, #tpu.memory_space<vmem>>) target(%dma_start3A_470 : memref<50048x16xf32, #tpu.memory_space<vmem_shared>>) offsets(%dma_start3A_467 : memref<128xi32, #tpu.memory_space<vmem>>) semaphore(%run_scoped3A_460 : memref<!tpu.dma_semaphore, #tpu.memory_space<semaphore_mem>>) {add = true}
        %dma_wait3A_471 = arith.constant 0 : i32
        %dma_wait3A_472 = arith.constant 0 : i32
        %dma_wait3A_473 = tpu.memref_slice %arg10[%run_scoped3A, %dma_wait3A_471, %dma_wait3A_472] : memref<10x128x16xf32, #tpu.memory_space<vmem>> -> memref<1x128x16xf32, #tpu.memory_space<vmem>>
        %dma_wait3A_474 = tpu.memref_squeeze %dma_wait3A_473 : memref<1x128x16xf32, #tpu.memory_space<vmem>> -> memref<128x16xf32, #tpu.memory_space<vmem>>
        %dma_wait3A_475 = arith.constant 0 : i32
        %dma_wait3A_476 = tpu.memref_slice %arg9[%add3A_183, %dma_wait3A_475] : memref<200x128xi32, #tpu.memory_space<vmem>> -> memref<1x128xi32, #tpu.memory_space<vmem>>
        %dma_wait3A_477 = tpu.memref_squeeze %dma_wait3A_476 : memref<1x128xi32, #tpu.memory_space<vmem>> -> memref<128xi32, #tpu.memory_space<vmem>>
        %dma_wait3A_478 = arith.constant 0 : i32
        %dma_wait3A_479 = arith.constant 0 : i32
        %dma_wait3A_480 = tpu.memref_slice %arg7[%dma_wait3A_478, %dma_wait3A_479] : memref<50048x16xf32, #tpu.memory_space<vmem_shared>> -> memref<50048x16xf32, #tpu.memory_space<vmem_shared>>
        tpu.wait_indirect_dma semaphore(%run_scoped3A_460 : memref<!tpu.dma_semaphore, #tpu.memory_space<semaphore_mem>>) src(%dma_wait3A_474 : memref<128x16xf32, #tpu.memory_space<vmem>>) dst(%dma_wait3A_480 : memref<50048x16xf32, #tpu.memory_space<vmem_shared>>)
        tpu.yield
      }) : () -> ()
      %add3A_184 = arith.constant 10 : i32
      %add3A_185 = arith.addi %mul3A_164, %add3A_184 : i32
      %add3A_186 = arith.constant 0 : i32
      %add3A_187 = arith.addi %add3A_185, %add3A_186 : i32
      %lt3A = arith.constant 200 : i32
      %lt3A_188 = arith.cmpi slt, %add3A_187, %lt3A : i32
      %convert_element_type3A = arith.extui %lt3A_188 : i1 to i32
      %cond3A = arith.constant 0 : i32
      %cond3A_189 = arith.cmpi ne, %convert_element_type3A, %cond3A : i32
      scf.if %cond3A_189 {
        %add3A_460 = arith.constant 10 : i32
        %add3A_461 = arith.addi %mul3A_164, %add3A_460 : i32
        %add3A_462 = arith.constant 0 : i32
        %add3A_463 = arith.addi %add3A_461, %add3A_462 : i32
        %dma_start3A_464 = arith.constant 0 : i32
        %dma_start3A_465 = arith.constant 0 : i32
        %dma_start3A_466 = arith.constant 0 : i32
        %dma_start3A_467 = arith.constant 0 : i32
        %dma_start3A_468 = tpu.memref_slice %arg10[%dma_start3A_464, %dma_start3A_466, %dma_start3A_467] : memref<10x128x16xf32, #tpu.memory_space<vmem>> -> memref<1x128x16xf32, #tpu.memory_space<vmem>>
        %dma_start3A_469 = tpu.memref_squeeze %dma_start3A_468 : memref<1x128x16xf32, #tpu.memory_space<vmem>> -> memref<128x16xf32, #tpu.memory_space<vmem>>
        %dma_start3A_470 = arith.constant 0 : i32
        %dma_start3A_471 = tpu.memref_slice %arg8[%add3A_463, %dma_start3A_470] : memref<200x128xi32, #tpu.memory_space<vmem>> -> memref<1x128xi32, #tpu.memory_space<vmem>>
        %dma_start3A_472 = tpu.memref_squeeze %dma_start3A_471 : memref<1x128xi32, #tpu.memory_space<vmem>> -> memref<128xi32, #tpu.memory_space<vmem>>
        %dma_start3A_473 = arith.constant 0 : i32
        %dma_start3A_474 = arith.constant 0 : i32
        %dma_start3A_475 = tpu.memref_slice %arg4[%dma_start3A_473, %dma_start3A_474] : memref<50048x16xf32, #tpu.memory_space<hbm>> -> memref<50048x16xf32, #tpu.memory_space<hbm>>
        %dma_start3A_476 = tpu.memref_slice %arg11[%dma_start3A_465] : memref<10x!tpu.dma_semaphore, #tpu.memory_space<semaphore_mem>> -> memref<1x!tpu.dma_semaphore, #tpu.memory_space<semaphore_mem>>
        %dma_start3A_477 = tpu.memref_squeeze %dma_start3A_476 : memref<1x!tpu.dma_semaphore, #tpu.memory_space<semaphore_mem>> -> memref<!tpu.dma_semaphore, #tpu.memory_space<semaphore_mem>>
        tpu.enqueue_indirect_dma source(%dma_start3A_475 : memref<50048x16xf32, #tpu.memory_space<hbm>>) target(%dma_start3A_469 : memref<128x16xf32, #tpu.memory_space<vmem>>) offsets(%dma_start3A_472 : memref<128xi32, #tpu.memory_space<vmem>>) semaphore(%dma_start3A_477 : memref<!tpu.dma_semaphore, #tpu.memory_space<semaphore_mem>>)
      } else {
      }
      %dma_wait3A_190 = arith.constant 1 : i32
      %dma_wait3A_191 = arith.constant 1 : i32
      %dma_wait3A_192 = arith.constant 0 : i32
      %dma_wait3A_193 = arith.constant 0 : i32
      %dma_wait3A_194 = tpu.memref_slice %arg10[%dma_wait3A_190, %dma_wait3A_192, %dma_wait3A_193] : memref<10x128x16xf32, #tpu.memory_space<vmem>> -> memref<1x128x16xf32, #tpu.memory_space<vmem>>
      %dma_wait3A_195 = tpu.memref_squeeze %dma_wait3A_194 : memref<1x128x16xf32, #tpu.memory_space<vmem>> -> memref<128x16xf32, #tpu.memory_space<vmem>>
      %dma_wait3A_196 = arith.constant 0 : i32
      %dma_wait3A_197 = arith.constant 0 : i32
      %dma_wait3A_198 = tpu.memref_slice %arg5[%dma_wait3A_196, %dma_wait3A_197] : memref<50048x16xf32, #tpu.memory_space<hbm>> -> memref<128x16xf32, #tpu.memory_space<hbm>>
      %dma_wait3A_199 = tpu.memref_slice %arg11[%dma_wait3A_191] : memref<10x!tpu.dma_semaphore, #tpu.memory_space<semaphore_mem>> -> memref<1x!tpu.dma_semaphore, #tpu.memory_space<semaphore_mem>>
      %dma_wait3A_200 = tpu.memref_squeeze %dma_wait3A_199 : memref<1x!tpu.dma_semaphore, #tpu.memory_space<semaphore_mem>> -> memref<!tpu.dma_semaphore, #tpu.memory_space<semaphore_mem>>
      %dma_wait3A_201 = arith.constant 0 : i32
      %dma_wait3A_202 = arith.constant 0 : i32
      %dma_wait3A_203 = tpu.memref_slice %arg10[%dma_wait3A_190, %dma_wait3A_201, %dma_wait3A_202] : memref<10x128x16xf32, #tpu.memory_space<vmem>> -> memref<1x128x16xf32, #tpu.memory_space<vmem>>
      %dma_wait3A_204 = tpu.memref_squeeze %dma_wait3A_203 : memref<1x128x16xf32, #tpu.memory_space<vmem>> -> memref<128x16xf32, #tpu.memory_space<vmem>>
      %dma_wait3A_205 = arith.constant 0 : i32
      %dma_wait3A_206 = arith.constant 0 : i32
      %dma_wait3A_207 = tpu.memref_slice %arg5[%dma_wait3A_205, %dma_wait3A_206] : memref<50048x16xf32, #tpu.memory_space<hbm>> -> memref<128x16xf32, #tpu.memory_space<hbm>>
      tpu.wait_dma2 semaphore(%dma_wait3A_200 : memref<!tpu.dma_semaphore, #tpu.memory_space<semaphore_mem>>) src(%dma_wait3A_207 : memref<128x16xf32, #tpu.memory_space<hbm>>) dst(%dma_wait3A_204 : memref<128x16xf32, #tpu.memory_space<vmem>>)
      %add3A_208 = arith.constant 1 : i32
      %add3A_209 = arith.addi %mul3A_164, %add3A_208 : i32
      %run_scoped3A_210 = arith.constant 1 : i32
      "tpu.region"() ({
        %run_scoped3A_460 = tpu.sem_alloc : memref<!tpu.dma_semaphore, #tpu.memory_space<semaphore_mem>>
        %dma_start3A_461 = arith.constant 0 : i32
        %dma_start3A_462 = arith.constant 0 : i32
        %dma_start3A_463 = tpu.memref_slice %arg10[%run_scoped3A_210, %dma_start3A_461, %dma_start3A_462] : memref<10x128x16xf32, #tpu.memory_space<vmem>> -> memref<1x128x16xf32, #tpu.memory_space<vmem>>
        %dma_start3A_464 = tpu.memref_squeeze %dma_start3A_463 : memref<1x128x16xf32, #tpu.memory_space<vmem>> -> memref<128x16xf32, #tpu.memory_space<vmem>>
        %dma_start3A_465 = arith.constant 0 : i32
        %dma_start3A_466 = tpu.memref_slice %arg9[%add3A_209, %dma_start3A_465] : memref<200x128xi32, #tpu.memory_space<vmem>> -> memref<1x128xi32, #tpu.memory_space<vmem>>
        %dma_start3A_467 = tpu.memref_squeeze %dma_start3A_466 : memref<1x128xi32, #tpu.memory_space<vmem>> -> memref<128xi32, #tpu.memory_space<vmem>>
        %dma_start3A_468 = arith.constant 0 : i32
        %dma_start3A_469 = arith.constant 0 : i32
        %dma_start3A_470 = tpu.memref_slice %arg7[%dma_start3A_468, %dma_start3A_469] : memref<50048x16xf32, #tpu.memory_space<vmem_shared>> -> memref<50048x16xf32, #tpu.memory_space<vmem_shared>>
        tpu.enqueue_indirect_dma source(%dma_start3A_464 : memref<128x16xf32, #tpu.memory_space<vmem>>) target(%dma_start3A_470 : memref<50048x16xf32, #tpu.memory_space<vmem_shared>>) offsets(%dma_start3A_467 : memref<128xi32, #tpu.memory_space<vmem>>) semaphore(%run_scoped3A_460 : memref<!tpu.dma_semaphore, #tpu.memory_space<semaphore_mem>>) {add = true}
        %dma_wait3A_471 = arith.constant 0 : i32
        %dma_wait3A_472 = arith.constant 0 : i32
        %dma_wait3A_473 = tpu.memref_slice %arg10[%run_scoped3A_210, %dma_wait3A_471, %dma_wait3A_472] : memref<10x128x16xf32, #tpu.memory_space<vmem>> -> memref<1x128x16xf32, #tpu.memory_space<vmem>>
        %dma_wait3A_474 = tpu.memref_squeeze %dma_wait3A_473 : memref<1x128x16xf32, #tpu.memory_space<vmem>> -> memref<128x16xf32, #tpu.memory_space<vmem>>
        %dma_wait3A_475 = arith.constant 0 : i32
        %dma_wait3A_476 = tpu.memref_slice %arg9[%add3A_209, %dma_wait3A_475] : memref<200x128xi32, #tpu.memory_space<vmem>> -> memref<1x128xi32, #tpu.memory_space<vmem>>
        %dma_wait3A_477 = tpu.memref_squeeze %dma_wait3A_476 : memref<1x128xi32, #tpu.memory_space<vmem>> -> memref<128xi32, #tpu.memory_space<vmem>>
        %dma_wait3A_478 = arith.constant 0 : i32
        %dma_wait3A_479 = arith.constant 0 : i32
        %dma_wait3A_480 = tpu.memref_slice %arg7[%dma_wait3A_478, %dma_wait3A_479] : memref<50048x16xf32, #tpu.memory_space<vmem_shared>> -> memref<50048x16xf32, #tpu.memory_space<vmem_shared>>
        tpu.wait_indirect_dma semaphore(%run_scoped3A_460 : memref<!tpu.dma_semaphore, #tpu.memory_space<semaphore_mem>>) src(%dma_wait3A_474 : memref<128x16xf32, #tpu.memory_space<vmem>>) dst(%dma_wait3A_480 : memref<50048x16xf32, #tpu.memory_space<vmem_shared>>)
        tpu.yield
      }) : () -> ()
      %add3A_211 = arith.constant 10 : i32
      %add3A_212 = arith.addi %mul3A_164, %add3A_211 : i32
      %add3A_213 = arith.constant 1 : i32
      %add3A_214 = arith.addi %add3A_212, %add3A_213 : i32
      %lt3A_215 = arith.constant 200 : i32
      %lt3A_216 = arith.cmpi slt, %add3A_214, %lt3A_215 : i32
      %convert_element_type3A_217 = arith.extui %lt3A_216 : i1 to i32
      %cond3A_218 = arith.constant 0 : i32
      %cond3A_219 = arith.cmpi ne, %convert_element_type3A_217, %cond3A_218 : i32
      scf.if %cond3A_219 {
        %add3A_460 = arith.constant 10 : i32
        %add3A_461 = arith.addi %mul3A_164, %add3A_460 : i32
        %add3A_462 = arith.constant 1 : i32
        %add3A_463 = arith.addi %add3A_461, %add3A_462 : i32
        %dma_start3A_464 = arith.constant 1 : i32
        %dma_start3A_465 = arith.constant 1 : i32
        %dma_start3A_466 = arith.constant 0 : i32
        %dma_start3A_467 = arith.constant 0 : i32
        %dma_start3A_468 = tpu.memref_slice %arg10[%dma_start3A_464, %dma_start3A_466, %dma_start3A_467] : memref<10x128x16xf32, #tpu.memory_space<vmem>> -> memref<1x128x16xf32, #tpu.memory_space<vmem>>
        %dma_start3A_469 = tpu.memref_squeeze %dma_start3A_468 : memref<1x128x16xf32, #tpu.memory_space<vmem>> -> memref<128x16xf32, #tpu.memory_space<vmem>>
        %dma_start3A_470 = arith.constant 0 : i32
        %dma_start3A_471 = tpu.memref_slice %arg8[%add3A_463, %dma_start3A_470] : memref<200x128xi32, #tpu.memory_space<vmem>> -> memref<1x128xi32, #tpu.memory_space<vmem>>
        %dma_start3A_472 = tpu.memref_squeeze %dma_start3A_471 : memref<1x128xi32, #tpu.memory_space<vmem>> -> memref<128xi32, #tpu.memory_space<vmem>>
        %dma_start3A_473 = arith.constant 0 : i32
        %dma_start3A_474 = arith.constant 0 : i32
        %dma_start3A_475 = tpu.memref_slice %arg4[%dma_start3A_473, %dma_start3A_474] : memref<50048x16xf32, #tpu.memory_space<hbm>> -> memref<50048x16xf32, #tpu.memory_space<hbm>>
        %dma_start3A_476 = tpu.memref_slice %arg11[%dma_start3A_465] : memref<10x!tpu.dma_semaphore, #tpu.memory_space<semaphore_mem>> -> memref<1x!tpu.dma_semaphore, #tpu.memory_space<semaphore_mem>>
        %dma_start3A_477 = tpu.memref_squeeze %dma_start3A_476 : memref<1x!tpu.dma_semaphore, #tpu.memory_space<semaphore_mem>> -> memref<!tpu.dma_semaphore, #tpu.memory_space<semaphore_mem>>
        tpu.enqueue_indirect_dma source(%dma_start3A_475 : memref<50048x16xf32, #tpu.memory_space<hbm>>) target(%dma_start3A_469 : memref<128x16xf32, #tpu.memory_space<vmem>>) offsets(%dma_start3A_472 : memref<128xi32, #tpu.memory_space<vmem>>) semaphore(%dma_start3A_477 : memref<!tpu.dma_semaphore, #tpu.memory_space<semaphore_mem>>)
      } else {
      }
      %dma_wait3A_220 = arith.constant 2 : i32
      %dma_wait3A_221 = arith.constant 2 : i32
      %dma_wait3A_222 = arith.constant 0 : i32
      %dma_wait3A_223 = arith.constant 0 : i32
      %dma_wait3A_224 = tpu.memref_slice %arg10[%dma_wait3A_220, %dma_wait3A_222, %dma_wait3A_223] : memref<10x128x16xf32, #tpu.memory_space<vmem>> -> memref<1x128x16xf32, #tpu.memory_space<vmem>>
      %dma_wait3A_225 = tpu.memref_squeeze %dma_wait3A_224 : memref<1x128x16xf32, #tpu.memory_space<vmem>> -> memref<128x16xf32, #tpu.memory_space<vmem>>
      %dma_wait3A_226 = arith.constant 0 : i32
      %dma_wait3A_227 = arith.constant 0 : i32
      %dma_wait3A_228 = tpu.memref_slice %arg5[%dma_wait3A_226, %dma_wait3A_227] : memref<50048x16xf32, #tpu.memory_space<hbm>> -> memref<128x16xf32, #tpu.memory_space<hbm>>
      %dma_wait3A_229 = tpu.memref_slice %arg11[%dma_wait3A_221] : memref<10x!tpu.dma_semaphore, #tpu.memory_space<semaphore_mem>> -> memref<1x!tpu.dma_semaphore, #tpu.memory_space<semaphore_mem>>
      %dma_wait3A_230 = tpu.memref_squeeze %dma_wait3A_229 : memref<1x!tpu.dma_semaphore, #tpu.memory_space<semaphore_mem>> -> memref<!tpu.dma_semaphore, #tpu.memory_space<semaphore_mem>>
      %dma_wait3A_231 = arith.constant 0 : i32
      %dma_wait3A_232 = arith.constant 0 : i32
      %dma_wait3A_233 = tpu.memref_slice %arg10[%dma_wait3A_220, %dma_wait3A_231, %dma_wait3A_232] : memref<10x128x16xf32, #tpu.memory_space<vmem>> -> memref<1x128x16xf32, #tpu.memory_space<vmem>>
      %dma_wait3A_234 = tpu.memref_squeeze %dma_wait3A_233 : memref<1x128x16xf32, #tpu.memory_space<vmem>> -> memref<128x16xf32, #tpu.memory_space<vmem>>
      %dma_wait3A_235 = arith.constant 0 : i32
      %dma_wait3A_236 = arith.constant 0 : i32
      %dma_wait3A_237 = tpu.memref_slice %arg5[%dma_wait3A_235, %dma_wait3A_236] : memref<50048x16xf32, #tpu.memory_space<hbm>> -> memref<128x16xf32, #tpu.memory_space<hbm>>
      tpu.wait_dma2 semaphore(%dma_wait3A_230 : memref<!tpu.dma_semaphore, #tpu.memory_space<semaphore_mem>>) src(%dma_wait3A_237 : memref<128x16xf32, #tpu.memory_space<hbm>>) dst(%dma_wait3A_234 : memref<128x16xf32, #tpu.memory_space<vmem>>)
      %add3A_238 = arith.constant 2 : i32
      %add3A_239 = arith.addi %mul3A_164, %add3A_238 : i32
      %run_scoped3A_240 = arith.constant 2 : i32
      "tpu.region"() ({
        %run_scoped3A_460 = tpu.sem_alloc : memref<!tpu.dma_semaphore, #tpu.memory_space<semaphore_mem>>
        %dma_start3A_461 = arith.constant 0 : i32
        %dma_start3A_462 = arith.constant 0 : i32
        %dma_start3A_463 = tpu.memref_slice %arg10[%run_scoped3A_240, %dma_start3A_461, %dma_start3A_462] : memref<10x128x16xf32, #tpu.memory_space<vmem>> -> memref<1x128x16xf32, #tpu.memory_space<vmem>>
        %dma_start3A_464 = tpu.memref_squeeze %dma_start3A_463 : memref<1x128x16xf32, #tpu.memory_space<vmem>> -> memref<128x16xf32, #tpu.memory_space<vmem>>
        %dma_start3A_465 = arith.constant 0 : i32
        %dma_start3A_466 = tpu.memref_slice %arg9[%add3A_239, %dma_start3A_465] : memref<200x128xi32, #tpu.memory_space<vmem>> -> memref<1x128xi32, #tpu.memory_space<vmem>>
        %dma_start3A_467 = tpu.memref_squeeze %dma_start3A_466 : memref<1x128xi32, #tpu.memory_space<vmem>> -> memref<128xi32, #tpu.memory_space<vmem>>
        %dma_start3A_468 = arith.constant 0 : i32
        %dma_start3A_469 = arith.constant 0 : i32
        %dma_start3A_470 = tpu.memref_slice %arg7[%dma_start3A_468, %dma_start3A_469] : memref<50048x16xf32, #tpu.memory_space<vmem_shared>> -> memref<50048x16xf32, #tpu.memory_space<vmem_shared>>
        tpu.enqueue_indirect_dma source(%dma_start3A_464 : memref<128x16xf32, #tpu.memory_space<vmem>>) target(%dma_start3A_470 : memref<50048x16xf32, #tpu.memory_space<vmem_shared>>) offsets(%dma_start3A_467 : memref<128xi32, #tpu.memory_space<vmem>>) semaphore(%run_scoped3A_460 : memref<!tpu.dma_semaphore, #tpu.memory_space<semaphore_mem>>) {add = true}
        %dma_wait3A_471 = arith.constant 0 : i32
        %dma_wait3A_472 = arith.constant 0 : i32
        %dma_wait3A_473 = tpu.memref_slice %arg10[%run_scoped3A_240, %dma_wait3A_471, %dma_wait3A_472] : memref<10x128x16xf32, #tpu.memory_space<vmem>> -> memref<1x128x16xf32, #tpu.memory_space<vmem>>
        %dma_wait3A_474 = tpu.memref_squeeze %dma_wait3A_473 : memref<1x128x16xf32, #tpu.memory_space<vmem>> -> memref<128x16xf32, #tpu.memory_space<vmem>>
        %dma_wait3A_475 = arith.constant 0 : i32
        %dma_wait3A_476 = tpu.memref_slice %arg9[%add3A_239, %dma_wait3A_475] : memref<200x128xi32, #tpu.memory_space<vmem>> -> memref<1x128xi32, #tpu.memory_space<vmem>>
        %dma_wait3A_477 = tpu.memref_squeeze %dma_wait3A_476 : memref<1x128xi32, #tpu.memory_space<vmem>> -> memref<128xi32, #tpu.memory_space<vmem>>
        %dma_wait3A_478 = arith.constant 0 : i32
        %dma_wait3A_479 = arith.constant 0 : i32
        %dma_wait3A_480 = tpu.memref_slice %arg7[%dma_wait3A_478, %dma_wait3A_479] : memref<50048x16xf32, #tpu.memory_space<vmem_shared>> -> memref<50048x16xf32, #tpu.memory_space<vmem_shared>>
        tpu.wait_indirect_dma semaphore(%run_scoped3A_460 : memref<!tpu.dma_semaphore, #tpu.memory_space<semaphore_mem>>) src(%dma_wait3A_474 : memref<128x16xf32, #tpu.memory_space<vmem>>) dst(%dma_wait3A_480 : memref<50048x16xf32, #tpu.memory_space<vmem_shared>>)
        tpu.yield
      }) : () -> ()
      %add3A_241 = arith.constant 10 : i32
      %add3A_242 = arith.addi %mul3A_164, %add3A_241 : i32
      %add3A_243 = arith.constant 2 : i32
      %add3A_244 = arith.addi %add3A_242, %add3A_243 : i32
      %lt3A_245 = arith.constant 200 : i32
      %lt3A_246 = arith.cmpi slt, %add3A_244, %lt3A_245 : i32
      %convert_element_type3A_247 = arith.extui %lt3A_246 : i1 to i32
      %cond3A_248 = arith.constant 0 : i32
      %cond3A_249 = arith.cmpi ne, %convert_element_type3A_247, %cond3A_248 : i32
      scf.if %cond3A_249 {
        %add3A_460 = arith.constant 10 : i32
        %add3A_461 = arith.addi %mul3A_164, %add3A_460 : i32
        %add3A_462 = arith.constant 2 : i32
        %add3A_463 = arith.addi %add3A_461, %add3A_462 : i32
        %dma_start3A_464 = arith.constant 2 : i32
        %dma_start3A_465 = arith.constant 2 : i32
        %dma_start3A_466 = arith.constant 0 : i32
        %dma_start3A_467 = arith.constant 0 : i32
        %dma_start3A_468 = tpu.memref_slice %arg10[%dma_start3A_464, %dma_start3A_466, %dma_start3A_467] : memref<10x128x16xf32, #tpu.memory_space<vmem>> -> memref<1x128x16xf32, #tpu.memory_space<vmem>>
        %dma_start3A_469 = tpu.memref_squeeze %dma_start3A_468 : memref<1x128x16xf32, #tpu.memory_space<vmem>> -> memref<128x16xf32, #tpu.memory_space<vmem>>
        %dma_start3A_470 = arith.constant 0 : i32
        %dma_start3A_471 = tpu.memref_slice %arg8[%add3A_463, %dma_start3A_470] : memref<200x128xi32, #tpu.memory_space<vmem>> -> memref<1x128xi32, #tpu.memory_space<vmem>>
        %dma_start3A_472 = tpu.memref_squeeze %dma_start3A_471 : memref<1x128xi32, #tpu.memory_space<vmem>> -> memref<128xi32, #tpu.memory_space<vmem>>
        %dma_start3A_473 = arith.constant 0 : i32
        %dma_start3A_474 = arith.constant 0 : i32
        %dma_start3A_475 = tpu.memref_slice %arg4[%dma_start3A_473, %dma_start3A_474] : memref<50048x16xf32, #tpu.memory_space<hbm>> -> memref<50048x16xf32, #tpu.memory_space<hbm>>
        %dma_start3A_476 = tpu.memref_slice %arg11[%dma_start3A_465] : memref<10x!tpu.dma_semaphore, #tpu.memory_space<semaphore_mem>> -> memref<1x!tpu.dma_semaphore, #tpu.memory_space<semaphore_mem>>
        %dma_start3A_477 = tpu.memref_squeeze %dma_start3A_476 : memref<1x!tpu.dma_semaphore, #tpu.memory_space<semaphore_mem>> -> memref<!tpu.dma_semaphore, #tpu.memory_space<semaphore_mem>>
        tpu.enqueue_indirect_dma source(%dma_start3A_475 : memref<50048x16xf32, #tpu.memory_space<hbm>>) target(%dma_start3A_469 : memref<128x16xf32, #tpu.memory_space<vmem>>) offsets(%dma_start3A_472 : memref<128xi32, #tpu.memory_space<vmem>>) semaphore(%dma_start3A_477 : memref<!tpu.dma_semaphore, #tpu.memory_space<semaphore_mem>>)
      } else {
      }
      %dma_wait3A_250 = arith.constant 3 : i32
      %dma_wait3A_251 = arith.constant 3 : i32
      %dma_wait3A_252 = arith.constant 0 : i32
      %dma_wait3A_253 = arith.constant 0 : i32
      %dma_wait3A_254 = tpu.memref_slice %arg10[%dma_wait3A_250, %dma_wait3A_252, %dma_wait3A_253] : memref<10x128x16xf32, #tpu.memory_space<vmem>> -> memref<1x128x16xf32, #tpu.memory_space<vmem>>
      %dma_wait3A_255 = tpu.memref_squeeze %dma_wait3A_254 : memref<1x128x16xf32, #tpu.memory_space<vmem>> -> memref<128x16xf32, #tpu.memory_space<vmem>>
      %dma_wait3A_256 = arith.constant 0 : i32
      %dma_wait3A_257 = arith.constant 0 : i32
      %dma_wait3A_258 = tpu.memref_slice %arg5[%dma_wait3A_256, %dma_wait3A_257] : memref<50048x16xf32, #tpu.memory_space<hbm>> -> memref<128x16xf32, #tpu.memory_space<hbm>>
      %dma_wait3A_259 = tpu.memref_slice %arg11[%dma_wait3A_251] : memref<10x!tpu.dma_semaphore, #tpu.memory_space<semaphore_mem>> -> memref<1x!tpu.dma_semaphore, #tpu.memory_space<semaphore_mem>>
      %dma_wait3A_260 = tpu.memref_squeeze %dma_wait3A_259 : memref<1x!tpu.dma_semaphore, #tpu.memory_space<semaphore_mem>> -> memref<!tpu.dma_semaphore, #tpu.memory_space<semaphore_mem>>
      %dma_wait3A_261 = arith.constant 0 : i32
      %dma_wait3A_262 = arith.constant 0 : i32
      %dma_wait3A_263 = tpu.memref_slice %arg10[%dma_wait3A_250, %dma_wait3A_261, %dma_wait3A_262] : memref<10x128x16xf32, #tpu.memory_space<vmem>> -> memref<1x128x16xf32, #tpu.memory_space<vmem>>
      %dma_wait3A_264 = tpu.memref_squeeze %dma_wait3A_263 : memref<1x128x16xf32, #tpu.memory_space<vmem>> -> memref<128x16xf32, #tpu.memory_space<vmem>>
      %dma_wait3A_265 = arith.constant 0 : i32
      %dma_wait3A_266 = arith.constant 0 : i32
      %dma_wait3A_267 = tpu.memref_slice %arg5[%dma_wait3A_265, %dma_wait3A_266] : memref<50048x16xf32, #tpu.memory_space<hbm>> -> memref<128x16xf32, #tpu.memory_space<hbm>>
      tpu.wait_dma2 semaphore(%dma_wait3A_260 : memref<!tpu.dma_semaphore, #tpu.memory_space<semaphore_mem>>) src(%dma_wait3A_267 : memref<128x16xf32, #tpu.memory_space<hbm>>) dst(%dma_wait3A_264 : memref<128x16xf32, #tpu.memory_space<vmem>>)
      %add3A_268 = arith.constant 3 : i32
      %add3A_269 = arith.addi %mul3A_164, %add3A_268 : i32
      %run_scoped3A_270 = arith.constant 3 : i32
      "tpu.region"() ({
        %run_scoped3A_460 = tpu.sem_alloc : memref<!tpu.dma_semaphore, #tpu.memory_space<semaphore_mem>>
        %dma_start3A_461 = arith.constant 0 : i32
        %dma_start3A_462 = arith.constant 0 : i32
        %dma_start3A_463 = tpu.memref_slice %arg10[%run_scoped3A_270, %dma_start3A_461, %dma_start3A_462] : memref<10x128x16xf32, #tpu.memory_space<vmem>> -> memref<1x128x16xf32, #tpu.memory_space<vmem>>
        %dma_start3A_464 = tpu.memref_squeeze %dma_start3A_463 : memref<1x128x16xf32, #tpu.memory_space<vmem>> -> memref<128x16xf32, #tpu.memory_space<vmem>>
        %dma_start3A_465 = arith.constant 0 : i32
        %dma_start3A_466 = tpu.memref_slice %arg9[%add3A_269, %dma_start3A_465] : memref<200x128xi32, #tpu.memory_space<vmem>> -> memref<1x128xi32, #tpu.memory_space<vmem>>
        %dma_start3A_467 = tpu.memref_squeeze %dma_start3A_466 : memref<1x128xi32, #tpu.memory_space<vmem>> -> memref<128xi32, #tpu.memory_space<vmem>>
        %dma_start3A_468 = arith.constant 0 : i32
        %dma_start3A_469 = arith.constant 0 : i32
        %dma_start3A_470 = tpu.memref_slice %arg7[%dma_start3A_468, %dma_start3A_469] : memref<50048x16xf32, #tpu.memory_space<vmem_shared>> -> memref<50048x16xf32, #tpu.memory_space<vmem_shared>>
        tpu.enqueue_indirect_dma source(%dma_start3A_464 : memref<128x16xf32, #tpu.memory_space<vmem>>) target(%dma_start3A_470 : memref<50048x16xf32, #tpu.memory_space<vmem_shared>>) offsets(%dma_start3A_467 : memref<128xi32, #tpu.memory_space<vmem>>) semaphore(%run_scoped3A_460 : memref<!tpu.dma_semaphore, #tpu.memory_space<semaphore_mem>>) {add = true}
        %dma_wait3A_471 = arith.constant 0 : i32
        %dma_wait3A_472 = arith.constant 0 : i32
        %dma_wait3A_473 = tpu.memref_slice %arg10[%run_scoped3A_270, %dma_wait3A_471, %dma_wait3A_472] : memref<10x128x16xf32, #tpu.memory_space<vmem>> -> memref<1x128x16xf32, #tpu.memory_space<vmem>>
        %dma_wait3A_474 = tpu.memref_squeeze %dma_wait3A_473 : memref<1x128x16xf32, #tpu.memory_space<vmem>> -> memref<128x16xf32, #tpu.memory_space<vmem>>
        %dma_wait3A_475 = arith.constant 0 : i32
        %dma_wait3A_476 = tpu.memref_slice %arg9[%add3A_269, %dma_wait3A_475] : memref<200x128xi32, #tpu.memory_space<vmem>> -> memref<1x128xi32, #tpu.memory_space<vmem>>
        %dma_wait3A_477 = tpu.memref_squeeze %dma_wait3A_476 : memref<1x128xi32, #tpu.memory_space<vmem>> -> memref<128xi32, #tpu.memory_space<vmem>>
        %dma_wait3A_478 = arith.constant 0 : i32
        %dma_wait3A_479 = arith.constant 0 : i32
        %dma_wait3A_480 = tpu.memref_slice %arg7[%dma_wait3A_478, %dma_wait3A_479] : memref<50048x16xf32, #tpu.memory_space<vmem_shared>> -> memref<50048x16xf32, #tpu.memory_space<vmem_shared>>
        tpu.wait_indirect_dma semaphore(%run_scoped3A_460 : memref<!tpu.dma_semaphore, #tpu.memory_space<semaphore_mem>>) src(%dma_wait3A_474 : memref<128x16xf32, #tpu.memory_space<vmem>>) dst(%dma_wait3A_480 : memref<50048x16xf32, #tpu.memory_space<vmem_shared>>)
        tpu.yield
      }) : () -> ()
      %add3A_271 = arith.constant 10 : i32
      %add3A_272 = arith.addi %mul3A_164, %add3A_271 : i32
      %add3A_273 = arith.constant 3 : i32
      %add3A_274 = arith.addi %add3A_272, %add3A_273 : i32
      %lt3A_275 = arith.constant 200 : i32
      %lt3A_276 = arith.cmpi slt, %add3A_274, %lt3A_275 : i32
      %convert_element_type3A_277 = arith.extui %lt3A_276 : i1 to i32
      %cond3A_278 = arith.constant 0 : i32
      %cond3A_279 = arith.cmpi ne, %convert_element_type3A_277, %cond3A_278 : i32
      scf.if %cond3A_279 {
        %add3A_460 = arith.constant 10 : i32
        %add3A_461 = arith.addi %mul3A_164, %add3A_460 : i32
        %add3A_462 = arith.constant 3 : i32
        %add3A_463 = arith.addi %add3A_461, %add3A_462 : i32
        %dma_start3A_464 = arith.constant 3 : i32
        %dma_start3A_465 = arith.constant 3 : i32
        %dma_start3A_466 = arith.constant 0 : i32
        %dma_start3A_467 = arith.constant 0 : i32
        %dma_start3A_468 = tpu.memref_slice %arg10[%dma_start3A_464, %dma_start3A_466, %dma_start3A_467] : memref<10x128x16xf32, #tpu.memory_space<vmem>> -> memref<1x128x16xf32, #tpu.memory_space<vmem>>
        %dma_start3A_469 = tpu.memref_squeeze %dma_start3A_468 : memref<1x128x16xf32, #tpu.memory_space<vmem>> -> memref<128x16xf32, #tpu.memory_space<vmem>>
        %dma_start3A_470 = arith.constant 0 : i32
        %dma_start3A_471 = tpu.memref_slice %arg8[%add3A_463, %dma_start3A_470] : memref<200x128xi32, #tpu.memory_space<vmem>> -> memref<1x128xi32, #tpu.memory_space<vmem>>
        %dma_start3A_472 = tpu.memref_squeeze %dma_start3A_471 : memref<1x128xi32, #tpu.memory_space<vmem>> -> memref<128xi32, #tpu.memory_space<vmem>>
        %dma_start3A_473 = arith.constant 0 : i32
        %dma_start3A_474 = arith.constant 0 : i32
        %dma_start3A_475 = tpu.memref_slice %arg4[%dma_start3A_473, %dma_start3A_474] : memref<50048x16xf32, #tpu.memory_space<hbm>> -> memref<50048x16xf32, #tpu.memory_space<hbm>>
        %dma_start3A_476 = tpu.memref_slice %arg11[%dma_start3A_465] : memref<10x!tpu.dma_semaphore, #tpu.memory_space<semaphore_mem>> -> memref<1x!tpu.dma_semaphore, #tpu.memory_space<semaphore_mem>>
        %dma_start3A_477 = tpu.memref_squeeze %dma_start3A_476 : memref<1x!tpu.dma_semaphore, #tpu.memory_space<semaphore_mem>> -> memref<!tpu.dma_semaphore, #tpu.memory_space<semaphore_mem>>
        tpu.enqueue_indirect_dma source(%dma_start3A_475 : memref<50048x16xf32, #tpu.memory_space<hbm>>) target(%dma_start3A_469 : memref<128x16xf32, #tpu.memory_space<vmem>>) offsets(%dma_start3A_472 : memref<128xi32, #tpu.memory_space<vmem>>) semaphore(%dma_start3A_477 : memref<!tpu.dma_semaphore, #tpu.memory_space<semaphore_mem>>)
      } else {
      }
      %dma_wait3A_280 = arith.constant 4 : i32
      %dma_wait3A_281 = arith.constant 4 : i32
      %dma_wait3A_282 = arith.constant 0 : i32
      %dma_wait3A_283 = arith.constant 0 : i32
      %dma_wait3A_284 = tpu.memref_slice %arg10[%dma_wait3A_280, %dma_wait3A_282, %dma_wait3A_283] : memref<10x128x16xf32, #tpu.memory_space<vmem>> -> memref<1x128x16xf32, #tpu.memory_space<vmem>>
      %dma_wait3A_285 = tpu.memref_squeeze %dma_wait3A_284 : memref<1x128x16xf32, #tpu.memory_space<vmem>> -> memref<128x16xf32, #tpu.memory_space<vmem>>
      %dma_wait3A_286 = arith.constant 0 : i32
      %dma_wait3A_287 = arith.constant 0 : i32
      %dma_wait3A_288 = tpu.memref_slice %arg5[%dma_wait3A_286, %dma_wait3A_287] : memref<50048x16xf32, #tpu.memory_space<hbm>> -> memref<128x16xf32, #tpu.memory_space<hbm>>
      %dma_wait3A_289 = tpu.memref_slice %arg11[%dma_wait3A_281] : memref<10x!tpu.dma_semaphore, #tpu.memory_space<semaphore_mem>> -> memref<1x!tpu.dma_semaphore, #tpu.memory_space<semaphore_mem>>
      %dma_wait3A_290 = tpu.memref_squeeze %dma_wait3A_289 : memref<1x!tpu.dma_semaphore, #tpu.memory_space<semaphore_mem>> -> memref<!tpu.dma_semaphore, #tpu.memory_space<semaphore_mem>>
      %dma_wait3A_291 = arith.constant 0 : i32
      %dma_wait3A_292 = arith.constant 0 : i32
      %dma_wait3A_293 = tpu.memref_slice %arg10[%dma_wait3A_280, %dma_wait3A_291, %dma_wait3A_292] : memref<10x128x16xf32, #tpu.memory_space<vmem>> -> memref<1x128x16xf32, #tpu.memory_space<vmem>>
      %dma_wait3A_294 = tpu.memref_squeeze %dma_wait3A_293 : memref<1x128x16xf32, #tpu.memory_space<vmem>> -> memref<128x16xf32, #tpu.memory_space<vmem>>
      %dma_wait3A_295 = arith.constant 0 : i32
      %dma_wait3A_296 = arith.constant 0 : i32
      %dma_wait3A_297 = tpu.memref_slice %arg5[%dma_wait3A_295, %dma_wait3A_296] : memref<50048x16xf32, #tpu.memory_space<hbm>> -> memref<128x16xf32, #tpu.memory_space<hbm>>
      tpu.wait_dma2 semaphore(%dma_wait3A_290 : memref<!tpu.dma_semaphore, #tpu.memory_space<semaphore_mem>>) src(%dma_wait3A_297 : memref<128x16xf32, #tpu.memory_space<hbm>>) dst(%dma_wait3A_294 : memref<128x16xf32, #tpu.memory_space<vmem>>)
      %add3A_298 = arith.constant 4 : i32
      %add3A_299 = arith.addi %mul3A_164, %add3A_298 : i32
      %run_scoped3A_300 = arith.constant 4 : i32
      "tpu.region"() ({
        %run_scoped3A_460 = tpu.sem_alloc : memref<!tpu.dma_semaphore, #tpu.memory_space<semaphore_mem>>
        %dma_start3A_461 = arith.constant 0 : i32
        %dma_start3A_462 = arith.constant 0 : i32
        %dma_start3A_463 = tpu.memref_slice %arg10[%run_scoped3A_300, %dma_start3A_461, %dma_start3A_462] : memref<10x128x16xf32, #tpu.memory_space<vmem>> -> memref<1x128x16xf32, #tpu.memory_space<vmem>>
        %dma_start3A_464 = tpu.memref_squeeze %dma_start3A_463 : memref<1x128x16xf32, #tpu.memory_space<vmem>> -> memref<128x16xf32, #tpu.memory_space<vmem>>
        %dma_start3A_465 = arith.constant 0 : i32
        %dma_start3A_466 = tpu.memref_slice %arg9[%add3A_299, %dma_start3A_465] : memref<200x128xi32, #tpu.memory_space<vmem>> -> memref<1x128xi32, #tpu.memory_space<vmem>>
        %dma_start3A_467 = tpu.memref_squeeze %dma_start3A_466 : memref<1x128xi32, #tpu.memory_space<vmem>> -> memref<128xi32, #tpu.memory_space<vmem>>
        %dma_start3A_468 = arith.constant 0 : i32
        %dma_start3A_469 = arith.constant 0 : i32
        %dma_start3A_470 = tpu.memref_slice %arg7[%dma_start3A_468, %dma_start3A_469] : memref<50048x16xf32, #tpu.memory_space<vmem_shared>> -> memref<50048x16xf32, #tpu.memory_space<vmem_shared>>
        tpu.enqueue_indirect_dma source(%dma_start3A_464 : memref<128x16xf32, #tpu.memory_space<vmem>>) target(%dma_start3A_470 : memref<50048x16xf32, #tpu.memory_space<vmem_shared>>) offsets(%dma_start3A_467 : memref<128xi32, #tpu.memory_space<vmem>>) semaphore(%run_scoped3A_460 : memref<!tpu.dma_semaphore, #tpu.memory_space<semaphore_mem>>) {add = true}
        %dma_wait3A_471 = arith.constant 0 : i32
        %dma_wait3A_472 = arith.constant 0 : i32
        %dma_wait3A_473 = tpu.memref_slice %arg10[%run_scoped3A_300, %dma_wait3A_471, %dma_wait3A_472] : memref<10x128x16xf32, #tpu.memory_space<vmem>> -> memref<1x128x16xf32, #tpu.memory_space<vmem>>
        %dma_wait3A_474 = tpu.memref_squeeze %dma_wait3A_473 : memref<1x128x16xf32, #tpu.memory_space<vmem>> -> memref<128x16xf32, #tpu.memory_space<vmem>>
        %dma_wait3A_475 = arith.constant 0 : i32
        %dma_wait3A_476 = tpu.memref_slice %arg9[%add3A_299, %dma_wait3A_475] : memref<200x128xi32, #tpu.memory_space<vmem>> -> memref<1x128xi32, #tpu.memory_space<vmem>>
        %dma_wait3A_477 = tpu.memref_squeeze %dma_wait3A_476 : memref<1x128xi32, #tpu.memory_space<vmem>> -> memref<128xi32, #tpu.memory_space<vmem>>
        %dma_wait3A_478 = arith.constant 0 : i32
        %dma_wait3A_479 = arith.constant 0 : i32
        %dma_wait3A_480 = tpu.memref_slice %arg7[%dma_wait3A_478, %dma_wait3A_479] : memref<50048x16xf32, #tpu.memory_space<vmem_shared>> -> memref<50048x16xf32, #tpu.memory_space<vmem_shared>>
        tpu.wait_indirect_dma semaphore(%run_scoped3A_460 : memref<!tpu.dma_semaphore, #tpu.memory_space<semaphore_mem>>) src(%dma_wait3A_474 : memref<128x16xf32, #tpu.memory_space<vmem>>) dst(%dma_wait3A_480 : memref<50048x16xf32, #tpu.memory_space<vmem_shared>>)
        tpu.yield
      }) : () -> ()
      %add3A_301 = arith.constant 10 : i32
      %add3A_302 = arith.addi %mul3A_164, %add3A_301 : i32
      %add3A_303 = arith.constant 4 : i32
      %add3A_304 = arith.addi %add3A_302, %add3A_303 : i32
      %lt3A_305 = arith.constant 200 : i32
      %lt3A_306 = arith.cmpi slt, %add3A_304, %lt3A_305 : i32
      %convert_element_type3A_307 = arith.extui %lt3A_306 : i1 to i32
      %cond3A_308 = arith.constant 0 : i32
      %cond3A_309 = arith.cmpi ne, %convert_element_type3A_307, %cond3A_308 : i32
      scf.if %cond3A_309 {
        %add3A_460 = arith.constant 10 : i32
        %add3A_461 = arith.addi %mul3A_164, %add3A_460 : i32
        %add3A_462 = arith.constant 4 : i32
        %add3A_463 = arith.addi %add3A_461, %add3A_462 : i32
        %dma_start3A_464 = arith.constant 4 : i32
        %dma_start3A_465 = arith.constant 4 : i32
        %dma_start3A_466 = arith.constant 0 : i32
        %dma_start3A_467 = arith.constant 0 : i32
        %dma_start3A_468 = tpu.memref_slice %arg10[%dma_start3A_464, %dma_start3A_466, %dma_start3A_467] : memref<10x128x16xf32, #tpu.memory_space<vmem>> -> memref<1x128x16xf32, #tpu.memory_space<vmem>>
        %dma_start3A_469 = tpu.memref_squeeze %dma_start3A_468 : memref<1x128x16xf32, #tpu.memory_space<vmem>> -> memref<128x16xf32, #tpu.memory_space<vmem>>
        %dma_start3A_470 = arith.constant 0 : i32
        %dma_start3A_471 = tpu.memref_slice %arg8[%add3A_463, %dma_start3A_470] : memref<200x128xi32, #tpu.memory_space<vmem>> -> memref<1x128xi32, #tpu.memory_space<vmem>>
        %dma_start3A_472 = tpu.memref_squeeze %dma_start3A_471 : memref<1x128xi32, #tpu.memory_space<vmem>> -> memref<128xi32, #tpu.memory_space<vmem>>
        %dma_start3A_473 = arith.constant 0 : i32
        %dma_start3A_474 = arith.constant 0 : i32
        %dma_start3A_475 = tpu.memref_slice %arg4[%dma_start3A_473, %dma_start3A_474] : memref<50048x16xf32, #tpu.memory_space<hbm>> -> memref<50048x16xf32, #tpu.memory_space<hbm>>
        %dma_start3A_476 = tpu.memref_slice %arg11[%dma_start3A_465] : memref<10x!tpu.dma_semaphore, #tpu.memory_space<semaphore_mem>> -> memref<1x!tpu.dma_semaphore, #tpu.memory_space<semaphore_mem>>
        %dma_start3A_477 = tpu.memref_squeeze %dma_start3A_476 : memref<1x!tpu.dma_semaphore, #tpu.memory_space<semaphore_mem>> -> memref<!tpu.dma_semaphore, #tpu.memory_space<semaphore_mem>>
        tpu.enqueue_indirect_dma source(%dma_start3A_475 : memref<50048x16xf32, #tpu.memory_space<hbm>>) target(%dma_start3A_469 : memref<128x16xf32, #tpu.memory_space<vmem>>) offsets(%dma_start3A_472 : memref<128xi32, #tpu.memory_space<vmem>>) semaphore(%dma_start3A_477 : memref<!tpu.dma_semaphore, #tpu.memory_space<semaphore_mem>>)
      } else {
      }
      %dma_wait3A_310 = arith.constant 5 : i32
      %dma_wait3A_311 = arith.constant 5 : i32
      %dma_wait3A_312 = arith.constant 0 : i32
      %dma_wait3A_313 = arith.constant 0 : i32
      %dma_wait3A_314 = tpu.memref_slice %arg10[%dma_wait3A_310, %dma_wait3A_312, %dma_wait3A_313] : memref<10x128x16xf32, #tpu.memory_space<vmem>> -> memref<1x128x16xf32, #tpu.memory_space<vmem>>
      %dma_wait3A_315 = tpu.memref_squeeze %dma_wait3A_314 : memref<1x128x16xf32, #tpu.memory_space<vmem>> -> memref<128x16xf32, #tpu.memory_space<vmem>>
      %dma_wait3A_316 = arith.constant 0 : i32
      %dma_wait3A_317 = arith.constant 0 : i32
      %dma_wait3A_318 = tpu.memref_slice %arg5[%dma_wait3A_316, %dma_wait3A_317] : memref<50048x16xf32, #tpu.memory_space<hbm>> -> memref<128x16xf32, #tpu.memory_space<hbm>>
      %dma_wait3A_319 = tpu.memref_slice %arg11[%dma_wait3A_311] : memref<10x!tpu.dma_semaphore, #tpu.memory_space<semaphore_mem>> -> memref<1x!tpu.dma_semaphore, #tpu.memory_space<semaphore_mem>>
      %dma_wait3A_320 = tpu.memref_squeeze %dma_wait3A_319 : memref<1x!tpu.dma_semaphore, #tpu.memory_space<semaphore_mem>> -> memref<!tpu.dma_semaphore, #tpu.memory_space<semaphore_mem>>
      %dma_wait3A_321 = arith.constant 0 : i32
      %dma_wait3A_322 = arith.constant 0 : i32
      %dma_wait3A_323 = tpu.memref_slice %arg10[%dma_wait3A_310, %dma_wait3A_321, %dma_wait3A_322] : memref<10x128x16xf32, #tpu.memory_space<vmem>> -> memref<1x128x16xf32, #tpu.memory_space<vmem>>
      %dma_wait3A_324 = tpu.memref_squeeze %dma_wait3A_323 : memref<1x128x16xf32, #tpu.memory_space<vmem>> -> memref<128x16xf32, #tpu.memory_space<vmem>>
      %dma_wait3A_325 = arith.constant 0 : i32
      %dma_wait3A_326 = arith.constant 0 : i32
      %dma_wait3A_327 = tpu.memref_slice %arg5[%dma_wait3A_325, %dma_wait3A_326] : memref<50048x16xf32, #tpu.memory_space<hbm>> -> memref<128x16xf32, #tpu.memory_space<hbm>>
      tpu.wait_dma2 semaphore(%dma_wait3A_320 : memref<!tpu.dma_semaphore, #tpu.memory_space<semaphore_mem>>) src(%dma_wait3A_327 : memref<128x16xf32, #tpu.memory_space<hbm>>) dst(%dma_wait3A_324 : memref<128x16xf32, #tpu.memory_space<vmem>>)
      %add3A_328 = arith.constant 5 : i32
      %add3A_329 = arith.addi %mul3A_164, %add3A_328 : i32
      %run_scoped3A_330 = arith.constant 5 : i32
      "tpu.region"() ({
        %run_scoped3A_460 = tpu.sem_alloc : memref<!tpu.dma_semaphore, #tpu.memory_space<semaphore_mem>>
        %dma_start3A_461 = arith.constant 0 : i32
        %dma_start3A_462 = arith.constant 0 : i32
        %dma_start3A_463 = tpu.memref_slice %arg10[%run_scoped3A_330, %dma_start3A_461, %dma_start3A_462] : memref<10x128x16xf32, #tpu.memory_space<vmem>> -> memref<1x128x16xf32, #tpu.memory_space<vmem>>
        %dma_start3A_464 = tpu.memref_squeeze %dma_start3A_463 : memref<1x128x16xf32, #tpu.memory_space<vmem>> -> memref<128x16xf32, #tpu.memory_space<vmem>>
        %dma_start3A_465 = arith.constant 0 : i32
        %dma_start3A_466 = tpu.memref_slice %arg9[%add3A_329, %dma_start3A_465] : memref<200x128xi32, #tpu.memory_space<vmem>> -> memref<1x128xi32, #tpu.memory_space<vmem>>
        %dma_start3A_467 = tpu.memref_squeeze %dma_start3A_466 : memref<1x128xi32, #tpu.memory_space<vmem>> -> memref<128xi32, #tpu.memory_space<vmem>>
        %dma_start3A_468 = arith.constant 0 : i32
        %dma_start3A_469 = arith.constant 0 : i32
        %dma_start3A_470 = tpu.memref_slice %arg7[%dma_start3A_468, %dma_start3A_469] : memref<50048x16xf32, #tpu.memory_space<vmem_shared>> -> memref<50048x16xf32, #tpu.memory_space<vmem_shared>>
        tpu.enqueue_indirect_dma source(%dma_start3A_464 : memref<128x16xf32, #tpu.memory_space<vmem>>) target(%dma_start3A_470 : memref<50048x16xf32, #tpu.memory_space<vmem_shared>>) offsets(%dma_start3A_467 : memref<128xi32, #tpu.memory_space<vmem>>) semaphore(%run_scoped3A_460 : memref<!tpu.dma_semaphore, #tpu.memory_space<semaphore_mem>>) {add = true}
        %dma_wait3A_471 = arith.constant 0 : i32
        %dma_wait3A_472 = arith.constant 0 : i32
        %dma_wait3A_473 = tpu.memref_slice %arg10[%run_scoped3A_330, %dma_wait3A_471, %dma_wait3A_472] : memref<10x128x16xf32, #tpu.memory_space<vmem>> -> memref<1x128x16xf32, #tpu.memory_space<vmem>>
        %dma_wait3A_474 = tpu.memref_squeeze %dma_wait3A_473 : memref<1x128x16xf32, #tpu.memory_space<vmem>> -> memref<128x16xf32, #tpu.memory_space<vmem>>
        %dma_wait3A_475 = arith.constant 0 : i32
        %dma_wait3A_476 = tpu.memref_slice %arg9[%add3A_329, %dma_wait3A_475] : memref<200x128xi32, #tpu.memory_space<vmem>> -> memref<1x128xi32, #tpu.memory_space<vmem>>
        %dma_wait3A_477 = tpu.memref_squeeze %dma_wait3A_476 : memref<1x128xi32, #tpu.memory_space<vmem>> -> memref<128xi32, #tpu.memory_space<vmem>>
        %dma_wait3A_478 = arith.constant 0 : i32
        %dma_wait3A_479 = arith.constant 0 : i32
        %dma_wait3A_480 = tpu.memref_slice %arg7[%dma_wait3A_478, %dma_wait3A_479] : memref<50048x16xf32, #tpu.memory_space<vmem_shared>> -> memref<50048x16xf32, #tpu.memory_space<vmem_shared>>
        tpu.wait_indirect_dma semaphore(%run_scoped3A_460 : memref<!tpu.dma_semaphore, #tpu.memory_space<semaphore_mem>>) src(%dma_wait3A_474 : memref<128x16xf32, #tpu.memory_space<vmem>>) dst(%dma_wait3A_480 : memref<50048x16xf32, #tpu.memory_space<vmem_shared>>)
        tpu.yield
      }) : () -> ()
      %add3A_331 = arith.constant 10 : i32
      %add3A_332 = arith.addi %mul3A_164, %add3A_331 : i32
      %add3A_333 = arith.constant 5 : i32
      %add3A_334 = arith.addi %add3A_332, %add3A_333 : i32
      %lt3A_335 = arith.constant 200 : i32
      %lt3A_336 = arith.cmpi slt, %add3A_334, %lt3A_335 : i32
      %convert_element_type3A_337 = arith.extui %lt3A_336 : i1 to i32
      %cond3A_338 = arith.constant 0 : i32
      %cond3A_339 = arith.cmpi ne, %convert_element_type3A_337, %cond3A_338 : i32
      scf.if %cond3A_339 {
        %add3A_460 = arith.constant 10 : i32
        %add3A_461 = arith.addi %mul3A_164, %add3A_460 : i32
        %add3A_462 = arith.constant 5 : i32
        %add3A_463 = arith.addi %add3A_461, %add3A_462 : i32
        %dma_start3A_464 = arith.constant 5 : i32
        %dma_start3A_465 = arith.constant 5 : i32
        %dma_start3A_466 = arith.constant 0 : i32
        %dma_start3A_467 = arith.constant 0 : i32
        %dma_start3A_468 = tpu.memref_slice %arg10[%dma_start3A_464, %dma_start3A_466, %dma_start3A_467] : memref<10x128x16xf32, #tpu.memory_space<vmem>> -> memref<1x128x16xf32, #tpu.memory_space<vmem>>
        %dma_start3A_469 = tpu.memref_squeeze %dma_start3A_468 : memref<1x128x16xf32, #tpu.memory_space<vmem>> -> memref<128x16xf32, #tpu.memory_space<vmem>>
        %dma_start3A_470 = arith.constant 0 : i32
        %dma_start3A_471 = tpu.memref_slice %arg8[%add3A_463, %dma_start3A_470] : memref<200x128xi32, #tpu.memory_space<vmem>> -> memref<1x128xi32, #tpu.memory_space<vmem>>
        %dma_start3A_472 = tpu.memref_squeeze %dma_start3A_471 : memref<1x128xi32, #tpu.memory_space<vmem>> -> memref<128xi32, #tpu.memory_space<vmem>>
        %dma_start3A_473 = arith.constant 0 : i32
        %dma_start3A_474 = arith.constant 0 : i32
        %dma_start3A_475 = tpu.memref_slice %arg4[%dma_start3A_473, %dma_start3A_474] : memref<50048x16xf32, #tpu.memory_space<hbm>> -> memref<50048x16xf32, #tpu.memory_space<hbm>>
        %dma_start3A_476 = tpu.memref_slice %arg11[%dma_start3A_465] : memref<10x!tpu.dma_semaphore, #tpu.memory_space<semaphore_mem>> -> memref<1x!tpu.dma_semaphore, #tpu.memory_space<semaphore_mem>>
        %dma_start3A_477 = tpu.memref_squeeze %dma_start3A_476 : memref<1x!tpu.dma_semaphore, #tpu.memory_space<semaphore_mem>> -> memref<!tpu.dma_semaphore, #tpu.memory_space<semaphore_mem>>
        tpu.enqueue_indirect_dma source(%dma_start3A_475 : memref<50048x16xf32, #tpu.memory_space<hbm>>) target(%dma_start3A_469 : memref<128x16xf32, #tpu.memory_space<vmem>>) offsets(%dma_start3A_472 : memref<128xi32, #tpu.memory_space<vmem>>) semaphore(%dma_start3A_477 : memref<!tpu.dma_semaphore, #tpu.memory_space<semaphore_mem>>)
      } else {
      }
      %dma_wait3A_340 = arith.constant 6 : i32
      %dma_wait3A_341 = arith.constant 6 : i32
      %dma_wait3A_342 = arith.constant 0 : i32
      %dma_wait3A_343 = arith.constant 0 : i32
      %dma_wait3A_344 = tpu.memref_slice %arg10[%dma_wait3A_340, %dma_wait3A_342, %dma_wait3A_343] : memref<10x128x16xf32, #tpu.memory_space<vmem>> -> memref<1x128x16xf32, #tpu.memory_space<vmem>>
      %dma_wait3A_345 = tpu.memref_squeeze %dma_wait3A_344 : memref<1x128x16xf32, #tpu.memory_space<vmem>> -> memref<128x16xf32, #tpu.memory_space<vmem>>
      %dma_wait3A_346 = arith.constant 0 : i32
      %dma_wait3A_347 = arith.constant 0 : i32
      %dma_wait3A_348 = tpu.memref_slice %arg5[%dma_wait3A_346, %dma_wait3A_347] : memref<50048x16xf32, #tpu.memory_space<hbm>> -> memref<128x16xf32, #tpu.memory_space<hbm>>
      %dma_wait3A_349 = tpu.memref_slice %arg11[%dma_wait3A_341] : memref<10x!tpu.dma_semaphore, #tpu.memory_space<semaphore_mem>> -> memref<1x!tpu.dma_semaphore, #tpu.memory_space<semaphore_mem>>
      %dma_wait3A_350 = tpu.memref_squeeze %dma_wait3A_349 : memref<1x!tpu.dma_semaphore, #tpu.memory_space<semaphore_mem>> -> memref<!tpu.dma_semaphore, #tpu.memory_space<semaphore_mem>>
      %dma_wait3A_351 = arith.constant 0 : i32
      %dma_wait3A_352 = arith.constant 0 : i32
      %dma_wait3A_353 = tpu.memref_slice %arg10[%dma_wait3A_340, %dma_wait3A_351, %dma_wait3A_352] : memref<10x128x16xf32, #tpu.memory_space<vmem>> -> memref<1x128x16xf32, #tpu.memory_space<vmem>>
      %dma_wait3A_354 = tpu.memref_squeeze %dma_wait3A_353 : memref<1x128x16xf32, #tpu.memory_space<vmem>> -> memref<128x16xf32, #tpu.memory_space<vmem>>
      %dma_wait3A_355 = arith.constant 0 : i32
      %dma_wait3A_356 = arith.constant 0 : i32
      %dma_wait3A_357 = tpu.memref_slice %arg5[%dma_wait3A_355, %dma_wait3A_356] : memref<50048x16xf32, #tpu.memory_space<hbm>> -> memref<128x16xf32, #tpu.memory_space<hbm>>
      tpu.wait_dma2 semaphore(%dma_wait3A_350 : memref<!tpu.dma_semaphore, #tpu.memory_space<semaphore_mem>>) src(%dma_wait3A_357 : memref<128x16xf32, #tpu.memory_space<hbm>>) dst(%dma_wait3A_354 : memref<128x16xf32, #tpu.memory_space<vmem>>)
      %add3A_358 = arith.constant 6 : i32
      %add3A_359 = arith.addi %mul3A_164, %add3A_358 : i32
      %run_scoped3A_360 = arith.constant 6 : i32
      "tpu.region"() ({
        %run_scoped3A_460 = tpu.sem_alloc : memref<!tpu.dma_semaphore, #tpu.memory_space<semaphore_mem>>
        %dma_start3A_461 = arith.constant 0 : i32
        %dma_start3A_462 = arith.constant 0 : i32
        %dma_start3A_463 = tpu.memref_slice %arg10[%run_scoped3A_360, %dma_start3A_461, %dma_start3A_462] : memref<10x128x16xf32, #tpu.memory_space<vmem>> -> memref<1x128x16xf32, #tpu.memory_space<vmem>>
        %dma_start3A_464 = tpu.memref_squeeze %dma_start3A_463 : memref<1x128x16xf32, #tpu.memory_space<vmem>> -> memref<128x16xf32, #tpu.memory_space<vmem>>
        %dma_start3A_465 = arith.constant 0 : i32
        %dma_start3A_466 = tpu.memref_slice %arg9[%add3A_359, %dma_start3A_465] : memref<200x128xi32, #tpu.memory_space<vmem>> -> memref<1x128xi32, #tpu.memory_space<vmem>>
        %dma_start3A_467 = tpu.memref_squeeze %dma_start3A_466 : memref<1x128xi32, #tpu.memory_space<vmem>> -> memref<128xi32, #tpu.memory_space<vmem>>
        %dma_start3A_468 = arith.constant 0 : i32
        %dma_start3A_469 = arith.constant 0 : i32
        %dma_start3A_470 = tpu.memref_slice %arg7[%dma_start3A_468, %dma_start3A_469] : memref<50048x16xf32, #tpu.memory_space<vmem_shared>> -> memref<50048x16xf32, #tpu.memory_space<vmem_shared>>
        tpu.enqueue_indirect_dma source(%dma_start3A_464 : memref<128x16xf32, #tpu.memory_space<vmem>>) target(%dma_start3A_470 : memref<50048x16xf32, #tpu.memory_space<vmem_shared>>) offsets(%dma_start3A_467 : memref<128xi32, #tpu.memory_space<vmem>>) semaphore(%run_scoped3A_460 : memref<!tpu.dma_semaphore, #tpu.memory_space<semaphore_mem>>) {add = true}
        %dma_wait3A_471 = arith.constant 0 : i32
        %dma_wait3A_472 = arith.constant 0 : i32
        %dma_wait3A_473 = tpu.memref_slice %arg10[%run_scoped3A_360, %dma_wait3A_471, %dma_wait3A_472] : memref<10x128x16xf32, #tpu.memory_space<vmem>> -> memref<1x128x16xf32, #tpu.memory_space<vmem>>
        %dma_wait3A_474 = tpu.memref_squeeze %dma_wait3A_473 : memref<1x128x16xf32, #tpu.memory_space<vmem>> -> memref<128x16xf32, #tpu.memory_space<vmem>>
        %dma_wait3A_475 = arith.constant 0 : i32
        %dma_wait3A_476 = tpu.memref_slice %arg9[%add3A_359, %dma_wait3A_475] : memref<200x128xi32, #tpu.memory_space<vmem>> -> memref<1x128xi32, #tpu.memory_space<vmem>>
        %dma_wait3A_477 = tpu.memref_squeeze %dma_wait3A_476 : memref<1x128xi32, #tpu.memory_space<vmem>> -> memref<128xi32, #tpu.memory_space<vmem>>
        %dma_wait3A_478 = arith.constant 0 : i32
        %dma_wait3A_479 = arith.constant 0 : i32
        %dma_wait3A_480 = tpu.memref_slice %arg7[%dma_wait3A_478, %dma_wait3A_479] : memref<50048x16xf32, #tpu.memory_space<vmem_shared>> -> memref<50048x16xf32, #tpu.memory_space<vmem_shared>>
        tpu.wait_indirect_dma semaphore(%run_scoped3A_460 : memref<!tpu.dma_semaphore, #tpu.memory_space<semaphore_mem>>) src(%dma_wait3A_474 : memref<128x16xf32, #tpu.memory_space<vmem>>) dst(%dma_wait3A_480 : memref<50048x16xf32, #tpu.memory_space<vmem_shared>>)
        tpu.yield
      }) : () -> ()
      %add3A_361 = arith.constant 10 : i32
      %add3A_362 = arith.addi %mul3A_164, %add3A_361 : i32
      %add3A_363 = arith.constant 6 : i32
      %add3A_364 = arith.addi %add3A_362, %add3A_363 : i32
      %lt3A_365 = arith.constant 200 : i32
      %lt3A_366 = arith.cmpi slt, %add3A_364, %lt3A_365 : i32
      %convert_element_type3A_367 = arith.extui %lt3A_366 : i1 to i32
      %cond3A_368 = arith.constant 0 : i32
      %cond3A_369 = arith.cmpi ne, %convert_element_type3A_367, %cond3A_368 : i32
      scf.if %cond3A_369 {
        %add3A_460 = arith.constant 10 : i32
        %add3A_461 = arith.addi %mul3A_164, %add3A_460 : i32
        %add3A_462 = arith.constant 6 : i32
        %add3A_463 = arith.addi %add3A_461, %add3A_462 : i32
        %dma_start3A_464 = arith.constant 6 : i32
        %dma_start3A_465 = arith.constant 6 : i32
        %dma_start3A_466 = arith.constant 0 : i32
        %dma_start3A_467 = arith.constant 0 : i32
        %dma_start3A_468 = tpu.memref_slice %arg10[%dma_start3A_464, %dma_start3A_466, %dma_start3A_467] : memref<10x128x16xf32, #tpu.memory_space<vmem>> -> memref<1x128x16xf32, #tpu.memory_space<vmem>>
        %dma_start3A_469 = tpu.memref_squeeze %dma_start3A_468 : memref<1x128x16xf32, #tpu.memory_space<vmem>> -> memref<128x16xf32, #tpu.memory_space<vmem>>
        %dma_start3A_470 = arith.constant 0 : i32
        %dma_start3A_471 = tpu.memref_slice %arg8[%add3A_463, %dma_start3A_470] : memref<200x128xi32, #tpu.memory_space<vmem>> -> memref<1x128xi32, #tpu.memory_space<vmem>>
        %dma_start3A_472 = tpu.memref_squeeze %dma_start3A_471 : memref<1x128xi32, #tpu.memory_space<vmem>> -> memref<128xi32, #tpu.memory_space<vmem>>
        %dma_start3A_473 = arith.constant 0 : i32
        %dma_start3A_474 = arith.constant 0 : i32
        %dma_start3A_475 = tpu.memref_slice %arg4[%dma_start3A_473, %dma_start3A_474] : memref<50048x16xf32, #tpu.memory_space<hbm>> -> memref<50048x16xf32, #tpu.memory_space<hbm>>
        %dma_start3A_476 = tpu.memref_slice %arg11[%dma_start3A_465] : memref<10x!tpu.dma_semaphore, #tpu.memory_space<semaphore_mem>> -> memref<1x!tpu.dma_semaphore, #tpu.memory_space<semaphore_mem>>
        %dma_start3A_477 = tpu.memref_squeeze %dma_start3A_476 : memref<1x!tpu.dma_semaphore, #tpu.memory_space<semaphore_mem>> -> memref<!tpu.dma_semaphore, #tpu.memory_space<semaphore_mem>>
        tpu.enqueue_indirect_dma source(%dma_start3A_475 : memref<50048x16xf32, #tpu.memory_space<hbm>>) target(%dma_start3A_469 : memref<128x16xf32, #tpu.memory_space<vmem>>) offsets(%dma_start3A_472 : memref<128xi32, #tpu.memory_space<vmem>>) semaphore(%dma_start3A_477 : memref<!tpu.dma_semaphore, #tpu.memory_space<semaphore_mem>>)
      } else {
      }
      %dma_wait3A_370 = arith.constant 7 : i32
      %dma_wait3A_371 = arith.constant 7 : i32
      %dma_wait3A_372 = arith.constant 0 : i32
      %dma_wait3A_373 = arith.constant 0 : i32
      %dma_wait3A_374 = tpu.memref_slice %arg10[%dma_wait3A_370, %dma_wait3A_372, %dma_wait3A_373] : memref<10x128x16xf32, #tpu.memory_space<vmem>> -> memref<1x128x16xf32, #tpu.memory_space<vmem>>
      %dma_wait3A_375 = tpu.memref_squeeze %dma_wait3A_374 : memref<1x128x16xf32, #tpu.memory_space<vmem>> -> memref<128x16xf32, #tpu.memory_space<vmem>>
      %dma_wait3A_376 = arith.constant 0 : i32
      %dma_wait3A_377 = arith.constant 0 : i32
      %dma_wait3A_378 = tpu.memref_slice %arg5[%dma_wait3A_376, %dma_wait3A_377] : memref<50048x16xf32, #tpu.memory_space<hbm>> -> memref<128x16xf32, #tpu.memory_space<hbm>>
      %dma_wait3A_379 = tpu.memref_slice %arg11[%dma_wait3A_371] : memref<10x!tpu.dma_semaphore, #tpu.memory_space<semaphore_mem>> -> memref<1x!tpu.dma_semaphore, #tpu.memory_space<semaphore_mem>>
      %dma_wait3A_380 = tpu.memref_squeeze %dma_wait3A_379 : memref<1x!tpu.dma_semaphore, #tpu.memory_space<semaphore_mem>> -> memref<!tpu.dma_semaphore, #tpu.memory_space<semaphore_mem>>
      %dma_wait3A_381 = arith.constant 0 : i32
      %dma_wait3A_382 = arith.constant 0 : i32
      %dma_wait3A_383 = tpu.memref_slice %arg10[%dma_wait3A_370, %dma_wait3A_381, %dma_wait3A_382] : memref<10x128x16xf32, #tpu.memory_space<vmem>> -> memref<1x128x16xf32, #tpu.memory_space<vmem>>
      %dma_wait3A_384 = tpu.memref_squeeze %dma_wait3A_383 : memref<1x128x16xf32, #tpu.memory_space<vmem>> -> memref<128x16xf32, #tpu.memory_space<vmem>>
      %dma_wait3A_385 = arith.constant 0 : i32
      %dma_wait3A_386 = arith.constant 0 : i32
      %dma_wait3A_387 = tpu.memref_slice %arg5[%dma_wait3A_385, %dma_wait3A_386] : memref<50048x16xf32, #tpu.memory_space<hbm>> -> memref<128x16xf32, #tpu.memory_space<hbm>>
      tpu.wait_dma2 semaphore(%dma_wait3A_380 : memref<!tpu.dma_semaphore, #tpu.memory_space<semaphore_mem>>) src(%dma_wait3A_387 : memref<128x16xf32, #tpu.memory_space<hbm>>) dst(%dma_wait3A_384 : memref<128x16xf32, #tpu.memory_space<vmem>>)
      %add3A_388 = arith.constant 7 : i32
      %add3A_389 = arith.addi %mul3A_164, %add3A_388 : i32
      %run_scoped3A_390 = arith.constant 7 : i32
      "tpu.region"() ({
        %run_scoped3A_460 = tpu.sem_alloc : memref<!tpu.dma_semaphore, #tpu.memory_space<semaphore_mem>>
        %dma_start3A_461 = arith.constant 0 : i32
        %dma_start3A_462 = arith.constant 0 : i32
        %dma_start3A_463 = tpu.memref_slice %arg10[%run_scoped3A_390, %dma_start3A_461, %dma_start3A_462] : memref<10x128x16xf32, #tpu.memory_space<vmem>> -> memref<1x128x16xf32, #tpu.memory_space<vmem>>
        %dma_start3A_464 = tpu.memref_squeeze %dma_start3A_463 : memref<1x128x16xf32, #tpu.memory_space<vmem>> -> memref<128x16xf32, #tpu.memory_space<vmem>>
        %dma_start3A_465 = arith.constant 0 : i32
        %dma_start3A_466 = tpu.memref_slice %arg9[%add3A_389, %dma_start3A_465] : memref<200x128xi32, #tpu.memory_space<vmem>> -> memref<1x128xi32, #tpu.memory_space<vmem>>
        %dma_start3A_467 = tpu.memref_squeeze %dma_start3A_466 : memref<1x128xi32, #tpu.memory_space<vmem>> -> memref<128xi32, #tpu.memory_space<vmem>>
        %dma_start3A_468 = arith.constant 0 : i32
        %dma_start3A_469 = arith.constant 0 : i32
        %dma_start3A_470 = tpu.memref_slice %arg7[%dma_start3A_468, %dma_start3A_469] : memref<50048x16xf32, #tpu.memory_space<vmem_shared>> -> memref<50048x16xf32, #tpu.memory_space<vmem_shared>>
        tpu.enqueue_indirect_dma source(%dma_start3A_464 : memref<128x16xf32, #tpu.memory_space<vmem>>) target(%dma_start3A_470 : memref<50048x16xf32, #tpu.memory_space<vmem_shared>>) offsets(%dma_start3A_467 : memref<128xi32, #tpu.memory_space<vmem>>) semaphore(%run_scoped3A_460 : memref<!tpu.dma_semaphore, #tpu.memory_space<semaphore_mem>>) {add = true}
        %dma_wait3A_471 = arith.constant 0 : i32
        %dma_wait3A_472 = arith.constant 0 : i32
        %dma_wait3A_473 = tpu.memref_slice %arg10[%run_scoped3A_390, %dma_wait3A_471, %dma_wait3A_472] : memref<10x128x16xf32, #tpu.memory_space<vmem>> -> memref<1x128x16xf32, #tpu.memory_space<vmem>>
        %dma_wait3A_474 = tpu.memref_squeeze %dma_wait3A_473 : memref<1x128x16xf32, #tpu.memory_space<vmem>> -> memref<128x16xf32, #tpu.memory_space<vmem>>
        %dma_wait3A_475 = arith.constant 0 : i32
        %dma_wait3A_476 = tpu.memref_slice %arg9[%add3A_389, %dma_wait3A_475] : memref<200x128xi32, #tpu.memory_space<vmem>> -> memref<1x128xi32, #tpu.memory_space<vmem>>
        %dma_wait3A_477 = tpu.memref_squeeze %dma_wait3A_476 : memref<1x128xi32, #tpu.memory_space<vmem>> -> memref<128xi32, #tpu.memory_space<vmem>>
        %dma_wait3A_478 = arith.constant 0 : i32
        %dma_wait3A_479 = arith.constant 0 : i32
        %dma_wait3A_480 = tpu.memref_slice %arg7[%dma_wait3A_478, %dma_wait3A_479] : memref<50048x16xf32, #tpu.memory_space<vmem_shared>> -> memref<50048x16xf32, #tpu.memory_space<vmem_shared>>
        tpu.wait_indirect_dma semaphore(%run_scoped3A_460 : memref<!tpu.dma_semaphore, #tpu.memory_space<semaphore_mem>>) src(%dma_wait3A_474 : memref<128x16xf32, #tpu.memory_space<vmem>>) dst(%dma_wait3A_480 : memref<50048x16xf32, #tpu.memory_space<vmem_shared>>)
        tpu.yield
      }) : () -> ()
      %add3A_391 = arith.constant 10 : i32
      %add3A_392 = arith.addi %mul3A_164, %add3A_391 : i32
      %add3A_393 = arith.constant 7 : i32
      %add3A_394 = arith.addi %add3A_392, %add3A_393 : i32
      %lt3A_395 = arith.constant 200 : i32
      %lt3A_396 = arith.cmpi slt, %add3A_394, %lt3A_395 : i32
      %convert_element_type3A_397 = arith.extui %lt3A_396 : i1 to i32
      %cond3A_398 = arith.constant 0 : i32
      %cond3A_399 = arith.cmpi ne, %convert_element_type3A_397, %cond3A_398 : i32
      scf.if %cond3A_399 {
        %add3A_460 = arith.constant 10 : i32
        %add3A_461 = arith.addi %mul3A_164, %add3A_460 : i32
        %add3A_462 = arith.constant 7 : i32
        %add3A_463 = arith.addi %add3A_461, %add3A_462 : i32
        %dma_start3A_464 = arith.constant 7 : i32
        %dma_start3A_465 = arith.constant 7 : i32
        %dma_start3A_466 = arith.constant 0 : i32
        %dma_start3A_467 = arith.constant 0 : i32
        %dma_start3A_468 = tpu.memref_slice %arg10[%dma_start3A_464, %dma_start3A_466, %dma_start3A_467] : memref<10x128x16xf32, #tpu.memory_space<vmem>> -> memref<1x128x16xf32, #tpu.memory_space<vmem>>
        %dma_start3A_469 = tpu.memref_squeeze %dma_start3A_468 : memref<1x128x16xf32, #tpu.memory_space<vmem>> -> memref<128x16xf32, #tpu.memory_space<vmem>>
        %dma_start3A_470 = arith.constant 0 : i32
        %dma_start3A_471 = tpu.memref_slice %arg8[%add3A_463, %dma_start3A_470] : memref<200x128xi32, #tpu.memory_space<vmem>> -> memref<1x128xi32, #tpu.memory_space<vmem>>
        %dma_start3A_472 = tpu.memref_squeeze %dma_start3A_471 : memref<1x128xi32, #tpu.memory_space<vmem>> -> memref<128xi32, #tpu.memory_space<vmem>>
        %dma_start3A_473 = arith.constant 0 : i32
        %dma_start3A_474 = arith.constant 0 : i32
        %dma_start3A_475 = tpu.memref_slice %arg4[%dma_start3A_473, %dma_start3A_474] : memref<50048x16xf32, #tpu.memory_space<hbm>> -> memref<50048x16xf32, #tpu.memory_space<hbm>>
        %dma_start3A_476 = tpu.memref_slice %arg11[%dma_start3A_465] : memref<10x!tpu.dma_semaphore, #tpu.memory_space<semaphore_mem>> -> memref<1x!tpu.dma_semaphore, #tpu.memory_space<semaphore_mem>>
        %dma_start3A_477 = tpu.memref_squeeze %dma_start3A_476 : memref<1x!tpu.dma_semaphore, #tpu.memory_space<semaphore_mem>> -> memref<!tpu.dma_semaphore, #tpu.memory_space<semaphore_mem>>
        tpu.enqueue_indirect_dma source(%dma_start3A_475 : memref<50048x16xf32, #tpu.memory_space<hbm>>) target(%dma_start3A_469 : memref<128x16xf32, #tpu.memory_space<vmem>>) offsets(%dma_start3A_472 : memref<128xi32, #tpu.memory_space<vmem>>) semaphore(%dma_start3A_477 : memref<!tpu.dma_semaphore, #tpu.memory_space<semaphore_mem>>)
      } else {
      }
      %dma_wait3A_400 = arith.constant 8 : i32
      %dma_wait3A_401 = arith.constant 8 : i32
      %dma_wait3A_402 = arith.constant 0 : i32
      %dma_wait3A_403 = arith.constant 0 : i32
      %dma_wait3A_404 = tpu.memref_slice %arg10[%dma_wait3A_400, %dma_wait3A_402, %dma_wait3A_403] : memref<10x128x16xf32, #tpu.memory_space<vmem>> -> memref<1x128x16xf32, #tpu.memory_space<vmem>>
      %dma_wait3A_405 = tpu.memref_squeeze %dma_wait3A_404 : memref<1x128x16xf32, #tpu.memory_space<vmem>> -> memref<128x16xf32, #tpu.memory_space<vmem>>
      %dma_wait3A_406 = arith.constant 0 : i32
      %dma_wait3A_407 = arith.constant 0 : i32
      %dma_wait3A_408 = tpu.memref_slice %arg5[%dma_wait3A_406, %dma_wait3A_407] : memref<50048x16xf32, #tpu.memory_space<hbm>> -> memref<128x16xf32, #tpu.memory_space<hbm>>
      %dma_wait3A_409 = tpu.memref_slice %arg11[%dma_wait3A_401] : memref<10x!tpu.dma_semaphore, #tpu.memory_space<semaphore_mem>> -> memref<1x!tpu.dma_semaphore, #tpu.memory_space<semaphore_mem>>
      %dma_wait3A_410 = tpu.memref_squeeze %dma_wait3A_409 : memref<1x!tpu.dma_semaphore, #tpu.memory_space<semaphore_mem>> -> memref<!tpu.dma_semaphore, #tpu.memory_space<semaphore_mem>>
      %dma_wait3A_411 = arith.constant 0 : i32
      %dma_wait3A_412 = arith.constant 0 : i32
      %dma_wait3A_413 = tpu.memref_slice %arg10[%dma_wait3A_400, %dma_wait3A_411, %dma_wait3A_412] : memref<10x128x16xf32, #tpu.memory_space<vmem>> -> memref<1x128x16xf32, #tpu.memory_space<vmem>>
      %dma_wait3A_414 = tpu.memref_squeeze %dma_wait3A_413 : memref<1x128x16xf32, #tpu.memory_space<vmem>> -> memref<128x16xf32, #tpu.memory_space<vmem>>
      %dma_wait3A_415 = arith.constant 0 : i32
      %dma_wait3A_416 = arith.constant 0 : i32
      %dma_wait3A_417 = tpu.memref_slice %arg5[%dma_wait3A_415, %dma_wait3A_416] : memref<50048x16xf32, #tpu.memory_space<hbm>> -> memref<128x16xf32, #tpu.memory_space<hbm>>
      tpu.wait_dma2 semaphore(%dma_wait3A_410 : memref<!tpu.dma_semaphore, #tpu.memory_space<semaphore_mem>>) src(%dma_wait3A_417 : memref<128x16xf32, #tpu.memory_space<hbm>>) dst(%dma_wait3A_414 : memref<128x16xf32, #tpu.memory_space<vmem>>)
      %add3A_418 = arith.constant 8 : i32
      %add3A_419 = arith.addi %mul3A_164, %add3A_418 : i32
      %run_scoped3A_420 = arith.constant 8 : i32
      "tpu.region"() ({
        %run_scoped3A_460 = tpu.sem_alloc : memref<!tpu.dma_semaphore, #tpu.memory_space<semaphore_mem>>
        %dma_start3A_461 = arith.constant 0 : i32
        %dma_start3A_462 = arith.constant 0 : i32
        %dma_start3A_463 = tpu.memref_slice %arg10[%run_scoped3A_420, %dma_start3A_461, %dma_start3A_462] : memref<10x128x16xf32, #tpu.memory_space<vmem>> -> memref<1x128x16xf32, #tpu.memory_space<vmem>>
        %dma_start3A_464 = tpu.memref_squeeze %dma_start3A_463 : memref<1x128x16xf32, #tpu.memory_space<vmem>> -> memref<128x16xf32, #tpu.memory_space<vmem>>
        %dma_start3A_465 = arith.constant 0 : i32
        %dma_start3A_466 = tpu.memref_slice %arg9[%add3A_419, %dma_start3A_465] : memref<200x128xi32, #tpu.memory_space<vmem>> -> memref<1x128xi32, #tpu.memory_space<vmem>>
        %dma_start3A_467 = tpu.memref_squeeze %dma_start3A_466 : memref<1x128xi32, #tpu.memory_space<vmem>> -> memref<128xi32, #tpu.memory_space<vmem>>
        %dma_start3A_468 = arith.constant 0 : i32
        %dma_start3A_469 = arith.constant 0 : i32
        %dma_start3A_470 = tpu.memref_slice %arg7[%dma_start3A_468, %dma_start3A_469] : memref<50048x16xf32, #tpu.memory_space<vmem_shared>> -> memref<50048x16xf32, #tpu.memory_space<vmem_shared>>
        tpu.enqueue_indirect_dma source(%dma_start3A_464 : memref<128x16xf32, #tpu.memory_space<vmem>>) target(%dma_start3A_470 : memref<50048x16xf32, #tpu.memory_space<vmem_shared>>) offsets(%dma_start3A_467 : memref<128xi32, #tpu.memory_space<vmem>>) semaphore(%run_scoped3A_460 : memref<!tpu.dma_semaphore, #tpu.memory_space<semaphore_mem>>) {add = true}
        %dma_wait3A_471 = arith.constant 0 : i32
        %dma_wait3A_472 = arith.constant 0 : i32
        %dma_wait3A_473 = tpu.memref_slice %arg10[%run_scoped3A_420, %dma_wait3A_471, %dma_wait3A_472] : memref<10x128x16xf32, #tpu.memory_space<vmem>> -> memref<1x128x16xf32, #tpu.memory_space<vmem>>
        %dma_wait3A_474 = tpu.memref_squeeze %dma_wait3A_473 : memref<1x128x16xf32, #tpu.memory_space<vmem>> -> memref<128x16xf32, #tpu.memory_space<vmem>>
        %dma_wait3A_475 = arith.constant 0 : i32
        %dma_wait3A_476 = tpu.memref_slice %arg9[%add3A_419, %dma_wait3A_475] : memref<200x128xi32, #tpu.memory_space<vmem>> -> memref<1x128xi32, #tpu.memory_space<vmem>>
        %dma_wait3A_477 = tpu.memref_squeeze %dma_wait3A_476 : memref<1x128xi32, #tpu.memory_space<vmem>> -> memref<128xi32, #tpu.memory_space<vmem>>
        %dma_wait3A_478 = arith.constant 0 : i32
        %dma_wait3A_479 = arith.constant 0 : i32
        %dma_wait3A_480 = tpu.memref_slice %arg7[%dma_wait3A_478, %dma_wait3A_479] : memref<50048x16xf32, #tpu.memory_space<vmem_shared>> -> memref<50048x16xf32, #tpu.memory_space<vmem_shared>>
        tpu.wait_indirect_dma semaphore(%run_scoped3A_460 : memref<!tpu.dma_semaphore, #tpu.memory_space<semaphore_mem>>) src(%dma_wait3A_474 : memref<128x16xf32, #tpu.memory_space<vmem>>) dst(%dma_wait3A_480 : memref<50048x16xf32, #tpu.memory_space<vmem_shared>>)
        tpu.yield
      }) : () -> ()
      %add3A_421 = arith.constant 10 : i32
      %add3A_422 = arith.addi %mul3A_164, %add3A_421 : i32
      %add3A_423 = arith.constant 8 : i32
      %add3A_424 = arith.addi %add3A_422, %add3A_423 : i32
      %lt3A_425 = arith.constant 200 : i32
      %lt3A_426 = arith.cmpi slt, %add3A_424, %lt3A_425 : i32
      %convert_element_type3A_427 = arith.extui %lt3A_426 : i1 to i32
      %cond3A_428 = arith.constant 0 : i32
      %cond3A_429 = arith.cmpi ne, %convert_element_type3A_427, %cond3A_428 : i32
      scf.if %cond3A_429 {
        %add3A_460 = arith.constant 10 : i32
        %add3A_461 = arith.addi %mul3A_164, %add3A_460 : i32
        %add3A_462 = arith.constant 8 : i32
        %add3A_463 = arith.addi %add3A_461, %add3A_462 : i32
        %dma_start3A_464 = arith.constant 8 : i32
        %dma_start3A_465 = arith.constant 8 : i32
        %dma_start3A_466 = arith.constant 0 : i32
        %dma_start3A_467 = arith.constant 0 : i32
        %dma_start3A_468 = tpu.memref_slice %arg10[%dma_start3A_464, %dma_start3A_466, %dma_start3A_467] : memref<10x128x16xf32, #tpu.memory_space<vmem>> -> memref<1x128x16xf32, #tpu.memory_space<vmem>>
        %dma_start3A_469 = tpu.memref_squeeze %dma_start3A_468 : memref<1x128x16xf32, #tpu.memory_space<vmem>> -> memref<128x16xf32, #tpu.memory_space<vmem>>
        %dma_start3A_470 = arith.constant 0 : i32
        %dma_start3A_471 = tpu.memref_slice %arg8[%add3A_463, %dma_start3A_470] : memref<200x128xi32, #tpu.memory_space<vmem>> -> memref<1x128xi32, #tpu.memory_space<vmem>>
        %dma_start3A_472 = tpu.memref_squeeze %dma_start3A_471 : memref<1x128xi32, #tpu.memory_space<vmem>> -> memref<128xi32, #tpu.memory_space<vmem>>
        %dma_start3A_473 = arith.constant 0 : i32
        %dma_start3A_474 = arith.constant 0 : i32
        %dma_start3A_475 = tpu.memref_slice %arg4[%dma_start3A_473, %dma_start3A_474] : memref<50048x16xf32, #tpu.memory_space<hbm>> -> memref<50048x16xf32, #tpu.memory_space<hbm>>
        %dma_start3A_476 = tpu.memref_slice %arg11[%dma_start3A_465] : memref<10x!tpu.dma_semaphore, #tpu.memory_space<semaphore_mem>> -> memref<1x!tpu.dma_semaphore, #tpu.memory_space<semaphore_mem>>
        %dma_start3A_477 = tpu.memref_squeeze %dma_start3A_476 : memref<1x!tpu.dma_semaphore, #tpu.memory_space<semaphore_mem>> -> memref<!tpu.dma_semaphore, #tpu.memory_space<semaphore_mem>>
        tpu.enqueue_indirect_dma source(%dma_start3A_475 : memref<50048x16xf32, #tpu.memory_space<hbm>>) target(%dma_start3A_469 : memref<128x16xf32, #tpu.memory_space<vmem>>) offsets(%dma_start3A_472 : memref<128xi32, #tpu.memory_space<vmem>>) semaphore(%dma_start3A_477 : memref<!tpu.dma_semaphore, #tpu.memory_space<semaphore_mem>>)
      } else {
      }
      %dma_wait3A_430 = arith.constant 9 : i32
      %dma_wait3A_431 = arith.constant 9 : i32
      %dma_wait3A_432 = arith.constant 0 : i32
      %dma_wait3A_433 = arith.constant 0 : i32
      %dma_wait3A_434 = tpu.memref_slice %arg10[%dma_wait3A_430, %dma_wait3A_432, %dma_wait3A_433] : memref<10x128x16xf32, #tpu.memory_space<vmem>> -> memref<1x128x16xf32, #tpu.memory_space<vmem>>
      %dma_wait3A_435 = tpu.memref_squeeze %dma_wait3A_434 : memref<1x128x16xf32, #tpu.memory_space<vmem>> -> memref<128x16xf32, #tpu.memory_space<vmem>>
      %dma_wait3A_436 = arith.constant 0 : i32
      %dma_wait3A_437 = arith.constant 0 : i32
      %dma_wait3A_438 = tpu.memref_slice %arg5[%dma_wait3A_436, %dma_wait3A_437] : memref<50048x16xf32, #tpu.memory_space<hbm>> -> memref<128x16xf32, #tpu.memory_space<hbm>>
      %dma_wait3A_439 = tpu.memref_slice %arg11[%dma_wait3A_431] : memref<10x!tpu.dma_semaphore, #tpu.memory_space<semaphore_mem>> -> memref<1x!tpu.dma_semaphore, #tpu.memory_space<semaphore_mem>>
      %dma_wait3A_440 = tpu.memref_squeeze %dma_wait3A_439 : memref<1x!tpu.dma_semaphore, #tpu.memory_space<semaphore_mem>> -> memref<!tpu.dma_semaphore, #tpu.memory_space<semaphore_mem>>
      %dma_wait3A_441 = arith.constant 0 : i32
      %dma_wait3A_442 = arith.constant 0 : i32
      %dma_wait3A_443 = tpu.memref_slice %arg10[%dma_wait3A_430, %dma_wait3A_441, %dma_wait3A_442] : memref<10x128x16xf32, #tpu.memory_space<vmem>> -> memref<1x128x16xf32, #tpu.memory_space<vmem>>
      %dma_wait3A_444 = tpu.memref_squeeze %dma_wait3A_443 : memref<1x128x16xf32, #tpu.memory_space<vmem>> -> memref<128x16xf32, #tpu.memory_space<vmem>>
      %dma_wait3A_445 = arith.constant 0 : i32
      %dma_wait3A_446 = arith.constant 0 : i32
      %dma_wait3A_447 = tpu.memref_slice %arg5[%dma_wait3A_445, %dma_wait3A_446] : memref<50048x16xf32, #tpu.memory_space<hbm>> -> memref<128x16xf32, #tpu.memory_space<hbm>>
      tpu.wait_dma2 semaphore(%dma_wait3A_440 : memref<!tpu.dma_semaphore, #tpu.memory_space<semaphore_mem>>) src(%dma_wait3A_447 : memref<128x16xf32, #tpu.memory_space<hbm>>) dst(%dma_wait3A_444 : memref<128x16xf32, #tpu.memory_space<vmem>>)
      %add3A_448 = arith.constant 9 : i32
      %add3A_449 = arith.addi %mul3A_164, %add3A_448 : i32
      %run_scoped3A_450 = arith.constant 9 : i32
      "tpu.region"() ({
        %run_scoped3A_460 = tpu.sem_alloc : memref<!tpu.dma_semaphore, #tpu.memory_space<semaphore_mem>>
        %dma_start3A_461 = arith.constant 0 : i32
        %dma_start3A_462 = arith.constant 0 : i32
        %dma_start3A_463 = tpu.memref_slice %arg10[%run_scoped3A_450, %dma_start3A_461, %dma_start3A_462] : memref<10x128x16xf32, #tpu.memory_space<vmem>> -> memref<1x128x16xf32, #tpu.memory_space<vmem>>
        %dma_start3A_464 = tpu.memref_squeeze %dma_start3A_463 : memref<1x128x16xf32, #tpu.memory_space<vmem>> -> memref<128x16xf32, #tpu.memory_space<vmem>>
        %dma_start3A_465 = arith.constant 0 : i32
        %dma_start3A_466 = tpu.memref_slice %arg9[%add3A_449, %dma_start3A_465] : memref<200x128xi32, #tpu.memory_space<vmem>> -> memref<1x128xi32, #tpu.memory_space<vmem>>
        %dma_start3A_467 = tpu.memref_squeeze %dma_start3A_466 : memref<1x128xi32, #tpu.memory_space<vmem>> -> memref<128xi32, #tpu.memory_space<vmem>>
        %dma_start3A_468 = arith.constant 0 : i32
        %dma_start3A_469 = arith.constant 0 : i32
        %dma_start3A_470 = tpu.memref_slice %arg7[%dma_start3A_468, %dma_start3A_469] : memref<50048x16xf32, #tpu.memory_space<vmem_shared>> -> memref<50048x16xf32, #tpu.memory_space<vmem_shared>>
        tpu.enqueue_indirect_dma source(%dma_start3A_464 : memref<128x16xf32, #tpu.memory_space<vmem>>) target(%dma_start3A_470 : memref<50048x16xf32, #tpu.memory_space<vmem_shared>>) offsets(%dma_start3A_467 : memref<128xi32, #tpu.memory_space<vmem>>) semaphore(%run_scoped3A_460 : memref<!tpu.dma_semaphore, #tpu.memory_space<semaphore_mem>>) {add = true}
        %dma_wait3A_471 = arith.constant 0 : i32
        %dma_wait3A_472 = arith.constant 0 : i32
        %dma_wait3A_473 = tpu.memref_slice %arg10[%run_scoped3A_450, %dma_wait3A_471, %dma_wait3A_472] : memref<10x128x16xf32, #tpu.memory_space<vmem>> -> memref<1x128x16xf32, #tpu.memory_space<vmem>>
        %dma_wait3A_474 = tpu.memref_squeeze %dma_wait3A_473 : memref<1x128x16xf32, #tpu.memory_space<vmem>> -> memref<128x16xf32, #tpu.memory_space<vmem>>
        %dma_wait3A_475 = arith.constant 0 : i32
        %dma_wait3A_476 = tpu.memref_slice %arg9[%add3A_449, %dma_wait3A_475] : memref<200x128xi32, #tpu.memory_space<vmem>> -> memref<1x128xi32, #tpu.memory_space<vmem>>
        %dma_wait3A_477 = tpu.memref_squeeze %dma_wait3A_476 : memref<1x128xi32, #tpu.memory_space<vmem>> -> memref<128xi32, #tpu.memory_space<vmem>>
        %dma_wait3A_478 = arith.constant 0 : i32
        %dma_wait3A_479 = arith.constant 0 : i32
        %dma_wait3A_480 = tpu.memref_slice %arg7[%dma_wait3A_478, %dma_wait3A_479] : memref<50048x16xf32, #tpu.memory_space<vmem_shared>> -> memref<50048x16xf32, #tpu.memory_space<vmem_shared>>
        tpu.wait_indirect_dma semaphore(%run_scoped3A_460 : memref<!tpu.dma_semaphore, #tpu.memory_space<semaphore_mem>>) src(%dma_wait3A_474 : memref<128x16xf32, #tpu.memory_space<vmem>>) dst(%dma_wait3A_480 : memref<50048x16xf32, #tpu.memory_space<vmem_shared>>)
        tpu.yield
      }) : () -> ()
      %add3A_451 = arith.constant 10 : i32
      %add3A_452 = arith.addi %mul3A_164, %add3A_451 : i32
      %add3A_453 = arith.constant 9 : i32
      %add3A_454 = arith.addi %add3A_452, %add3A_453 : i32
      %lt3A_455 = arith.constant 200 : i32
      %lt3A_456 = arith.cmpi slt, %add3A_454, %lt3A_455 : i32
      %convert_element_type3A_457 = arith.extui %lt3A_456 : i1 to i32
      %cond3A_458 = arith.constant 0 : i32
      %cond3A_459 = arith.cmpi ne, %convert_element_type3A_457, %cond3A_458 : i32
      scf.if %cond3A_459 {
        %add3A_460 = arith.constant 10 : i32
        %add3A_461 = arith.addi %mul3A_164, %add3A_460 : i32
        %add3A_462 = arith.constant 9 : i32
        %add3A_463 = arith.addi %add3A_461, %add3A_462 : i32
        %dma_start3A_464 = arith.constant 9 : i32
        %dma_start3A_465 = arith.constant 9 : i32
        %dma_start3A_466 = arith.constant 0 : i32
        %dma_start3A_467 = arith.constant 0 : i32
        %dma_start3A_468 = tpu.memref_slice %arg10[%dma_start3A_464, %dma_start3A_466, %dma_start3A_467] : memref<10x128x16xf32, #tpu.memory_space<vmem>> -> memref<1x128x16xf32, #tpu.memory_space<vmem>>
        %dma_start3A_469 = tpu.memref_squeeze %dma_start3A_468 : memref<1x128x16xf32, #tpu.memory_space<vmem>> -> memref<128x16xf32, #tpu.memory_space<vmem>>
        %dma_start3A_470 = arith.constant 0 : i32
        %dma_start3A_471 = tpu.memref_slice %arg8[%add3A_463, %dma_start3A_470] : memref<200x128xi32, #tpu.memory_space<vmem>> -> memref<1x128xi32, #tpu.memory_space<vmem>>
        %dma_start3A_472 = tpu.memref_squeeze %dma_start3A_471 : memref<1x128xi32, #tpu.memory_space<vmem>> -> memref<128xi32, #tpu.memory_space<vmem>>
        %dma_start3A_473 = arith.constant 0 : i32
        %dma_start3A_474 = arith.constant 0 : i32
        %dma_start3A_475 = tpu.memref_slice %arg4[%dma_start3A_473, %dma_start3A_474] : memref<50048x16xf32, #tpu.memory_space<hbm>> -> memref<50048x16xf32, #tpu.memory_space<hbm>>
        %dma_start3A_476 = tpu.memref_slice %arg11[%dma_start3A_465] : memref<10x!tpu.dma_semaphore, #tpu.memory_space<semaphore_mem>> -> memref<1x!tpu.dma_semaphore, #tpu.memory_space<semaphore_mem>>
        %dma_start3A_477 = tpu.memref_squeeze %dma_start3A_476 : memref<1x!tpu.dma_semaphore, #tpu.memory_space<semaphore_mem>> -> memref<!tpu.dma_semaphore, #tpu.memory_space<semaphore_mem>>
        tpu.enqueue_indirect_dma source(%dma_start3A_475 : memref<50048x16xf32, #tpu.memory_space<hbm>>) target(%dma_start3A_469 : memref<128x16xf32, #tpu.memory_space<vmem>>) offsets(%dma_start3A_472 : memref<128xi32, #tpu.memory_space<vmem>>) semaphore(%dma_start3A_477 : memref<!tpu.dma_semaphore, #tpu.memory_space<semaphore_mem>>)
      } else {
      }
    }
    %scan3A_158 = arith.constant 20 : i32
    %barrier3A_159 = arith.constant 0 : index
    tpu.barrier barrier_id(%barrier3A_159)
    %mul3A_160 = arith.constant 3128 : i32
    %mul3A_161 = arith.muli %arg1, %mul3A_160 : i32
    "tpu.region"() ({
      %run_scoped3A = tpu.sem_alloc : memref<!tpu.dma_semaphore, #tpu.memory_space<semaphore_mem>>
      %dma_start3A_162 = arith.constant 0 : i32
      %dma_start3A_163 = tpu.memref_slice %arg6[%arg0, %mul3A_161, %dma_start3A_162] : memref<2x50048x16xf32, #tpu.memory_space<hbm>> -> memref<1x3128x16xf32, #tpu.memory_space<hbm>>
      %dma_start3A_164 = tpu.memref_squeeze %dma_start3A_163 : memref<1x3128x16xf32, #tpu.memory_space<hbm>> -> memref<3128x16xf32, #tpu.memory_space<hbm>>
      %dma_start3A_165 = arith.constant 0 : i32
      %dma_start3A_166 = tpu.memref_slice %arg7[%mul3A_161, %dma_start3A_165] : memref<50048x16xf32, #tpu.memory_space<vmem_shared>> -> memref<3128x16xf32, #tpu.memory_space<vmem_shared>>
      tpu.enqueue_dma source(%dma_start3A_166 : memref<3128x16xf32, #tpu.memory_space<vmem_shared>>) target(%dma_start3A_164 : memref<3128x16xf32, #tpu.memory_space<hbm>>) target_semaphore(%run_scoped3A : memref<!tpu.dma_semaphore, #tpu.memory_space<semaphore_mem>>)
      %dma_wait3A = arith.constant 0 : i32
      %dma_wait3A_167 = tpu.memref_slice %arg6[%arg0, %mul3A_161, %dma_wait3A] : memref<2x50048x16xf32, #tpu.memory_space<hbm>> -> memref<1x3128x16xf32, #tpu.memory_space<hbm>>
      %dma_wait3A_168 = tpu.memref_squeeze %dma_wait3A_167 : memref<1x3128x16xf32, #tpu.memory_space<hbm>> -> memref<3128x16xf32, #tpu.memory_space<hbm>>
      %dma_wait3A_169 = arith.constant 0 : i32
      %dma_wait3A_170 = tpu.memref_slice %arg7[%mul3A_161, %dma_wait3A_169] : memref<50048x16xf32, #tpu.memory_space<vmem_shared>> -> memref<3128x16xf32, #tpu.memory_space<vmem_shared>>
      tpu.wait_dma2 semaphore(%run_scoped3A : memref<!tpu.dma_semaphore, #tpu.memory_space<semaphore_mem>>) src(%dma_wait3A_170 : memref<3128x16xf32, #tpu.memory_space<vmem_shared>>) dst(%dma_wait3A_168 : memref<3128x16xf32, #tpu.memory_space<hbm>>)
      tpu.yield
    }) : () -> ()
    return
  }
}

module attributes {stable_mosaic.version = 14 : i64} {
  func.func @_tc_a_body(%arg0: i32, %arg1: memref<2x3128x16xf32, #tpu.memory_space<vmem>>, %arg2: memref<3128x1xf32, #tpu.memory_space<vmem>>, %arg3: memref<3128x16xf32, #tpu.memory_space<vmem>>) attributes {dimension_semantics = [#tpu.dimension_semantics<arbitrary>], iteration_bounds = array<i64: 16>, scalar_prefetch = 0 : i64, scratch_operands = 0 : i64, tpu.core_type = #tpu.core_type<tc>, window_params = [{transform_indices = @transform_0, window_bounds = array<i64: 2, 3128, 16>}, {transform_indices = @transform_1, window_bounds = array<i64: 3128, 1>}, {transform_indices = @transform_2, window_bounds = array<i64: 3128, 16>}]} {
    %get3A = arith.constant 0 : index
    %get3A_0 = arith.constant 0 : index
    %get3A_1 = arith.constant 0 : index
    %get3A_2 = vector.load %arg1[%get3A, %get3A_0, %get3A_1] : memref<2x3128x16xf32, #tpu.memory_space<vmem>>, vector<1x3128x1xf32>
    %get3A_3 = vector.shape_cast %get3A_2 : vector<1x3128x1xf32> to vector<3128x1xf32>
    %get3A_4 = arith.constant 1 : index
    %get3A_5 = arith.constant 0 : index
    %get3A_6 = arith.constant 0 : index
    %get3A_7 = vector.load %arg1[%get3A_4, %get3A_5, %get3A_6] : memref<2x3128x16xf32, #tpu.memory_space<vmem>>, vector<1x3128x1xf32>
    %get3A_8 = vector.shape_cast %get3A_7 : vector<1x3128x1xf32> to vector<3128x1xf32>
    %add3A = arith.addf %get3A_3, %get3A_8 : vector<3128x1xf32>
    %add3A_9 = arith.constant 1.000000e+00 : f32
    %add3A_10 = vector.broadcast %add3A_9 : f32 to vector<3128x1xf32>
    %add3A_11 = arith.addf %add3A, %add3A_10 : vector<3128x1xf32>
    %rsqrt3A = math.rsqrt %add3A_11 : vector<3128x1xf32>
    %div3A = arith.constant 1.000000e+00 : f32
    %div3A_12 = vector.broadcast %div3A : f32 to vector<3128x1xf32>
    %div3A_13 = arith.divf %div3A_12, %add3A_11 : vector<3128x1xf32>
    %get3A_14 = arith.constant 0 : index
    %get3A_15 = arith.constant 0 : index
    %get3A_16 = vector.load %arg2[%get3A_14, %get3A_15] : memref<3128x1xf32, #tpu.memory_space<vmem>>, vector<3128x1xf32>
    %broadcast_in_dim3A = arith.constant 0.000000e+00 : f32
    %broadcast_in_dim3A_17 = vector.broadcast %broadcast_in_dim3A : f32 to vector<3128x12xf32>
    %mul3A = arith.mulf %rsqrt3A, %get3A_16 : vector<3128x1xf32>
    %concatenate3A = tpu.concatenate %mul3A, %rsqrt3A, %div3A_13, %get3A_16, %broadcast_in_dim3A_17 in 1 : vector<3128x1xf32>, vector<3128x1xf32>, vector<3128x1xf32>, vector<3128x1xf32>, vector<3128x12xf32> -> vector<3128x16xf32>
    %swap3A = arith.constant 0 : index
    %swap3A_18 = arith.constant 0 : index
    %swap3A_19 = vector.load %arg3[%swap3A, %swap3A_18] : memref<3128x16xf32, #tpu.memory_space<vmem>>, vector<3128x16xf32>
    tpu.vector_store %arg3[%swap3A, %swap3A_18], %concatenate3A {strides = array<i32>} : memref<3128x16xf32, #tpu.memory_space<vmem>>, vector<3128x16xf32>,
    return
  }
  func.func @transform_0(%arg0: i32) -> (i32, i32, i32) {
    %c0_i32 = arith.constant 0 : i32
    %c0_i32_0 = arith.constant 0 : i32
    %c0_i32_1 = arith.constant 0 : i32
    return %c0_i32, %arg0, %c0_i32_0 : i32, i32, i32
  }
  func.func @transform_1(%arg0: i32) -> (i32, i32) {
    %c0_i32 = arith.constant 0 : i32
    %c0_i32_0 = arith.constant 0 : i32
    return %arg0, %c0_i32 : i32, i32
  }
  func.func @transform_2(%arg0: i32) -> (i32, i32) {
    %c0_i32 = arith.constant 0 : i32
    %c0_i32_0 = arith.constant 0 : i32
    return %arg0, %c0_i32 : i32, i32
  }
}

module attributes {stable_mosaic.version = 14 : i64} {
  func.func @_tc_b_body(%arg0: i32, %arg1: memref<2x3128x16xf32, #tpu.memory_space<vmem>>, %arg2: memref<3128x16xf32, #tpu.memory_space<vmem>>, %arg3: memref<1x4xf32, #tpu.memory_space<vmem>>, %arg4: memref<5x64xf32, #tpu.memory_space<vmem>>, %arg5: memref<1x64xf32, #tpu.memory_space<vmem>>, %arg6: memref<3128x64xf32, #tpu.memory_space<vmem>>, %arg7: memref<3128x32xf32, #tpu.memory_space<vmem>>, %arg8: memref<3128x32xf32, #tpu.memory_space<vmem>>) attributes {dimension_semantics = [#tpu.dimension_semantics<arbitrary>], iteration_bounds = array<i64: 16>, scalar_prefetch = 0 : i64, scratch_operands = 0 : i64, tpu.core_type = #tpu.core_type<tc>, window_params = [{transform_indices = @transform_0, window_bounds = array<i64: 2, 3128, 16>}, {transform_indices = @transform_1, window_bounds = array<i64: 3128, 16>}, {pipeline_mode = #tpu.pipeline_mode<synchronous>, transform_indices = @transform_2, window_bounds = array<i64: 1, 4>}, {pipeline_mode = #tpu.pipeline_mode<synchronous>, transform_indices = @transform_3, window_bounds = array<i64: 5, 64>}, {pipeline_mode = #tpu.pipeline_mode<synchronous>, transform_indices = @transform_4, window_bounds = array<i64: 1, 64>}, {transform_indices = @transform_5, window_bounds = array<i64: 3128, 64>}, {transform_indices = @transform_6, window_bounds = array<i64: 3128, 32>}, {transform_indices = @transform_7, window_bounds = array<i64: 3128, 32>}]} {
    %get3A = arith.constant 0 : index
    %get3A_0 = arith.constant 0 : index
    %get3A_1 = vector.load %arg2[%get3A, %get3A_0] : memref<3128x16xf32, #tpu.memory_space<vmem>>, vector<3128x16xf32>
    %slice3A = vector.extract_strided_slice %get3A_1 {offsets = [0, 1], sizes = [3128, 1], strides = [1, 1]} : vector<3128x16xf32> to vector<3128x1xf32>
    %slice3A_2 = vector.extract_strided_slice %get3A_1 {offsets = [0, 2], sizes = [3128, 1], strides = [1, 1]} : vector<3128x16xf32> to vector<3128x1xf32>
    %slice3A_3 = vector.extract_strided_slice %get3A_1 {offsets = [0, 3], sizes = [3128, 1], strides = [1, 1]} : vector<3128x16xf32> to vector<3128x1xf32>
    %get3A_4 = arith.constant 0 : index
    %get3A_5 = arith.constant 0 : index
    %get3A_6 = arith.constant 0 : index
    %get3A_7 = vector.load %arg1[%get3A_4, %get3A_5, %get3A_6] : memref<2x3128x16xf32, #tpu.memory_space<vmem>>, vector<1x3128x16xf32>
    %get3A_8 = vector.shape_cast %get3A_7 : vector<1x3128x16xf32> to vector<3128x16xf32>
    %get3A_9 = arith.constant 1 : index
    %get3A_10 = arith.constant 0 : index
    %get3A_11 = arith.constant 0 : index
    %get3A_12 = vector.load %arg1[%get3A_9, %get3A_10, %get3A_11] : memref<2x3128x16xf32, #tpu.memory_space<vmem>>, vector<1x3128x16xf32>
    %get3A_13 = vector.shape_cast %get3A_12 : vector<1x3128x16xf32> to vector<3128x16xf32>
    %add3A = arith.addf %get3A_8, %get3A_13 : vector<3128x16xf32>
    %slice3A_14 = vector.extract_strided_slice %add3A {offsets = [0, 0], sizes = [3128, 1], strides = [1, 1]} : vector<3128x16xf32> to vector<3128x1xf32>
    %mul3A = arith.mulf %slice3A, %slice3A_14 : vector<3128x1xf32>
    %mul3A_15 = arith.mulf %slice3A_2, %slice3A_3 : vector<3128x1xf32>
    %add3A_16 = arith.addf %mul3A, %mul3A_15 : vector<3128x1xf32>
    %slice3A_17 = vector.extract_strided_slice %add3A {offsets = [0, 1], sizes = [3128, 1], strides = [1, 1]} : vector<3128x16xf32> to vector<3128x1xf32>
    %mul3A_18 = arith.mulf %slice3A, %slice3A_17 : vector<3128x1xf32>
    %add3A_19 = arith.addf %mul3A_18, %slice3A_2 : vector<3128x1xf32>
    %get3A_20 = arith.constant 0 : index
    %get3A_21 = arith.constant 0 : index
    %get3A_22 = vector.load %arg3[%get3A_20, %get3A_21] : memref<1x4xf32, #tpu.memory_space<vmem>>, vector<1x4xf32>
    %reshape3A = vector.shape_cast %get3A_22 : vector<1x4xf32> to vector<4x1xf32>
    %get3A_23 = arith.constant 1 : index
    %get3A_24 = arith.constant 0 : index
    %get3A_25 = vector.load %arg4[%get3A_23, %get3A_24] : memref<5x64xf32, #tpu.memory_space<vmem>>, vector<4x64xf32>
    %mul3A_26 = vector.broadcast %reshape3A : vector<4x1xf32> to vector<4x64xf32>
    %mul3A_27 = arith.mulf %mul3A_26, %get3A_25 : vector<4x64xf32>
    %reduce_sum3A = arith.constant dense<0.000000e+00> : vector<64xf32>
    %reduce_sum3A_28 = vector.multi_reduction <add>, %mul3A_27, %reduce_sum3A [0] : vector<4x64xf32> to vector<64xf32>
    %broadcast_in_dim3A = vector.shape_cast %reduce_sum3A_28 : vector<64xf32> to vector<1x64xf32>
    %get3A_29 = arith.constant 0 : index
    %get3A_30 = arith.constant 0 : index
    %get3A_31 = vector.load %arg4[%get3A_29, %get3A_30] : memref<5x64xf32, #tpu.memory_space<vmem>>, vector<1x64xf32>
    %mul3A_32 = vector.broadcast %add3A_16 : vector<3128x1xf32> to vector<3128x64xf32>
    %mul3A_33 = vector.broadcast %get3A_31 : vector<1x64xf32> to vector<3128x64xf32>
    %mul3A_34 = arith.mulf %mul3A_32, %mul3A_33 : vector<3128x64xf32>
    %mul3A_35 = vector.broadcast %add3A_19 : vector<3128x1xf32> to vector<3128x64xf32>
    %mul3A_36 = vector.broadcast %broadcast_in_dim3A : vector<1x64xf32> to vector<3128x64xf32>
    %mul3A_37 = arith.mulf %mul3A_35, %mul3A_36 : vector<3128x64xf32>
    %add3A_38 = arith.addf %mul3A_34, %mul3A_37 : vector<3128x64xf32>
    %get3A_39 = arith.constant 0 : index
    %get3A_40 = arith.constant 0 : index
    %get3A_41 = vector.load %arg5[%get3A_39, %get3A_40] : memref<1x64xf32, #tpu.memory_space<vmem>>, vector<1x64xf32>
    %add3A_42 = vector.broadcast %get3A_41 : vector<1x64xf32> to vector<3128x64xf32>
    %add3A_43 = arith.addf %add3A_38, %add3A_42 : vector<3128x64xf32>
    %max3A = arith.constant 0.000000e+00 : f32
    %max3A_44 = vector.broadcast %max3A : f32 to vector<3128x64xf32>
    %max3A_45 = arith.maximumf %add3A_43, %max3A_44 : vector<3128x64xf32>
    %swap3A = arith.constant 0 : index
    %swap3A_46 = arith.constant 0 : index
    %swap3A_47 = vector.load %arg6[%swap3A, %swap3A_46] : memref<3128x64xf32, #tpu.memory_space<vmem>>, vector<3128x64xf32>
    tpu.vector_store %arg6[%swap3A, %swap3A_46], %max3A_45 {strides = array<i32>} : memref<3128x64xf32, #tpu.memory_space<vmem>>, vector<3128x64xf32>,
    %mul3A_48 = vector.broadcast %slice3A : vector<3128x1xf32> to vector<3128x64xf32>
    %mul3A_49 = arith.mulf %mul3A_48, %max3A_45 : vector<3128x64xf32>
    %slice3A_50 = vector.extract_strided_slice %mul3A_49 {offsets = [0, 0], sizes = [3128, 32], strides = [1, 1]} : vector<3128x64xf32> to vector<3128x32xf32>
    %swap3A_51 = arith.constant 0 : index
    %swap3A_52 = arith.constant 0 : index
    %swap3A_53 = vector.load %arg7[%swap3A_51, %swap3A_52] : memref<3128x32xf32, #tpu.memory_space<vmem>>, vector<3128x32xf32>
    tpu.vector_store %arg7[%swap3A_51, %swap3A_52], %slice3A_50 {strides = array<i32>} : memref<3128x32xf32, #tpu.memory_space<vmem>>, vector<3128x32xf32>,
    %slice3A_54 = vector.extract_strided_slice %mul3A_49 {offsets = [0, 32], sizes = [3128, 32], strides = [1, 1]} : vector<3128x64xf32> to vector<3128x32xf32>
    %swap3A_55 = arith.constant 0 : index
    %swap3A_56 = arith.constant 0 : index
    %swap3A_57 = vector.load %arg8[%swap3A_55, %swap3A_56] : memref<3128x32xf32, #tpu.memory_space<vmem>>, vector<3128x32xf32>
    tpu.vector_store %arg8[%swap3A_55, %swap3A_56], %slice3A_54 {strides = array<i32>} : memref<3128x32xf32, #tpu.memory_space<vmem>>, vector<3128x32xf32>,
    return
  }
  func.func @transform_0(%arg0: i32) -> (i32, i32, i32) {
    %c0_i32 = arith.constant 0 : i32
    %c0_i32_0 = arith.constant 0 : i32
    %c0_i32_1 = arith.constant 0 : i32
    return %c0_i32, %arg0, %c0_i32_0 : i32, i32, i32
  }
  func.func @transform_1(%arg0: i32) -> (i32, i32) {
    %c0_i32 = arith.constant 0 : i32
    %c0_i32_0 = arith.constant 0 : i32
    return %arg0, %c0_i32 : i32, i32
  }
  func.func @transform_2(%arg0: i32) -> (i32, i32) {
    %c0_i32 = arith.constant 0 : i32
    %c0_i32_0 = arith.constant 0 : i32
    %c0_i32_1 = arith.constant 0 : i32
    return %c0_i32, %c0_i32_0 : i32, i32
  }
  func.func @transform_3(%arg0: i32) -> (i32, i32) {
    %c0_i32 = arith.constant 0 : i32
    %c0_i32_0 = arith.constant 0 : i32
    %c0_i32_1 = arith.constant 0 : i32
    return %c0_i32, %c0_i32_0 : i32, i32
  }
  func.func @transform_4(%arg0: i32) -> (i32, i32) {
    %c0_i32 = arith.constant 0 : i32
    %c0_i32_0 = arith.constant 0 : i32
    %c0_i32_1 = arith.constant 0 : i32
    return %c0_i32, %c0_i32_0 : i32, i32
  }
  func.func @transform_5(%arg0: i32) -> (i32, i32) {
    %c0_i32 = arith.constant 0 : i32
    %c0_i32_0 = arith.constant 0 : i32
    return %arg0, %c0_i32 : i32, i32
  }
  func.func @transform_6(%arg0: i32) -> (i32, i32) {
    %c0_i32 = arith.constant 0 : i32
    %c0_i32_0 = arith.constant 0 : i32
    return %arg0, %c0_i32 : i32, i32
  }
  func.func @transform_7(%arg0: i32) -> (i32, i32) {
    %c0_i32 = arith.constant 0 : i32
    %c0_i32_0 = arith.constant 0 : i32
    return %arg0, %c0_i32 : i32, i32
  }
}

module attributes {stable_mosaic.version = 14 : i64} {
  func.func @_tc_c_body(%arg0: i32, %arg1: memref<2x3128x32xf32, #tpu.memory_space<vmem>>, %arg2: memref<3128x64xf32, #tpu.memory_space<vmem>>, %arg3: memref<3128x16xf32, #tpu.memory_space<vmem>>, %arg4: memref<64x64xf32, #tpu.memory_space<vmem>>, %arg5: memref<1x64xf32, #tpu.memory_space<vmem>>, %arg6: memref<64x4xf32, #tpu.memory_space<vmem>>, %arg7: memref<3128x16xf32, #tpu.memory_space<vmem>>) attributes {dimension_semantics = [#tpu.dimension_semantics<arbitrary>], iteration_bounds = array<i64: 16>, scalar_prefetch = 0 : i64, scratch_operands = 0 : i64, tpu.core_type = #tpu.core_type<tc>, window_params = [{transform_indices = @transform_0, window_bounds = array<i64: 2, 3128, 32>}, {transform_indices = @transform_1, window_bounds = array<i64: 3128, 64>}, {transform_indices = @transform_2, window_bounds = array<i64: 3128, 16>}, {pipeline_mode = #tpu.pipeline_mode<synchronous>, transform_indices = @transform_3, window_bounds = array<i64: 64, 64>}, {pipeline_mode = #tpu.pipeline_mode<synchronous>, transform_indices = @transform_4, window_bounds = array<i64: 1, 64>}, {pipeline_mode = #tpu.pipeline_mode<synchronous>, transform_indices = @transform_5, window_bounds = array<i64: 64, 4>}, {transform_indices = @transform_6, window_bounds = array<i64: 3128, 16>}]} {
    %get3A = arith.constant 0 : index
    %get3A_0 = arith.constant 0 : index
    %get3A_1 = vector.load %arg3[%get3A, %get3A_0] : memref<3128x16xf32, #tpu.memory_space<vmem>>, vector<3128x16xf32>
    %slice3A = vector.extract_strided_slice %get3A_1 {offsets = [0, 1], sizes = [3128, 1], strides = [1, 1]} : vector<3128x16xf32> to vector<3128x1xf32>
    %slice3A_2 = vector.extract_strided_slice %get3A_1 {offsets = [0, 2], sizes = [3128, 1], strides = [1, 1]} : vector<3128x16xf32> to vector<3128x1xf32>
    %get3A_3 = arith.constant 0 : index
    %get3A_4 = arith.constant 0 : index
    %get3A_5 = arith.constant 0 : index
    %get3A_6 = vector.load %arg1[%get3A_3, %get3A_4, %get3A_5] : memref<2x3128x32xf32, #tpu.memory_space<vmem>>, vector<1x3128x32xf32>
    %get3A_7 = vector.shape_cast %get3A_6 : vector<1x3128x32xf32> to vector<3128x32xf32>
    %get3A_8 = arith.constant 1 : index
    %get3A_9 = arith.constant 0 : index
    %get3A_10 = arith.constant 0 : index
    %get3A_11 = vector.load %arg1[%get3A_8, %get3A_9, %get3A_10] : memref<2x3128x32xf32, #tpu.memory_space<vmem>>, vector<1x3128x32xf32>
    %get3A_12 = vector.shape_cast %get3A_11 : vector<1x3128x32xf32> to vector<3128x32xf32>
    %concatenate3A = tpu.concatenate %get3A_7, %get3A_12 in 1 : vector<3128x32xf32>, vector<3128x32xf32> -> vector<3128x64xf32>
    %mul3A = vector.broadcast %slice3A : vector<3128x1xf32> to vector<3128x64xf32>
    %mul3A_13 = arith.mulf %mul3A, %concatenate3A : vector<3128x64xf32>
    %get3A_14 = arith.constant 0 : index
    %get3A_15 = arith.constant 0 : index
    %get3A_16 = vector.load %arg2[%get3A_14, %get3A_15] : memref<3128x64xf32, #tpu.memory_space<vmem>>, vector<3128x64xf32>
    %mul3A_17 = vector.broadcast %slice3A_2 : vector<3128x1xf32> to vector<3128x64xf32>
    %mul3A_18 = arith.mulf %mul3A_17, %get3A_16 : vector<3128x64xf32>
    %add3A = arith.addf %mul3A_13, %mul3A_18 : vector<3128x64xf32>
    %get3A_19 = arith.constant 0 : index
    %get3A_20 = arith.constant 0 : index
    %get3A_21 = vector.load %arg4[%get3A_19, %get3A_20] : memref<64x64xf32, #tpu.memory_space<vmem>>, vector<64x64xf32>
    %dot_general3A = arith.constant dense<0.000000e+00> : vector<3128x64xf32>
    %dot_general3A_22 = tpu.matmul %add3A, %get3A_21, %dot_general3A {dimension_numbers = #tpu.dot_dimension_numbers<[1], [0], [0], [1], [0, 0, 1, 1], [], []>, transpose_lhs_hint = false} : vector<3128x64xf32>, vector<64x64xf32>, vector<3128x64xf32> -> vector<3128x64xf32>
    %get3A_23 = arith.constant 0 : index
    %get3A_24 = arith.constant 0 : index
    %get3A_25 = vector.load %arg5[%get3A_23, %get3A_24] : memref<1x64xf32, #tpu.memory_space<vmem>>, vector<1x64xf32>
    %add3A_26 = vector.broadcast %get3A_25 : vector<1x64xf32> to vector<3128x64xf32>
    %add3A_27 = arith.addf %dot_general3A_22, %add3A_26 : vector<3128x64xf32>
    %max3A = arith.constant 0.000000e+00 : f32
    %max3A_28 = vector.broadcast %max3A : f32 to vector<3128x64xf32>
    %max3A_29 = arith.maximumf %add3A_27, %max3A_28 : vector<3128x64xf32>
    %get3A_30 = arith.constant 0 : index
    %get3A_31 = arith.constant 0 : index
    %get3A_32 = vector.load %arg6[%get3A_30, %get3A_31] : memref<64x4xf32, #tpu.memory_space<vmem>>, vector<64x4xf32>
    %dot_general3A_33 = arith.constant dense<0.000000e+00> : vector<3128x4xf32>
    %dot_general3A_34 = tpu.matmul %max3A_29, %get3A_32, %dot_general3A_33 {dimension_numbers = #tpu.dot_dimension_numbers<[1], [0], [0], [1], [0, 0, 1, 1], [], []>, transpose_lhs_hint = false} : vector<3128x64xf32>, vector<64x4xf32>, vector<3128x4xf32> -> vector<3128x4xf32>
    %broadcast_in_dim3A = arith.constant 0.000000e+00 : f32
    %broadcast_in_dim3A_35 = vector.broadcast %broadcast_in_dim3A : f32 to vector<3128x8xf32>
    %mul3A_36 = vector.broadcast %slice3A : vector<3128x1xf32> to vector<3128x4xf32>
    %mul3A_37 = arith.mulf %mul3A_36, %dot_general3A_34 : vector<3128x4xf32>
    %concatenate3A_38 = tpu.concatenate %mul3A_37, %dot_general3A_34, %broadcast_in_dim3A_35 in 1 : vector<3128x4xf32>, vector<3128x4xf32>, vector<3128x8xf32> -> vector<3128x16xf32>
    %swap3A = arith.constant 0 : index
    %swap3A_39 = arith.constant 0 : index
    %swap3A_40 = vector.load %arg7[%swap3A, %swap3A_39] : memref<3128x16xf32, #tpu.memory_space<vmem>>, vector<3128x16xf32>
    tpu.vector_store %arg7[%swap3A, %swap3A_39], %concatenate3A_38 {strides = array<i32>} : memref<3128x16xf32, #tpu.memory_space<vmem>>, vector<3128x16xf32>,
    return
  }
  func.func @transform_0(%arg0: i32) -> (i32, i32, i32) {
    %c0_i32 = arith.constant 0 : i32
    %c0_i32_0 = arith.constant 0 : i32
    %c0_i32_1 = arith.constant 0 : i32
    return %c0_i32, %arg0, %c0_i32_0 : i32, i32, i32
  }
  func.func @transform_1(%arg0: i32) -> (i32, i32) {
    %c0_i32 = arith.constant 0 : i32
    %c0_i32_0 = arith.constant 0 : i32
    return %arg0, %c0_i32 : i32, i32
  }
  func.func @transform_2(%arg0: i32) -> (i32, i32) {
    %c0_i32 = arith.constant 0 : i32
    %c0_i32_0 = arith.constant 0 : i32
    return %arg0, %c0_i32 : i32, i32
  }
  func.func @transform_3(%arg0: i32) -> (i32, i32) {
    %c0_i32 = arith.constant 0 : i32
    %c0_i32_0 = arith.constant 0 : i32
    %c0_i32_1 = arith.constant 0 : i32
    return %c0_i32, %c0_i32_0 : i32, i32
  }
  func.func @transform_4(%arg0: i32) -> (i32, i32) {
    %c0_i32 = arith.constant 0 : i32
    %c0_i32_0 = arith.constant 0 : i32
    %c0_i32_1 = arith.constant 0 : i32
    return %c0_i32, %c0_i32_0 : i32, i32
  }
  func.func @transform_5(%arg0: i32) -> (i32, i32) {
    %c0_i32 = arith.constant 0 : i32
    %c0_i32_0 = arith.constant 0 : i32
    %c0_i32_1 = arith.constant 0 : i32
    return %c0_i32, %c0_i32_0 : i32, i32
  }
  func.func @transform_6(%arg0: i32) -> (i32, i32) {
    %c0_i32 = arith.constant 0 : i32
    %c0_i32_0 = arith.constant 0 : i32
    return %arg0, %c0_i32 : i32, i32
  }
}

module attributes {stable_mosaic.version = 14 : i64} {
  func.func @_tc_d_body(%arg0: i32, %arg1: memref<2x3128x16xf32, #tpu.memory_space<vmem>>, %arg2: memref<3128x16xf32, #tpu.memory_space<vmem>>, %arg3: memref<3128x16xf32, #tpu.memory_space<vmem>>, %arg4: memref<1x4xf32, #tpu.memory_space<vmem>>, %arg5: memref<3128x2xf32, #tpu.memory_space<vmem>>, %arg6: memref<3128x1xf32, #tpu.memory_space<vmem>>, %arg7: memref<3128x2xf32, #tpu.memory_space<vmem>>) attributes {dimension_semantics = [#tpu.dimension_semantics<arbitrary>], iteration_bounds = array<i64: 16>, scalar_prefetch = 0 : i64, scratch_operands = 0 : i64, tpu.core_type = #tpu.core_type<tc>, window_params = [{transform_indices = @transform_0, window_bounds = array<i64: 2, 3128, 16>}, {transform_indices = @transform_1, window_bounds = array<i64: 3128, 16>}, {transform_indices = @transform_2, window_bounds = array<i64: 3128, 16>}, {pipeline_mode = #tpu.pipeline_mode<synchronous>, transform_indices = @transform_3, window_bounds = array<i64: 1, 4>}, {transform_indices = @transform_4, window_bounds = array<i64: 3128, 2>}, {transform_indices = @transform_5, window_bounds = array<i64: 3128, 1>}, {transform_indices = @transform_6, window_bounds = array<i64: 3128, 2>}]} {
    %get3A = arith.constant 0 : index
    %get3A_0 = arith.constant 0 : index
    %get3A_1 = vector.load %arg3[%get3A, %get3A_0] : memref<3128x16xf32, #tpu.memory_space<vmem>>, vector<3128x16xf32>
    %slice3A = vector.extract_strided_slice %get3A_1 {offsets = [0, 1], sizes = [3128, 1], strides = [1, 1]} : vector<3128x16xf32> to vector<3128x1xf32>
    %slice3A_2 = vector.extract_strided_slice %get3A_1 {offsets = [0, 2], sizes = [3128, 1], strides = [1, 1]} : vector<3128x16xf32> to vector<3128x1xf32>
    %slice3A_3 = vector.extract_strided_slice %get3A_1 {offsets = [0, 3], sizes = [3128, 1], strides = [1, 1]} : vector<3128x16xf32> to vector<3128x1xf32>
    %get3A_4 = arith.constant 0 : index
    %get3A_5 = arith.constant 4 : index
    %get3A_6 = vector.load %arg2[%get3A_4, %get3A_5] : memref<3128x16xf32, #tpu.memory_space<vmem>>, vector<3128x4xf32>
    %get3A_7 = arith.constant 0 : index
    %get3A_8 = arith.constant 0 : index
    %get3A_9 = arith.constant 0 : index
    %get3A_10 = vector.load %arg1[%get3A_7, %get3A_8, %get3A_9] : memref<2x3128x16xf32, #tpu.memory_space<vmem>>, vector<1x3128x4xf32>
    %get3A_11 = vector.shape_cast %get3A_10 : vector<1x3128x4xf32> to vector<3128x4xf32>
    %get3A_12 = arith.constant 1 : index
    %get3A_13 = arith.constant 0 : index
    %get3A_14 = arith.constant 0 : index
    %get3A_15 = vector.load %arg1[%get3A_12, %get3A_13, %get3A_14] : memref<2x3128x16xf32, #tpu.memory_space<vmem>>, vector<1x3128x4xf32>
    %get3A_16 = vector.shape_cast %get3A_15 : vector<1x3128x4xf32> to vector<3128x4xf32>
    %add3A = arith.addf %get3A_11, %get3A_16 : vector<3128x4xf32>
    %mul3A = vector.broadcast %slice3A : vector<3128x1xf32> to vector<3128x4xf32>
    %mul3A_17 = arith.mulf %mul3A, %add3A : vector<3128x4xf32>
    %mul3A_18 = vector.broadcast %slice3A_2 : vector<3128x1xf32> to vector<3128x4xf32>
    %mul3A_19 = arith.mulf %mul3A_18, %get3A_6 : vector<3128x4xf32>
    %add3A_20 = arith.addf %mul3A_17, %mul3A_19 : vector<3128x4xf32>
    %get3A_21 = arith.constant 0 : index
    %get3A_22 = arith.constant 0 : index
    %get3A_23 = vector.load %arg4[%get3A_21, %get3A_22] : memref<1x4xf32, #tpu.memory_space<vmem>>, vector<1x4xf32>
    %add3A_24 = vector.broadcast %get3A_23 : vector<1x4xf32> to vector<3128x4xf32>
    %add3A_25 = arith.addf %add3A_20, %add3A_24 : vector<3128x4xf32>
    %get3A_26 = arith.constant 0 : index
    %get3A_27 = arith.constant 0 : index
    %get3A_28 = vector.load %arg5[%get3A_26, %get3A_27] : memref<3128x2xf32, #tpu.memory_space<vmem>>, vector<3128x2xf32>
    %slice3A_29 = vector.extract_strided_slice %add3A_25 {offsets = [0, 0], sizes = [3128, 2], strides = [1, 1]} : vector<3128x4xf32> to vector<3128x2xf32>
    %add3A_30 = arith.addf %get3A_28, %slice3A_29 : vector<3128x2xf32>
    %swap3A = arith.constant 0 : index
    %swap3A_31 = arith.constant 0 : index
    %swap3A_32 = vector.load %arg7[%swap3A, %swap3A_31] : memref<3128x2xf32, #tpu.memory_space<vmem>>, vector<3128x2xf32>
    tpu.vector_store %arg7[%swap3A, %swap3A_31], %add3A_30 {strides = array<i32>} : memref<3128x2xf32, #tpu.memory_space<vmem>>, vector<3128x2xf32>,
    %slice3A_33 = vector.extract_strided_slice %add3A_25 {offsets = [0, 2], sizes = [3128, 1], strides = [1, 1]} : vector<3128x4xf32> to vector<3128x1xf32>
    %add3A_34 = arith.addf %slice3A_3, %slice3A_33 : vector<3128x1xf32>
    %swap3A_35 = arith.constant 0 : index
    %swap3A_36 = arith.constant 0 : index
    %swap3A_37 = vector.load %arg6[%swap3A_35, %swap3A_36] : memref<3128x1xf32, #tpu.memory_space<vmem>>, vector<3128x1xf32>
    tpu.vector_store %arg6[%swap3A_35, %swap3A_36], %add3A_34 {strides = array<i32>} : memref<3128x1xf32, #tpu.memory_space<vmem>>, vector<3128x1xf32>,
    return
  }
  func.func @transform_0(%arg0: i32) -> (i32, i32, i32) {
    %c0_i32 = arith.constant 0 : i32
    %c0_i32_0 = arith.constant 0 : i32
    %c0_i32_1 = arith.constant 0 : i32
    return %c0_i32, %arg0, %c0_i32_0 : i32, i32, i32
  }
  func.func @transform_1(%arg0: i32) -> (i32, i32) {
    %c0_i32 = arith.constant 0 : i32
    %c0_i32_0 = arith.constant 0 : i32
    return %arg0, %c0_i32 : i32, i32
  }
  func.func @transform_2(%arg0: i32) -> (i32, i32) {
    %c0_i32 = arith.constant 0 : i32
    %c0_i32_0 = arith.constant 0 : i32
    return %arg0, %c0_i32 : i32, i32
  }
  func.func @transform_3(%arg0: i32) -> (i32, i32) {
    %c0_i32 = arith.constant 0 : i32
    %c0_i32_0 = arith.constant 0 : i32
    %c0_i32_1 = arith.constant 0 : i32
    return %c0_i32, %c0_i32_0 : i32, i32
  }
  func.func @transform_4(%arg0: i32) -> (i32, i32) {
    %c0_i32 = arith.constant 0 : i32
    %c0_i32_0 = arith.constant 0 : i32
    return %arg0, %c0_i32 : i32, i32
  }
  func.func @transform_5(%arg0: i32) -> (i32, i32) {
    %c0_i32 = arith.constant 0 : i32
    %c0_i32_0 = arith.constant 0 : i32
    return %arg0, %c0_i32 : i32, i32
  }
  func.func @transform_6(%arg0: i32) -> (i32, i32) {
    %c0_i32 = arith.constant 0 : i32
    %c0_i32_0 = arith.constant 0 : i32
    return %arg0, %c0_i32 : i32, i32
  }
}

</mosaic_0001>

<sc_bundles>
// kernel: kernel.10.cloned.1.call-start
scs
__scs_entry_jumppad:
0x0: {  	(pc) =	sbr.rel $0x88, $3  }
0x1: {  	(tag) =	ssettag $0x0;
	lr =	simm.s32 $0x1  }
0x2: {  	[smem:$0x3F97] =	sst lr;
	_ =	strace $0xD0000000  }
0x3: {  	_ = 	snop  }
0x4: {  	_ = 	snop  }
0x5: {  	_ = 	snop  }
0x6: {  	_ = 	snop  }
0x7: {  	_ = 	snop  }
__scs_overlays_trampoline_lowered:
0x8: {  	[smem:$0x3FA6] =	sst s0  }
0x9: {  	[smem:$0x3FA7] =	sst s1  }
0xa: {  	[smem:$0x3FA8] =	sst s2  }
0xb: {  	[smem:$0x3FA9] =	sst s3  }
0xc: {  	[smem:$0x3FAA] =	sst s4  }
0xd: {  	[smem:$0x3FAB] =	sst s5  }
0xe: {  	[smem:$0x3FAC] =	sst s6  }
0xf: {  	[smem:$0x3FAD] =	sst s7  }
0x10: {  	[smem:$0x3FAE] =	sst s8  }
0x11: {  	[smem:$0x3FAF] =	sst s9;
	s0 =	simm.s32 @!p0 $0x0  }
0x12: {  	s1 =	sld [smem:$0x3F95];
	s0 =	simm.s32 @p0 $0x1  }
0x13: {  	[smem:$0x3FB0] =	sst s0;
	s0 =	simm.s32 @!p1 $0x0  }
0x14: {  	s2 =	sld [smem:$0x3F94];
	s0 =	simm.s32 @p1 $0x1  }
0x15: {  	[smem:$0x3FB1] =	sst s0;
	s0 =	simm.s32 @!p2 $0x0  }
0x16: {  	s3 =	sld [smem:$0x3FDB];
	s0 =	simm.s32 @p2 $0x1  }
0x17: {  	s4 =	simm.s32 $0x1BF5;
	[smem:$0x3FB3] =	sst s0  }
0x18: {  	s0 =	sld [smem:$0x3F96];
	_ =	swait.ge [sflag:s4], $0x0  }
0x19: {  	s7 =	sld [smem:$0x3F97]  }
0x1a: {  	s8 =	sadd.s32 $0xFFFFE003, lr  }
0x1b: {  	s9 =	sadd.s32 $0xFFFFFEF7, lr;
	s5 =	simm.s32 $0xFFFFFFFF;
	p2 =	slt.u32 s8, $0xFFFFF086  }
0x1c: {  	p1 =	slt.u32 s9, $0xF7A;
	s5 =	simm.s32 @!p2 $0x0  }
0x1d: {  	s5 =	simm.s32 @p1 $0x1;
	p0 =	seq.s32 s7, s2  }
0x1e: {  	s7 =	smul.u32 @!p0 $0xF7A, s2;
	p2 =	seq.s32 @!p0 s5, $0x0  }
0x1f: {  	s9 =	smul.u32 $0xF7A, s1;
	s8 =	simm.s32 @!p0 $0x1BF5;
	p2 =	por !p2, p0  }
0x20: {  	[sflag:s8] =	ssyncset.s32 @!p0 $0xFFFFF086;
	s6 =	sadd.s32 @!p0 s3, s7;
	s7 =	simm.s32 @!p0 $0x108  }
0x21: {  	s3 =	sadd.s32 s3, s9;
	s6 =	sadd.s32 @!p0 $0x88, s6;
	s7 =	simm.s32 @p2 $0x1082  }
0x22: {  	[simem:s7], [sflag:s8] =	dma.local @!p0 [hbm:s6], $0xF7A  }
0x23: {  	s9 =	sor.u32 $0xD0000000, s2;
	s6 =	simm.s32 $0x108;
	_ =	swait.ge @!p0 [sflag:s8], $0x0  }
0x24: {  	s3 =	sadd.s32 $0x88, s3;
	s6 =	simm.s32 @!p1 $0x1082;
	[sflag:s4] =	ssyncset.s32 $0xFFFFF086  }
0x25: {  	[simem:s6], [sflag:s4] =	dma.local [hbm:s3], $0xF7A  }
0x26: {  	[smem:$0x3F97] =	sst s1;
	(tag) =	ssettag s2;
	_ =	strace s9  }
0x27: {  	s1 =	sld [smem:$0x3FA7]  }
0x28: {  	s2 =	sld [smem:$0x3FA8]  }
0x29: {  	s4 =	sld [smem:$0x3FAA]  }
0x2a: {  	p0 =	seq.s32 s5, $0x0;
	s5 =	sld [smem:$0x3FAB]  }
0x2b: {  	s6 =	sld [smem:$0x3FAC]  }
0x2c: {  	s7 =	sld [smem:$0x3FAD]  }
0x2d: {  	s3 =	simm.s32 $0x108;
	s8 =	sld [smem:$0x3FAE]  }
0x2e: {  	s3 =	simm.s32 @!p0 $0x1082;
	s9 =	sld [smem:$0x3FAF]  }
0x2f: {  	lr =	sadd.s32 s0, s3;
	s0 =	sld [smem:$0x3FA6]  }
0x30: {  	s3 =	sld [smem:$0x3FA9]  }
0x31: {  	[smem:$0x3FB2] =	sst s10  }
0x32: {  	s10 =	sld [smem:$0x3FB0];
	_ =	sdelay $0x3  }
0x33: {  	p0 =	seq.s32 s10, $0x1;
	s10 =	sld [smem:$0x3FB2];
	_ =	sdelay $0x3  }
0x34: {  	[smem:$0x3FB2] =	sst s10  }
0x35: {  	s10 =	sld [smem:$0x3FB1];
	_ =	sdelay $0x3  }
0x36: {  	p1 =	seq.s32 s10, $0x1;
	s10 =	sld [smem:$0x3FB2];
	_ =	sdelay $0x3  }
0x37: {  	[smem:$0x3FB2] =	sst s10  }
0x38: {  	s10 =	sld [smem:$0x3FB3]  }
0x39: {  	_ = 	snop;
	(pc) =	sbr.ind lr, $3  }
0x3a: {  	_ = 	snop  }
0x3b: {  	_ = 	snop  }
0x3c: {  	p2 =	seq.s32 s10, $0x1;
	s10 =	sld [smem:$0x3FB2]  }
0x3d: {  	_ =	shalt  }
0x3e: {  	_ =	shalt  }
0x3f: {  	_ =	shalt  }
0x40: {  	_ =	shalt  }
0x41: {  	_ =	shalt  }
0x42: {  	_ =	shalt  }
0x43: {  	_ =	shalt  }
0x44: {  	_ =	shalt  }
0x45: {  	_ =	shalt  }
0x46: {  	_ =	shalt  }
0x47: {  	_ =	shalt  }
0x48: {  	_ =	shalt  }
0x49: {  	_ =	shalt  }
0x4a: {  	_ =	shalt  }
0x4b: {  	_ =	shalt  }
0x4c: {  	_ =	shalt  }
0x4d: {  	_ =	shalt  }
0x4e: {  	_ =	shalt  }
0x4f: {  	_ =	shalt  }
0x50: {  	_ =	shalt  }
0x51: {  	_ =	shalt  }
0x52: {  	_ =	shalt  }
0x53: {  	_ =	shalt  }
0x54: {  	_ =	shalt  }
0x55: {  	_ =	shalt  }
0x56: {  	_ =	shalt  }
0x57: {  	_ =	shalt  }
0x58: {  	_ =	shalt  }
0x59: {  	_ =	shalt  }
0x5a: {  	_ =	shalt  }
0x5b: {  	_ =	shalt  }
0x5c: {  	_ =	shalt  }
0x5d: {  	_ =	shalt  }
0x5e: {  	_ =	shalt  }
0x5f: {  	_ =	shalt  }
0x60: {  	_ =	shalt  }
0x61: {  	_ =	shalt  }
0x62: {  	_ =	shalt  }
0x63: {  	_ =	shalt  }
0x64: {  	_ =	shalt  }
0x65: {  	_ =	shalt  }
0x66: {  	_ =	shalt  }
0x67: {  	_ =	shalt  }
0x68: {  	_ =	shalt  }
0x69: {  	_ =	shalt  }
0x6a: {  	_ =	shalt  }
0x6b: {  	_ =	shalt  }
0x6c: {  	_ =	shalt  }
0x6d: {  	_ =	shalt  }
0x6e: {  	_ =	shalt  }
0x6f: {  	_ =	shalt  }
0x70: {  	_ =	shalt  }
0x71: {  	_ =	shalt  }
0x72: {  	_ =	shalt  }
0x73: {  	_ =	shalt  }
0x74: {  	_ =	shalt  }
0x75: {  	_ =	shalt  }
0x76: {  	_ =	shalt  }
0x77: {  	_ =	shalt  }
0x78: {  	_ =	shalt  }
0x79: {  	_ =	shalt  }
0x7a: {  	_ =	shalt  }
0x7b: {  	_ =	shalt  }
0x7c: {  	_ =	shalt  }
0x7d: {  	_ =	shalt  }
0x7e: {  	_ =	shalt  }
0x7f: {  	_ =	shalt  }
0x80: {  	_ =	shalt  }
0x81: {  	_ =	shalt  }
0x82: {  	_ =	shalt  }
0x83: {  	_ =	shalt  }
0x84: {  	_ =	shalt  }
0x85: {  	_ =	shalt  }
0x86: {  	_ =	shalt  }
0x87: {  	_ =	shalt  }
.Lfunc_end0:
.L_simem_size_0:
called_computation_lowered:
.L_overlay_start_0:
0x88: {  	s2 =	sld [smem:$0x3FD9]  }
0x89: {  	s3 =	sld [smem:$0x3FFE];
	_ =	sdelay $0x1  }
0x8a: {  	s1 =	srdreg.scid  }
0x8b: {  	s0 =	sand.u32 $0x1, s1  }
0x8c: {  	s14 =	sshll.u32 s0, $0xA;
	s2 =	sadd.s32 s3, s2  }
0x8d: {  	s2 =	sadd.s32 s2, s14  }
0x8e: {  	[smem:$0x3FBE] =	sst s2  }
0x8f: {  	_ = 	snop  }
0x90: {  	s2 =	sld [smem:$0x3FD0];
	_ =	sdelay $0x2  }
0x91: {  	s15 =	simm.s32 $0xA;
	s4 =	simm.s32 $0x10  }
0x92: {  	[smem:s4], [sflag:s15] =	dma.local [hbm:s2], $0x1  }
0x93: {  	_ =	swait.eq [sflag:s15], $0x1  }
0x94: {  	[sflag:s15] =	ssyncset.done $0x0  }
0x95: {  	[sflag:s15] =	ssyncadd.s32 $0xFFFFFFFF  }
0x96: {  	s16 =	sld [smem:$0x10];
	(tm) =	ssettm $0x1  }
0x97: {  	s17 =	sld [smem:$0x3FFB];
	_ =	sdelay $0x3  }
0x98: {  	_ =	strace s17  }
0x99: {  	s3 =	sld [smem:$0x3FFC];
	_ =	sdelay $0x3  }
0x9a: {  	_ =	strace s3  }
0x9b: {  	s3 =	sld [smem:$0x3FFD];
	_ =	sdelay $0x3  }
0x9c: {  	_ =	strace s3  }
0x9d: {  	_ =	strace $0x8FFFFFFF  }
0x9e: {  	s18 =	sld [smem:$0x3FDB];
	_ =	sdelay $0x1  }
0x9f: {  	s19 =	simm.s32 $_scs_section_size  }
0xa0: {  	s5 =	simm.s32 $_size__tile_overlayer_lowered;
	s6 =	simm.s32 $_tile_overlayer_lowered  }
0xa1: {  	s22 =	simm.s32 $0x1BFF;
	s21 =	sshll.u32 s6, $0x1;
	s3 =	sadd.s32 s19, s18  }
0xa2: {  	s7 =	simm.s32 $0x0;
	s20 =	sshll.u32 s5, $0x1;
	s5 =	sadd.s32 s21, s3  }
0xa3: {  	[timem:s7], [sflag:s22] =	dma.local [hbm:s5], s20  }
0xa4: {  	_ =	swait.ge [sflag:s22], s20  }
0xa5: {  	s4 =	ssub.s32 $0x0, s20;
	[sflag:s22] =	ssyncset.done $0x0  }
0xa6: {  	[sflag:s22] =	ssyncadd.s32 s4;
	_ =	sdelay $0x1  }
0xa7: {  	s23 =	simm.s32 $0x1B8B  }
0xa8: {  	_ =	swait.ge [sflag:s23], $0x1  }
0xa9: {  	[sflag:s23] =	ssyncset.done $0x0  }
0xaa: {  	s25 =	simm.s32 $0x1B8E;
	s24 =	sld [smem:$0x3FFE];
	[sflag:s23] =	ssyncadd.s32 $0xFFFFFFFF  }
0xab: {  	s26 =	simm.s32 $execute0_lowered;
	[smem:$0x3FD2] =	sst s25  }
0xac: {  	s5 =	sshll.u32 s26, $0x1;
	_ =	strace $0x80000046;
	[dreg:$0x1] =	wrdreg $0xFFFFFFFF  }
0xad: {  	s28 =	simm.s32 $_size_execute0_lowered;
	s3 =	sadd.s32 s3, s5;
	[dreg:$0x0] =	wrdreg $0x0  }
0xae: {  	s5 =	sshll.u32 s28, $0x1;
	[dreg:$0x2] =	wrdreg s3  }
0xaf: {  	[dreg:$0x3] =	wrdreg s5  }
0xb0: {  	[dreg:$0x4] =	wrdreg $0xC0  }
0xb1: {  	_ =	task [dreg:s7], $0x5FFFF  }
0xb2: {  	[dreg:$0x1] =	wrdreg $0xFFFFFFFF  }
0xb3: {  	[dreg:$0x0] =	wrdreg $0x60  }
0xb4: {  	[dreg:$0x2] =	wrdreg s24  }
0xb5: {  	[dreg:$0x3] =	wrdreg s16  }
0xb6: {  	[dreg:$0x4] =	wrdreg $0x0  }
0xb7: {  	[dreg:$0x5] =	wrdreg $0x9  }
0xb8: {  	_ =	task.clear_ibuf [dreg:s7], $0x6FFFF;
	_ =	strace $0x90000046  }
0xb9: {  	s29 =	simm.s32 $0x9;
	_ =	strace $0x80000048  }
0xba: {  	_ =	swait.ge [sflag:s29], $0x1  }
0xbb: {  	[sflag:s29] =	ssyncadd.s32 $0xFFFFFFFF  }
0xbc: {  	_ =	strace $0x90000048  }
0xbd: {  	_ =	sfence  }
0xbe: {  	s30 =	sld [smem:$0x0];
	_ =	sdelay $0x2  }
0xbf: {  	s31 =	sshll.u32 s1, $0xD;
	s1 =	sshrl.u32 s1, $0x2  }
0xc0: {  	s3 =	sand.u32 $0x4000, s31;
	s1 =	sadd.s32 s1, s30  }
0xc1: {  	s0 =	sor.u32 s3, s0;
	s1 =	sshll.u32 s1, $0x11  }
0xc2: {  	s0 =	sor.u32 s1, s0  }
0xc3: {  	s0 =	sadd.s32 $0x8F2B, s0  }
0xc4: {  	[sflag:s0] =	ssyncadd.remote.s32 $0x1  }
0xc5: {  	_ =	sfence.sel $0xFFFF  }
0xc6: {  	[dreg:$0x0] =	wrdreg $0xFFFFFFFF;
	(pc) =	sbr.abs _section_cstart, $3  }
0xc7: {  	[dreg:$0x1] =	wrdreg $0xFFFFFFFF  }
0xc8: {  	_ =	task.clear_ibuf [dreg:s7], $0x2FFFF;
	_ =	strace $0x9FFFFFFF  }
0xc9: {  	(tm) =	ssettm $0x7FFFFFFF  }
tec
execute0_lowered:
.L_overlay_start_1:
0x0: {  	(tag) =	ssettag $0x1  }
0x1: {  	s6 =	rddreg [dreg:$0x0]  }
0x2: {  	s2 =	rddreg [dreg:$0x1]  }
0x3: {  	s0 =	srdreg.scid;
	s3 =	rddreg [dreg:$0x2];
	s4 =	simm.s32 $0x0  }
0x4: {  	s13 =	simm.s32 $0xC380;
	s14 =	simm.s32 $0x80;
	s15 =	simm.s32 $0x1  }
0x5: {  	s16 =	simm.s32 $0x0;
	s5 =	sand.u32 $0x1, s0;
	s0 =	stileid.u32  }
0x6: {  	[smem:$0x7FF] =	sst s4;
	s1 =	sshll.u32 s5, $0x4;
	s8 =	smul.u32 $0xC380, s0  }
0x7: {  	s9 =	smul.u32 $0xC3800, s5;
	s5 =	ssub.s32 $0x2, s5;
	s1 =	sor.u32 s0, s1  }
0x8: {  	s31 =	sshll.u32 s0, $0x6;
	s30 =	sshrl.u32 s5, $0x1;
	s7 =	smul.u32 $0xC80, s1  }
0x9: {  	s1 =	rddreg [dreg:$0x3];
	_ =	strace $0x80000047;
	s9 =	sadd.s32 s8, s9  }
0xa: {  	s10 =	sshrl.u32 s8, $0x3;
	s11 =	ssub.s32 s5, s30;
	s12 =	sadd.s32 s8, s3  }
0xb: {  	s9 =	sshrl.u32 s9, $0x3;
	s10 =	sadd.s32 s10, s6;
	s7 =	sadd.s32 s7, s6  }
0xc: {  	s9 =	sadd.s32 s9, s6;
	s5 =	sadd.s32 $0x1B200, s10;
	s6 =	sor.u32 $0x1C02, s31  }
0xd: {  	s10 =	sshrl.u32 s12, $0x3;
	s12 =	simm.s32 $0x12780;
	s7 =	sadd.s32 $0x2200, s7  }
0xe: {  	s8 =	sadd.s32 $0x33A00, s9;
	s9 =	smax.u32 s11, $0x1;
	s11 =	simm.s32 $0x2  }
.LBB2_1:
0xf: {  	[spmem:s10], [sflag:s6] =	dma.local [hbm:s5], $0x1870  }
0x10: {  	_ =	swait.ge [sflag:s11], $0x1870  }
0x11: {  	[sflag:s11] =	ssyncset.done $0x0  }
0x12: {  	[sflag:s11] =	ssyncadd.s32 $0xFFFFE790  }
0x13: {  	[tilespmem:s12], [sflag:$0x2] =	stream.linear.gather [hbm4b:s2+s4], $0x800, $0x38;
	[tilespmem:$0x12F80] =	vst v63  }
0x14: {  	_ =	swait.ge [sflag:s11], $0x800  }
0x15: {  	[sflag:s11] =	ssyncset.done $0x0  }
0x16: {  	[sflag:s11] =	ssyncadd.s32 $0xFFFFF800  }
0x17: {  	[tilespmem:s13], [sflag:$0x2] =	stream.linear.gather [hbm4b:s7+s4], $0x6400, $0x38;
	[tilespmem:$0x12F80] =	vst v63  }
0x18: {  	_ =	swait.ge [sflag:s11], $0x6400  }
0x19: {  	[sflag:s11] =	ssyncset.done $0x0  }
0x1a: {  	[sflag:s11] =	ssyncadd.s32 $0xFFFF9C00  }
0x1b: {  	s17 =	simm.s32 $0x0;
	[bflag:$0x0] =	sbarrier.arrive $0xFFFF  }
.LBB2_2:
0x1c: {  	p0 =	sne.s32 s17, $0x18E00  }
.Ltmp0:
0x1d: {  	_ = 	snop;
	(pc) =	sbr.rel @p0 .LBB2_2-.Ltmp0, $4  }
0x1e: {  	_ = 	snop  }
0x1f: {  	s18 =	sshra.s32 s17, $0x2  }
0x20: {  	s17 =	sadd.s32 $0x200, s17;
	s18 =	sadd.s32 $0xC380, s18  }
0x21: {  	[spmem:s3] =	stream.indirect.scatter.add.f32 [tilespmem:s12], [sflag:$0x1], $0x10, s18, s14, $0xb8;
	[tilespmem:$0x12F80] =	vst v63  }
0x22: {  	_ =	swait.ge [sflag:s15], $0x800  }
0x23: {  	s17 =	simm.s32 $0xC7;
	[sflag:s15] =	ssyncset.done $0x0  }
.LBB2_4:
0x24: {  	p0 =	sne.s32 s17, $0x1;
	s17 =	sadd.s32 $0xFFFFFFFF, s17;
	[sflag:s15] =	ssyncadd.s32 $0xFFFFF800  }
.Ltmp1:
0x25: {  	(pc) =	sbr.rel @p0 .LBB2_4-.Ltmp1, $3  }
0x26: {  	_ =	sdelay $0x1  }
0x27: {  	_ =	swait.ge [sflag:s15], $0x800  }
0x28: {  	[sflag:s15] =	ssyncset.done $0x0  }
0x29: {  	s16 =	sadd.s32 $0x1, s16  }
0x2a: {  	[sflag:s15] =	ssyncadd.s32 $0xFFFFF800;
	p0 =	sne.s32 s16, s9  }
.Ltmp2:
0x2b: {  	[bflag:$0x0] =	sbarrier.arrive $0xFFFF;
	(pc) =	sbr.rel @p0 .LBB2_1-.Ltmp2, $4  }
0x2c: {  	[hbm:s8], [sflag:s6] =	dma.local [spmem:s10], $0x1870  }
0x2d: {  	_ =	swait.ge [sflag:s11], $0x1870  }
0x2e: {  	[sflag:s11] =	ssyncset.done $0x0  }
0x2f: {  	[sflag:s11] =	ssyncadd.s32 $0xFFFFE790  }
0x30: {  	_ =	sfence.sel $0x180000  }
0x31: {  	[bflag:$0x0] =	sbarrier.arrive $0xFFFF  }
0x32: {  	p0 =	sne.s32 s0, $0x0;
	_ =	strace $0x90000047  }
0x33: {  	s0 =	sadd.s32 @!p0 $0x100000, s1;
	[bflag:$0x2] =	sbarrier.arrive $0xFFFF  }
0x34: {  	[sflag:s0] =	ssyncadd.tile.s32 @!p0 $0x1;
	_ =	shalt  }
.Lfunc_end2:
_tile_overlayer_lowered:
.L_overlay_start_2:
0x35: {  	(tag) =	ssettag $0x2  }
0x36: {  	s0 =	rddreg [dreg:$0x0];
	s2 =	stileid.u32  }
0x37: {  	s1 =	rddreg [dreg:$0x1];
	p0 =	sne.s32 s2, $0x0  }
0x38: {  	s3 =	rddreg [dreg:$0x2];
	[bflag:$0x3] =	sbarrier.arrive $0xFFFF;
	s2 =	simm.s32 @!p0 $0x1C02  }
0x39: {  	[timem:s3], [sflag:s2] =	dma.local @!p0 [hbm:s0], s1  }
0x3a: {  	s0 =	simm.s32 @!p0 $0x2  }
0x3b: {  	_ =	swait.ge @!p0 [sflag:s0], s1  }
0x3c: {  	s1 =	ssub.s32 @!p0 $0x0, s1;
	[sflag:s0] =	ssyncset.done @!p0 $0x0  }
0x3d: {  	[sflag:s0] =	ssyncadd.s32 @!p0 s1  }
0x3e: {  	[bflag:$0x3] =	sbarrier.arrive $0xFFFF  }
0x3f: {  	_ =	shalt  }

// kernel: kernel.13.cloned.1.call-start
scs
__scs_entry_jumppad:
0x0: {  	(pc) =	sbr.rel $0x88, $3  }
0x1: {  	(tag) =	ssettag $0x0;
	lr =	simm.s32 $0x1  }
0x2: {  	[smem:$0x3F97] =	sst lr;
	_ =	strace $0xD0000000  }
0x3: {  	_ = 	snop  }
0x4: {  	_ = 	snop  }
0x5: {  	_ = 	snop  }
0x6: {  	_ = 	snop  }
0x7: {  	_ = 	snop  }
__scs_overlays_trampoline_lowered:
0x8: {  	[smem:$0x3FA6] =	sst s0  }
0x9: {  	[smem:$0x3FA7] =	sst s1  }
0xa: {  	[smem:$0x3FA8] =	sst s2  }
0xb: {  	[smem:$0x3FA9] =	sst s3  }
0xc: {  	[smem:$0x3FAA] =	sst s4  }
0xd: {  	[smem:$0x3FAB] =	sst s5  }
0xe: {  	[smem:$0x3FAC] =	sst s6  }
0xf: {  	[smem:$0x3FAD] =	sst s7  }
0x10: {  	[smem:$0x3FAE] =	sst s8  }
0x11: {  	[smem:$0x3FAF] =	sst s9;
	s0 =	simm.s32 @!p0 $0x0  }
0x12: {  	s1 =	sld [smem:$0x3F95];
	s0 =	simm.s32 @p0 $0x1  }
0x13: {  	[smem:$0x3FB0] =	sst s0;
	s0 =	simm.s32 @!p1 $0x0  }
0x14: {  	s2 =	sld [smem:$0x3F94];
	s0 =	simm.s32 @p1 $0x1  }
0x15: {  	[smem:$0x3FB1] =	sst s0;
	s0 =	simm.s32 @!p2 $0x0  }
0x16: {  	s3 =	sld [smem:$0x3FDB];
	s0 =	simm.s32 @p2 $0x1  }
0x17: {  	s4 =	simm.s32 $0x1BF5;
	[smem:$0x3FB3] =	sst s0  }
0x18: {  	s0 =	sld [smem:$0x3F96];
	_ =	swait.ge [sflag:s4], $0x0  }
0x19: {  	s7 =	sld [smem:$0x3F97]  }
0x1a: {  	s8 =	sadd.s32 $0xFFFFE003, lr  }
0x1b: {  	s9 =	sadd.s32 $0xFFFFFEF7, lr;
	s5 =	simm.s32 $0xFFFFFFFF;
	p2 =	slt.u32 s8, $0xFFFFF086  }
0x1c: {  	p1 =	slt.u32 s9, $0xF7A;
	s5 =	simm.s32 @!p2 $0x0  }
0x1d: {  	s5 =	simm.s32 @p1 $0x1;
	p0 =	seq.s32 s7, s2  }
0x1e: {  	s7 =	smul.u32 @!p0 $0xF7A, s2;
	p2 =	seq.s32 @!p0 s5, $0x0  }
0x1f: {  	s9 =	smul.u32 $0xF7A, s1;
	s8 =	simm.s32 @!p0 $0x1BF5;
	p2 =	por !p2, p0  }
0x20: {  	[sflag:s8] =	ssyncset.s32 @!p0 $0xFFFFF086;
	s6 =	sadd.s32 @!p0 s3, s7;
	s7 =	simm.s32 @!p0 $0x108  }
0x21: {  	s3 =	sadd.s32 s3, s9;
	s6 =	sadd.s32 @!p0 $0x88, s6;
	s7 =	simm.s32 @p2 $0x1082  }
0x22: {  	[simem:s7], [sflag:s8] =	dma.local @!p0 [hbm:s6], $0xF7A  }
0x23: {  	s9 =	sor.u32 $0xD0000000, s2;
	s6 =	simm.s32 $0x108;
	_ =	swait.ge @!p0 [sflag:s8], $0x0  }
0x24: {  	s3 =	sadd.s32 $0x88, s3;
	s6 =	simm.s32 @!p1 $0x1082;
	[sflag:s4] =	ssyncset.s32 $0xFFFFF086  }
0x25: {  	[simem:s6], [sflag:s4] =	dma.local [hbm:s3], $0xF7A  }
0x26: {  	[smem:$0x3F97] =	sst s1;
	(tag) =	ssettag s2;
	_ =	strace s9  }
0x27: {  	s1 =	sld [smem:$0x3FA7]  }
0x28: {  	s2 =	sld [smem:$0x3FA8]  }
0x29: {  	s4 =	sld [smem:$0x3FAA]  }
0x2a: {  	p0 =	seq.s32 s5, $0x0;
	s5 =	sld [smem:$0x3FAB]  }
0x2b: {  	s6 =	sld [smem:$0x3FAC]  }
0x2c: {  	s7 =	sld [smem:$0x3FAD]  }
0x2d: {  	s3 =	simm.s32 $0x108;
	s8 =	sld [smem:$0x3FAE]  }
0x2e: {  	s3 =	simm.s32 @!p0 $0x1082;
	s9 =	sld [smem:$0x3FAF]  }
0x2f: {  	lr =	sadd.s32 s0, s3;
	s0 =	sld [smem:$0x3FA6]  }
0x30: {  	s3 =	sld [smem:$0x3FA9]  }
0x31: {  	[smem:$0x3FB2] =	sst s10  }
0x32: {  	s10 =	sld [smem:$0x3FB0];
	_ =	sdelay $0x3  }
0x33: {  	p0 =	seq.s32 s10, $0x1;
	s10 =	sld [smem:$0x3FB2];
	_ =	sdelay $0x3  }
0x34: {  	[smem:$0x3FB2] =	sst s10  }
0x35: {  	s10 =	sld [smem:$0x3FB1];
	_ =	sdelay $0x3  }
0x36: {  	p1 =	seq.s32 s10, $0x1;
	s10 =	sld [smem:$0x3FB2];
	_ =	sdelay $0x3  }
0x37: {  	[smem:$0x3FB2] =	sst s10  }
0x38: {  	s10 =	sld [smem:$0x3FB3]  }
0x39: {  	_ = 	snop;
	(pc) =	sbr.ind lr, $3  }
0x3a: {  	_ = 	snop  }
0x3b: {  	_ = 	snop  }
0x3c: {  	p2 =	seq.s32 s10, $0x1;
	s10 =	sld [smem:$0x3FB2]  }
0x3d: {  	_ =	shalt  }
0x3e: {  	_ =	shalt  }
0x3f: {  	_ =	shalt  }
0x40: {  	_ =	shalt  }
0x41: {  	_ =	shalt  }
0x42: {  	_ =	shalt  }
0x43: {  	_ =	shalt  }
0x44: {  	_ =	shalt  }
0x45: {  	_ =	shalt  }
0x46: {  	_ =	shalt  }
0x47: {  	_ =	shalt  }
0x48: {  	_ =	shalt  }
0x49: {  	_ =	shalt  }
0x4a: {  	_ =	shalt  }
0x4b: {  	_ =	shalt  }
0x4c: {  	_ =	shalt  }
0x4d: {  	_ =	shalt  }
0x4e: {  	_ =	shalt  }
0x4f: {  	_ =	shalt  }
0x50: {  	_ =	shalt  }
0x51: {  	_ =	shalt  }
0x52: {  	_ =	shalt  }
0x53: {  	_ =	shalt  }
0x54: {  	_ =	shalt  }
0x55: {  	_ =	shalt  }
0x56: {  	_ =	shalt  }
0x57: {  	_ =	shalt  }
0x58: {  	_ =	shalt  }
0x59: {  	_ =	shalt  }
0x5a: {  	_ =	shalt  }
0x5b: {  	_ =	shalt  }
0x5c: {  	_ =	shalt  }
0x5d: {  	_ =	shalt  }
0x5e: {  	_ =	shalt  }
0x5f: {  	_ =	shalt  }
0x60: {  	_ =	shalt  }
0x61: {  	_ =	shalt  }
0x62: {  	_ =	shalt  }
0x63: {  	_ =	shalt  }
0x64: {  	_ =	shalt  }
0x65: {  	_ =	shalt  }
0x66: {  	_ =	shalt  }
0x67: {  	_ =	shalt  }
0x68: {  	_ =	shalt  }
0x69: {  	_ =	shalt  }
0x6a: {  	_ =	shalt  }
0x6b: {  	_ =	shalt  }
0x6c: {  	_ =	shalt  }
0x6d: {  	_ =	shalt  }
0x6e: {  	_ =	shalt  }
0x6f: {  	_ =	shalt  }
0x70: {  	_ =	shalt  }
0x71: {  	_ =	shalt  }
0x72: {  	_ =	shalt  }
0x73: {  	_ =	shalt  }
0x74: {  	_ =	shalt  }
0x75: {  	_ =	shalt  }
0x76: {  	_ =	shalt  }
0x77: {  	_ =	shalt  }
0x78: {  	_ =	shalt  }
0x79: {  	_ =	shalt  }
0x7a: {  	_ =	shalt  }
0x7b: {  	_ =	shalt  }
0x7c: {  	_ =	shalt  }
0x7d: {  	_ =	shalt  }
0x7e: {  	_ =	shalt  }
0x7f: {  	_ =	shalt  }
0x80: {  	_ =	shalt  }
0x81: {  	_ =	shalt  }
0x82: {  	_ =	shalt  }
0x83: {  	_ =	shalt  }
0x84: {  	_ =	shalt  }
0x85: {  	_ =	shalt  }
0x86: {  	_ =	shalt  }
0x87: {  	_ =	shalt  }
.Lfunc_end0:
.L_simem_size_0:
called_computation.1_lowered:
.L_overlay_start_0:
0x88: {  	s2 =	sld [smem:$0x3FD9]  }
0x89: {  	s3 =	sld [smem:$0x3FFE];
	_ =	sdelay $0x1  }
0x8a: {  	s1 =	srdreg.scid  }
0x8b: {  	s0 =	sand.u32 $0x1, s1  }
0x8c: {  	s16 =	sshll.u32 s0, $0xA;
	s2 =	sadd.s32 s3, s2  }
0x8d: {  	s2 =	sadd.s32 s2, s16  }
0x8e: {  	[smem:$0x3FBE] =	sst s2  }
0x8f: {  	_ = 	snop  }
0x90: {  	(tm) =	ssettm $0x1  }
0x91: {  	s17 =	sld [smem:$0x3FFB];
	_ =	sdelay $0x3  }
0x92: {  	_ =	strace s17  }
0x93: {  	s2 =	sld [smem:$0x3FFC];
	_ =	sdelay $0x3  }
0x94: {  	_ =	strace s2  }
0x95: {  	s2 =	sld [smem:$0x3FFD];
	_ =	sdelay $0x3  }
0x96: {  	_ =	strace s2  }
0x97: {  	_ =	strace $0x8FFFFFFF  }
0x98: {  	s18 =	sld [smem:$0x3FDB];
	_ =	sdelay $0x1  }
0x99: {  	s19 =	simm.s32 $_scs_section_size  }
0x9a: {  	s4 =	simm.s32 $_size__tile_overlayer_lowered;
	s5 =	simm.s32 $_tile_overlayer_lowered  }
0x9b: {  	s22 =	simm.s32 $0x1BFF;
	s21 =	sshll.u32 s5, $0x1;
	s2 =	sadd.s32 s19, s18  }
0x9c: {  	s6 =	simm.s32 $0x0;
	s20 =	sshll.u32 s4, $0x1;
	s4 =	sadd.s32 s21, s2  }
0x9d: {  	[timem:s6], [sflag:s22] =	dma.local [hbm:s4], s20  }
0x9e: {  	_ =	swait.ge [sflag:s22], s20  }
0x9f: {  	s3 =	ssub.s32 $0x0, s20;
	[sflag:s22] =	ssyncset.done $0x0  }
0xa0: {  	[sflag:s22] =	ssyncadd.s32 s3;
	_ =	sdelay $0x1  }
0xa1: {  	s23 =	simm.s32 $0x1B8B  }
0xa2: {  	_ =	swait.ge [sflag:s23], $0x1  }
0xa3: {  	[sflag:s23] =	ssyncset.done $0x0  }
0xa4: {  	s25 =	simm.s32 $0x1B8E;
	s24 =	sld [smem:$0x3FFE];
	[sflag:s23] =	ssyncadd.s32 $0xFFFFFFFF  }
0xa5: {  	s26 =	simm.s32 $execute0_lowered;
	[smem:$0x3FD2] =	sst s25  }
0xa6: {  	s4 =	sshll.u32 s26, $0x1;
	_ =	strace $0x80000049;
	[dreg:$0x1] =	wrdreg $0xFFFFFFFF  }
0xa7: {  	s28 =	simm.s32 $_size_execute0_lowered;
	s2 =	sadd.s32 s2, s4;
	[dreg:$0x0] =	wrdreg $0x0  }
0xa8: {  	s4 =	sshll.u32 s28, $0x1;
	[dreg:$0x2] =	wrdreg s2  }
0xa9: {  	[dreg:$0x3] =	wrdreg s4  }
0xaa: {  	[dreg:$0x4] =	wrdreg $0xC0  }
0xab: {  	_ =	task [dreg:s6], $0x5FFFF  }
0xac: {  	[dreg:$0x1] =	wrdreg $0xFFFFFFFF  }
0xad: {  	[dreg:$0x0] =	wrdreg $0x60  }
0xae: {  	[dreg:$0x2] =	wrdreg s24  }
0xaf: {  	[dreg:$0x3] =	wrdreg $0x0  }
0xb0: {  	[dreg:$0x4] =	wrdreg $0x9  }
0xb1: {  	_ =	task.clear_ibuf [dreg:s6], $0x5FFFF;
	_ =	strace $0x90000049  }
0xb2: {  	s29 =	simm.s32 $0x9;
	_ =	strace $0x8000004B  }
0xb3: {  	_ =	swait.ge [sflag:s29], $0x1  }
0xb4: {  	[sflag:s29] =	ssyncadd.s32 $0xFFFFFFFF  }
0xb5: {  	_ =	strace $0x9000004B  }
0xb6: {  	_ =	sfence  }
0xb7: {  	s30 =	sld [smem:$0x0];
	_ =	sdelay $0x2  }
0xb8: {  	s31 =	sshll.u32 s1, $0xD;
	s1 =	sshrl.u32 s1, $0x2  }
0xb9: {  	s3 =	sand.u32 $0x4000, s31;
	s1 =	sadd.s32 s1, s30  }
0xba: {  	s0 =	sor.u32 s3, s0;
	s1 =	sshll.u32 s1, $0x11  }
0xbb: {  	s0 =	sor.u32 s1, s0  }
0xbc: {  	s0 =	sadd.s32 $0x8F2B, s0  }
0xbd: {  	[sflag:s0] =	ssyncadd.remote.s32 $0x1  }
0xbe: {  	_ =	sfence.sel $0xFFFF  }
0xbf: {  	[dreg:$0x0] =	wrdreg $0xFFFFFFFF;
	(pc) =	sbr.abs _section_cstart, $3  }
0xc0: {  	[dreg:$0x1] =	wrdreg $0xFFFFFFFF  }
0xc1: {  	_ =	task.clear_ibuf [dreg:s6], $0x2FFFF;
	_ =	strace $0x9FFFFFFF  }
0xc2: {  	(tm) =	ssettm $0x7FFFFFFF  }
0xc3: {  	_ =	shalt  }
tec
execute0_lowered:
.L_overlay_start_1:
0x0: {  	(tag) =	ssettag $0x1  }
0x1: {  	s0 =	srdreg.scid  }
0x2: {  	s9 =	stileid.u32;
	s3 =	rddreg [dreg:$0x0]  }
0x3: {  	s2 =	rddreg [dreg:$0x1];
	s4 =	simm.s32 $0x0;
	s12 =	simm.s32 $0xB  }
0x4: {  	s15 =	simm.s32 $0x80;
	s16 =	simm.s32 $0x18B80;
	s20 =	simm.s32 $0x19B80  }
0x5: {  	s24 =	simm.s32 $0x1AB80;
	s29 =	simm.s32 $0x1BB80;
	s17 =	simm.s32 $0x1D380  }
0x6: {  	s18 =	simm.s32 $0x1;
	s19 =	simm.s32 $0x3;
	s21 =	simm.s32 $0x5  }
0x7: {  	s22 =	simm.s32 $0x7;
	s23 =	simm.s32 $0x9;
	s25 =	simm.s32 $0xA  }
0x8: {  	s26 =	simm.s32 $0x0;
	s0 =	sand.u32 $0x1, s0;
	s5 =	smul.u32 $0xC380, s9  }
0x9: {  	[smem:$0x7FF] =	sst s4;
	s4 =	sadd.s32 $0x33A00, s3;
	s30 =	sshll.u32 s9, $0x6  }
0xa: {  	s1 =	sshll.u32 s0, $0x4;
	s6 =	smul.u32 $0xC3800, s0;
	_ =	strace $0x8000004A  }
0xb: {  	s0 =	ssub.s32 $0x2, s0;
	s1 =	sor.u32 s9, s1;
	s7 =	sshrl.u32 s5, $0x3  }
0xc: {  	s8 =	sshrl.u32 s0, $0x1;
	s1 =	smul.u32 $0xC80, s1;
	s6 =	sadd.s32 s5, s6  }
0xd: {  	s7 =	sadd.s32 s7, s3;
	s0 =	ssub.s32 s0, s8;
	s5 =	sadd.s32 s5, s2  }
.Ltmp0:
0xe: {  	s6 =	sshrl.u32 s6, $0x3;
	s28 =	sadd.s32 $0x1B200, s7;
	(pc) =	sbr.rel .LBB2_1-.Ltmp0, $4  }
0xf: {  	s10 =	smax.u32 s0, $0x1;
	s11 =	sshrl.u32 s5, $0x3;
	s1 =	sadd.s32 s1, s3  }
0x10: {  	s0 =	simm.s32 $0x1CB80;
	[dreg:$0x3] =	wrdreg s28;
	s31 =	sadd.s32 $0x127E00, s1  }
0x11: {  	s3 =	sadd.s32 s6, s3;
	s1 =	sadd.s32 $0x2200, s1;
	[dreg:$0x4] =	wrdreg s31  }
0x12: {  	s6 =	sor.u32 $0x1C0B, s30;
	s9 =	sadd.s32 $0x4C200, s3;
	[dreg:$0x5] =	wrdreg s1  }
.LBB2_4:
0x13: {  	_ =	swait.ge [sflag:s25], $0x800  }
0x14: {  	[sflag:s25] =	ssyncset.done $0x0  }
0x15: {  	[sflag:s25] =	ssyncadd.s32 $0xFFFFF800  }
0x16: {  	[spmem:s2] =	stream.indirect.scatter.add.f32 [tilespmem:s17], [sflag:$0xB], $0x10, s1, s15, $0xb8;
	[tilespmem:$0x1DB80] =	vst v63  }
0x17: {  	_ =	swait.ge [sflag:s12], $0x800  }
0x18: {  	s26 =	sadd.s32 $0x1, s26;
	[sflag:s12] =	ssyncset.done $0x0  }
0x19: {  	p0 =	sne.s32 s26, s10;
	[sflag:s12] =	ssyncadd.s32 $0xFFFFF800  }
.Ltmp1:
0x1a: {  	[bflag:$0x0] =	sbarrier.arrive $0xFFFF;
	(pc) =	sbr.rel @!p0 .LBB2_5-.Ltmp1, $4  }
0x1b: {  	[hbm:s9], [sflag:s6] =	dma.local [spmem:s11], $0x1870  }
0x1c: {  	_ =	swait.ge [sflag:s12], $0x1870  }
0x1d: {  	[sflag:s12] =	ssyncset.done $0x0  }
0x1e: {  	[sflag:s12] =	ssyncadd.s32 $0xFFFFE790  }
.LBB2_1:
0x1f: {  	s1 =	rddreg [dreg:$0x3]  }
0x20: {  	[spmem:s11], [sflag:s6] =	dma.local [hbm:s1], $0x1870  }
0x21: {  	_ =	swait.ge [sflag:s12], $0x1870  }
0x22: {  	s30 =	simm.s32 $0x0;
	[sflag:s12] =	ssyncset.done $0x0  }
0x23: {  	s5 =	simm.s32 $0xC380;
	s3 =	rddreg [dreg:$0x4];
	[sflag:s12] =	ssyncadd.s32 $0xFFFFE790  }
0x24: {  	[tilespmem:s5], [sflag:$0xB] =	stream.linear.gather [hbm4b:s3+s30], $0x6400, $0x38;
	[tilespmem:$0x1DB80] =	vst v63  }
0x25: {  	_ =	swait.ge [sflag:s12], $0x6400  }
0x26: {  	[sflag:s12] =	ssyncset.done $0x0  }
0x27: {  	s7 =	simm.s32 $0x12780;
	s31 =	rddreg [dreg:$0x5];
	[sflag:s12] =	ssyncadd.s32 $0xFFFF9C00  }
0x28: {  	[tilespmem:s7], [sflag:$0xB] =	stream.linear.gather [hbm4b:s31+s30], $0x6400, $0x38;
	[tilespmem:$0x1DB80] =	vst v63  }
0x29: {  	_ =	swait.ge [sflag:s12], $0x6400  }
0x2a: {  	[sflag:s12] =	ssyncset.done $0x0  }
0x2b: {  	[sflag:s12] =	ssyncadd.s32 $0xFFFF9C00  }
0x2c: {  	[bflag:$0x0] =	sbarrier.arrive $0xFFFF  }
0x2d: {  	[tilespmem:s16], [sflag:$0x1] =	stream.indirect.gather [hbm4b:s4+s15], $0x10, s5, s15, $0xb8;
	[tilespmem:$0x1DB80] =	vst v63  }
0x2e: {  	s8 =	simm.s32 $0xC400;
	s13 =	simm.s32 $0x19380  }
0x2f: {  	[tilespmem:s13], [sflag:$0x2] =	stream.indirect.gather [hbm4b:s4+s15], $0x10, s8, s15, $0xb8;
	[tilespmem:$0x1DB80] =	vst v63  }
0x30: {  	s14 =	simm.s32 $0xC480  }
0x31: {  	[tilespmem:s20], [sflag:$0x3] =	stream.indirect.gather [hbm4b:s4+s15], $0x10, s14, s15, $0xb8;
	[tilespmem:$0x1DB80] =	vst v63  }
0x32: {  	s30 =	simm.s32 $0xC500;
	s31 =	simm.s32 $0x1A380  }
0x33: {  	[tilespmem:s31], [sflag:$0x4] =	stream.indirect.gather [hbm4b:s4+s15], $0x10, s30, s15, $0xb8;
	[tilespmem:$0x1DB80] =	vst v63  }
0x34: {  	s3 =	simm.s32 $0xC580  }
0x35: {  	[tilespmem:s24], [sflag:$0x5] =	stream.indirect.gather [hbm4b:s4+s15], $0x10, s3, s15, $0xb8;
	[tilespmem:$0x1DB80] =	vst v63  }
0x36: {  	s7 =	simm.s32 $0x1B380;
	s5 =	simm.s32 $0xC600  }
0x37: {  	[tilespmem:s7], [sflag:$0x6] =	stream.indirect.gather [hbm4b:s4+s15], $0x10, s5, s15, $0xb8;
	[tilespmem:$0x1DB80] =	vst v63  }
0x38: {  	s8 =	simm.s32 $0xC680  }
0x39: {  	[tilespmem:s29], [sflag:$0x7] =	stream.indirect.gather [hbm4b:s4+s15], $0x10, s8, s15, $0xb8;
	[tilespmem:$0x1DB80] =	vst v63  }
0x3a: {  	s13 =	simm.s32 $0xC700;
	s14 =	simm.s32 $0x1C380  }
0x3b: {  	[tilespmem:s14], [sflag:$0x8] =	stream.indirect.gather [hbm4b:s4+s15], $0x10, s13, s15, $0xb8;
	[tilespmem:$0x1DB80] =	vst v63  }
0x3c: {  	s30 =	simm.s32 $0xC780  }
0x3d: {  	[tilespmem:s0], [sflag:$0x9] =	stream.indirect.gather [hbm4b:s4+s15], $0x10, s30, s15, $0xb8;
	[tilespmem:$0x1DB80] =	vst v63  }
0x3e: {  	s28 =	simm.s32 $0x0;
	s31 =	simm.s32 $0xC800  }
0x3f: {  	[tilespmem:s17], [sflag:$0xA] =	stream.indirect.gather [hbm4b:s4+s15], $0x10, s31, s15, $0xb8;
	[tilespmem:$0x1DB80] =	vst v63  }
.LBB2_2:
0x40: {  	_ =	swait.ge [sflag:s18], $0x800  }
0x41: {  	s30 =	sshra.s32 s28, $0x2;
	[sflag:s18] =	ssyncset.done $0x0  }
0x42: {  	s1 =	sadd.s32 $0x12780, s30;
	[sflag:s18] =	ssyncadd.s32 $0xFFFFF800  }
0x43: {  	[spmem:s2] =	stream.indirect.scatter.add.f32 [tilespmem:s16], [sflag:$0xB], $0x10, s1, s15, $0xb8;
	[tilespmem:$0x1DB80] =	vst v63  }
0x44: {  	_ =	swait.ge [sflag:s12], $0x800  }
0x45: {  	p0 =	seq.s32 s28, $0x17C00;
	[sflag:s12] =	ssyncset.done $0x0  }
0x46: {  	s1 =	simm.s32 @p0 $0x2;
	[sflag:s12] =	ssyncadd.s32 $0xFFFFF800  }
0x47: {  	_ =	swait.ge @p0 [sflag:s1], $0x800  }
0x48: {  	s14 =	sshra.s32 @p0 s28, $0x2;
	s3 =	simm.s32 @p0 $0x80;
	[sflag:s1] =	ssyncset.done @p0 $0x0  }
0x49: {  	s5 =	simm.s32 @p0 $0x19380;
	[sflag:s1] =	ssyncadd.s32 @p0 $0xFFFFF800;
	s1 =	sadd.s32 @p0 $0x12800, s14  }
0x4a: {  	[spmem:s2] =	stream.indirect.scatter.add.f32 @p0 [tilespmem:s5], [sflag:$0xB], $0x10, s1, s3, $0xb8;
	[tilespmem:$0x1DB80] =	vst v63  }
0x4b: {  	s5 =	simm.s32 @p0 $0xB  }
0x4c: {  	_ =	swait.ge @p0 [sflag:s5], $0x800  }
0x4d: {  	s31 =	sshra.s32 @!p0 s28, $0x2;
	s8 =	simm.s32 @!p0 $0x18B80;
	[sflag:s5] =	ssyncset.done @p0 $0x0  }
0x4e: {  	s7 =	sadd.s32 @!p0 $0xC880, s31;
	s1 =	simm.s32 @!p0 $0x80;
	[sflag:s5] =	ssyncadd.s32 @p0 $0xFFFFF800  }
0x4f: {  	[tilespmem:s8], [sflag:$0x1] =	stream.indirect.gather @!p0 [hbm4b:s4+s1], $0x10, s7, s1, $0xb8;
	[tilespmem:$0x1DB80] =	vst v63  }
0x50: {  	s7 =	simm.s32 @!p0 $0x2  }
0x51: {  	_ =	swait.ge @!p0 [sflag:s7], $0x800  }
0x52: {  	[sflag:s7] =	ssyncset.done @!p0 $0x0  }
0x53: {  	s8 =	simm.s32 @!p0 $0x19380;
	[sflag:s7] =	ssyncadd.s32 @!p0 $0xFFFFF800;
	s7 =	sadd.s32 @!p0 $0x12800, s31  }
0x54: {  	[spmem:s2] =	stream.indirect.scatter.add.f32 @!p0 [tilespmem:s8], [sflag:$0xB], $0x10, s7, s1, $0xb8;
	[tilespmem:$0x1DB80] =	vst v63  }
0x55: {  	s7 =	simm.s32 @!p0 $0xB  }
0x56: {  	_ =	swait.ge @!p0 [sflag:s7], $0x800  }
0x57: {  	[sflag:s7] =	ssyncset.done @!p0 $0x0  }
0x58: {  	s13 =	sadd.s32 @!p0 $0xC900, s31;
	[sflag:s7] =	ssyncadd.s32 @!p0 $0xFFFFF800  }
0x59: {  	[tilespmem:s8], [sflag:$0x2] =	stream.indirect.gather @!p0 [hbm4b:s4+s1], $0x10, s13, s1, $0xb8;
	[tilespmem:$0x1DB80] =	vst v63  }
0x5a: {  	_ =	swait.ge [sflag:s19], $0x800  }
0x5b: {  	[sflag:s19] =	ssyncset.done $0x0  }
0x5c: {  	s13 =	sadd.s32 $0x12880, s30;
	[sflag:s19] =	ssyncadd.s32 $0xFFFFF800  }
0x5d: {  	[spmem:s2] =	stream.indirect.scatter.add.f32 [tilespmem:s20], [sflag:$0xB], $0x10, s13, s15, $0xb8;
	[tilespmem:$0x1DB80] =	vst v63  }
0x5e: {  	_ =	swait.ge [sflag:s12], $0x800  }
0x5f: {  	[sflag:s12] =	ssyncset.done $0x0  }
0x60: {  	s8 =	simm.s32 @p0 $0x4;
	[sflag:s12] =	ssyncadd.s32 $0xFFFFF800  }
0x61: {  	_ =	swait.ge @p0 [sflag:s8], $0x800  }
0x62: {  	[sflag:s8] =	ssyncset.done @p0 $0x0  }
0x63: {  	s13 =	simm.s32 @p0 $0x1A380;
	[sflag:s8] =	ssyncadd.s32 @p0 $0xFFFFF800;
	s8 =	sadd.s32 @p0 $0x12900, s14  }
0x64: {  	[spmem:s2] =	stream.indirect.scatter.add.f32 @p0 [tilespmem:s13], [sflag:$0xB], $0x10, s8, s3, $0xb8;
	[tilespmem:$0x1DB80] =	vst v63  }
0x65: {  	_ =	swait.ge @p0 [sflag:s5], $0x800  }
0x66: {  	[sflag:s5] =	ssyncset.done @p0 $0x0  }
0x67: {  	s8 =	sadd.s32 @!p0 $0xC980, s31;
	s13 =	simm.s32 @!p0 $0x19B80;
	[sflag:s5] =	ssyncadd.s32 @p0 $0xFFFFF800  }
0x68: {  	[tilespmem:s13], [sflag:$0x3] =	stream.indirect.gather @!p0 [hbm4b:s4+s1], $0x10, s8, s1, $0xb8;
	[tilespmem:$0x1DB80] =	vst v63  }
0x69: {  	s8 =	simm.s32 @!p0 $0x4  }
0x6a: {  	_ =	swait.ge @!p0 [sflag:s8], $0x800  }
0x6b: {  	[sflag:s8] =	ssyncset.done @!p0 $0x0  }
0x6c: {  	s13 =	simm.s32 @!p0 $0x1A380;
	[sflag:s8] =	ssyncadd.s32 @!p0 $0xFFFFF800;
	s8 =	sadd.s32 @!p0 $0x12900, s31  }
0x6d: {  	[spmem:s2] =	stream.indirect.scatter.add.f32 @!p0 [tilespmem:s13], [sflag:$0xB], $0x10, s8, s1, $0xb8;
	[tilespmem:$0x1DB80] =	vst v63  }
0x6e: {  	_ =	swait.ge @!p0 [sflag:s7], $0x800  }
0x6f: {  	[sflag:s7] =	ssyncset.done @!p0 $0x0  }
0x70: {  	s8 =	sadd.s32 @!p0 $0xCA00, s31;
	[sflag:s7] =	ssyncadd.s32 @!p0 $0xFFFFF800  }
0x71: {  	[tilespmem:s13], [sflag:$0x4] =	stream.indirect.gather @!p0 [hbm4b:s4+s1], $0x10, s8, s1, $0xb8;
	[tilespmem:$0x1DB80] =	vst v63  }
0x72: {  	_ =	swait.ge [sflag:s21], $0x800  }
0x73: {  	[sflag:s21] =	ssyncset.done $0x0  }
0x74: {  	s13 =	sadd.s32 $0x12980, s30;
	[sflag:s21] =	ssyncadd.s32 $0xFFFFF800  }
0x75: {  	[spmem:s2] =	stream.indirect.scatter.add.f32 [tilespmem:s24], [sflag:$0xB], $0x10, s13, s15, $0xb8;
	[tilespmem:$0x1DB80] =	vst v63  }
0x76: {  	_ =	swait.ge [sflag:s12], $0x800  }
0x77: {  	[sflag:s12] =	ssyncset.done $0x0  }
0x78: {  	s8 =	simm.s32 @p0 $0x6;
	[sflag:s12] =	ssyncadd.s32 $0xFFFFF800  }
0x79: {  	_ =	swait.ge @p0 [sflag:s8], $0x800  }
0x7a: {  	[sflag:s8] =	ssyncset.done @p0 $0x0  }
0x7b: {  	s13 =	simm.s32 @p0 $0x1B380;
	[sflag:s8] =	ssyncadd.s32 @p0 $0xFFFFF800;
	s8 =	sadd.s32 @p0 $0x12A00, s14  }
0x7c: {  	[spmem:s2] =	stream.indirect.scatter.add.f32 @p0 [tilespmem:s13], [sflag:$0xB], $0x10, s8, s3, $0xb8;
	[tilespmem:$0x1DB80] =	vst v63  }
0x7d: {  	_ =	swait.ge @p0 [sflag:s5], $0x800  }
0x7e: {  	[sflag:s5] =	ssyncset.done @p0 $0x0  }
0x7f: {  	s8 =	sadd.s32 @!p0 $0xCA80, s31;
	s13 =	simm.s32 @!p0 $0x1AB80;
	[sflag:s5] =	ssyncadd.s32 @p0 $0xFFFFF800  }
0x80: {  	[tilespmem:s13], [sflag:$0x5] =	stream.indirect.gather @!p0 [hbm4b:s4+s1], $0x10, s8, s1, $0xb8;
	[tilespmem:$0x1DB80] =	vst v63  }
0x81: {  	s8 =	simm.s32 @!p0 $0x6  }
0x82: {  	_ =	swait.ge @!p0 [sflag:s8], $0x800  }
0x83: {  	[sflag:s8] =	ssyncset.done @!p0 $0x0  }
0x84: {  	s13 =	simm.s32 @!p0 $0x1B380;
	[sflag:s8] =	ssyncadd.s32 @!p0 $0xFFFFF800;
	s8 =	sadd.s32 @!p0 $0x12A00, s31  }
0x85: {  	[spmem:s2] =	stream.indirect.scatter.add.f32 @!p0 [tilespmem:s13], [sflag:$0xB], $0x10, s8, s1, $0xb8;
	[tilespmem:$0x1DB80] =	vst v63  }
0x86: {  	_ =	swait.ge @!p0 [sflag:s7], $0x800  }
0x87: {  	[sflag:s7] =	ssyncset.done @!p0 $0x0  }
0x88: {  	s8 =	sadd.s32 @!p0 $0xCB00, s31;
	[sflag:s7] =	ssyncadd.s32 @!p0 $0xFFFFF800  }
0x89: {  	[tilespmem:s13], [sflag:$0x6] =	stream.indirect.gather @!p0 [hbm4b:s4+s1], $0x10, s8, s1, $0xb8;
	[tilespmem:$0x1DB80] =	vst v63  }
0x8a: {  	_ =	swait.ge [sflag:s22], $0x800  }
0x8b: {  	[sflag:s22] =	ssyncset.done $0x0  }
0x8c: {  	s13 =	sadd.s32 $0x12A80, s30;
	[sflag:s22] =	ssyncadd.s32 $0xFFFFF800  }
0x8d: {  	[spmem:s2] =	stream.indirect.scatter.add.f32 [tilespmem:s29], [sflag:$0xB], $0x10, s13, s15, $0xb8;
	[tilespmem:$0x1DB80] =	vst v63  }
0x8e: {  	_ =	swait.ge [sflag:s12], $0x800  }
0x8f: {  	[sflag:s12] =	ssyncset.done $0x0  }
0x90: {  	s8 =	simm.s32 @p0 $0x8;
	[sflag:s12] =	ssyncadd.s32 $0xFFFFF800  }
0x91: {  	_ =	swait.ge @p0 [sflag:s8], $0x800  }
0x92: {  	[sflag:s8] =	ssyncset.done @p0 $0x0  }
0x93: {  	s13 =	simm.s32 @p0 $0x1C380;
	[sflag:s8] =	ssyncadd.s32 @p0 $0xFFFFF800;
	s8 =	sadd.s32 @p0 $0x12B00, s14  }
0x94: {  	[spmem:s2] =	stream.indirect.scatter.add.f32 @p0 [tilespmem:s13], [sflag:$0xB], $0x10, s8, s3, $0xb8;
	[tilespmem:$0x1DB80] =	vst v63  }
0x95: {  	_ =	swait.ge @p0 [sflag:s5], $0x800  }
0x96: {  	[sflag:s5] =	ssyncset.done @p0 $0x0  }
0x97: {  	s3 =	sadd.s32 @!p0 $0xCB80, s31;
	[sflag:s5] =	ssyncadd.s32 @p0 $0xFFFFF800;
	s5 =	simm.s32 @!p0 $0x1BB80  }
0x98: {  	[tilespmem:s5], [sflag:$0x7] =	stream.indirect.gather @!p0 [hbm4b:s4+s1], $0x10, s3, s1, $0xb8;
	[tilespmem:$0x1DB80] =	vst v63  }
0x99: {  	s3 =	simm.s32 @!p0 $0x8  }
0x9a: {  	_ =	swait.ge @!p0 [sflag:s3], $0x800  }
0x9b: {  	[sflag:s3] =	ssyncset.done @!p0 $0x0  }
0x9c: {  	s5 =	simm.s32 @!p0 $0x1C380;
	[sflag:s3] =	ssyncadd.s32 @!p0 $0xFFFFF800;
	s3 =	sadd.s32 @!p0 $0x12B00, s31  }
0x9d: {  	[spmem:s2] =	stream.indirect.scatter.add.f32 @!p0 [tilespmem:s5], [sflag:$0xB], $0x10, s3, s1, $0xb8;
	[tilespmem:$0x1DB80] =	vst v63  }
0x9e: {  	_ =	swait.ge @!p0 [sflag:s7], $0x800  }
0x9f: {  	[sflag:s7] =	ssyncset.done @!p0 $0x0  }
0xa0: {  	s3 =	sadd.s32 @!p0 $0xCC00, s31;
	[sflag:s7] =	ssyncadd.s32 @!p0 $0xFFFFF800  }
0xa1: {  	[tilespmem:s5], [sflag:$0x8] =	stream.indirect.gather @!p0 [hbm4b:s4+s1], $0x10, s3, s1, $0xb8;
	[tilespmem:$0x1DB80] =	vst v63  }
0xa2: {  	_ =	swait.ge [sflag:s23], $0x800  }
0xa3: {  	[sflag:s23] =	ssyncset.done $0x0  }
.Ltmp2:
0xa4: {  	s31 =	sadd.s32 $0x12B80, s30;
	[sflag:s23] =	ssyncadd.s32 $0xFFFFF800;
	(pc) =	sbr.rel @p0 .LBB2_4-.Ltmp2, $4  }
0xa5: {  	[spmem:s2] =	stream.indirect.scatter.add.f32 [tilespmem:s0], [sflag:$0xB], $0x10, s31, s15, $0xb8;
	[tilespmem:$0x1DB80] =	vst v63  }
0xa6: {  	_ =	swait.ge [sflag:s12], $0x800  }
0xa7: {  	[sflag:s12] =	ssyncset.done $0x0  }
0xa8: {  	s1 =	sadd.s32 $0x12C00, s30;
	[sflag:s12] =	ssyncadd.s32 $0xFFFFF800  }
0xa9: {  	s3 =	sadd.s32 $0xCC80, s30  }
0xaa: {  	[tilespmem:s0], [sflag:$0x9] =	stream.indirect.gather [hbm4b:s4+s15], $0x10, s3, s15, $0xb8;
	[tilespmem:$0x1DB80] =	vst v63  }
0xab: {  	_ =	swait.ge [sflag:s25], $0x800  }
0xac: {  	[sflag:s25] =	ssyncset.done $0x0  }
0xad: {  	[sflag:s25] =	ssyncadd.s32 $0xFFFFF800  }
0xae: {  	[spmem:s2] =	stream.indirect.scatter.add.f32 [tilespmem:s17], [sflag:$0xB], $0x10, s1, s15, $0xb8;
	[tilespmem:$0x1DB80] =	vst v63  }
.Ltmp3:
0xaf: {  	_ = 	snop;
	(pc) =	sbr.rel .LBB2_2-.Ltmp3, $4  }
0xb0: {  	_ =	swait.ge [sflag:s12], $0x800  }
0xb1: {  	[sflag:s12] =	ssyncset.done $0x0  }
0xb2: {  	s31 =	sadd.s32 $0xCD00, s30;
	s28 =	sadd.s32 $0x1400, s28;
	[sflag:s12] =	ssyncadd.s32 $0xFFFFF800  }
0xb3: {  	[tilespmem:s17], [sflag:$0xA] =	stream.indirect.gather [hbm4b:s4+s15], $0x10, s31, s15, $0xb8;
	[tilespmem:$0x1DB80] =	vst v63  }
.LBB2_5:
0xb4: {  	_ =	sfence.sel $0x180000  }
0xb5: {  	[bflag:$0x0] =	sbarrier.arrive $0xFFFF  }
0xb6: {  	_ =	strace $0x9000004A  }
0xb7: {  	s0 =	stileid.u32;
	[bflag:$0x2] =	sbarrier.arrive $0xFFFF  }
0xb8: {  	p0 =	sne.s32 s0, $0x0;
	s0 =	rddreg [dreg:$0x2]  }
0xb9: {  	s0 =	sadd.s32 @!p0 $0x100000, s0  }
0xba: {  	[sflag:s0] =	ssyncadd.tile.s32 @!p0 $0x1;
	_ =	shalt  }
.Lfunc_end2:
_tile_overlayer_lowered:
.L_overlay_start_2:
0xbb: {  	(tag) =	ssettag $0x2  }
0xbc: {  	s0 =	rddreg [dreg:$0x0];
	s2 =	stileid.u32  }
0xbd: {  	s1 =	rddreg [dreg:$0x1];
	p0 =	sne.s32 s2, $0x0  }
0xbe: {  	s3 =	rddreg [dreg:$0x2];
	[bflag:$0x3] =	sbarrier.arrive $0xFFFF;
	s2 =	simm.s32 @!p0 $0x1C0B  }
0xbf: {  	[timem:s3], [sflag:s2] =	dma.local @!p0 [hbm:s0], s1  }
0xc0: {  	s0 =	simm.s32 @!p0 $0xB  }
0xc1: {  	_ =	swait.ge @!p0 [sflag:s0], s1  }
0xc2: {  	s1 =	ssub.s32 @!p0 $0x0, s1;
	[sflag:s0] =	ssyncset.done @!p0 $0x0  }
0xc3: {  	[sflag:s0] =	ssyncadd.s32 @!p0 s1  }
0xc4: {  	[bflag:$0x3] =	sbarrier.arrive $0xFFFF  }
0xc5: {  	_ =	shalt  }

// kernel: kernel.16.cloned.1.call-start
scs
__scs_entry_jumppad:
0x0: {  	(pc) =	sbr.rel $0x88, $3  }
0x1: {  	(tag) =	ssettag $0x0;
	lr =	simm.s32 $0x1  }
0x2: {  	[smem:$0x3F97] =	sst lr;
	_ =	strace $0xD0000000  }
0x3: {  	_ = 	snop  }
0x4: {  	_ = 	snop  }
0x5: {  	_ = 	snop  }
0x6: {  	_ = 	snop  }
0x7: {  	_ = 	snop  }
__scs_overlays_trampoline_lowered:
0x8: {  	[smem:$0x3FA6] =	sst s0  }
0x9: {  	[smem:$0x3FA7] =	sst s1  }
0xa: {  	[smem:$0x3FA8] =	sst s2  }
0xb: {  	[smem:$0x3FA9] =	sst s3  }
0xc: {  	[smem:$0x3FAA] =	sst s4  }
0xd: {  	[smem:$0x3FAB] =	sst s5  }
0xe: {  	[smem:$0x3FAC] =	sst s6  }
0xf: {  	[smem:$0x3FAD] =	sst s7  }
0x10: {  	[smem:$0x3FAE] =	sst s8  }
0x11: {  	[smem:$0x3FAF] =	sst s9;
	s0 =	simm.s32 @!p0 $0x0  }
0x12: {  	s1 =	sld [smem:$0x3F95];
	s0 =	simm.s32 @p0 $0x1  }
0x13: {  	[smem:$0x3FB0] =	sst s0;
	s0 =	simm.s32 @!p1 $0x0  }
0x14: {  	s2 =	sld [smem:$0x3F94];
	s0 =	simm.s32 @p1 $0x1  }
0x15: {  	[smem:$0x3FB1] =	sst s0;
	s0 =	simm.s32 @!p2 $0x0  }
0x16: {  	s3 =	sld [smem:$0x3FDB];
	s0 =	simm.s32 @p2 $0x1  }
0x17: {  	s4 =	simm.s32 $0x1BF5;
	[smem:$0x3FB3] =	sst s0  }
0x18: {  	s0 =	sld [smem:$0x3F96];
	_ =	swait.ge [sflag:s4], $0x0  }
0x19: {  	s7 =	sld [smem:$0x3F97]  }
0x1a: {  	s8 =	sadd.s32 $0xFFFFE003, lr  }
0x1b: {  	s9 =	sadd.s32 $0xFFFFFEF7, lr;
	s5 =	simm.s32 $0xFFFFFFFF;
	p2 =	slt.u32 s8, $0xFFFFF086  }
0x1c: {  	p1 =	slt.u32 s9, $0xF7A;
	s5 =	simm.s32 @!p2 $0x0  }
0x1d: {  	s5 =	simm.s32 @p1 $0x1;
	p0 =	seq.s32 s7, s2  }
0x1e: {  	s7 =	smul.u32 @!p0 $0xF7A, s2;
	p2 =	seq.s32 @!p0 s5, $0x0  }
0x1f: {  	s9 =	smul.u32 $0xF7A, s1;
	s8 =	simm.s32 @!p0 $0x1BF5;
	p2 =	por !p2, p0  }
0x20: {  	[sflag:s8] =	ssyncset.s32 @!p0 $0xFFFFF086;
	s6 =	sadd.s32 @!p0 s3, s7;
	s7 =	simm.s32 @!p0 $0x108  }
0x21: {  	s3 =	sadd.s32 s3, s9;
	s6 =	sadd.s32 @!p0 $0x88, s6;
	s7 =	simm.s32 @p2 $0x1082  }
0x22: {  	[simem:s7], [sflag:s8] =	dma.local @!p0 [hbm:s6], $0xF7A  }
0x23: {  	s9 =	sor.u32 $0xD0000000, s2;
	s6 =	simm.s32 $0x108;
	_ =	swait.ge @!p0 [sflag:s8], $0x0  }
0x24: {  	s3 =	sadd.s32 $0x88, s3;
	s6 =	simm.s32 @!p1 $0x1082;
	[sflag:s4] =	ssyncset.s32 $0xFFFFF086  }
0x25: {  	[simem:s6], [sflag:s4] =	dma.local [hbm:s3], $0xF7A  }
0x26: {  	[smem:$0x3F97] =	sst s1;
	(tag) =	ssettag s2;
	_ =	strace s9  }
0x27: {  	s1 =	sld [smem:$0x3FA7]  }
0x28: {  	s2 =	sld [smem:$0x3FA8]  }
0x29: {  	s4 =	sld [smem:$0x3FAA]  }
0x2a: {  	p0 =	seq.s32 s5, $0x0;
	s5 =	sld [smem:$0x3FAB]  }
0x2b: {  	s6 =	sld [smem:$0x3FAC]  }
0x2c: {  	s7 =	sld [smem:$0x3FAD]  }
0x2d: {  	s3 =	simm.s32 $0x108;
	s8 =	sld [smem:$0x3FAE]  }
0x2e: {  	s3 =	simm.s32 @!p0 $0x1082;
	s9 =	sld [smem:$0x3FAF]  }
0x2f: {  	lr =	sadd.s32 s0, s3;
	s0 =	sld [smem:$0x3FA6]  }
0x30: {  	s3 =	sld [smem:$0x3FA9]  }
0x31: {  	[smem:$0x3FB2] =	sst s10  }
0x32: {  	s10 =	sld [smem:$0x3FB0];
	_ =	sdelay $0x3  }
0x33: {  	p0 =	seq.s32 s10, $0x1;
	s10 =	sld [smem:$0x3FB2];
	_ =	sdelay $0x3  }
0x34: {  	[smem:$0x3FB2] =	sst s10  }
0x35: {  	s10 =	sld [smem:$0x3FB1];
	_ =	sdelay $0x3  }
0x36: {  	p1 =	seq.s32 s10, $0x1;
	s10 =	sld [smem:$0x3FB2];
	_ =	sdelay $0x3  }
0x37: {  	[smem:$0x3FB2] =	sst s10  }
0x38: {  	s10 =	sld [smem:$0x3FB3]  }
0x39: {  	_ = 	snop;
	(pc) =	sbr.ind lr, $3  }
0x3a: {  	_ = 	snop  }
0x3b: {  	_ = 	snop  }
0x3c: {  	p2 =	seq.s32 s10, $0x1;
	s10 =	sld [smem:$0x3FB2]  }
0x3d: {  	_ =	shalt  }
0x3e: {  	_ =	shalt  }
0x3f: {  	_ =	shalt  }
0x40: {  	_ =	shalt  }
0x41: {  	_ =	shalt  }
0x42: {  	_ =	shalt  }
0x43: {  	_ =	shalt  }
0x44: {  	_ =	shalt  }
0x45: {  	_ =	shalt  }
0x46: {  	_ =	shalt  }
0x47: {  	_ =	shalt  }
0x48: {  	_ =	shalt  }
0x49: {  	_ =	shalt  }
0x4a: {  	_ =	shalt  }
0x4b: {  	_ =	shalt  }
0x4c: {  	_ =	shalt  }
0x4d: {  	_ =	shalt  }
0x4e: {  	_ =	shalt  }
0x4f: {  	_ =	shalt  }
0x50: {  	_ =	shalt  }
0x51: {  	_ =	shalt  }
0x52: {  	_ =	shalt  }
0x53: {  	_ =	shalt  }
0x54: {  	_ =	shalt  }
0x55: {  	_ =	shalt  }
0x56: {  	_ =	shalt  }
0x57: {  	_ =	shalt  }
0x58: {  	_ =	shalt  }
0x59: {  	_ =	shalt  }
0x5a: {  	_ =	shalt  }
0x5b: {  	_ =	shalt  }
0x5c: {  	_ =	shalt  }
0x5d: {  	_ =	shalt  }
0x5e: {  	_ =	shalt  }
0x5f: {  	_ =	shalt  }
0x60: {  	_ =	shalt  }
0x61: {  	_ =	shalt  }
0x62: {  	_ =	shalt  }
0x63: {  	_ =	shalt  }
0x64: {  	_ =	shalt  }
0x65: {  	_ =	shalt  }
0x66: {  	_ =	shalt  }
0x67: {  	_ =	shalt  }
0x68: {  	_ =	shalt  }
0x69: {  	_ =	shalt  }
0x6a: {  	_ =	shalt  }
0x6b: {  	_ =	shalt  }
0x6c: {  	_ =	shalt  }
0x6d: {  	_ =	shalt  }
0x6e: {  	_ =	shalt  }
0x6f: {  	_ =	shalt  }
0x70: {  	_ =	shalt  }
0x71: {  	_ =	shalt  }
0x72: {  	_ =	shalt  }
0x73: {  	_ =	shalt  }
0x74: {  	_ =	shalt  }
0x75: {  	_ =	shalt  }
0x76: {  	_ =	shalt  }
0x77: {  	_ =	shalt  }
0x78: {  	_ =	shalt  }
0x79: {  	_ =	shalt  }
0x7a: {  	_ =	shalt  }
0x7b: {  	_ =	shalt  }
0x7c: {  	_ =	shalt  }
0x7d: {  	_ =	shalt  }
0x7e: {  	_ =	shalt  }
0x7f: {  	_ =	shalt  }
0x80: {  	_ =	shalt  }
0x81: {  	_ =	shalt  }
0x82: {  	_ =	shalt  }
0x83: {  	_ =	shalt  }
0x84: {  	_ =	shalt  }
0x85: {  	_ =	shalt  }
0x86: {  	_ =	shalt  }
0x87: {  	_ =	shalt  }
.Lfunc_end0:
.L_simem_size_0:
called_computation.2_lowered:
.L_overlay_start_0:
0x88: {  	s2 =	sld [smem:$0x3FD9]  }
0x89: {  	s3 =	sld [smem:$0x3FFE];
	_ =	sdelay $0x1  }
0x8a: {  	s1 =	srdreg.scid  }
0x8b: {  	s0 =	sand.u32 $0x1, s1  }
0x8c: {  	s16 =	sshll.u32 s0, $0xA;
	s2 =	sadd.s32 s3, s2  }
0x8d: {  	s2 =	sadd.s32 s2, s16  }
0x8e: {  	[smem:$0x3FBE] =	sst s2  }
0x8f: {  	_ = 	snop  }
0x90: {  	(tm) =	ssettm $0x1  }
0x91: {  	s17 =	sld [smem:$0x3FFB];
	_ =	sdelay $0x3  }
0x92: {  	_ =	strace s17  }
0x93: {  	s2 =	sld [smem:$0x3FFC];
	_ =	sdelay $0x3  }
0x94: {  	_ =	strace s2  }
0x95: {  	s2 =	sld [smem:$0x3FFD];
	_ =	sdelay $0x3  }
0x96: {  	_ =	strace s2  }
0x97: {  	_ =	strace $0x8FFFFFFF  }
0x98: {  	s18 =	sld [smem:$0x3FDB];
	_ =	sdelay $0x1  }
0x99: {  	s19 =	simm.s32 $_scs_section_size  }
0x9a: {  	s4 =	simm.s32 $_size__tile_overlayer_lowered;
	s5 =	simm.s32 $_tile_overlayer_lowered  }
0x9b: {  	s22 =	simm.s32 $0x1BFF;
	s21 =	sshll.u32 s5, $0x1;
	s2 =	sadd.s32 s19, s18  }
0x9c: {  	s6 =	simm.s32 $0x0;
	s20 =	sshll.u32 s4, $0x1;
	s4 =	sadd.s32 s21, s2  }
0x9d: {  	[timem:s6], [sflag:s22] =	dma.local [hbm:s4], s20  }
0x9e: {  	_ =	swait.ge [sflag:s22], s20  }
0x9f: {  	s3 =	ssub.s32 $0x0, s20;
	[sflag:s22] =	ssyncset.done $0x0  }
0xa0: {  	[sflag:s22] =	ssyncadd.s32 s3;
	_ =	sdelay $0x1  }
0xa1: {  	s23 =	simm.s32 $0x1B8B  }
0xa2: {  	_ =	swait.ge [sflag:s23], $0x1  }
0xa3: {  	[sflag:s23] =	ssyncset.done $0x0  }
0xa4: {  	s25 =	simm.s32 $0x1B8E;
	s24 =	sld [smem:$0x3FFE];
	[sflag:s23] =	ssyncadd.s32 $0xFFFFFFFF  }
0xa5: {  	s26 =	simm.s32 $execute0_lowered;
	[smem:$0x3FD2] =	sst s25  }
0xa6: {  	s4 =	sshll.u32 s26, $0x1;
	_ =	strace $0x8000004C;
	[dreg:$0x1] =	wrdreg $0xFFFFFFFF  }
0xa7: {  	s28 =	simm.s32 $_size_execute0_lowered;
	s2 =	sadd.s32 s2, s4;
	[dreg:$0x0] =	wrdreg $0x0  }
0xa8: {  	s4 =	sshll.u32 s28, $0x1;
	[dreg:$0x2] =	wrdreg s2  }
0xa9: {  	[dreg:$0x3] =	wrdreg s4  }
0xaa: {  	[dreg:$0x4] =	wrdreg $0xC0  }
0xab: {  	_ =	task [dreg:s6], $0x5FFFF  }
0xac: {  	[dreg:$0x1] =	wrdreg $0xFFFFFFFF  }
0xad: {  	[dreg:$0x0] =	wrdreg $0x60  }
0xae: {  	[dreg:$0x2] =	wrdreg s24  }
0xaf: {  	[dreg:$0x3] =	wrdreg $0x0  }
0xb0: {  	[dreg:$0x4] =	wrdreg $0x9  }
0xb1: {  	_ =	task.clear_ibuf [dreg:s6], $0x5FFFF;
	_ =	strace $0x9000004C  }
0xb2: {  	s29 =	simm.s32 $0x9;
	_ =	strace $0x8000004E  }
0xb3: {  	_ =	swait.ge [sflag:s29], $0x1  }
0xb4: {  	[sflag:s29] =	ssyncadd.s32 $0xFFFFFFFF  }
0xb5: {  	_ =	strace $0x9000004E  }
0xb6: {  	_ =	sfence  }
0xb7: {  	s30 =	sld [smem:$0x0];
	_ =	sdelay $0x2  }
0xb8: {  	s31 =	sshll.u32 s1, $0xD;
	s1 =	sshrl.u32 s1, $0x2  }
0xb9: {  	s3 =	sand.u32 $0x4000, s31;
	s1 =	sadd.s32 s1, s30  }
0xba: {  	s0 =	sor.u32 s3, s0;
	s1 =	sshll.u32 s1, $0x11  }
0xbb: {  	s0 =	sor.u32 s1, s0  }
0xbc: {  	s0 =	sadd.s32 $0x8F2B, s0  }
0xbd: {  	[sflag:s0] =	ssyncadd.remote.s32 $0x1  }
0xbe: {  	_ =	sfence.sel $0xFFFF  }
0xbf: {  	[dreg:$0x0] =	wrdreg $0xFFFFFFFF;
	(pc) =	sbr.abs _section_cstart, $3  }
0xc0: {  	[dreg:$0x1] =	wrdreg $0xFFFFFFFF  }
0xc1: {  	_ =	task.clear_ibuf [dreg:s6], $0x2FFFF;
	_ =	strace $0x9FFFFFFF  }
0xc2: {  	(tm) =	ssettm $0x7FFFFFFF  }
0xc3: {  	_ =	shalt  }
tec
execute0_lowered:
.L_overlay_start_1:
0x0: {  	(tag) =	ssettag $0x1  }
0x1: {  	s0 =	rddreg [dreg:$0x0]  }
0x2: {  	s2 =	rddreg [dreg:$0x1];
	s3 =	simm.s32 $0x0  }
0x3: {  	s16 =	simm.s32 $0x18780;
	[smem:$0x7FF] =	sst s3  }
0x4: {  	s17 =	simm.s32 $0x18800;
	_ =	strace $0x8000004D;
	[dreg:$0x5] =	wrdreg s16  }
0x5: {  	s18 =	simm.s32 $0x18880;
	[dreg:$0x6] =	wrdreg s17  }
0x6: {  	s19 =	simm.s32 $0x18900;
	[dreg:$0x7] =	wrdreg s18  }
0x7: {  	s20 =	simm.s32 $0x19180;
	[dreg:$0x8] =	wrdreg s19  }
0x8: {  	s21 =	simm.s32 $0x19200;
	[dreg:$0x9] =	wrdreg s20  }
0x9: {  	s22 =	simm.s32 $0x18A00;
	[dreg:$0xa] =	wrdreg s21  }
0xa: {  	s23 =	simm.s32 $0x19280;
	[dreg:$0xb] =	wrdreg s22  }
0xb: {  	s24 =	simm.s32 $0x18A80;
	[dreg:$0xc] =	wrdreg s23  }
0xc: {  	s25 =	simm.s32 $0x19300;
	[dreg:$0xd] =	wrdreg s24  }
0xd: {  	s11 =	stileid.u32;
	s28 =	simm.s32 $0x18B00;
	[dreg:$0xe] =	wrdreg s25  }
0xe: {  	s8 =	srdreg.scid;
	s29 =	simm.s32 $0x19380;
	[dreg:$0xf] =	wrdreg s28  }
0xf: {  	s30 =	simm.s32 $0x19400;
	s31 =	simm.s32 $0x18C00;
	[dreg:$0x10] =	wrdreg s29  }
0x10: {  	s12 =	simm.s32 $0x19500;
	s13 =	simm.s32 $0x18D00;
	[dreg:$0x11] =	wrdreg s30  }
0x11: {  	s14 =	simm.s32 $0x19580;
	s1 =	smul.u32 $0x1900, s11;
	[dreg:$0x12] =	wrdreg s31  }
0x12: {  	s6 =	smul.u32 $0x18700, s11;
	s8 =	sand.u32 $0x1, s8;
	[dreg:$0x15] =	wrdreg s12  }
0x13: {  	s4 =	sadd.s32 $0x38B600, s0;
	s9 =	smul.u32 $0x187000, s8;
	[dreg:$0x16] =	wrdreg s13  }
0x14: {  	s26 =	ssub.s32 $0x2, s8;
	[dreg:$0x17] =	wrdreg s14;
	s16 =	simm.s32 $0x19600  }
0x15: {  	p0 =	seq.s32 s8, $0x0;
	s17 =	simm.s32 $0x18E00;
	[dreg:$0x18] =	wrdreg s16  }
0x16: {  	s18 =	simm.s32 $0x19680;
	s12 =	simm.s32 $0x5;
	[dreg:$0x19] =	wrdreg s17  }
0x17: {  	s19 =	simm.s32 $0x18E80;
	p1 =	sne.s32 s8, $0x0;
	[dreg:$0x1a] =	wrdreg s18  }
0x18: {  	s20 =	simm.s32 $0x19700;
	s13 =	simm.s32 $0x18700;
	[dreg:$0x1b] =	wrdreg s19  }
0x19: {  	s21 =	simm.s32 $0x18F00;
	s14 =	simm.s32 $0x19100;
	[dreg:$0x1c] =	wrdreg s20  }
0x1a: {  	s22 =	simm.s32 $0x19780;
	s23 =	simm.s32 $0x19800;
	[dreg:$0x1d] =	wrdreg s21  }
0x1b: {  	s24 =	simm.s32 $0x19000;
	s25 =	simm.s32 $0x19880;
	[dreg:$0x1e] =	wrdreg s22  }
0x1c: {  	s28 =	simm.s32 $0x19900;
	s29 =	simm.s32 $0x19980;
	[dreg:$0x1f] =	wrdreg s23  }
0x1d: {  	s30 =	simm.s32 $0x19A00;
	s31 =	simm.s32 $0x19A80;
	[smem:$0x7F5] =	sst s24  }
0x1e: {  	s1 =	sadd.s32 s1, s0;
	s7 =	sshrl.u32 s6, $0x3;
	[smem:$0x7F6] =	sst s25  }
0x1f: {  	s10 =	sshrl.u32 s26, $0x1;
	s16 =	simm.s32 $0x19B00;
	[smem:$0x7F8] =	sst s28  }
0x20: {  	s17 =	simm.s32 $0x1AB00;
	s18 =	simm.s32 $0x1BB00;
	[smem:$0x7F9] =	sst s29  }
0x21: {  	s19 =	simm.s32 $0x1CB00;
	s20 =	simm.s32 $0x1;
	[smem:$0x7FA] =	sst s30  }
0x22: {  	s21 =	simm.s32 $0x2;
	[smem:$0x7FB] =	sst s31;
	s5 =	sadd.s32 $0x2200, s1  }
0x23: {  	s1 =	sadd.s32 $0x127E00, s1;
	s7 =	sadd.s32 s7, s0;
	[dreg:$0x3] =	wrdreg s5  }
0x24: {  	s9 =	sadd.s32 s6, s9;
	s6 =	sadd.s32 s6, s2;
	[dreg:$0x4] =	wrdreg s1  }
0x25: {  	s5 =	sadd.s32 $0x140E00, s0;
	s9 =	sshrl.u32 s9, $0x3;
	s7 =	sadd.s32 $0x3BC400, s7  }
0x26: {  	s1 =	sshrl.u32 s6, $0x3;
	s0 =	sadd.s32 s9, s0;
	[smem:$0x7F2] =	sst s7  }
0x27: {  	s9 =	ssub.s32 s26, s10;
	s7 =	simm.s32 $0x19480;
	[smem:$0x7FD] =	sst s1  }
0x28: {  	s10 =	sshll.u32 s11, $0x6;
	s11 =	simm.s32 $0x18C80;
	[dreg:$0x13] =	wrdreg s7  }
0x29: {  	s22 =	simm.s32 $0x3;
	s26 =	simm.s32 $0x19080;
	[dreg:$0x14] =	wrdreg s11  }
0x2a: {  	s23 =	simm.s32 $0x4;
	s0 =	sadd.s32 $0x3ED200, s0;
	[smem:$0x7F7] =	sst s26  }
0x2b: {  	s6 =	simm.s32 $0x0;
	s15 =	smax.u32 s9, $0x1;
	[smem:$0x7F3] =	sst s0  }
0x2c: {  	s7 =	sor.u32 $0x1C05, s10;
	s10 =	smov.u32 s5;
	[smem:$0x7F4] =	sst s15  }
0x2d: {  	s10 =	smov.u32 @p0 s4;
	s15 =	simm.s32 $0x80;
	[smem:$0x7FC] =	sst s7  }
.LBB2_1:
0x2e: {  	s0 =	sld [smem:$0x7F2];
	_ =	sdelay $0x1  }
0x2f: {  	[smem:$0x7F1] =	sst s6  }
0x30: {  	[spmem:s1], [sflag:s7] =	dma.local [hbm:s0], $0x30E0  }
0x31: {  	_ =	swait.ge [sflag:s12], $0x30E0  }
0x32: {  	[sflag:s12] =	ssyncset.done $0x0  }
0x33: {  	[sflag:s12] =	ssyncadd.s32 $0xFFFFCF20  }
0x34: {  	[bflag:$0x0] =	sbarrier.arrive $0xFFFF  }
0x35: {  	s11 =	rddreg [dreg:$0x4]  }
0x36: {  	s0 =	sadd.s32 $0x0, s11  }
0x37: {  	[tilespmem:s13], [sflag:$0x5] =	stream.linear.gather [hbm4b:s0+s3], $0xA00, $0x38;
	[tilespmem:$0x1DB00] =	vst v63  }
0x38: {  	_ =	swait.ge [sflag:s12], $0xA00  }
0x39: {  	s24 =	rddreg [dreg:$0x3];
	[sflag:s12] =	ssyncset.done $0x0  }
0x3a: {  	[sflag:s12] =	ssyncadd.s32 $0xFFFFF600;
	s0 =	sadd.s32 $0x0, s24  }
0x3b: {  	[tilespmem:s14], [sflag:$0x5] =	stream.linear.gather [hbm4b:s0+s3], $0xA00, $0x38;
	[tilespmem:$0x1DB00] =	vst v63  }
0x3c: {  	_ =	swait.ge [sflag:s12], $0xA00  }
0x3d: {  	[sflag:s12] =	ssyncset.done $0x0  }
0x3e: {  	[sflag:s12] =	ssyncadd.s32 $0xFFFFF600  }
0x3f: {  	[tilespmem:s16], [sflag:$0x1] =	stream.indirect.gather [hbm4b:s10+s15], $0x20, s13, s15, $0xb8;
	[tilespmem:$0x1DB00] =	vst v63  }
0x40: {  	s25 =	rddreg [dreg:$0x5]  }
0x41: {  	[tilespmem:s17], [sflag:$0x2] =	stream.indirect.gather [hbm4b:s10+s15], $0x20, s25, s15, $0xb8;
	[tilespmem:$0x1DB00] =	vst v63  }
0x42: {  	s26 =	rddreg [dreg:$0x6]  }
0x43: {  	[tilespmem:s18], [sflag:$0x3] =	stream.indirect.gather [hbm4b:s10+s15], $0x20, s26, s15, $0xb8;
	[tilespmem:$0x1DB00] =	vst v63  }
0x44: {  	s31 =	rddreg [dreg:$0x7]  }
0x45: {  	[tilespmem:s19], [sflag:$0x4] =	stream.indirect.gather [hbm4b:s10+s15], $0x20, s31, s15, $0xb8;
	[tilespmem:$0x1DB00] =	vst v63  }
0x46: {  	_ =	swait.ge [sflag:s20], $0x1000  }
0x47: {  	[sflag:s20] =	ssyncset.done $0x0  }
0x48: {  	[sflag:s20] =	ssyncadd.s32 $0xFFFFF000  }
0x49: {  	[spmem:s2] =	stream.indirect.scatter.add.f32 [tilespmem:s16], [sflag:$0x5], $0x20, s14, s15, $0xb8;
	[tilespmem:$0x1DB00] =	vst v63  }
0x4a: {  	_ =	swait.ge [sflag:s12], $0x1000  }
0x4b: {  	[sflag:s12] =	ssyncset.done $0x0  }
0x4c: {  	s1 =	rddreg [dreg:$0x8];
	[sflag:s12] =	ssyncadd.s32 $0xFFFFF000  }
0x4d: {  	[tilespmem:s16], [sflag:$0x1] =	stream.indirect.gather [hbm4b:s10+s15], $0x20, s1, s15, $0xb8;
	[tilespmem:$0x1DB00] =	vst v63  }
0x4e: {  	_ =	swait.ge [sflag:s21], $0x1000  }
0x4f: {  	[sflag:s21] =	ssyncset.done $0x0  }
0x50: {  	s6 =	rddreg [dreg:$0x9];
	[sflag:s21] =	ssyncadd.s32 $0xFFFFF000  }
0x51: {  	[spmem:s2] =	stream.indirect.scatter.add.f32 [tilespmem:s17], [sflag:$0x5], $0x20, s6, s15, $0xb8;
	[tilespmem:$0x1DB00] =	vst v63  }
0x52: {  	_ =	swait.ge [sflag:s12], $0x1000  }
0x53: {  	s0 =	simm.s32 @p1 $0x1AB00;
	[sflag:s12] =	ssyncset.done $0x0  }
0x54: {  	s1 =	simm.s32 @p1 $0x80;
	s6 =	simm.s32 @p1 $0x18980;
	[sflag:s12] =	ssyncadd.s32 $0xFFFFF000  }
0x55: {  	[tilespmem:s0], [sflag:$0x2] =	stream.indirect.gather @p1 [hbm4b:s5+s1], $0x20, s6, s1, $0xb8;
	[tilespmem:$0x1DB00] =	vst v63  }
0x56: {  	s0 =	simm.s32 @!p1 $0x80;
	s1 =	simm.s32 @!p1 $0x18980;
	s6 =	simm.s32 @!p1 $0x1AB00  }
0x57: {  	[tilespmem:s6], [sflag:$0x2] =	stream.indirect.gather @!p1 [hbm4b:s4+s0], $0x20, s1, s0, $0xb8;
	[tilespmem:$0x1DB00] =	vst v63  }
0x58: {  	_ =	swait.ge [sflag:s22], $0x1000  }
0x59: {  	[sflag:s22] =	ssyncset.done $0x0  }
0x5a: {  	s7 =	rddreg [dreg:$0xa];
	[sflag:s22] =	ssyncadd.s32 $0xFFFFF000  }
0x5b: {  	[spmem:s2] =	stream.indirect.scatter.add.f32 [tilespmem:s18], [sflag:$0x5], $0x20, s7, s15, $0xb8;
	[tilespmem:$0x1DB00] =	vst v63  }
0x5c: {  	_ =	swait.ge [sflag:s12], $0x1000  }
0x5d: {  	[sflag:s12] =	ssyncset.done $0x0  }
0x5e: {  	s8 =	rddreg [dreg:$0xb];
	[sflag:s12] =	ssyncadd.s32 $0xFFFFF000  }
0x5f: {  	[tilespmem:s18], [sflag:$0x3] =	stream.indirect.gather [hbm4b:s10+s15], $0x20, s8, s15, $0xb8;
	[tilespmem:$0x1DB00] =	vst v63  }
0x60: {  	_ =	swait.ge [sflag:s23], $0x1000  }
0x61: {  	[sflag:s23] =	ssyncset.done $0x0  }
0x62: {  	s9 =	rddreg [dreg:$0xc];
	[sflag:s23] =	ssyncadd.s32 $0xFFFFF000  }
0x63: {  	[spmem:s2] =	stream.indirect.scatter.add.f32 [tilespmem:s19], [sflag:$0x5], $0x20, s9, s15, $0xb8;
	[tilespmem:$0x1DB00] =	vst v63  }
0x64: {  	_ =	swait.ge [sflag:s12], $0x1000  }
0x65: {  	[sflag:s12] =	ssyncset.done $0x0  }
0x66: {  	s11 =	rddreg [dreg:$0xd];
	[sflag:s12] =	ssyncadd.s32 $0xFFFFF000  }
0x67: {  	[tilespmem:s19], [sflag:$0x4] =	stream.indirect.gather [hbm4b:s10+s15], $0x20, s11, s15, $0xb8;
	[tilespmem:$0x1DB00] =	vst v63  }
0x68: {  	_ =	swait.ge [sflag:s20], $0x1000  }
0x69: {  	[sflag:s20] =	ssyncset.done $0x0  }
0x6a: {  	s24 =	rddreg [dreg:$0xe];
	[sflag:s20] =	ssyncadd.s32 $0xFFFFF000  }
0x6b: {  	[spmem:s2] =	stream.indirect.scatter.add.f32 [tilespmem:s16], [sflag:$0x5], $0x20, s24, s15, $0xb8;
	[tilespmem:$0x1DB00] =	vst v63  }
0x6c: {  	_ =	swait.ge [sflag:s12], $0x1000  }
0x6d: {  	[sflag:s12] =	ssyncset.done $0x0  }
0x6e: {  	s25 =	rddreg [dreg:$0xf];
	[sflag:s12] =	ssyncadd.s32 $0xFFFFF000  }
0x6f: {  	[tilespmem:s16], [sflag:$0x1] =	stream.indirect.gather [hbm4b:s10+s15], $0x20, s25, s15, $0xb8;
	[tilespmem:$0x1DB00] =	vst v63  }
0x70: {  	_ =	swait.ge [sflag:s21], $0x1000  }
0x71: {  	[sflag:s21] =	ssyncset.done $0x0  }
0x72: {  	s26 =	rddreg [dreg:$0x10];
	[sflag:s21] =	ssyncadd.s32 $0xFFFFF000  }
0x73: {  	[spmem:s2] =	stream.indirect.scatter.add.f32 [tilespmem:s17], [sflag:$0x5], $0x20, s26, s15, $0xb8;
	[tilespmem:$0x1DB00] =	vst v63  }
0x74: {  	_ =	swait.ge [sflag:s12], $0x1000  }
0x75: {  	s1 =	simm.s32 @p0 $0x1AB00;
	[sflag:s12] =	ssyncset.done $0x0  }
0x76: {  	s0 =	simm.s32 @p0 $0x80;
	s6 =	simm.s32 @p0 $0x18B80;
	[sflag:s12] =	ssyncadd.s32 $0xFFFFF000  }
0x77: {  	[tilespmem:s1], [sflag:$0x2] =	stream.indirect.gather @p0 [hbm4b:s4+s0], $0x20, s6, s0, $0xb8;
	[tilespmem:$0x1DB00] =	vst v63  }
0x78: {  	s7 =	simm.s32 @!p0 $0x1AB00;
	s8 =	simm.s32 @!p0 $0x80;
	s9 =	simm.s32 @!p0 $0x18B80  }
0x79: {  	[tilespmem:s7], [sflag:$0x2] =	stream.indirect.gather @!p0 [hbm4b:s5+s8], $0x20, s9, s8, $0xb8;
	[tilespmem:$0x1DB00] =	vst v63  }
0x7a: {  	_ =	swait.ge [sflag:s22], $0x1000  }
0x7b: {  	[sflag:s22] =	ssyncset.done $0x0  }
0x7c: {  	s11 =	rddreg [dreg:$0x11];
	[sflag:s22] =	ssyncadd.s32 $0xFFFFF000  }
0x7d: {  	[spmem:s2] =	stream.indirect.scatter.add.f32 [tilespmem:s18], [sflag:$0x5], $0x20, s11, s15, $0xb8;
	[tilespmem:$0x1DB00] =	vst v63  }
0x7e: {  	_ =	swait.ge [sflag:s12], $0x1000  }
0x7f: {  	[sflag:s12] =	ssyncset.done $0x0  }
0x80: {  	s31 =	rddreg [dreg:$0x12];
	[sflag:s12] =	ssyncadd.s32 $0xFFFFF000  }
0x81: {  	[tilespmem:s18], [sflag:$0x3] =	stream.indirect.gather [hbm4b:s10+s15], $0x20, s31, s15, $0xb8;
	[tilespmem:$0x1DB00] =	vst v63  }
0x82: {  	_ =	swait.ge [sflag:s23], $0x1000  }
0x83: {  	[sflag:s23] =	ssyncset.done $0x0  }
0x84: {  	s6 =	rddreg [dreg:$0x13];
	[sflag:s23] =	ssyncadd.s32 $0xFFFFF000  }
0x85: {  	[spmem:s2] =	stream.indirect.scatter.add.f32 [tilespmem:s19], [sflag:$0x5], $0x20, s6, s15, $0xb8;
	[tilespmem:$0x1DB00] =	vst v63  }
0x86: {  	_ =	swait.ge [sflag:s12], $0x1000  }
0x87: {  	[sflag:s12] =	ssyncset.done $0x0  }
0x88: {  	s24 =	rddreg [dreg:$0x14];
	[sflag:s12] =	ssyncadd.s32 $0xFFFFF000  }
0x89: {  	[tilespmem:s19], [sflag:$0x4] =	stream.indirect.gather [hbm4b:s10+s15], $0x20, s24, s15, $0xb8;
	[tilespmem:$0x1DB00] =	vst v63  }
0x8a: {  	_ =	swait.ge [sflag:s20], $0x1000  }
0x8b: {  	[sflag:s20] =	ssyncset.done $0x0  }
0x8c: {  	s25 =	rddreg [dreg:$0x15];
	[sflag:s20] =	ssyncadd.s32 $0xFFFFF000  }
0x8d: {  	[spmem:s2] =	stream.indirect.scatter.add.f32 [tilespmem:s16], [sflag:$0x5], $0x20, s25, s15, $0xb8;
	[tilespmem:$0x1DB00] =	vst v63  }
0x8e: {  	_ =	swait.ge [sflag:s12], $0x1000  }
0x8f: {  	[sflag:s12] =	ssyncset.done $0x0  }
0x90: {  	s26 =	rddreg [dreg:$0x16];
	[sflag:s12] =	ssyncadd.s32 $0xFFFFF000  }
0x91: {  	[tilespmem:s16], [sflag:$0x1] =	stream.indirect.gather [hbm4b:s10+s15], $0x20, s26, s15, $0xb8;
	[tilespmem:$0x1DB00] =	vst v63  }
0x92: {  	_ =	swait.ge [sflag:s21], $0x1000  }
0x93: {  	[sflag:s21] =	ssyncset.done $0x0  }
0x94: {  	s31 =	rddreg [dreg:$0x17];
	[sflag:s21] =	ssyncadd.s32 $0xFFFFF000  }
0x95: {  	[spmem:s2] =	stream.indirect.scatter.add.f32 [tilespmem:s17], [sflag:$0x5], $0x20, s31, s15, $0xb8;
	[tilespmem:$0x1DB00] =	vst v63  }
0x96: {  	_ =	swait.ge [sflag:s12], $0x1000  }
0x97: {  	[sflag:s12] =	ssyncset.done $0x0  }
0x98: {  	s11 =	simm.s32 @p0 $0x18D80;
	[sflag:s12] =	ssyncadd.s32 $0xFFFFF000  }
0x99: {  	[tilespmem:s1], [sflag:$0x2] =	stream.indirect.gather @p0 [hbm4b:s4+s0], $0x20, s11, s0, $0xb8;
	[tilespmem:$0x1DB00] =	vst v63  }
0x9a: {  	s24 =	simm.s32 @!p0 $0x18D80  }
0x9b: {  	[tilespmem:s7], [sflag:$0x2] =	stream.indirect.gather @!p0 [hbm4b:s5+s8], $0x20, s24, s8, $0xb8;
	[tilespmem:$0x1DB00] =	vst v63  }
0x9c: {  	_ =	swait.ge [sflag:s22], $0x1000  }
0x9d: {  	[sflag:s22] =	ssyncset.done $0x0  }
0x9e: {  	s25 =	rddreg [dreg:$0x18];
	[sflag:s22] =	ssyncadd.s32 $0xFFFFF000  }
0x9f: {  	[spmem:s2] =	stream.indirect.scatter.add.f32 [tilespmem:s18], [sflag:$0x5], $0x20, s25, s15, $0xb8;
	[tilespmem:$0x1DB00] =	vst v63  }
0xa0: {  	_ =	swait.ge [sflag:s12], $0x1000  }
0xa1: {  	[sflag:s12] =	ssyncset.done $0x0  }
0xa2: {  	s6 =	rddreg [dreg:$0x19];
	[sflag:s12] =	ssyncadd.s32 $0xFFFFF000  }
0xa3: {  	[tilespmem:s18], [sflag:$0x3] =	stream.indirect.gather [hbm4b:s10+s15], $0x20, s6, s15, $0xb8;
	[tilespmem:$0x1DB00] =	vst v63  }
0xa4: {  	_ =	swait.ge [sflag:s23], $0x1000  }
0xa5: {  	[sflag:s23] =	ssyncset.done $0x0  }
0xa6: {  	s26 =	rddreg [dreg:$0x1a];
	[sflag:s23] =	ssyncadd.s32 $0xFFFFF000  }
0xa7: {  	[spmem:s2] =	stream.indirect.scatter.add.f32 [tilespmem:s19], [sflag:$0x5], $0x20, s26, s15, $0xb8;
	[tilespmem:$0x1DB00] =	vst v63  }
0xa8: {  	_ =	swait.ge [sflag:s12], $0x1000  }
0xa9: {  	[sflag:s12] =	ssyncset.done $0x0  }
0xaa: {  	s31 =	rddreg [dreg:$0x1b];
	[sflag:s12] =	ssyncadd.s32 $0xFFFFF000  }
0xab: {  	[tilespmem:s19], [sflag:$0x4] =	stream.indirect.gather [hbm4b:s10+s15], $0x20, s31, s15, $0xb8;
	[tilespmem:$0x1DB00] =	vst v63  }
0xac: {  	_ =	swait.ge [sflag:s20], $0x1000  }
0xad: {  	[sflag:s20] =	ssyncset.done $0x0  }
0xae: {  	s6 =	rddreg [dreg:$0x1c];
	[sflag:s20] =	ssyncadd.s32 $0xFFFFF000  }
0xaf: {  	[spmem:s2] =	stream.indirect.scatter.add.f32 [tilespmem:s16], [sflag:$0x5], $0x20, s6, s15, $0xb8;
	[tilespmem:$0x1DB00] =	vst v63  }
0xb0: {  	_ =	swait.ge [sflag:s12], $0x1000  }
0xb1: {  	[sflag:s12] =	ssyncset.done $0x0  }
0xb2: {  	s26 =	rddreg [dreg:$0x1d];
	[sflag:s12] =	ssyncadd.s32 $0xFFFFF000  }
0xb3: {  	[tilespmem:s16], [sflag:$0x1] =	stream.indirect.gather [hbm4b:s10+s15], $0x20, s26, s15, $0xb8;
	[tilespmem:$0x1DB00] =	vst v63  }
0xb4: {  	_ =	swait.ge [sflag:s21], $0x1000  }
0xb5: {  	[sflag:s21] =	ssyncset.done $0x0  }
0xb6: {  	s31 =	rddreg [dreg:$0x1e];
	[sflag:s21] =	ssyncadd.s32 $0xFFFFF000  }
0xb7: {  	[spmem:s2] =	stream.indirect.scatter.add.f32 [tilespmem:s17], [sflag:$0x5], $0x20, s31, s15, $0xb8;
	[tilespmem:$0x1DB00] =	vst v63  }
0xb8: {  	_ =	swait.ge [sflag:s12], $0x1000  }
0xb9: {  	[sflag:s12] =	ssyncset.done $0x0  }
0xba: {  	s25 =	simm.s32 @p0 $0x18F80;
	[sflag:s12] =	ssyncadd.s32 $0xFFFFF000  }
0xbb: {  	[tilespmem:s1], [sflag:$0x2] =	stream.indirect.gather @p0 [hbm4b:s4+s0], $0x20, s25, s0, $0xb8;
	[tilespmem:$0x1DB00] =	vst v63  }
0xbc: {  	s26 =	simm.s32 @!p0 $0x18F80  }
0xbd: {  	[tilespmem:s7], [sflag:$0x2] =	stream.indirect.gather @!p0 [hbm4b:s5+s8], $0x20, s26, s8, $0xb8;
	[tilespmem:$0x1DB00] =	vst v63  }
0xbe: {  	_ =	swait.ge [sflag:s22], $0x1000  }
0xbf: {  	[sflag:s22] =	ssyncset.done $0x0  }
0xc0: {  	s28 =	rddreg [dreg:$0x1f];
	[sflag:s22] =	ssyncadd.s32 $0xFFFFF000  }
0xc1: {  	[spmem:s2] =	stream.indirect.scatter.add.f32 [tilespmem:s18], [sflag:$0x5], $0x20, s28, s15, $0xb8;
	[tilespmem:$0x1DB00] =	vst v63  }
0xc2: {  	_ =	swait.ge [sflag:s12], $0x1000  }
0xc3: {  	s28 =	sld [smem:$0x7F5]  }
0xc4: {  	[sflag:s12] =	ssyncset.done $0x0  }
0xc5: {  	[sflag:s12] =	ssyncadd.s32 $0xFFFFF000  }
0xc6: {  	[tilespmem:s18], [sflag:$0x3] =	stream.indirect.gather [hbm4b:s10+s15], $0x20, s28, s15, $0xb8;
	[tilespmem:$0x1DB00] =	vst v63  }
0xc7: {  	_ =	swait.ge [sflag:s23], $0x1000  }
0xc8: {  	s28 =	sld [smem:$0x7F6]  }
0xc9: {  	[sflag:s23] =	ssyncset.done $0x0  }
0xca: {  	[sflag:s23] =	ssyncadd.s32 $0xFFFFF000  }
0xcb: {  	[spmem:s2] =	stream.indirect.scatter.add.f32 [tilespmem:s19], [sflag:$0x5], $0x20, s28, s15, $0xb8;
	[tilespmem:$0x1DB00] =	vst v63  }
0xcc: {  	_ =	swait.ge [sflag:s12], $0x1000  }
0xcd: {  	s28 =	sld [smem:$0x7F7]  }
0xce: {  	[sflag:s12] =	ssyncset.done $0x0  }
0xcf: {  	[sflag:s12] =	ssyncadd.s32 $0xFFFFF000  }
0xd0: {  	[tilespmem:s19], [sflag:$0x4] =	stream.indirect.gather [hbm4b:s10+s15], $0x20, s28, s15, $0xb8;
	[tilespmem:$0x1DB00] =	vst v63  }
0xd1: {  	_ =	swait.ge [sflag:s20], $0x1000  }
0xd2: {  	s28 =	sld [smem:$0x7F8]  }
0xd3: {  	[sflag:s20] =	ssyncset.done $0x0  }
0xd4: {  	[sflag:s20] =	ssyncadd.s32 $0xFFFFF000  }
0xd5: {  	[spmem:s2] =	stream.indirect.scatter.add.f32 [tilespmem:s16], [sflag:$0x5], $0x20, s28, s15, $0xb8;
	[tilespmem:$0x1DB00] =	vst v63  }
0xd6: {  	_ =	swait.ge [sflag:s12], $0x1000  }
0xd7: {  	[sflag:s12] =	ssyncset.done $0x0  }
0xd8: {  	[sflag:s12] =	ssyncadd.s32 $0xFFFFF000  }
0xd9: {  	_ =	swait.ge [sflag:s21], $0x1000  }
0xda: {  	s28 =	sld [smem:$0x7F9]  }
0xdb: {  	[sflag:s21] =	ssyncset.done $0x0  }
0xdc: {  	[sflag:s21] =	ssyncadd.s32 $0xFFFFF000  }
0xdd: {  	[spmem:s2] =	stream.indirect.scatter.add.f32 [tilespmem:s17], [sflag:$0x5], $0x20, s28, s15, $0xb8;
	[tilespmem:$0x1DB00] =	vst v63  }
0xde: {  	_ =	swait.ge [sflag:s12], $0x1000  }
0xdf: {  	[sflag:s12] =	ssyncset.done $0x0  }
0xe0: {  	[sflag:s12] =	ssyncadd.s32 $0xFFFFF000  }
0xe1: {  	_ =	swait.ge [sflag:s22], $0x1000  }
0xe2: {  	s28 =	sld [smem:$0x7FA]  }
0xe3: {  	[sflag:s22] =	ssyncset.done $0x0  }
0xe4: {  	[sflag:s22] =	ssyncadd.s32 $0xFFFFF000  }
0xe5: {  	[spmem:s2] =	stream.indirect.scatter.add.f32 [tilespmem:s18], [sflag:$0x5], $0x20, s28, s15, $0xb8;
	[tilespmem:$0x1DB00] =	vst v63  }
0xe6: {  	_ =	swait.ge [sflag:s12], $0x1000  }
0xe7: {  	[sflag:s12] =	ssyncset.done $0x0  }
0xe8: {  	[sflag:s12] =	ssyncadd.s32 $0xFFFFF000  }
0xe9: {  	_ =	swait.ge [sflag:s23], $0x1000  }
0xea: {  	s28 =	sld [smem:$0x7FB]  }
0xeb: {  	[sflag:s23] =	ssyncset.done $0x0  }
0xec: {  	[sflag:s23] =	ssyncadd.s32 $0xFFFFF000  }
0xed: {  	[spmem:s2] =	stream.indirect.scatter.add.f32 [tilespmem:s19], [sflag:$0x5], $0x20, s28, s15, $0xb8;
	[tilespmem:$0x1DB00] =	vst v63  }
0xee: {  	s29 =	simm.s32 $0x280;
	_ =	swait.ge [sflag:s12], $0x1000  }
0xef: {  	s28 =	simm.s32 $0x140;
	s30 =	rddreg [dreg:$0x4];
	[sflag:s12] =	ssyncset.done $0x0  }
.LBB2_2:
0xf0: {  	[sflag:s12] =	ssyncadd.s32 $0xFFFFF000;
	s30 =	sadd.s32 s28, s30  }
0xf1: {  	[tilespmem:s13], [sflag:$0x5] =	stream.linear.gather [hbm4b:s30+s3], $0xA00, $0x38;
	[tilespmem:$0x1DB00] =	vst v63  }
0xf2: {  	_ =	swait.ge [sflag:s12], $0xA00  }
0xf3: {  	s30 =	rddreg [dreg:$0x3];
	[sflag:s12] =	ssyncset.done $0x0  }
0xf4: {  	[sflag:s12] =	ssyncadd.s32 $0xFFFFF600;
	s30 =	sadd.s32 s28, s30  }
0xf5: {  	[tilespmem:s14], [sflag:$0x5] =	stream.linear.gather [hbm4b:s30+s3], $0xA00, $0x38;
	[tilespmem:$0x1DB00] =	vst v63  }
0xf6: {  	_ =	swait.ge [sflag:s12], $0xA00  }
0xf7: {  	[sflag:s12] =	ssyncset.done $0x0  }
0xf8: {  	[sflag:s12] =	ssyncadd.s32 $0xFFFFF600  }
0xf9: {  	[tilespmem:s16], [sflag:$0x1] =	stream.indirect.gather [hbm4b:s10+s15], $0x20, s13, s15, $0xb8;
	[tilespmem:$0x1DB00] =	vst v63  }
0xfa: {  	s30 =	rddreg [dreg:$0x5]  }
0xfb: {  	[tilespmem:s17], [sflag:$0x2] =	stream.indirect.gather [hbm4b:s10+s15], $0x20, s30, s15, $0xb8;
	[tilespmem:$0x1DB00] =	vst v63  }
0xfc: {  	s6 =	rddreg [dreg:$0x6]  }
0xfd: {  	[tilespmem:s18], [sflag:$0x3] =	stream.indirect.gather [hbm4b:s10+s15], $0x20, s6, s15, $0xb8;
	[tilespmem:$0x1DB00] =	vst v63  }
0xfe: {  	s30 =	rddreg [dreg:$0x7]  }
0xff: {  	[tilespmem:s19], [sflag:$0x4] =	stream.indirect.gather [hbm4b:s10+s15], $0x20, s30, s15, $0xb8;
	[tilespmem:$0x1DB00] =	vst v63  }
0x100: {  	_ =	swait.ge [sflag:s20], $0x1000  }
0x101: {  	[sflag:s20] =	ssyncset.done $0x0  }
0x102: {  	[sflag:s20] =	ssyncadd.s32 $0xFFFFF000  }
0x103: {  	[spmem:s2] =	stream.indirect.scatter.add.f32 [tilespmem:s16], [sflag:$0x5], $0x20, s14, s15, $0xb8;
	[tilespmem:$0x1DB00] =	vst v63  }
0x104: {  	_ =	swait.ge [sflag:s12], $0x1000  }
0x105: {  	[sflag:s12] =	ssyncset.done $0x0  }
0x106: {  	s30 =	rddreg [dreg:$0x8];
	[sflag:s12] =	ssyncadd.s32 $0xFFFFF000  }
0x107: {  	[tilespmem:s16], [sflag:$0x1] =	stream.indirect.gather [hbm4b:s10+s15], $0x20, s30, s15, $0xb8;
	[tilespmem:$0x1DB00] =	vst v63  }
0x108: {  	_ =	swait.ge [sflag:s21], $0x1000  }
0x109: {  	[sflag:s21] =	ssyncset.done $0x0  }
0x10a: {  	s30 =	rddreg [dreg:$0x9];
	[sflag:s21] =	ssyncadd.s32 $0xFFFFF000  }
0x10b: {  	[spmem:s2] =	stream.indirect.scatter.add.f32 [tilespmem:s17], [sflag:$0x5], $0x20, s30, s15, $0xb8;
	[tilespmem:$0x1DB00] =	vst v63  }
0x10c: {  	s31 =	smov.u32 s29;
	_ =	swait.ge [sflag:s12], $0x1000  }
0x10d: {  	s28 =	smov.u32 s31;
	s31 =	simm.s32 @p1 $0x80;
	[sflag:s12] =	ssyncset.done $0x0  }
0x10e: {  	s6 =	simm.s32 @p1 $0x18980;
	s30 =	simm.s32 @p1 $0x1AB00;
	[sflag:s12] =	ssyncadd.s32 $0xFFFFF000  }
0x10f: {  	[tilespmem:s30], [sflag:$0x2] =	stream.indirect.gather @p1 [hbm4b:s5+s31], $0x20, s6, s31, $0xb8;
	[tilespmem:$0x1DB00] =	vst v63  }
0x110: {  	s6 =	simm.s32 @!p1 $0x80;
	s30 =	simm.s32 @!p1 $0x18980;
	s31 =	simm.s32 @!p1 $0x1AB00  }
0x111: {  	[tilespmem:s31], [sflag:$0x2] =	stream.indirect.gather @!p1 [hbm4b:s4+s6], $0x20, s30, s6, $0xb8;
	[tilespmem:$0x1DB00] =	vst v63  }
0x112: {  	_ =	swait.ge [sflag:s22], $0x1000  }
0x113: {  	[sflag:s22] =	ssyncset.done $0x0  }
0x114: {  	s30 =	rddreg [dreg:$0xa];
	[sflag:s22] =	ssyncadd.s32 $0xFFFFF000  }
0x115: {  	[spmem:s2] =	stream.indirect.scatter.add.f32 [tilespmem:s18], [sflag:$0x5], $0x20, s30, s15, $0xb8;
	[tilespmem:$0x1DB00] =	vst v63  }
0x116: {  	_ =	swait.ge [sflag:s12], $0x1000  }
0x117: {  	[sflag:s12] =	ssyncset.done $0x0  }
0x118: {  	s30 =	rddreg [dreg:$0xb];
	[sflag:s12] =	ssyncadd.s32 $0xFFFFF000  }
0x119: {  	[tilespmem:s18], [sflag:$0x3] =	stream.indirect.gather [hbm4b:s10+s15], $0x20, s30, s15, $0xb8;
	[tilespmem:$0x1DB00] =	vst v63  }
0x11a: {  	_ =	swait.ge [sflag:s23], $0x1000  }
0x11b: {  	[sflag:s23] =	ssyncset.done $0x0  }
0x11c: {  	s30 =	rddreg [dreg:$0xc];
	[sflag:s23] =	ssyncadd.s32 $0xFFFFF000  }
0x11d: {  	[spmem:s2] =	stream.indirect.scatter.add.f32 [tilespmem:s19], [sflag:$0x5], $0x20, s30, s15, $0xb8;
	[tilespmem:$0x1DB00] =	vst v63  }
0x11e: {  	_ =	swait.ge [sflag:s12], $0x1000  }
0x11f: {  	[sflag:s12] =	ssyncset.done $0x0  }
0x120: {  	s30 =	rddreg [dreg:$0xd];
	[sflag:s12] =	ssyncadd.s32 $0xFFFFF000  }
0x121: {  	[tilespmem:s19], [sflag:$0x4] =	stream.indirect.gather [hbm4b:s10+s15], $0x20, s30, s15, $0xb8;
	[tilespmem:$0x1DB00] =	vst v63  }
0x122: {  	_ =	swait.ge [sflag:s20], $0x1000  }
0x123: {  	[sflag:s20] =	ssyncset.done $0x0  }
0x124: {  	s30 =	rddreg [dreg:$0xe];
	[sflag:s20] =	ssyncadd.s32 $0xFFFFF000  }
0x125: {  	[spmem:s2] =	stream.indirect.scatter.add.f32 [tilespmem:s16], [sflag:$0x5], $0x20, s30, s15, $0xb8;
	[tilespmem:$0x1DB00] =	vst v63  }
0x126: {  	_ =	swait.ge [sflag:s12], $0x1000  }
0x127: {  	[sflag:s12] =	ssyncset.done $0x0  }
0x128: {  	s30 =	rddreg [dreg:$0xf];
	[sflag:s12] =	ssyncadd.s32 $0xFFFFF000  }
0x129: {  	[tilespmem:s16], [sflag:$0x1] =	stream.indirect.gather [hbm4b:s10+s15], $0x20, s30, s15, $0xb8;
	[tilespmem:$0x1DB00] =	vst v63  }
0x12a: {  	_ =	swait.ge [sflag:s21], $0x1000  }
0x12b: {  	[sflag:s21] =	ssyncset.done $0x0  }
0x12c: {  	s30 =	rddreg [dreg:$0x10];
	[sflag:s21] =	ssyncadd.s32 $0xFFFFF000  }
0x12d: {  	[spmem:s2] =	stream.indirect.scatter.add.f32 [tilespmem:s17], [sflag:$0x5], $0x20, s30, s15, $0xb8;
	[tilespmem:$0x1DB00] =	vst v63  }
0x12e: {  	_ =	swait.ge [sflag:s12], $0x1000  }
0x12f: {  	[sflag:s12] =	ssyncset.done $0x0  }
0x130: {  	s6 =	simm.s32 @p0 $0x18B80;
	[sflag:s12] =	ssyncadd.s32 $0xFFFFF000  }
0x131: {  	[tilespmem:s1], [sflag:$0x2] =	stream.indirect.gather @p0 [hbm4b:s4+s0], $0x20, s6, s0, $0xb8;
	[tilespmem:$0x1DB00] =	vst v63  }
0x132: {  	_ = 	snop  }
0x133: {  	[tilespmem:s7], [sflag:$0x2] =	stream.indirect.gather @!p0 [hbm4b:s5+s8], $0x20, s9, s8, $0xb8;
	[tilespmem:$0x1DB00] =	vst v63  }
0x134: {  	_ =	swait.ge [sflag:s22], $0x1000  }
0x135: {  	[sflag:s22] =	ssyncset.done $0x0  }
0x136: {  	s30 =	rddreg [dreg:$0x11];
	[sflag:s22] =	ssyncadd.s32 $0xFFFFF000  }
0x137: {  	[spmem:s2] =	stream.indirect.scatter.add.f32 [tilespmem:s18], [sflag:$0x5], $0x20, s30, s15, $0xb8;
	[tilespmem:$0x1DB00] =	vst v63  }
0x138: {  	_ =	swait.ge [sflag:s12], $0x1000  }
0x139: {  	[sflag:s12] =	ssyncset.done $0x0  }
0x13a: {  	s30 =	rddreg [dreg:$0x12];
	[sflag:s12] =	ssyncadd.s32 $0xFFFFF000  }
0x13b: {  	[tilespmem:s18], [sflag:$0x3] =	stream.indirect.gather [hbm4b:s10+s15], $0x20, s30, s15, $0xb8;
	[tilespmem:$0x1DB00] =	vst v63  }
0x13c: {  	_ =	swait.ge [sflag:s23], $0x1000  }
0x13d: {  	[sflag:s23] =	ssyncset.done $0x0  }
0x13e: {  	s30 =	rddreg [dreg:$0x13];
	[sflag:s23] =	ssyncadd.s32 $0xFFFFF000  }
0x13f: {  	[spmem:s2] =	stream.indirect.scatter.add.f32 [tilespmem:s19], [sflag:$0x5], $0x20, s30, s15, $0xb8;
	[tilespmem:$0x1DB00] =	vst v63  }
0x140: {  	_ =	swait.ge [sflag:s12], $0x1000  }
0x141: {  	[sflag:s12] =	ssyncset.done $0x0  }
0x142: {  	s30 =	rddreg [dreg:$0x14];
	[sflag:s12] =	ssyncadd.s32 $0xFFFFF000  }
0x143: {  	[tilespmem:s19], [sflag:$0x4] =	stream.indirect.gather [hbm4b:s10+s15], $0x20, s30, s15, $0xb8;
	[tilespmem:$0x1DB00] =	vst v63  }
0x144: {  	_ =	swait.ge [sflag:s20], $0x1000  }
0x145: {  	[sflag:s20] =	ssyncset.done $0x0  }
0x146: {  	s30 =	rddreg [dreg:$0x15];
	[sflag:s20] =	ssyncadd.s32 $0xFFFFF000  }
0x147: {  	[spmem:s2] =	stream.indirect.scatter.add.f32 [tilespmem:s16], [sflag:$0x5], $0x20, s30, s15, $0xb8;
	[tilespmem:$0x1DB00] =	vst v63  }
0x148: {  	_ =	swait.ge [sflag:s12], $0x1000  }
0x149: {  	[sflag:s12] =	ssyncset.done $0x0  }
0x14a: {  	s30 =	rddreg [dreg:$0x16];
	[sflag:s12] =	ssyncadd.s32 $0xFFFFF000  }
0x14b: {  	[tilespmem:s16], [sflag:$0x1] =	stream.indirect.gather [hbm4b:s10+s15], $0x20, s30, s15, $0xb8;
	[tilespmem:$0x1DB00] =	vst v63  }
0x14c: {  	_ =	swait.ge [sflag:s21], $0x1000  }
0x14d: {  	[sflag:s21] =	ssyncset.done $0x0  }
0x14e: {  	s30 =	rddreg [dreg:$0x17];
	[sflag:s21] =	ssyncadd.s32 $0xFFFFF000  }
0x14f: {  	[spmem:s2] =	stream.indirect.scatter.add.f32 [tilespmem:s17], [sflag:$0x5], $0x20, s30, s15, $0xb8;
	[tilespmem:$0x1DB00] =	vst v63  }
0x150: {  	_ =	swait.ge [sflag:s12], $0x1000  }
0x151: {  	[sflag:s12] =	ssyncset.done $0x0  }
0x152: {  	[sflag:s12] =	ssyncadd.s32 $0xFFFFF000  }
0x153: {  	[tilespmem:s1], [sflag:$0x2] =	stream.indirect.gather @p0 [hbm4b:s4+s0], $0x20, s11, s0, $0xb8;
	[tilespmem:$0x1DB00] =	vst v63  }
0x154: {  	_ = 	snop  }
0x155: {  	[tilespmem:s7], [sflag:$0x2] =	stream.indirect.gather @!p0 [hbm4b:s5+s8], $0x20, s24, s8, $0xb8;
	[tilespmem:$0x1DB00] =	vst v63  }
0x156: {  	_ =	swait.ge [sflag:s22], $0x1000  }
0x157: {  	[sflag:s22] =	ssyncset.done $0x0  }
0x158: {  	s30 =	rddreg [dreg:$0x18];
	[sflag:s22] =	ssyncadd.s32 $0xFFFFF000  }
0x159: {  	[spmem:s2] =	stream.indirect.scatter.add.f32 [tilespmem:s18], [sflag:$0x5], $0x20, s30, s15, $0xb8;
	[tilespmem:$0x1DB00] =	vst v63  }
0x15a: {  	_ =	swait.ge [sflag:s12], $0x1000  }
0x15b: {  	[sflag:s12] =	ssyncset.done $0x0  }
0x15c: {  	s30 =	rddreg [dreg:$0x19];
	[sflag:s12] =	ssyncadd.s32 $0xFFFFF000  }
0x15d: {  	[tilespmem:s18], [sflag:$0x3] =	stream.indirect.gather [hbm4b:s10+s15], $0x20, s30, s15, $0xb8;
	[tilespmem:$0x1DB00] =	vst v63  }
0x15e: {  	_ =	swait.ge [sflag:s23], $0x1000  }
0x15f: {  	[sflag:s23] =	ssyncset.done $0x0  }
0x160: {  	s30 =	rddreg [dreg:$0x1a];
	[sflag:s23] =	ssyncadd.s32 $0xFFFFF000  }
0x161: {  	[spmem:s2] =	stream.indirect.scatter.add.f32 [tilespmem:s19], [sflag:$0x5], $0x20, s30, s15, $0xb8;
	[tilespmem:$0x1DB00] =	vst v63  }
0x162: {  	_ =	swait.ge [sflag:s12], $0x1000  }
0x163: {  	[sflag:s12] =	ssyncset.done $0x0  }
0x164: {  	s30 =	rddreg [dreg:$0x1b];
	[sflag:s12] =	ssyncadd.s32 $0xFFFFF000  }
0x165: {  	[tilespmem:s19], [sflag:$0x4] =	stream.indirect.gather [hbm4b:s10+s15], $0x20, s30, s15, $0xb8;
	[tilespmem:$0x1DB00] =	vst v63  }
0x166: {  	_ =	swait.ge [sflag:s20], $0x1000  }
0x167: {  	[sflag:s20] =	ssyncset.done $0x0  }
0x168: {  	s30 =	rddreg [dreg:$0x1c];
	[sflag:s20] =	ssyncadd.s32 $0xFFFFF000  }
0x169: {  	[spmem:s2] =	stream.indirect.scatter.add.f32 [tilespmem:s16], [sflag:$0x5], $0x20, s30, s15, $0xb8;
	[tilespmem:$0x1DB00] =	vst v63  }
0x16a: {  	_ =	swait.ge [sflag:s12], $0x1000  }
0x16b: {  	[sflag:s12] =	ssyncset.done $0x0  }
0x16c: {  	s30 =	rddreg [dreg:$0x1d];
	[sflag:s12] =	ssyncadd.s32 $0xFFFFF000  }
0x16d: {  	[tilespmem:s16], [sflag:$0x1] =	stream.indirect.gather [hbm4b:s10+s15], $0x20, s30, s15, $0xb8;
	[tilespmem:$0x1DB00] =	vst v63  }
0x16e: {  	_ =	swait.ge [sflag:s21], $0x1000  }
0x16f: {  	[sflag:s21] =	ssyncset.done $0x0  }
0x170: {  	s30 =	rddreg [dreg:$0x1e];
	[sflag:s21] =	ssyncadd.s32 $0xFFFFF000  }
0x171: {  	[spmem:s2] =	stream.indirect.scatter.add.f32 [tilespmem:s17], [sflag:$0x5], $0x20, s30, s15, $0xb8;
	[tilespmem:$0x1DB00] =	vst v63  }
0x172: {  	_ =	swait.ge [sflag:s12], $0x1000  }
0x173: {  	[sflag:s12] =	ssyncset.done $0x0  }
0x174: {  	[sflag:s12] =	ssyncadd.s32 $0xFFFFF000  }
0x175: {  	[tilespmem:s1], [sflag:$0x2] =	stream.indirect.gather @p0 [hbm4b:s4+s0], $0x20, s25, s0, $0xb8;
	[tilespmem:$0x1DB00] =	vst v63  }
0x176: {  	_ = 	snop  }
0x177: {  	[tilespmem:s7], [sflag:$0x2] =	stream.indirect.gather @!p0 [hbm4b:s5+s8], $0x20, s26, s8, $0xb8;
	[tilespmem:$0x1DB00] =	vst v63  }
0x178: {  	_ =	swait.ge [sflag:s22], $0x1000  }
0x179: {  	[sflag:s22] =	ssyncset.done $0x0  }
0x17a: {  	s30 =	rddreg [dreg:$0x1f];
	[sflag:s22] =	ssyncadd.s32 $0xFFFFF000  }
0x17b: {  	[spmem:s2] =	stream.indirect.scatter.add.f32 [tilespmem:s18], [sflag:$0x5], $0x20, s30, s15, $0xb8;
	[tilespmem:$0x1DB00] =	vst v63  }
0x17c: {  	_ =	swait.ge [sflag:s12], $0x1000  }
0x17d: {  	s30 =	sld [smem:$0x7F5]  }
0x17e: {  	[sflag:s12] =	ssyncset.done $0x0  }
0x17f: {  	[sflag:s12] =	ssyncadd.s32 $0xFFFFF000  }
0x180: {  	[tilespmem:s18], [sflag:$0x3] =	stream.indirect.gather [hbm4b:s10+s15], $0x20, s30, s15, $0xb8;
	[tilespmem:$0x1DB00] =	vst v63  }
0x181: {  	_ =	swait.ge [sflag:s23], $0x1000  }
0x182: {  	s30 =	sld [smem:$0x7F6]  }
0x183: {  	[sflag:s23] =	ssyncset.done $0x0  }
0x184: {  	[sflag:s23] =	ssyncadd.s32 $0xFFFFF000  }
0x185: {  	[spmem:s2] =	stream.indirect.scatter.add.f32 [tilespmem:s19], [sflag:$0x5], $0x20, s30, s15, $0xb8;
	[tilespmem:$0x1DB00] =	vst v63  }
0x186: {  	_ =	swait.ge [sflag:s12], $0x1000  }
0x187: {  	s30 =	sld [smem:$0x7F7]  }
0x188: {  	[sflag:s12] =	ssyncset.done $0x0  }
0x189: {  	[sflag:s12] =	ssyncadd.s32 $0xFFFFF000  }
0x18a: {  	[tilespmem:s19], [sflag:$0x4] =	stream.indirect.gather [hbm4b:s10+s15], $0x20, s30, s15, $0xb8;
	[tilespmem:$0x1DB00] =	vst v63  }
0x18b: {  	_ =	swait.ge [sflag:s20], $0x1000  }
0x18c: {  	s30 =	sld [smem:$0x7F8]  }
0x18d: {  	[sflag:s20] =	ssyncset.done $0x0  }
0x18e: {  	[sflag:s20] =	ssyncadd.s32 $0xFFFFF000  }
0x18f: {  	[spmem:s2] =	stream.indirect.scatter.add.f32 [tilespmem:s16], [sflag:$0x5], $0x20, s30, s15, $0xb8;
	[tilespmem:$0x1DB00] =	vst v63  }
0x190: {  	_ =	swait.ge [sflag:s12], $0x1000  }
0x191: {  	[sflag:s12] =	ssyncset.done $0x0  }
0x192: {  	[sflag:s12] =	ssyncadd.s32 $0xFFFFF000  }
0x193: {  	_ =	swait.ge [sflag:s21], $0x1000  }
0x194: {  	s30 =	sld [smem:$0x7F9]  }
0x195: {  	[sflag:s21] =	ssyncset.done $0x0  }
0x196: {  	[sflag:s21] =	ssyncadd.s32 $0xFFFFF000  }
0x197: {  	[spmem:s2] =	stream.indirect.scatter.add.f32 [tilespmem:s17], [sflag:$0x5], $0x20, s30, s15, $0xb8;
	[tilespmem:$0x1DB00] =	vst v63  }
0x198: {  	_ =	swait.ge [sflag:s12], $0x1000  }
0x199: {  	[sflag:s12] =	ssyncset.done $0x0  }
0x19a: {  	[sflag:s12] =	ssyncadd.s32 $0xFFFFF000  }
0x19b: {  	_ =	swait.ge [sflag:s22], $0x1000  }
0x19c: {  	s30 =	sld [smem:$0x7FA]  }
0x19d: {  	[sflag:s22] =	ssyncset.done $0x0  }
0x19e: {  	[sflag:s22] =	ssyncadd.s32 $0xFFFFF000  }
0x19f: {  	[spmem:s2] =	stream.indirect.scatter.add.f32 [tilespmem:s18], [sflag:$0x5], $0x20, s30, s15, $0xb8;
	[tilespmem:$0x1DB00] =	vst v63  }
0x1a0: {  	_ =	swait.ge [sflag:s12], $0x1000  }
0x1a1: {  	[sflag:s12] =	ssyncset.done $0x0  }
0x1a2: {  	[sflag:s12] =	ssyncadd.s32 $0xFFFFF000  }
0x1a3: {  	s29 =	sadd.s32 $0x140, s29;
	_ =	swait.ge [sflag:s23], $0x1000  }
0x1a4: {  	p2 =	sne.s32 s29, $0x1900;
	s30 =	sld [smem:$0x7FB]  }
.Ltmp0:
0x1a5: {  	[sflag:s23] =	ssyncset.done $0x0;
	(pc) =	sbr.rel @p2 .LBB2_2-.Ltmp0, $4  }
0x1a6: {  	[sflag:s23] =	ssyncadd.s32 $0xFFFFF000  }
0x1a7: {  	[spmem:s2] =	stream.indirect.scatter.add.f32 [tilespmem:s19], [sflag:$0x5], $0x20, s30, s15, $0xb8;
	[tilespmem:$0x1DB00] =	vst v63  }
0x1a8: {  	_ =	swait.ge [sflag:s12], $0x1000  }
0x1a9: {  	s30 =	rddreg [dreg:$0x4];
	[sflag:s12] =	ssyncset.done $0x0  }
0x1aa: {  	[sflag:s12] =	ssyncadd.s32 $0xFFFFF000;
	s0 =	sadd.s32 s28, s30  }
0x1ab: {  	[tilespmem:s13], [sflag:$0x5] =	stream.linear.gather [hbm4b:s0+s3], $0xA00, $0x38;
	[tilespmem:$0x1DB00] =	vst v63  }
0x1ac: {  	_ =	swait.ge [sflag:s12], $0xA00  }
0x1ad: {  	s26 =	rddreg [dreg:$0x3];
	[sflag:s12] =	ssyncset.done $0x0  }
0x1ae: {  	[sflag:s12] =	ssyncadd.s32 $0xFFFFF600;
	s0 =	sadd.s32 s28, s26  }
0x1af: {  	[tilespmem:s14], [sflag:$0x5] =	stream.linear.gather [hbm4b:s0+s3], $0xA00, $0x38;
	[tilespmem:$0x1DB00] =	vst v63  }
0x1b0: {  	_ =	swait.ge [sflag:s12], $0xA00  }
0x1b1: {  	[sflag:s12] =	ssyncset.done $0x0  }
0x1b2: {  	[sflag:s12] =	ssyncadd.s32 $0xFFFFF600  }
0x1b3: {  	[tilespmem:s16], [sflag:$0x1] =	stream.indirect.gather [hbm4b:s10+s15], $0x20, s13, s15, $0xb8;
	[tilespmem:$0x1DB00] =	vst v63  }
0x1b4: {  	s29 =	rddreg [dreg:$0x5]  }
0x1b5: {  	[tilespmem:s17], [sflag:$0x2] =	stream.indirect.gather [hbm4b:s10+s15], $0x20, s29, s15, $0xb8;
	[tilespmem:$0x1DB00] =	vst v63  }
0x1b6: {  	s1 =	rddreg [dreg:$0x6]  }
0x1b7: {  	[tilespmem:s18], [sflag:$0x3] =	stream.indirect.gather [hbm4b:s10+s15], $0x20, s1, s15, $0xb8;
	[tilespmem:$0x1DB00] =	vst v63  }
0x1b8: {  	s30 =	rddreg [dreg:$0x7]  }
0x1b9: {  	[tilespmem:s19], [sflag:$0x4] =	stream.indirect.gather [hbm4b:s10+s15], $0x20, s30, s15, $0xb8;
	[tilespmem:$0x1DB00] =	vst v63  }
0x1ba: {  	_ =	swait.ge [sflag:s20], $0x1000  }
0x1bb: {  	[sflag:s20] =	ssyncset.done $0x0  }
0x1bc: {  	[sflag:s20] =	ssyncadd.s32 $0xFFFFF000  }
0x1bd: {  	[spmem:s2] =	stream.indirect.scatter.add.f32 [tilespmem:s16], [sflag:$0x5], $0x20, s14, s15, $0xb8;
	[tilespmem:$0x1DB00] =	vst v63  }
0x1be: {  	_ =	swait.ge [sflag:s12], $0x1000  }
0x1bf: {  	[sflag:s12] =	ssyncset.done $0x0  }
0x1c0: {  	s31 =	rddreg [dreg:$0x8];
	[sflag:s12] =	ssyncadd.s32 $0xFFFFF000  }
0x1c1: {  	[tilespmem:s16], [sflag:$0x1] =	stream.indirect.gather [hbm4b:s10+s15], $0x20, s31, s15, $0xb8;
	[tilespmem:$0x1DB00] =	vst v63  }
0x1c2: {  	_ =	swait.ge [sflag:s21], $0x1000  }
0x1c3: {  	[sflag:s21] =	ssyncset.done $0x0  }
0x1c4: {  	s1 =	rddreg [dreg:$0x9];
	[sflag:s21] =	ssyncadd.s32 $0xFFFFF000  }
0x1c5: {  	[spmem:s2] =	stream.indirect.scatter.add.f32 [tilespmem:s17], [sflag:$0x5], $0x20, s1, s15, $0xb8;
	[tilespmem:$0x1DB00] =	vst v63  }
0x1c6: {  	_ =	swait.ge [sflag:s12], $0x1000  }
0x1c7: {  	s6 =	simm.s32 @p1 $0x18980;
	[sflag:s12] =	ssyncset.done $0x0  }
0x1c8: {  	s0 =	simm.s32 @p1 $0x1AB00;
	s1 =	simm.s32 @p1 $0x80;
	[sflag:s12] =	ssyncadd.s32 $0xFFFFF000  }
0x1c9: {  	[tilespmem:s0], [sflag:$0x2] =	stream.indirect.gather @p1 [hbm4b:s5+s1], $0x20, s6, s1, $0xb8;
	[tilespmem:$0x1DB00] =	vst v63  }
0x1ca: {  	s0 =	simm.s32 @!p1 $0x80;
	s1 =	simm.s32 @!p1 $0x18980;
	s6 =	simm.s32 @!p1 $0x1AB00  }
0x1cb: {  	[tilespmem:s6], [sflag:$0x2] =	stream.indirect.gather @!p1 [hbm4b:s4+s0], $0x20, s1, s0, $0xb8;
	[tilespmem:$0x1DB00] =	vst v63  }
0x1cc: {  	_ =	swait.ge [sflag:s22], $0x1000  }
0x1cd: {  	[sflag:s22] =	ssyncset.done $0x0  }
0x1ce: {  	s6 =	rddreg [dreg:$0xa];
	[sflag:s22] =	ssyncadd.s32 $0xFFFFF000  }
0x1cf: {  	[spmem:s2] =	stream.indirect.scatter.add.f32 [tilespmem:s18], [sflag:$0x5], $0x20, s6, s15, $0xb8;
	[tilespmem:$0x1DB00] =	vst v63  }
0x1d0: {  	_ =	swait.ge [sflag:s12], $0x1000  }
0x1d1: {  	[sflag:s12] =	ssyncset.done $0x0  }
0x1d2: {  	s7 =	rddreg [dreg:$0xb];
	[sflag:s12] =	ssyncadd.s32 $0xFFFFF000  }
0x1d3: {  	[tilespmem:s18], [sflag:$0x3] =	stream.indirect.gather [hbm4b:s10+s15], $0x20, s7, s15, $0xb8;
	[tilespmem:$0x1DB00] =	vst v63  }
0x1d4: {  	_ =	swait.ge [sflag:s23], $0x1000  }
0x1d5: {  	[sflag:s23] =	ssyncset.done $0x0  }
0x1d6: {  	s8 =	rddreg [dreg:$0xc];
	[sflag:s23] =	ssyncadd.s32 $0xFFFFF000  }
0x1d7: {  	[spmem:s2] =	stream.indirect.scatter.add.f32 [tilespmem:s19], [sflag:$0x5], $0x20, s8, s15, $0xb8;
	[tilespmem:$0x1DB00] =	vst v63  }
0x1d8: {  	_ =	swait.ge [sflag:s12], $0x1000  }
0x1d9: {  	[sflag:s12] =	ssyncset.done $0x0  }
0x1da: {  	s9 =	rddreg [dreg:$0xd];
	[sflag:s12] =	ssyncadd.s32 $0xFFFFF000  }
0x1db: {  	[tilespmem:s19], [sflag:$0x4] =	stream.indirect.gather [hbm4b:s10+s15], $0x20, s9, s15, $0xb8;
	[tilespmem:$0x1DB00] =	vst v63  }
0x1dc: {  	_ =	swait.ge [sflag:s20], $0x1000  }
0x1dd: {  	[sflag:s20] =	ssyncset.done $0x0  }
0x1de: {  	s11 =	rddreg [dreg:$0xe];
	[sflag:s20] =	ssyncadd.s32 $0xFFFFF000  }
0x1df: {  	[spmem:s2] =	stream.indirect.scatter.add.f32 [tilespmem:s16], [sflag:$0x5], $0x20, s11, s15, $0xb8;
	[tilespmem:$0x1DB00] =	vst v63  }
0x1e0: {  	_ =	swait.ge [sflag:s12], $0x1000  }
0x1e1: {  	[sflag:s12] =	ssyncset.done $0x0  }
0x1e2: {  	s24 =	rddreg [dreg:$0xf];
	[sflag:s12] =	ssyncadd.s32 $0xFFFFF000  }
0x1e3: {  	[tilespmem:s16], [sflag:$0x1] =	stream.indirect.gather [hbm4b:s10+s15], $0x20, s24, s15, $0xb8;
	[tilespmem:$0x1DB00] =	vst v63  }
0x1e4: {  	_ =	swait.ge [sflag:s21], $0x1000  }
0x1e5: {  	[sflag:s21] =	ssyncset.done $0x0  }
0x1e6: {  	s25 =	rddreg [dreg:$0x10];
	[sflag:s21] =	ssyncadd.s32 $0xFFFFF000  }
0x1e7: {  	[spmem:s2] =	stream.indirect.scatter.add.f32 [tilespmem:s17], [sflag:$0x5], $0x20, s25, s15, $0xb8;
	[tilespmem:$0x1DB00] =	vst v63  }
0x1e8: {  	_ =	swait.ge [sflag:s12], $0x1000  }
0x1e9: {  	s0 =	simm.s32 @p0 $0x1AB00;
	[sflag:s12] =	ssyncset.done $0x0  }
0x1ea: {  	s1 =	simm.s32 @p0 $0x80;
	s6 =	simm.s32 @p0 $0x18B80;
	[sflag:s12] =	ssyncadd.s32 $0xFFFFF000  }
0x1eb: {  	[tilespmem:s0], [sflag:$0x2] =	stream.indirect.gather @p0 [hbm4b:s4+s1], $0x20, s6, s1, $0xb8;
	[tilespmem:$0x1DB00] =	vst v63  }
0x1ec: {  	s7 =	simm.s32 @!p0 $0x1AB00;
	s8 =	simm.s32 @!p0 $0x18B80;
	s6 =	simm.s32 @!p0 $0x80  }
0x1ed: {  	[tilespmem:s7], [sflag:$0x2] =	stream.indirect.gather @!p0 [hbm4b:s5+s6], $0x20, s8, s6, $0xb8;
	[tilespmem:$0x1DB00] =	vst v63  }
0x1ee: {  	_ =	swait.ge [sflag:s22], $0x1000  }
0x1ef: {  	[sflag:s22] =	ssyncset.done $0x0  }
0x1f0: {  	s26 =	rddreg [dreg:$0x11];
	[sflag:s22] =	ssyncadd.s32 $0xFFFFF000  }
0x1f1: {  	[spmem:s2] =	stream.indirect.scatter.add.f32 [tilespmem:s18], [sflag:$0x5], $0x20, s26, s15, $0xb8;
	[tilespmem:$0x1DB00] =	vst v63  }
0x1f2: {  	_ =	swait.ge [sflag:s12], $0x1000  }
0x1f3: {  	[sflag:s12] =	ssyncset.done $0x0  }
0x1f4: {  	s28 =	rddreg [dreg:$0x12];
	[sflag:s12] =	ssyncadd.s32 $0xFFFFF000  }
0x1f5: {  	[tilespmem:s18], [sflag:$0x3] =	stream.indirect.gather [hbm4b:s10+s15], $0x20, s28, s15, $0xb8;
	[tilespmem:$0x1DB00] =	vst v63  }
0x1f6: {  	_ =	swait.ge [sflag:s23], $0x1000  }
0x1f7: {  	[sflag:s23] =	ssyncset.done $0x0  }
0x1f8: {  	s29 =	rddreg [dreg:$0x13];
	[sflag:s23] =	ssyncadd.s32 $0xFFFFF000  }
0x1f9: {  	[spmem:s2] =	stream.indirect.scatter.add.f32 [tilespmem:s19], [sflag:$0x5], $0x20, s29, s15, $0xb8;
	[tilespmem:$0x1DB00] =	vst v63  }
0x1fa: {  	_ =	swait.ge [sflag:s12], $0x1000  }
0x1fb: {  	[sflag:s12] =	ssyncset.done $0x0  }
0x1fc: {  	s30 =	rddreg [dreg:$0x14];
	[sflag:s12] =	ssyncadd.s32 $0xFFFFF000  }
0x1fd: {  	[tilespmem:s19], [sflag:$0x4] =	stream.indirect.gather [hbm4b:s10+s15], $0x20, s30, s15, $0xb8;
	[tilespmem:$0x1DB00] =	vst v63  }
0x1fe: {  	_ =	swait.ge [sflag:s20], $0x1000  }
0x1ff: {  	[sflag:s20] =	ssyncset.done $0x0  }
0x200: {  	s31 =	rddreg [dreg:$0x15];
	[sflag:s20] =	ssyncadd.s32 $0xFFFFF000  }
0x201: {  	[spmem:s2] =	stream.indirect.scatter.add.f32 [tilespmem:s16], [sflag:$0x5], $0x20, s31, s15, $0xb8;
	[tilespmem:$0x1DB00] =	vst v63  }
0x202: {  	_ =	swait.ge [sflag:s12], $0x1000  }
0x203: {  	[sflag:s12] =	ssyncset.done $0x0  }
0x204: {  	s9 =	rddreg [dreg:$0x16];
	[sflag:s12] =	ssyncadd.s32 $0xFFFFF000  }
0x205: {  	[tilespmem:s16], [sflag:$0x1] =	stream.indirect.gather [hbm4b:s10+s15], $0x20, s9, s15, $0xb8;
	[tilespmem:$0x1DB00] =	vst v63  }
0x206: {  	_ =	swait.ge [sflag:s21], $0x1000  }
0x207: {  	[sflag:s21] =	ssyncset.done $0x0  }
0x208: {  	s11 =	rddreg [dreg:$0x17];
	[sflag:s21] =	ssyncadd.s32 $0xFFFFF000  }
0x209: {  	[spmem:s2] =	stream.indirect.scatter.add.f32 [tilespmem:s17], [sflag:$0x5], $0x20, s11, s15, $0xb8;
	[tilespmem:$0x1DB00] =	vst v63  }
0x20a: {  	_ =	swait.ge [sflag:s12], $0x1000  }
0x20b: {  	[sflag:s12] =	ssyncset.done $0x0  }
0x20c: {  	s8 =	simm.s32 @p0 $0x18D80;
	[sflag:s12] =	ssyncadd.s32 $0xFFFFF000  }
0x20d: {  	[tilespmem:s0], [sflag:$0x2] =	stream.indirect.gather @p0 [hbm4b:s4+s1], $0x20, s8, s1, $0xb8;
	[tilespmem:$0x1DB00] =	vst v63  }
0x20e: {  	s8 =	simm.s32 @!p0 $0x18D80  }
0x20f: {  	[tilespmem:s7], [sflag:$0x2] =	stream.indirect.gather @!p0 [hbm4b:s5+s6], $0x20, s8, s6, $0xb8;
	[tilespmem:$0x1DB00] =	vst v63  }
0x210: {  	_ =	swait.ge [sflag:s22], $0x1000  }
0x211: {  	[sflag:s22] =	ssyncset.done $0x0  }
0x212: {  	s24 =	rddreg [dreg:$0x18];
	[sflag:s22] =	ssyncadd.s32 $0xFFFFF000  }
0x213: {  	[spmem:s2] =	stream.indirect.scatter.add.f32 [tilespmem:s18], [sflag:$0x5], $0x20, s24, s15, $0xb8;
	[tilespmem:$0x1DB00] =	vst v63  }
0x214: {  	_ =	swait.ge [sflag:s12], $0x1000  }
0x215: {  	[sflag:s12] =	ssyncset.done $0x0  }
0x216: {  	s25 =	rddreg [dreg:$0x19];
	[sflag:s12] =	ssyncadd.s32 $0xFFFFF000  }
0x217: {  	[tilespmem:s18], [sflag:$0x3] =	stream.indirect.gather [hbm4b:s10+s15], $0x20, s25, s15, $0xb8;
	[tilespmem:$0x1DB00] =	vst v63  }
0x218: {  	_ =	swait.ge [sflag:s23], $0x1000  }
0x219: {  	[sflag:s23] =	ssyncset.done $0x0  }
0x21a: {  	s26 =	rddreg [dreg:$0x1a];
	[sflag:s23] =	ssyncadd.s32 $0xFFFFF000  }
0x21b: {  	[spmem:s2] =	stream.indirect.scatter.add.f32 [tilespmem:s19], [sflag:$0x5], $0x20, s26, s15, $0xb8;
	[tilespmem:$0x1DB00] =	vst v63  }
0x21c: {  	_ =	swait.ge [sflag:s12], $0x1000  }
0x21d: {  	[sflag:s12] =	ssyncset.done $0x0  }
0x21e: {  	s28 =	rddreg [dreg:$0x1b];
	[sflag:s12] =	ssyncadd.s32 $0xFFFFF000  }
0x21f: {  	[tilespmem:s19], [sflag:$0x4] =	stream.indirect.gather [hbm4b:s10+s15], $0x20, s28, s15, $0xb8;
	[tilespmem:$0x1DB00] =	vst v63  }
0x220: {  	_ =	swait.ge [sflag:s20], $0x1000  }
0x221: {  	[sflag:s20] =	ssyncset.done $0x0  }
0x222: {  	s29 =	rddreg [dreg:$0x1c];
	[sflag:s20] =	ssyncadd.s32 $0xFFFFF000  }
0x223: {  	[spmem:s2] =	stream.indirect.scatter.add.f32 [tilespmem:s16], [sflag:$0x5], $0x20, s29, s15, $0xb8;
	[tilespmem:$0x1DB00] =	vst v63  }
0x224: {  	_ =	swait.ge [sflag:s12], $0x1000  }
0x225: {  	[sflag:s12] =	ssyncset.done $0x0  }
0x226: {  	s30 =	rddreg [dreg:$0x1d];
	[sflag:s12] =	ssyncadd.s32 $0xFFFFF000  }
0x227: {  	[tilespmem:s16], [sflag:$0x1] =	stream.indirect.gather [hbm4b:s10+s15], $0x20, s30, s15, $0xb8;
	[tilespmem:$0x1DB00] =	vst v63  }
0x228: {  	_ =	swait.ge [sflag:s21], $0x1000  }
0x229: {  	[sflag:s21] =	ssyncset.done $0x0  }
0x22a: {  	s31 =	rddreg [dreg:$0x1e];
	[sflag:s21] =	ssyncadd.s32 $0xFFFFF000  }
0x22b: {  	[spmem:s2] =	stream.indirect.scatter.add.f32 [tilespmem:s17], [sflag:$0x5], $0x20, s31, s15, $0xb8;
	[tilespmem:$0x1DB00] =	vst v63  }
0x22c: {  	_ =	swait.ge [sflag:s12], $0x1000  }
0x22d: {  	[sflag:s12] =	ssyncset.done $0x0  }
0x22e: {  	s8 =	simm.s32 @p0 $0x18F80;
	[sflag:s12] =	ssyncadd.s32 $0xFFFFF000  }
0x22f: {  	[tilespmem:s0], [sflag:$0x2] =	stream.indirect.gather @p0 [hbm4b:s4+s1], $0x20, s8, s1, $0xb8;
	[tilespmem:$0x1DB00] =	vst v63  }
0x230: {  	s0 =	simm.s32 @!p0 $0x18F80  }
0x231: {  	[tilespmem:s7], [sflag:$0x2] =	stream.indirect.gather @!p0 [hbm4b:s5+s6], $0x20, s0, s6, $0xb8;
	[tilespmem:$0x1DB00] =	vst v63  }
0x232: {  	_ =	swait.ge [sflag:s22], $0x1000  }
0x233: {  	[sflag:s22] =	ssyncset.done $0x0  }
0x234: {  	s7 =	rddreg [dreg:$0x1f];
	[sflag:s22] =	ssyncadd.s32 $0xFFFFF000  }
0x235: {  	[spmem:s2] =	stream.indirect.scatter.add.f32 [tilespmem:s18], [sflag:$0x5], $0x20, s7, s15, $0xb8;
	[tilespmem:$0x1DB00] =	vst v63  }
0x236: {  	_ =	swait.ge [sflag:s12], $0x1000  }
0x237: {  	s8 =	sld [smem:$0x7F5]  }
0x238: {  	[sflag:s12] =	ssyncset.done $0x0  }
0x239: {  	[sflag:s12] =	ssyncadd.s32 $0xFFFFF000  }
0x23a: {  	[tilespmem:s18], [sflag:$0x3] =	stream.indirect.gather [hbm4b:s10+s15], $0x20, s8, s15, $0xb8;
	[tilespmem:$0x1DB00] =	vst v63  }
0x23b: {  	_ =	swait.ge [sflag:s23], $0x1000  }
0x23c: {  	s9 =	sld [smem:$0x7F6]  }
0x23d: {  	[sflag:s23] =	ssyncset.done $0x0  }
0x23e: {  	[sflag:s23] =	ssyncadd.s32 $0xFFFFF000  }
0x23f: {  	[spmem:s2] =	stream.indirect.scatter.add.f32 [tilespmem:s19], [sflag:$0x5], $0x20, s9, s15, $0xb8;
	[tilespmem:$0x1DB00] =	vst v63  }
0x240: {  	_ =	swait.ge [sflag:s12], $0x1000  }
0x241: {  	s11 =	sld [smem:$0x7F7]  }
0x242: {  	[sflag:s12] =	ssyncset.done $0x0  }
0x243: {  	[sflag:s12] =	ssyncadd.s32 $0xFFFFF000  }
0x244: {  	[tilespmem:s19], [sflag:$0x4] =	stream.indirect.gather [hbm4b:s10+s15], $0x20, s11, s15, $0xb8;
	[tilespmem:$0x1DB00] =	vst v63  }
0x245: {  	_ =	swait.ge [sflag:s20], $0x1000  }
0x246: {  	s24 =	sld [smem:$0x7F8]  }
0x247: {  	[sflag:s20] =	ssyncset.done $0x0  }
0x248: {  	[sflag:s20] =	ssyncadd.s32 $0xFFFFF000  }
0x249: {  	[spmem:s2] =	stream.indirect.scatter.add.f32 [tilespmem:s16], [sflag:$0x5], $0x20, s24, s15, $0xb8;
	[tilespmem:$0x1DB00] =	vst v63  }
0x24a: {  	_ =	swait.ge [sflag:s12], $0x1000  }
0x24b: {  	[sflag:s12] =	ssyncset.done $0x0  }
0x24c: {  	[sflag:s12] =	ssyncadd.s32 $0xFFFFF000  }
0x24d: {  	_ =	swait.ge [sflag:s21], $0x1000  }
0x24e: {  	s25 =	sld [smem:$0x7F9]  }
0x24f: {  	[sflag:s21] =	ssyncset.done $0x0  }
0x250: {  	[sflag:s21] =	ssyncadd.s32 $0xFFFFF000  }
0x251: {  	[spmem:s2] =	stream.indirect.scatter.add.f32 [tilespmem:s17], [sflag:$0x5], $0x20, s25, s15, $0xb8;
	[tilespmem:$0x1DB00] =	vst v63  }
0x252: {  	_ =	swait.ge [sflag:s12], $0x1000  }
0x253: {  	[sflag:s12] =	ssyncset.done $0x0  }
0x254: {  	[sflag:s12] =	ssyncadd.s32 $0xFFFFF000  }
0x255: {  	_ =	swait.ge [sflag:s22], $0x1000  }
0x256: {  	s26 =	sld [smem:$0x7FA]  }
0x257: {  	[sflag:s22] =	ssyncset.done $0x0  }
0x258: {  	[sflag:s22] =	ssyncadd.s32 $0xFFFFF000  }
0x259: {  	[spmem:s2] =	stream.indirect.scatter.add.f32 [tilespmem:s18], [sflag:$0x5], $0x20, s26, s15, $0xb8;
	[tilespmem:$0x1DB00] =	vst v63  }
0x25a: {  	_ =	swait.ge [sflag:s12], $0x1000  }
0x25b: {  	[sflag:s12] =	ssyncset.done $0x0  }
0x25c: {  	[sflag:s12] =	ssyncadd.s32 $0xFFFFF000  }
0x25d: {  	_ =	swait.ge [sflag:s23], $0x1000  }
0x25e: {  	s28 =	sld [smem:$0x7FB]  }
0x25f: {  	[sflag:s23] =	ssyncset.done $0x0  }
0x260: {  	[sflag:s23] =	ssyncadd.s32 $0xFFFFF000  }
0x261: {  	[spmem:s2] =	stream.indirect.scatter.add.f32 [tilespmem:s19], [sflag:$0x5], $0x20, s28, s15, $0xb8;
	[tilespmem:$0x1DB00] =	vst v63  }
0x262: {  	_ =	swait.ge [sflag:s12], $0x1000  }
0x263: {  	[sflag:s12] =	ssyncset.done $0x0  }
0x264: {  	[sflag:s12] =	ssyncadd.s32 $0xFFFFF000  }
0x265: {  	[bflag:$0x0] =	sbarrier.arrive $0xFFFF  }
0x266: {  	s7 =	sld [smem:$0x7FC]  }
0x267: {  	s29 =	sld [smem:$0x7F3]  }
0x268: {  	s1 =	sld [smem:$0x7FD];
	_ =	sdelay $0x2  }
0x269: {  	[hbm:s29], [sflag:s7] =	dma.local [spmem:s1], $0x30E0  }
0x26a: {  	_ =	swait.ge [sflag:s12], $0x30E0  }
0x26b: {  	s30 =	sld [smem:$0x7F1]  }
0x26c: {  	s31 =	sld [smem:$0x7F4];
	_ =	sdelay $0x1  }
0x26d: {  	s6 =	sadd.s32 $0x1, s30  }
0x26e: {  	p2 =	sne.s32 s6, s31  }
.Ltmp1:
0x26f: {  	_ = 	snop;
	(pc) =	sbr.rel @p2 .LBB2_1-.Ltmp1, $3  }
0x270: {  	_ =	sdelay $0x1  }
0x271: {  	[sflag:s12] =	ssyncset.done $0x0  }
0x272: {  	[sflag:s12] =	ssyncadd.s32 $0xFFFFCF20  }
0x273: {  	_ =	sfence.sel $0x180000  }
0x274: {  	[bflag:$0x0] =	sbarrier.arrive $0xFFFF  }
0x275: {  	_ =	strace $0x9000004D  }
0x276: {  	s0 =	stileid.u32;
	[bflag:$0x2] =	sbarrier.arrive $0xFFFF  }
0x277: {  	p0 =	sne.s32 s0, $0x0;
	s0 =	rddreg [dreg:$0x2]  }
0x278: {  	s0 =	sadd.s32 @!p0 $0x100000, s0  }
0x279: {  	[sflag:s0] =	ssyncadd.tile.s32 @!p0 $0x1;
	_ =	shalt  }
.Lfunc_end2:
_tile_overlayer_lowered:
.L_overlay_start_2:
0x27a: {  	(tag) =	ssettag $0x2  }
0x27b: {  	s0 =	rddreg [dreg:$0x0];
	s2 =	stileid.u32  }
0x27c: {  	s1 =	rddreg [dreg:$0x1];
	p0 =	sne.s32 s2, $0x0  }
0x27d: {  	s3 =	rddreg [dreg:$0x2];
	[bflag:$0x3] =	sbarrier.arrive $0xFFFF;
	s2 =	simm.s32 @!p0 $0x1C05  }
0x27e: {  	[timem:s3], [sflag:s2] =	dma.local @!p0 [hbm:s0], s1  }
0x27f: {  	s0 =	simm.s32 @!p0 $0x5  }
0x280: {  	_ =	swait.ge @!p0 [sflag:s0], s1  }
0x281: {  	s1 =	ssub.s32 @!p0 $0x0, s1;
	[sflag:s0] =	ssyncset.done @!p0 $0x0  }
0x282: {  	[sflag:s0] =	ssyncadd.s32 @!p0 s1  }
0x283: {  	[bflag:$0x3] =	sbarrier.arrive $0xFFFF  }
0x284: {  	_ =	shalt  }

// kernel: kernel.19.cloned.1.call-start
scs
__scs_entry_jumppad:
0x0: {  	(pc) =	sbr.rel $0x88, $3  }
0x1: {  	(tag) =	ssettag $0x0;
	lr =	simm.s32 $0x1  }
0x2: {  	[smem:$0x3F97] =	sst lr;
	_ =	strace $0xD0000000  }
0x3: {  	_ = 	snop  }
0x4: {  	_ = 	snop  }
0x5: {  	_ = 	snop  }
0x6: {  	_ = 	snop  }
0x7: {  	_ = 	snop  }
__scs_overlays_trampoline_lowered:
0x8: {  	[smem:$0x3FA6] =	sst s0  }
0x9: {  	[smem:$0x3FA7] =	sst s1  }
0xa: {  	[smem:$0x3FA8] =	sst s2  }
0xb: {  	[smem:$0x3FA9] =	sst s3  }
0xc: {  	[smem:$0x3FAA] =	sst s4  }
0xd: {  	[smem:$0x3FAB] =	sst s5  }
0xe: {  	[smem:$0x3FAC] =	sst s6  }
0xf: {  	[smem:$0x3FAD] =	sst s7  }
0x10: {  	[smem:$0x3FAE] =	sst s8  }
0x11: {  	[smem:$0x3FAF] =	sst s9;
	s0 =	simm.s32 @!p0 $0x0  }
0x12: {  	s1 =	sld [smem:$0x3F95];
	s0 =	simm.s32 @p0 $0x1  }
0x13: {  	[smem:$0x3FB0] =	sst s0;
	s0 =	simm.s32 @!p1 $0x0  }
0x14: {  	s2 =	sld [smem:$0x3F94];
	s0 =	simm.s32 @p1 $0x1  }
0x15: {  	[smem:$0x3FB1] =	sst s0;
	s0 =	simm.s32 @!p2 $0x0  }
0x16: {  	s3 =	sld [smem:$0x3FDB];
	s0 =	simm.s32 @p2 $0x1  }
0x17: {  	s4 =	simm.s32 $0x1BF5;
	[smem:$0x3FB3] =	sst s0  }
0x18: {  	s0 =	sld [smem:$0x3F96];
	_ =	swait.ge [sflag:s4], $0x0  }
0x19: {  	s7 =	sld [smem:$0x3F97]  }
0x1a: {  	s8 =	sadd.s32 $0xFFFFE003, lr  }
0x1b: {  	s9 =	sadd.s32 $0xFFFFFEF7, lr;
	s5 =	simm.s32 $0xFFFFFFFF;
	p2 =	slt.u32 s8, $0xFFFFF086  }
0x1c: {  	p1 =	slt.u32 s9, $0xF7A;
	s5 =	simm.s32 @!p2 $0x0  }
0x1d: {  	s5 =	simm.s32 @p1 $0x1;
	p0 =	seq.s32 s7, s2  }
0x1e: {  	s7 =	smul.u32 @!p0 $0xF7A, s2;
	p2 =	seq.s32 @!p0 s5, $0x0  }
0x1f: {  	s9 =	smul.u32 $0xF7A, s1;
	s8 =	simm.s32 @!p0 $0x1BF5;
	p2 =	por !p2, p0  }
0x20: {  	[sflag:s8] =	ssyncset.s32 @!p0 $0xFFFFF086;
	s6 =	sadd.s32 @!p0 s3, s7;
	s7 =	simm.s32 @!p0 $0x108  }
0x21: {  	s3 =	sadd.s32 s3, s9;
	s6 =	sadd.s32 @!p0 $0x88, s6;
	s7 =	simm.s32 @p2 $0x1082  }
0x22: {  	[simem:s7], [sflag:s8] =	dma.local @!p0 [hbm:s6], $0xF7A  }
0x23: {  	s9 =	sor.u32 $0xD0000000, s2;
	s6 =	simm.s32 $0x108;
	_ =	swait.ge @!p0 [sflag:s8], $0x0  }
0x24: {  	s3 =	sadd.s32 $0x88, s3;
	s6 =	simm.s32 @!p1 $0x1082;
	[sflag:s4] =	ssyncset.s32 $0xFFFFF086  }
0x25: {  	[simem:s6], [sflag:s4] =	dma.local [hbm:s3], $0xF7A  }
0x26: {  	[smem:$0x3F97] =	sst s1;
	(tag) =	ssettag s2;
	_ =	strace s9  }
0x27: {  	s1 =	sld [smem:$0x3FA7]  }
0x28: {  	s2 =	sld [smem:$0x3FA8]  }
0x29: {  	s4 =	sld [smem:$0x3FAA]  }
0x2a: {  	p0 =	seq.s32 s5, $0x0;
	s5 =	sld [smem:$0x3FAB]  }
0x2b: {  	s6 =	sld [smem:$0x3FAC]  }
0x2c: {  	s7 =	sld [smem:$0x3FAD]  }
0x2d: {  	s3 =	simm.s32 $0x108;
	s8 =	sld [smem:$0x3FAE]  }
0x2e: {  	s3 =	simm.s32 @!p0 $0x1082;
	s9 =	sld [smem:$0x3FAF]  }
0x2f: {  	lr =	sadd.s32 s0, s3;
	s0 =	sld [smem:$0x3FA6]  }
0x30: {  	s3 =	sld [smem:$0x3FA9]  }
0x31: {  	[smem:$0x3FB2] =	sst s10  }
0x32: {  	s10 =	sld [smem:$0x3FB0];
	_ =	sdelay $0x3  }
0x33: {  	p0 =	seq.s32 s10, $0x1;
	s10 =	sld [smem:$0x3FB2];
	_ =	sdelay $0x3  }
0x34: {  	[smem:$0x3FB2] =	sst s10  }
0x35: {  	s10 =	sld [smem:$0x3FB1];
	_ =	sdelay $0x3  }
0x36: {  	p1 =	seq.s32 s10, $0x1;
	s10 =	sld [smem:$0x3FB2];
	_ =	sdelay $0x3  }
0x37: {  	[smem:$0x3FB2] =	sst s10  }
0x38: {  	s10 =	sld [smem:$0x3FB3]  }
0x39: {  	_ = 	snop;
	(pc) =	sbr.ind lr, $3  }
0x3a: {  	_ = 	snop  }
0x3b: {  	_ = 	snop  }
0x3c: {  	p2 =	seq.s32 s10, $0x1;
	s10 =	sld [smem:$0x3FB2]  }
0x3d: {  	_ =	shalt  }
0x3e: {  	_ =	shalt  }
0x3f: {  	_ =	shalt  }
0x40: {  	_ =	shalt  }
0x41: {  	_ =	shalt  }
0x42: {  	_ =	shalt  }
0x43: {  	_ =	shalt  }
0x44: {  	_ =	shalt  }
0x45: {  	_ =	shalt  }
0x46: {  	_ =	shalt  }
0x47: {  	_ =	shalt  }
0x48: {  	_ =	shalt  }
0x49: {  	_ =	shalt  }
0x4a: {  	_ =	shalt  }
0x4b: {  	_ =	shalt  }
0x4c: {  	_ =	shalt  }
0x4d: {  	_ =	shalt  }
0x4e: {  	_ =	shalt  }
0x4f: {  	_ =	shalt  }
0x50: {  	_ =	shalt  }
0x51: {  	_ =	shalt  }
0x52: {  	_ =	shalt  }
0x53: {  	_ =	shalt  }
0x54: {  	_ =	shalt  }
0x55: {  	_ =	shalt  }
0x56: {  	_ =	shalt  }
0x57: {  	_ =	shalt  }
0x58: {  	_ =	shalt  }
0x59: {  	_ =	shalt  }
0x5a: {  	_ =	shalt  }
0x5b: {  	_ =	shalt  }
0x5c: {  	_ =	shalt  }
0x5d: {  	_ =	shalt  }
0x5e: {  	_ =	shalt  }
0x5f: {  	_ =	shalt  }
0x60: {  	_ =	shalt  }
0x61: {  	_ =	shalt  }
0x62: {  	_ =	shalt  }
0x63: {  	_ =	shalt  }
0x64: {  	_ =	shalt  }
0x65: {  	_ =	shalt  }
0x66: {  	_ =	shalt  }
0x67: {  	_ =	shalt  }
0x68: {  	_ =	shalt  }
0x69: {  	_ =	shalt  }
0x6a: {  	_ =	shalt  }
0x6b: {  	_ =	shalt  }
0x6c: {  	_ =	shalt  }
0x6d: {  	_ =	shalt  }
0x6e: {  	_ =	shalt  }
0x6f: {  	_ =	shalt  }
0x70: {  	_ =	shalt  }
0x71: {  	_ =	shalt  }
0x72: {  	_ =	shalt  }
0x73: {  	_ =	shalt  }
0x74: {  	_ =	shalt  }
0x75: {  	_ =	shalt  }
0x76: {  	_ =	shalt  }
0x77: {  	_ =	shalt  }
0x78: {  	_ =	shalt  }
0x79: {  	_ =	shalt  }
0x7a: {  	_ =	shalt  }
0x7b: {  	_ =	shalt  }
0x7c: {  	_ =	shalt  }
0x7d: {  	_ =	shalt  }
0x7e: {  	_ =	shalt  }
0x7f: {  	_ =	shalt  }
0x80: {  	_ =	shalt  }
0x81: {  	_ =	shalt  }
0x82: {  	_ =	shalt  }
0x83: {  	_ =	shalt  }
0x84: {  	_ =	shalt  }
0x85: {  	_ =	shalt  }
0x86: {  	_ =	shalt  }
0x87: {  	_ =	shalt  }
.Lfunc_end0:
.L_simem_size_0:
called_computation.3_lowered:
.L_overlay_start_0:
0x88: {  	s2 =	sld [smem:$0x3FD9]  }
0x89: {  	s3 =	sld [smem:$0x3FFE];
	_ =	sdelay $0x1  }
0x8a: {  	s1 =	srdreg.scid  }
0x8b: {  	s0 =	sand.u32 $0x1, s1  }
0x8c: {  	s16 =	sshll.u32 s0, $0xA;
	s2 =	sadd.s32 s3, s2  }
0x8d: {  	s2 =	sadd.s32 s2, s16  }
0x8e: {  	[smem:$0x3FBE] =	sst s2  }
0x8f: {  	_ = 	snop  }
0x90: {  	(tm) =	ssettm $0x1  }
0x91: {  	s17 =	sld [smem:$0x3FFB];
	_ =	sdelay $0x3  }
0x92: {  	_ =	strace s17  }
0x93: {  	s2 =	sld [smem:$0x3FFC];
	_ =	sdelay $0x3  }
0x94: {  	_ =	strace s2  }
0x95: {  	s2 =	sld [smem:$0x3FFD];
	_ =	sdelay $0x3  }
0x96: {  	_ =	strace s2  }
0x97: {  	_ =	strace $0x8FFFFFFF  }
0x98: {  	s18 =	sld [smem:$0x3FDB];
	_ =	sdelay $0x1  }
0x99: {  	s19 =	simm.s32 $_scs_section_size  }
0x9a: {  	s4 =	simm.s32 $_size__tile_overlayer_lowered;
	s5 =	simm.s32 $_tile_overlayer_lowered  }
0x9b: {  	s22 =	simm.s32 $0x1BFF;
	s21 =	sshll.u32 s5, $0x1;
	s2 =	sadd.s32 s19, s18  }
0x9c: {  	s6 =	simm.s32 $0x0;
	s20 =	sshll.u32 s4, $0x1;
	s4 =	sadd.s32 s21, s2  }
0x9d: {  	[timem:s6], [sflag:s22] =	dma.local [hbm:s4], s20  }
0x9e: {  	_ =	swait.ge [sflag:s22], s20  }
0x9f: {  	s3 =	ssub.s32 $0x0, s20;
	[sflag:s22] =	ssyncset.done $0x0  }
0xa0: {  	[sflag:s22] =	ssyncadd.s32 s3;
	_ =	sdelay $0x1  }
0xa1: {  	s23 =	simm.s32 $0x1B8B  }
0xa2: {  	_ =	swait.ge [sflag:s23], $0x1  }
0xa3: {  	[sflag:s23] =	ssyncset.done $0x0  }
0xa4: {  	s25 =	simm.s32 $0x1B8E;
	s24 =	sld [smem:$0x3FFE];
	[sflag:s23] =	ssyncadd.s32 $0xFFFFFFFF  }
0xa5: {  	s26 =	simm.s32 $execute0_lowered;
	[smem:$0x3FD2] =	sst s25  }
0xa6: {  	s4 =	sshll.u32 s26, $0x1;
	_ =	strace $0x8000004F;
	[dreg:$0x1] =	wrdreg $0xFFFFFFFF  }
0xa7: {  	s28 =	simm.s32 $_size_execute0_lowered;
	s2 =	sadd.s32 s2, s4;
	[dreg:$0x0] =	wrdreg $0x0  }
0xa8: {  	s4 =	sshll.u32 s28, $0x1;
	[dreg:$0x2] =	wrdreg s2  }
0xa9: {  	[dreg:$0x3] =	wrdreg s4  }
0xaa: {  	[dreg:$0x4] =	wrdreg $0xC0  }
0xab: {  	_ =	task [dreg:s6], $0x5FFFF  }
0xac: {  	[dreg:$0x1] =	wrdreg $0xFFFFFFFF  }
0xad: {  	[dreg:$0x0] =	wrdreg $0x60  }
0xae: {  	[dreg:$0x2] =	wrdreg s24  }
0xaf: {  	[dreg:$0x3] =	wrdreg $0x0  }
0xb0: {  	[dreg:$0x4] =	wrdreg $0x9  }
0xb1: {  	_ =	task.clear_ibuf [dreg:s6], $0x5FFFF;
	_ =	strace $0x9000004F  }
0xb2: {  	s29 =	simm.s32 $0x9;
	_ =	strace $0x80000051  }
0xb3: {  	_ =	swait.ge [sflag:s29], $0x1  }
0xb4: {  	[sflag:s29] =	ssyncadd.s32 $0xFFFFFFFF  }
0xb5: {  	_ =	strace $0x90000051  }
0xb6: {  	_ =	sfence  }
0xb7: {  	s30 =	sld [smem:$0x0];
	_ =	sdelay $0x2  }
0xb8: {  	s31 =	sshll.u32 s1, $0xD;
	s1 =	sshrl.u32 s1, $0x2  }
0xb9: {  	s3 =	sand.u32 $0x4000, s31;
	s1 =	sadd.s32 s1, s30  }
0xba: {  	s0 =	sor.u32 s3, s0;
	s1 =	sshll.u32 s1, $0x11  }
0xbb: {  	s0 =	sor.u32 s1, s0  }
0xbc: {  	s0 =	sadd.s32 $0x8F2B, s0  }
0xbd: {  	[sflag:s0] =	ssyncadd.remote.s32 $0x1  }
0xbe: {  	_ =	sfence.sel $0xFFFF  }
0xbf: {  	[dreg:$0x0] =	wrdreg $0xFFFFFFFF;
	(pc) =	sbr.abs _section_cstart, $3  }
0xc0: {  	[dreg:$0x1] =	wrdreg $0xFFFFFFFF  }
0xc1: {  	_ =	task.clear_ibuf [dreg:s6], $0x2FFFF;
	_ =	strace $0x9FFFFFFF  }
0xc2: {  	(tm) =	ssettm $0x7FFFFFFF  }
0xc3: {  	_ =	shalt  }
tec
execute0_lowered:
.L_overlay_start_1:
0x0: {  	(tag) =	ssettag $0x1  }
0x1: {  	s0 =	srdreg.scid  }
0x2: {  	s9 =	stileid.u32;
	s3 =	rddreg [dreg:$0x0]  }
0x3: {  	s2 =	rddreg [dreg:$0x1];
	s4 =	simm.s32 $0x0;
	s12 =	simm.s32 $0xB  }
0x4: {  	s15 =	simm.s32 $0x80;
	s16 =	simm.s32 $0x18B80;
	s20 =	simm.s32 $0x19B80  }
0x5: {  	s24 =	simm.s32 $0x1AB80;
	s29 =	simm.s32 $0x1BB80;
	s17 =	simm.s32 $0x1D380  }
0x6: {  	s18 =	simm.s32 $0x1;
	s19 =	simm.s32 $0x3;
	s21 =	simm.s32 $0x5  }
0x7: {  	s22 =	simm.s32 $0x7;
	s23 =	simm.s32 $0x9;
	s25 =	simm.s32 $0xA  }
0x8: {  	s26 =	simm.s32 $0x0;
	s0 =	sand.u32 $0x1, s0;
	s5 =	smul.u32 $0xC380, s9  }
0x9: {  	[smem:$0x7FF] =	sst s4;
	s4 =	sadd.s32 $0x33A00, s3;
	s30 =	sshll.u32 s9, $0x6  }
0xa: {  	s1 =	sshll.u32 s0, $0x4;
	s6 =	smul.u32 $0xC3800, s0;
	_ =	strace $0x80000050  }
0xb: {  	s0 =	ssub.s32 $0x2, s0;
	s1 =	sor.u32 s9, s1;
	s7 =	sshrl.u32 s5, $0x3  }
0xc: {  	s8 =	sshrl.u32 s0, $0x1;
	s1 =	smul.u32 $0xC80, s1;
	s6 =	sadd.s32 s5, s6  }
0xd: {  	s7 =	sadd.s32 s7, s3;
	s0 =	ssub.s32 s0, s8;
	s5 =	sadd.s32 s5, s2  }
.Ltmp0:
0xe: {  	s6 =	sshrl.u32 s6, $0x3;
	s28 =	sadd.s32 $0x1B200, s7;
	(pc) =	sbr.rel .LBB2_1-.Ltmp0, $4  }
0xf: {  	s10 =	smax.u32 s0, $0x1;
	s11 =	sshrl.u32 s5, $0x3;
	s1 =	sadd.s32 s1, s3  }
0x10: {  	s0 =	simm.s32 $0x1CB80;
	[dreg:$0x3] =	wrdreg s28;
	s31 =	sadd.s32 $0x127E00, s1  }
0x11: {  	s3 =	sadd.s32 s6, s3;
	s1 =	sadd.s32 $0x2200, s1;
	[dreg:$0x4] =	wrdreg s31  }
0x12: {  	s6 =	sor.u32 $0x1C0B, s30;
	s9 =	sadd.s32 $0x4C200, s3;
	[dreg:$0x5] =	wrdreg s1  }
.LBB2_4:
0x13: {  	_ =	swait.ge [sflag:s25], $0x800  }
0x14: {  	[sflag:s25] =	ssyncset.done $0x0  }
0x15: {  	[sflag:s25] =	ssyncadd.s32 $0xFFFFF800  }
0x16: {  	[spmem:s2] =	stream.indirect.scatter.add.f32 [tilespmem:s17], [sflag:$0xB], $0x10, s1, s15, $0xb8;
	[tilespmem:$0x1DB80] =	vst v63  }
0x17: {  	_ =	swait.ge [sflag:s12], $0x800  }
0x18: {  	s26 =	sadd.s32 $0x1, s26;
	[sflag:s12] =	ssyncset.done $0x0  }
0x19: {  	p0 =	sne.s32 s26, s10;
	[sflag:s12] =	ssyncadd.s32 $0xFFFFF800  }
.Ltmp1:
0x1a: {  	[bflag:$0x0] =	sbarrier.arrive $0xFFFF;
	(pc) =	sbr.rel @!p0 .LBB2_5-.Ltmp1, $4  }
0x1b: {  	[hbm:s9], [sflag:s6] =	dma.local [spmem:s11], $0x1870  }
0x1c: {  	_ =	swait.ge [sflag:s12], $0x1870  }
0x1d: {  	[sflag:s12] =	ssyncset.done $0x0  }
0x1e: {  	[sflag:s12] =	ssyncadd.s32 $0xFFFFE790  }
.LBB2_1:
0x1f: {  	s1 =	rddreg [dreg:$0x3]  }
0x20: {  	[spmem:s11], [sflag:s6] =	dma.local [hbm:s1], $0x1870  }
0x21: {  	_ =	swait.ge [sflag:s12], $0x1870  }
0x22: {  	s30 =	simm.s32 $0x0;
	[sflag:s12] =	ssyncset.done $0x0  }
0x23: {  	s5 =	simm.s32 $0xC380;
	s3 =	rddreg [dreg:$0x4];
	[sflag:s12] =	ssyncadd.s32 $0xFFFFE790  }
0x24: {  	[tilespmem:s5], [sflag:$0xB] =	stream.linear.gather [hbm4b:s3+s30], $0x6400, $0x38;
	[tilespmem:$0x1DB80] =	vst v63  }
0x25: {  	_ =	swait.ge [sflag:s12], $0x6400  }
0x26: {  	[sflag:s12] =	ssyncset.done $0x0  }
0x27: {  	s7 =	simm.s32 $0x12780;
	s31 =	rddreg [dreg:$0x5];
	[sflag:s12] =	ssyncadd.s32 $0xFFFF9C00  }
0x28: {  	[tilespmem:s7], [sflag:$0xB] =	stream.linear.gather [hbm4b:s31+s30], $0x6400, $0x38;
	[tilespmem:$0x1DB80] =	vst v63  }
0x29: {  	_ =	swait.ge [sflag:s12], $0x6400  }
0x2a: {  	[sflag:s12] =	ssyncset.done $0x0  }
0x2b: {  	[sflag:s12] =	ssyncadd.s32 $0xFFFF9C00  }
0x2c: {  	[bflag:$0x0] =	sbarrier.arrive $0xFFFF  }
0x2d: {  	[tilespmem:s16], [sflag:$0x1] =	stream.indirect.gather [hbm4b:s4+s15], $0x10, s5, s15, $0xb8;
	[tilespmem:$0x1DB80] =	vst v63  }
0x2e: {  	s8 =	simm.s32 $0xC400;
	s13 =	simm.s32 $0x19380  }
0x2f: {  	[tilespmem:s13], [sflag:$0x2] =	stream.indirect.gather [hbm4b:s4+s15], $0x10, s8, s15, $0xb8;
	[tilespmem:$0x1DB80] =	vst v63  }
0x30: {  	s14 =	simm.s32 $0xC480  }
0x31: {  	[tilespmem:s20], [sflag:$0x3] =	stream.indirect.gather [hbm4b:s4+s15], $0x10, s14, s15, $0xb8;
	[tilespmem:$0x1DB80] =	vst v63  }
0x32: {  	s30 =	simm.s32 $0xC500;
	s31 =	simm.s32 $0x1A380  }
0x33: {  	[tilespmem:s31], [sflag:$0x4] =	stream.indirect.gather [hbm4b:s4+s15], $0x10, s30, s15, $0xb8;
	[tilespmem:$0x1DB80] =	vst v63  }
0x34: {  	s3 =	simm.s32 $0xC580  }
0x35: {  	[tilespmem:s24], [sflag:$0x5] =	stream.indirect.gather [hbm4b:s4+s15], $0x10, s3, s15, $0xb8;
	[tilespmem:$0x1DB80] =	vst v63  }
0x36: {  	s7 =	simm.s32 $0x1B380;
	s5 =	simm.s32 $0xC600  }
0x37: {  	[tilespmem:s7], [sflag:$0x6] =	stream.indirect.gather [hbm4b:s4+s15], $0x10, s5, s15, $0xb8;
	[tilespmem:$0x1DB80] =	vst v63  }
0x38: {  	s8 =	simm.s32 $0xC680  }
0x39: {  	[tilespmem:s29], [sflag:$0x7] =	stream.indirect.gather [hbm4b:s4+s15], $0x10, s8, s15, $0xb8;
	[tilespmem:$0x1DB80] =	vst v63  }
0x3a: {  	s13 =	simm.s32 $0xC700;
	s14 =	simm.s32 $0x1C380  }
0x3b: {  	[tilespmem:s14], [sflag:$0x8] =	stream.indirect.gather [hbm4b:s4+s15], $0x10, s13, s15, $0xb8;
	[tilespmem:$0x1DB80] =	vst v63  }
0x3c: {  	s30 =	simm.s32 $0xC780  }
0x3d: {  	[tilespmem:s0], [sflag:$0x9] =	stream.indirect.gather [hbm4b:s4+s15], $0x10, s30, s15, $0xb8;
	[tilespmem:$0x1DB80] =	vst v63  }
0x3e: {  	s28 =	simm.s32 $0x0;
	s31 =	simm.s32 $0xC800  }
0x3f: {  	[tilespmem:s17], [sflag:$0xA] =	stream.indirect.gather [hbm4b:s4+s15], $0x10, s31, s15, $0xb8;
	[tilespmem:$0x1DB80] =	vst v63  }
.LBB2_2:
0x40: {  	_ =	swait.ge [sflag:s18], $0x800  }
0x41: {  	s30 =	sshra.s32 s28, $0x2;
	[sflag:s18] =	ssyncset.done $0x0  }
0x42: {  	s1 =	sadd.s32 $0x12780, s30;
	[sflag:s18] =	ssyncadd.s32 $0xFFFFF800  }
0x43: {  	[spmem:s2] =	stream.indirect.scatter.add.f32 [tilespmem:s16], [sflag:$0xB], $0x10, s1, s15, $0xb8;
	[tilespmem:$0x1DB80] =	vst v63  }
0x44: {  	_ =	swait.ge [sflag:s12], $0x800  }
0x45: {  	p0 =	seq.s32 s28, $0x17C00;
	[sflag:s12] =	ssyncset.done $0x0  }
0x46: {  	s1 =	simm.s32 @p0 $0x2;
	[sflag:s12] =	ssyncadd.s32 $0xFFFFF800  }
0x47: {  	_ =	swait.ge @p0 [sflag:s1], $0x800  }
0x48: {  	s14 =	sshra.s32 @p0 s28, $0x2;
	s3 =	simm.s32 @p0 $0x80;
	[sflag:s1] =	ssyncset.done @p0 $0x0  }
0x49: {  	s5 =	simm.s32 @p0 $0x19380;
	[sflag:s1] =	ssyncadd.s32 @p0 $0xFFFFF800;
	s1 =	sadd.s32 @p0 $0x12800, s14  }
0x4a: {  	[spmem:s2] =	stream.indirect.scatter.add.f32 @p0 [tilespmem:s5], [sflag:$0xB], $0x10, s1, s3, $0xb8;
	[tilespmem:$0x1DB80] =	vst v63  }
0x4b: {  	s5 =	simm.s32 @p0 $0xB  }
0x4c: {  	_ =	swait.ge @p0 [sflag:s5], $0x800  }
0x4d: {  	s31 =	sshra.s32 @!p0 s28, $0x2;
	s8 =	simm.s32 @!p0 $0x18B80;
	[sflag:s5] =	ssyncset.done @p0 $0x0  }
0x4e: {  	s7 =	sadd.s32 @!p0 $0xC880, s31;
	s1 =	simm.s32 @!p0 $0x80;
	[sflag:s5] =	ssyncadd.s32 @p0 $0xFFFFF800  }
0x4f: {  	[tilespmem:s8], [sflag:$0x1] =	stream.indirect.gather @!p0 [hbm4b:s4+s1], $0x10, s7, s1, $0xb8;
	[tilespmem:$0x1DB80] =	vst v63  }
0x50: {  	s7 =	simm.s32 @!p0 $0x2  }
0x51: {  	_ =	swait.ge @!p0 [sflag:s7], $0x800  }
0x52: {  	[sflag:s7] =	ssyncset.done @!p0 $0x0  }
0x53: {  	s8 =	simm.s32 @!p0 $0x19380;
	[sflag:s7] =	ssyncadd.s32 @!p0 $0xFFFFF800;
	s7 =	sadd.s32 @!p0 $0x12800, s31  }
0x54: {  	[spmem:s2] =	stream.indirect.scatter.add.f32 @!p0 [tilespmem:s8], [sflag:$0xB], $0x10, s7, s1, $0xb8;
	[tilespmem:$0x1DB80] =	vst v63  }
0x55: {  	s7 =	simm.s32 @!p0 $0xB  }
0x56: {  	_ =	swait.ge @!p0 [sflag:s7], $0x800  }
0x57: {  	[sflag:s7] =	ssyncset.done @!p0 $0x0  }
0x58: {  	s13 =	sadd.s32 @!p0 $0xC900, s31;
	[sflag:s7] =	ssyncadd.s32 @!p0 $0xFFFFF800  }
0x59: {  	[tilespmem:s8], [sflag:$0x2] =	stream.indirect.gather @!p0 [hbm4b:s4+s1], $0x10, s13, s1, $0xb8;
	[tilespmem:$0x1DB80] =	vst v63  }
0x5a: {  	_ =	swait.ge [sflag:s19], $0x800  }
0x5b: {  	[sflag:s19] =	ssyncset.done $0x0  }
0x5c: {  	s13 =	sadd.s32 $0x12880, s30;
	[sflag:s19] =	ssyncadd.s32 $0xFFFFF800  }
0x5d: {  	[spmem:s2] =	stream.indirect.scatter.add.f32 [tilespmem:s20], [sflag:$0xB], $0x10, s13, s15, $0xb8;
	[tilespmem:$0x1DB80] =	vst v63  }
0x5e: {  	_ =	swait.ge [sflag:s12], $0x800  }
0x5f: {  	[sflag:s12] =	ssyncset.done $0x0  }
0x60: {  	s8 =	simm.s32 @p0 $0x4;
	[sflag:s12] =	ssyncadd.s32 $0xFFFFF800  }
0x61: {  	_ =	swait.ge @p0 [sflag:s8], $0x800  }
0x62: {  	[sflag:s8] =	ssyncset.done @p0 $0x0  }
0x63: {  	s13 =	simm.s32 @p0 $0x1A380;
	[sflag:s8] =	ssyncadd.s32 @p0 $0xFFFFF800;
	s8 =	sadd.s32 @p0 $0x12900, s14  }
0x64: {  	[spmem:s2] =	stream.indirect.scatter.add.f32 @p0 [tilespmem:s13], [sflag:$0xB], $0x10, s8, s3, $0xb8;
	[tilespmem:$0x1DB80] =	vst v63  }
0x65: {  	_ =	swait.ge @p0 [sflag:s5], $0x800  }
0x66: {  	[sflag:s5] =	ssyncset.done @p0 $0x0  }
0x67: {  	s8 =	sadd.s32 @!p0 $0xC980, s31;
	s13 =	simm.s32 @!p0 $0x19B80;
	[sflag:s5] =	ssyncadd.s32 @p0 $0xFFFFF800  }
0x68: {  	[tilespmem:s13], [sflag:$0x3] =	stream.indirect.gather @!p0 [hbm4b:s4+s1], $0x10, s8, s1, $0xb8;
	[tilespmem:$0x1DB80] =	vst v63  }
0x69: {  	s8 =	simm.s32 @!p0 $0x4  }
0x6a: {  	_ =	swait.ge @!p0 [sflag:s8], $0x800  }
0x6b: {  	[sflag:s8] =	ssyncset.done @!p0 $0x0  }
0x6c: {  	s13 =	simm.s32 @!p0 $0x1A380;
	[sflag:s8] =	ssyncadd.s32 @!p0 $0xFFFFF800;
	s8 =	sadd.s32 @!p0 $0x12900, s31  }
0x6d: {  	[spmem:s2] =	stream.indirect.scatter.add.f32 @!p0 [tilespmem:s13], [sflag:$0xB], $0x10, s8, s1, $0xb8;
	[tilespmem:$0x1DB80] =	vst v63  }
0x6e: {  	_ =	swait.ge @!p0 [sflag:s7], $0x800  }
0x6f: {  	[sflag:s7] =	ssyncset.done @!p0 $0x0  }
0x70: {  	s8 =	sadd.s32 @!p0 $0xCA00, s31;
	[sflag:s7] =	ssyncadd.s32 @!p0 $0xFFFFF800  }
0x71: {  	[tilespmem:s13], [sflag:$0x4] =	stream.indirect.gather @!p0 [hbm4b:s4+s1], $0x10, s8, s1, $0xb8;
	[tilespmem:$0x1DB80] =	vst v63  }
0x72: {  	_ =	swait.ge [sflag:s21], $0x800  }
0x73: {  	[sflag:s21] =	ssyncset.done $0x0  }
0x74: {  	s13 =	sadd.s32 $0x12980, s30;
	[sflag:s21] =	ssyncadd.s32 $0xFFFFF800  }
0x75: {  	[spmem:s2] =	stream.indirect.scatter.add.f32 [tilespmem:s24], [sflag:$0xB], $0x10, s13, s15, $0xb8;
	[tilespmem:$0x1DB80] =	vst v63  }
0x76: {  	_ =	swait.ge [sflag:s12], $0x800  }
0x77: {  	[sflag:s12] =	ssyncset.done $0x0  }
0x78: {  	s8 =	simm.s32 @p0 $0x6;
	[sflag:s12] =	ssyncadd.s32 $0xFFFFF800  }
0x79: {  	_ =	swait.ge @p0 [sflag:s8], $0x800  }
0x7a: {  	[sflag:s8] =	ssyncset.done @p0 $0x0  }
0x7b: {  	s13 =	simm.s32 @p0 $0x1B380;
	[sflag:s8] =	ssyncadd.s32 @p0 $0xFFFFF800;
	s8 =	sadd.s32 @p0 $0x12A00, s14  }
0x7c: {  	[spmem:s2] =	stream.indirect.scatter.add.f32 @p0 [tilespmem:s13], [sflag:$0xB], $0x10, s8, s3, $0xb8;
	[tilespmem:$0x1DB80] =	vst v63  }
0x7d: {  	_ =	swait.ge @p0 [sflag:s5], $0x800  }
0x7e: {  	[sflag:s5] =	ssyncset.done @p0 $0x0  }
0x7f: {  	s8 =	sadd.s32 @!p0 $0xCA80, s31;
	s13 =	simm.s32 @!p0 $0x1AB80;
	[sflag:s5] =	ssyncadd.s32 @p0 $0xFFFFF800  }
0x80: {  	[tilespmem:s13], [sflag:$0x5] =	stream.indirect.gather @!p0 [hbm4b:s4+s1], $0x10, s8, s1, $0xb8;
	[tilespmem:$0x1DB80] =	vst v63  }
0x81: {  	s8 =	simm.s32 @!p0 $0x6  }
0x82: {  	_ =	swait.ge @!p0 [sflag:s8], $0x800  }
0x83: {  	[sflag:s8] =	ssyncset.done @!p0 $0x0  }
0x84: {  	s13 =	simm.s32 @!p0 $0x1B380;
	[sflag:s8] =	ssyncadd.s32 @!p0 $0xFFFFF800;
	s8 =	sadd.s32 @!p0 $0x12A00, s31  }
0x85: {  	[spmem:s2] =	stream.indirect.scatter.add.f32 @!p0 [tilespmem:s13], [sflag:$0xB], $0x10, s8, s1, $0xb8;
	[tilespmem:$0x1DB80] =	vst v63  }
0x86: {  	_ =	swait.ge @!p0 [sflag:s7], $0x800  }
0x87: {  	[sflag:s7] =	ssyncset.done @!p0 $0x0  }
0x88: {  	s8 =	sadd.s32 @!p0 $0xCB00, s31;
	[sflag:s7] =	ssyncadd.s32 @!p0 $0xFFFFF800  }
0x89: {  	[tilespmem:s13], [sflag:$0x6] =	stream.indirect.gather @!p0 [hbm4b:s4+s1], $0x10, s8, s1, $0xb8;
	[tilespmem:$0x1DB80] =	vst v63  }
0x8a: {  	_ =	swait.ge [sflag:s22], $0x800  }
0x8b: {  	[sflag:s22] =	ssyncset.done $0x0  }
0x8c: {  	s13 =	sadd.s32 $0x12A80, s30;
	[sflag:s22] =	ssyncadd.s32 $0xFFFFF800  }
0x8d: {  	[spmem:s2] =	stream.indirect.scatter.add.f32 [tilespmem:s29], [sflag:$0xB], $0x10, s13, s15, $0xb8;
	[tilespmem:$0x1DB80] =	vst v63  }
0x8e: {  	_ =	swait.ge [sflag:s12], $0x800  }
0x8f: {  	[sflag:s12] =	ssyncset.done $0x0  }
0x90: {  	s8 =	simm.s32 @p0 $0x8;
	[sflag:s12] =	ssyncadd.s32 $0xFFFFF800  }
0x91: {  	_ =	swait.ge @p0 [sflag:s8], $0x800  }
0x92: {  	[sflag:s8] =	ssyncset.done @p0 $0x0  }
0x93: {  	s13 =	simm.s32 @p0 $0x1C380;
	[sflag:s8] =	ssyncadd.s32 @p0 $0xFFFFF800;
	s8 =	sadd.s32 @p0 $0x12B00, s14  }
0x94: {  	[spmem:s2] =	stream.indirect.scatter.add.f32 @p0 [tilespmem:s13], [sflag:$0xB], $0x10, s8, s3, $0xb8;
	[tilespmem:$0x1DB80] =	vst v63  }
0x95: {  	_ =	swait.ge @p0 [sflag:s5], $0x800  }
0x96: {  	[sflag:s5] =	ssyncset.done @p0 $0x0  }
0x97: {  	s3 =	sadd.s32 @!p0 $0xCB80, s31;
	[sflag:s5] =	ssyncadd.s32 @p0 $0xFFFFF800;
	s5 =	simm.s32 @!p0 $0x1BB80  }
0x98: {  	[tilespmem:s5], [sflag:$0x7] =	stream.indirect.gather @!p0 [hbm4b:s4+s1], $0x10, s3, s1, $0xb8;
	[tilespmem:$0x1DB80] =	vst v63  }
0x99: {  	s3 =	simm.s32 @!p0 $0x8  }
0x9a: {  	_ =	swait.ge @!p0 [sflag:s3], $0x800  }
0x9b: {  	[sflag:s3] =	ssyncset.done @!p0 $0x0  }
0x9c: {  	s5 =	simm.s32 @!p0 $0x1C380;
	[sflag:s3] =	ssyncadd.s32 @!p0 $0xFFFFF800;
	s3 =	sadd.s32 @!p0 $0x12B00, s31  }
0x9d: {  	[spmem:s2] =	stream.indirect.scatter.add.f32 @!p0 [tilespmem:s5], [sflag:$0xB], $0x10, s3, s1, $0xb8;
	[tilespmem:$0x1DB80] =	vst v63  }
0x9e: {  	_ =	swait.ge @!p0 [sflag:s7], $0x800  }
0x9f: {  	[sflag:s7] =	ssyncset.done @!p0 $0x0  }
0xa0: {  	s3 =	sadd.s32 @!p0 $0xCC00, s31;
	[sflag:s7] =	ssyncadd.s32 @!p0 $0xFFFFF800  }
0xa1: {  	[tilespmem:s5], [sflag:$0x8] =	stream.indirect.gather @!p0 [hbm4b:s4+s1], $0x10, s3, s1, $0xb8;
	[tilespmem:$0x1DB80] =	vst v63  }
0xa2: {  	_ =	swait.ge [sflag:s23], $0x800  }
0xa3: {  	[sflag:s23] =	ssyncset.done $0x0  }
.Ltmp2:
0xa4: {  	s31 =	sadd.s32 $0x12B80, s30;
	[sflag:s23] =	ssyncadd.s32 $0xFFFFF800;
	(pc) =	sbr.rel @p0 .LBB2_4-.Ltmp2, $4  }
0xa5: {  	[spmem:s2] =	stream.indirect.scatter.add.f32 [tilespmem:s0], [sflag:$0xB], $0x10, s31, s15, $0xb8;
	[tilespmem:$0x1DB80] =	vst v63  }
0xa6: {  	_ =	swait.ge [sflag:s12], $0x800  }
0xa7: {  	[sflag:s12] =	ssyncset.done $0x0  }
0xa8: {  	s1 =	sadd.s32 $0x12C00, s30;
	[sflag:s12] =	ssyncadd.s32 $0xFFFFF800  }
0xa9: {  	s3 =	sadd.s32 $0xCC80, s30  }
0xaa: {  	[tilespmem:s0], [sflag:$0x9] =	stream.indirect.gather [hbm4b:s4+s15], $0x10, s3, s15, $0xb8;
	[tilespmem:$0x1DB80] =	vst v63  }
0xab: {  	_ =	swait.ge [sflag:s25], $0x800  }
0xac: {  	[sflag:s25] =	ssyncset.done $0x0  }
0xad: {  	[sflag:s25] =	ssyncadd.s32 $0xFFFFF800  }
0xae: {  	[spmem:s2] =	stream.indirect.scatter.add.f32 [tilespmem:s17], [sflag:$0xB], $0x10, s1, s15, $0xb8;
	[tilespmem:$0x1DB80] =	vst v63  }
.Ltmp3:
0xaf: {  	_ = 	snop;
	(pc) =	sbr.rel .LBB2_2-.Ltmp3, $4  }
0xb0: {  	_ =	swait.ge [sflag:s12], $0x800  }
0xb1: {  	[sflag:s12] =	ssyncset.done $0x0  }
0xb2: {  	s31 =	sadd.s32 $0xCD00, s30;
	s28 =	sadd.s32 $0x1400, s28;
	[sflag:s12] =	ssyncadd.s32 $0xFFFFF800  }
0xb3: {  	[tilespmem:s17], [sflag:$0xA] =	stream.indirect.gather [hbm4b:s4+s15], $0x10, s31, s15, $0xb8;
	[tilespmem:$0x1DB80] =	vst v63  }
.LBB2_5:
0xb4: {  	_ =	sfence.sel $0x180000  }
0xb5: {  	[bflag:$0x0] =	sbarrier.arrive $0xFFFF  }
0xb6: {  	_ =	strace $0x90000050  }
0xb7: {  	s0 =	stileid.u32;
	[bflag:$0x2] =	sbarrier.arrive $0xFFFF  }
0xb8: {  	p0 =	sne.s32 s0, $0x0;
	s0 =	rddreg [dreg:$0x2]  }
0xb9: {  	s0 =	sadd.s32 @!p0 $0x100000, s0  }
0xba: {  	[sflag:s0] =	ssyncadd.tile.s32 @!p0 $0x1;
	_ =	shalt  }
.Lfunc_end2:
_tile_overlayer_lowered:
.L_overlay_start_2:
0xbb: {  	(tag) =	ssettag $0x2  }
0xbc: {  	s0 =	rddreg [dreg:$0x0];
	s2 =	stileid.u32  }
0xbd: {  	s1 =	rddreg [dreg:$0x1];
	p0 =	sne.s32 s2, $0x0  }
0xbe: {  	s3 =	rddreg [dreg:$0x2];
	[bflag:$0x3] =	sbarrier.arrive $0xFFFF;
	s2 =	simm.s32 @!p0 $0x1C0B  }
0xbf: {  	[timem:s3], [sflag:s2] =	dma.local @!p0 [hbm:s0], s1  }
0xc0: {  	s0 =	simm.s32 @!p0 $0xB  }
0xc1: {  	_ =	swait.ge @!p0 [sflag:s0], s1  }
0xc2: {  	s1 =	ssub.s32 @!p0 $0x0, s1;
	[sflag:s0] =	ssyncset.done @!p0 $0x0  }
0xc3: {  	[sflag:s0] =	ssyncadd.s32 @!p0 s1  }
0xc4: {  	[bflag:$0x3] =	sbarrier.arrive $0xFFFF  }
0xc5: {  	_ =	shalt  }

</sc_bundles>
